<compile_context>
chip_gen: v7x
topology: tpu7x:2x2x1
jax: 0.10.2.dev20260603
libtpu: 0.0.44.dev20260713+nightly
codegen_flags: <defaults>
</compile_context>

<pallas_src>
import functools

import jax
import jax.numpy as jnp
from jax import lax
from jax.experimental import pallas as pl
from jax.experimental.pallas import tpu as pltpu
from jax.experimental.pallas import tpu_sc as plsc

B = 16384
N_CAT = 26
N_NUM = 13
VOCAB = 100000
D = 32
H = 128

NC = 2
NS = 16
NW = NC * NS
L = 16

ROWS = N_CAT * D
RPW = ROWS // NW
KG = ROWS // 8
CB = B // 128
CHUNK = 4096
NCHUNK = B // CHUNK
JROWS = CHUNK // 1024


def _gather_body(table_hbm, idx_hbm, out_hbm, row_v, idx_v, out_v, wsem):
    wid = lax.axis_index("s") * NC + lax.axis_index("c")

    def do_row(r, prev_field):
        k = wid * RPW + r
        i = k // D
        kg = k // 8
        dlk = lax.rem(k, 8)

        @pl.when(i != prev_field)
        def _():
            pltpu.sync_copy(idx_hbm.at[i, :], idx_v)

        rcopies = [
            pltpu.async_copy(
                table_hbm.at[k, pl.ds(p * 10000, 10000)],
                row_v.at[pl.ds(p * 10000, 10000)],
                wsem,
            )
            for p in range(10)
        ]
        for cp in rcopies:
            cp.wait()

        copies = []
        for c in range(NCHUNK):
            buf = c % 2
            if c >= 2:
                for cp in copies[(c - 2) * JROWS : (c - 1) * JROWS]:
                    cp.wait()
            for j in range(JROWS):
                @plsc.parallel_loop(0, 1024 // L, unroll=16)
                def _(tu, _c=c, _j=j, _buf=buf):
                    off = _c * CHUNK + _j * 1024 + tu * L
                    iv = idx_v[pl.ds(off, L)]
                    out_v[_buf, _j, tu // 8, pl.ds((tu % 8) * L, L)] = (
                        plsc.load_gather(row_v, [iv])
                    )
            for j in range(JROWS):
                copies.append(
                    pltpu.async_copy(
                        out_v.at[buf, j],
                        out_hbm.at[kg, pl.ds(c * (CHUNK // 128) + j * 8, 8), dlk, :],
                        wsem,
                    )
                )
        for cp in copies[(NCHUNK - 2) * JROWS :]:
            cp.wait()
        return i

    lax.fori_loop(0, RPW, do_row, jnp.int32(-1))


_gather_call = functools.partial(
    pl.kernel,
    out_type=jax.ShapeDtypeStruct((KG, CB, 8, 128), jnp.float32),
    mesh=plsc.VectorSubcoreMesh(core_axis_name="c", subcore_axis_name="s"),
    compiler_params=pltpu.CompilerParams(
        use_tc_tiling_on_sc=False, needs_layout_passes=False
    ),
    scratch_types=[
        pltpu.VMEM((VOCAB,), jnp.float32),
        pltpu.VMEM((B,), jnp.int32),
        pltpu.VMEM((2, JROWS, 8, 128), jnp.float32),
        pltpu.SemaphoreType.DMA,
    ],
)(_gather_body)


COLS_BLK = 1024
CBB = COLS_BLK // 128


def _mlp_body(c_ref, numt_ref, w1at_ref, w1bt_ref, b1_ref, w2t_ref, b2_ref, out_ref):
    hp = jax.lax.Precision.HIGHEST
    for cbl in range(CBB):
        m = c_ref[:, cbl, :, :].reshape(KG * 8, 128)
        h = jnp.dot(w1at_ref[...], m, preferred_element_type=jnp.float32, precision=hp)
        h += jnp.dot(
            w1bt_ref[...],
            numt_ref[:, pl.ds(cbl * 128, 128)],
            preferred_element_type=jnp.float32,
            precision=hp,
        )
        h = jnp.maximum(h + b1_ref[...], 0.0)
        y = jnp.dot(w2t_ref[...], h, preferred_element_type=jnp.float32, precision=hp)
        out_ref[:, pl.ds(cbl * 128, 128)] = jax.nn.sigmoid(y + b2_ref[...])


def _mlp(c4, numt, w1at, w1bt, b1c, w2t, b2c):
    grid = (B // COLS_BLK,)
    return pl.pallas_call(
        _mlp_body,
        grid=grid,
        in_specs=[
            pl.BlockSpec((KG, CBB, 8, 128), lambda j: (0, j, 0, 0)),
            pl.BlockSpec((N_NUM, COLS_BLK), lambda j: (0, j)),
            pl.BlockSpec((H, ROWS), lambda j: (0, 0)),
            pl.BlockSpec((H, N_NUM), lambda j: (0, 0)),
            pl.BlockSpec((H, 1), lambda j: (0, 0)),
            pl.BlockSpec((1, H), lambda j: (0, 0)),
            pl.BlockSpec((1, 1), lambda j: (0, 0)),
        ],
        out_specs=pl.BlockSpec((1, COLS_BLK), lambda j: (0, j)),
        out_shape=jax.ShapeDtypeStruct((1, B), jnp.float32),
    )(c4, numt, w1at, w1bt, b1c, w2t, b2c)


@jax.jit
def kernel(inputs, emb_tables, W1, b1, W2, b2):
    idx_t = inputs[:, :N_CAT].astype(jnp.int32).T
    num_t = inputs[:, N_CAT:].T
    table_lin = emb_tables.transpose(0, 2, 1).reshape(ROWS, VOCAB)
    c4 = _gather_call(table_lin, idx_t)
    w1at = W1[:ROWS].T
    w1bt = W1[ROWS:].T
    y = _mlp(c4, num_t, w1at, w1bt, b1.reshape(H, 1), W2.T, b2.reshape(1, 1))
    return y.reshape(B, 1)

# --- scband reference (transcript-rebuilt; emitter-appended) ---
"""Pipeline reference for scband-nngramlanguage-modeler-18021682774713 (READ-ONLY COPY).

The authoritative reference and input builder live on the scoring server;
editing this copy changes nothing except your own understanding.
"""

import jax, jax.numpy as jnp
import numpy as np

B = 16384
N_CAT = 26
N_NUM = 13
VOCAB = 100000
D = 32
H = 128

def setup_inputs(seed: int = 0) -> dict:
    key = jax.random.key(seed)
    k1, k2, k3, k4, k5, k6, k7 = jax.random.split(key, 7)
    cat = jax.random.randint(k1, (B, N_CAT), 0, VOCAB)
    num = jax.random.normal(k2, (B, N_NUM), dtype=jnp.float32)
    inputs = jnp.concatenate([cat.astype(jnp.float32), num], axis=1)
    emb_tables = jax.random.normal(k3, (N_CAT, VOCAB, D), dtype=jnp.float32) * 0.02
    in_dim = N_CAT * D + N_NUM
    W1 = jax.random.normal(k4, (in_dim, H), dtype=jnp.float32) * (1.0 / np.sqrt(in_dim))
    b1 = jax.random.normal(k5, (H,), dtype=jnp.float32) * 0.01
    W2 = jax.random.normal(k6, (H, 1), dtype=jnp.float32) * (1.0 / np.sqrt(H))
    b2 = jax.random.normal(k7, (1,), dtype=jnp.float32) * 0.01
    return {"inputs": inputs, "emb_tables": emb_tables, "W1": W1, "b1": b1, "W2": W2, "b2": b2}

def reference(inputs, emb_tables, W1, b1, W2, b2):
    cat_idx = inputs[:, :N_CAT].astype(jnp.int32)  # [B, 26]
    numerical = inputs[:, N_CAT:]                   # [B, 13]
    # per-field embedding lookup (gather), then concat along feature dim
    embs = [jnp.take(emb_tables[i], cat_idx[:, i], axis=0) for i in range(N_CAT)]
    cat_emb = jnp.concatenate(embs, axis=1)         # [B, 26*32]
    combined = jnp.concatenate([cat_emb, numerical], axis=1)
    x = jax.nn.relu(combined @ W1 + b1)
    x = jax.nn.sigmoid(x @ W2 + b2)
    return x

if __name__ == "__main__":
    import jax
    _d = setup_inputs()
    print(jax.jit(kernel)(*tuple(_d.values())))

</pallas_src>

<mosaic_0001>
#map = affine_map<(d0, d1) -> (0, 0)>
#map1 = affine_map<(d0, d1) -> (0, 0, 0, 0)>
module attributes {stable_mosaic.version = 14 : i64} {
  func.func @_gather_body(%arg0: i32, %arg1: i32, %arg2: memref<832x100000xf32, #tpu.memory_space<hbm>>, %arg3: memref<26x16384xi32, #tpu.memory_space<hbm>>, %arg4: memref<104x128x8x128xf32, #tpu.memory_space<hbm>>, %arg5: memref<100000xf32, #tpu.memory_space<vmem>>, %arg6: memref<16384xi32, #tpu.memory_space<vmem>>, %arg7: memref<2x4x8x128xf32, #tpu.memory_space<vmem>>, %arg8: memref<!tpu.dma_semaphore, #tpu.memory_space<semaphore_mem>>) attributes {dimension_semantics = [#tpu.dimension_semantics<core_parallel>, #tpu.dimension_semantics<subcore_parallel>], iteration_bounds = array<i64: 2, 16>, scalar_prefetch = 0 : i64, scratch_operands = 4 : i64, tpu.core_type = #tpu.core_type<sc_vector_subcore>, window_params = [{transform_indices = #map}, {transform_indices = #map}, {transform_indices = #map1}]} {
    %mul3A = arith.constant 2 : i32
    %mul3A_0 = arith.muli %arg1, %mul3A : i32
    %add3A = arith.addi %mul3A_0, %arg0 : i32
    %scan3A = arith.constant -1 : i32
    %scan3A_1 = arith.constant 0 : i32
    %scan3A_2 = arith.constant 26 : i32
    %scan3A_3 = arith.addi %scan3A_1, %scan3A_2 : i32
    %scan3A_4 = arith.constant 1 : i32
    %scan3A_5 = scf.for %scan3A_7 = %scan3A_1 to %scan3A_3 step %scan3A_4 iter_args(%scan3A_8 = %scan3A) -> (i32)  : i32 {
      %mul3A_9 = arith.constant 26 : i32
      %mul3A_10 = arith.muli %add3A, %mul3A_9 : i32
      %add3A_11 = arith.addi %mul3A_10, %scan3A_7 : i32
      %jit3A = arith.constant 32 : i32
      %div3A = arith.divsi %add3A_11, %jit3A : i32
      %sign3A = arith.constant 0 : i32
      %sign3A_12 = arith.cmpi sgt, %add3A_11, %sign3A : i32
      %sign3A_13 = arith.extui %sign3A_12 : i1 to i32
      %sign3A_14 = arith.constant 0 : i32
      %sign3A_15 = arith.cmpi slt, %add3A_11, %sign3A_14 : i32
      %sign3A_16 = arith.extui %sign3A_15 : i1 to i32
      %sign3A_17 = arith.subi %sign3A_13, %sign3A_16 : i32
      %sign3A_18 = arith.constant 0 : i32
      %sign3A_19 = arith.cmpi sgt, %jit3A, %sign3A_18 : i32
      %sign3A_20 = arith.extui %sign3A_19 : i1 to i32
      %sign3A_21 = arith.constant 0 : i32
      %sign3A_22 = arith.cmpi slt, %jit3A, %sign3A_21 : i32
      %sign3A_23 = arith.extui %sign3A_22 : i1 to i32
      %sign3A_24 = arith.subi %sign3A_20, %sign3A_23 : i32
      %ne3A = arith.cmpi ne, %sign3A_17, %sign3A_24 : i32
      %rem3A = arith.remsi %add3A_11, %jit3A : i32
      %ne3A_25 = arith.constant 0 : i32
      %ne3A_26 = arith.cmpi ne, %rem3A, %ne3A_25 : i32
      %and3A = arith.andi %ne3A, %ne3A_26 : i1
      %sub3A = arith.constant 1 : i32
      %sub3A_27 = arith.subi %div3A, %sub3A : i32
      %select_n3A = arith.select %and3A, %sub3A_27, %div3A : i32
      %jit3A_28 = arith.constant 8 : i32
      %div3A_29 = arith.divsi %add3A_11, %jit3A_28 : i32
      %sign3A_30 = arith.constant 0 : i32
      %sign3A_31 = arith.cmpi sgt, %add3A_11, %sign3A_30 : i32
      %sign3A_32 = arith.extui %sign3A_31 : i1 to i32
      %sign3A_33 = arith.constant 0 : i32
      %sign3A_34 = arith.cmpi slt, %add3A_11, %sign3A_33 : i32
      %sign3A_35 = arith.extui %sign3A_34 : i1 to i32
      %sign3A_36 = arith.subi %sign3A_32, %sign3A_35 : i32
      %sign3A_37 = arith.constant 0 : i32
      %sign3A_38 = arith.cmpi sgt, %jit3A_28, %sign3A_37 : i32
      %sign3A_39 = arith.extui %sign3A_38 : i1 to i32
      %sign3A_40 = arith.constant 0 : i32
      %sign3A_41 = arith.cmpi slt, %jit3A_28, %sign3A_40 : i32
      %sign3A_42 = arith.extui %sign3A_41 : i1 to i32
      %sign3A_43 = arith.subi %sign3A_39, %sign3A_42 : i32
      %ne3A_44 = arith.cmpi ne, %sign3A_36, %sign3A_43 : i32
      %rem3A_45 = arith.remsi %add3A_11, %jit3A_28 : i32
      %ne3A_46 = arith.constant 0 : i32
      %ne3A_47 = arith.cmpi ne, %rem3A_45, %ne3A_46 : i32
      %and3A_48 = arith.andi %ne3A_44, %ne3A_47 : i1
      %sub3A_49 = arith.constant 1 : i32
      %sub3A_50 = arith.subi %div3A_29, %sub3A_49 : i32
      %select_n3A_51 = arith.select %and3A_48, %sub3A_50, %div3A_29 : i32
      %rem3A_52 = arith.constant 8 : i32
      %rem3A_53 = arith.remsi %add3A_11, %rem3A_52 : i32
      %ne3A_54 = arith.cmpi ne, %select_n3A, %scan3A_8 : i32
      %convert_element_type3A = arith.extui %ne3A_54 : i1 to i32
      %cond3A = arith.constant 0 : i32
      %cond3A_55 = arith.cmpi ne, %convert_element_type3A, %cond3A : i32
      scf.if %cond3A_55 {
        "tpu.region"() ({
          %run_scoped3A = tpu.sem_alloc : memref<!tpu.dma_semaphore, #tpu.memory_space<semaphore_mem>>
          %dma_start3A_877 = arith.constant 0 : i32
          %dma_start3A_878 = tpu.memref_slice %arg3[%select_n3A, %dma_start3A_877] : memref<26x16384xi32, #tpu.memory_space<hbm>> -> memref<1x16384xi32, #tpu.memory_space<hbm>>
          %dma_start3A_879 = tpu.memref_squeeze %dma_start3A_878 : memref<1x16384xi32, #tpu.memory_space<hbm>> -> memref<16384xi32, #tpu.memory_space<hbm>>
          %dma_start3A_880 = arith.constant 0 : i32
          %dma_start3A_881 = tpu.memref_slice %arg3[%select_n3A, %dma_start3A_880] : memref<26x16384xi32, #tpu.memory_space<hbm>> -> memref<1x16384xi32, #tpu.memory_space<hbm>>
          %dma_start3A_882 = tpu.memref_squeeze %dma_start3A_881 : memref<1x16384xi32, #tpu.memory_space<hbm>> -> memref<16384xi32, #tpu.memory_space<hbm>>
          tpu.enqueue_dma source(%dma_start3A_882 : memref<16384xi32, #tpu.memory_space<hbm>>) target(%arg6 : memref<16384xi32, #tpu.memory_space<vmem>>) target_semaphore(%run_scoped3A : memref<!tpu.dma_semaphore, #tpu.memory_space<semaphore_mem>>)
          %dma_wait3A_883 = arith.constant 0 : i32
          %dma_wait3A_884 = tpu.memref_slice %arg3[%select_n3A, %dma_wait3A_883] : memref<26x16384xi32, #tpu.memory_space<hbm>> -> memref<1x16384xi32, #tpu.memory_space<hbm>>
          %dma_wait3A_885 = tpu.memref_squeeze %dma_wait3A_884 : memref<1x16384xi32, #tpu.memory_space<hbm>> -> memref<16384xi32, #tpu.memory_space<hbm>>
          %dma_wait3A_886 = arith.constant 0 : i32
          %dma_wait3A_887 = tpu.memref_slice %arg3[%select_n3A, %dma_wait3A_886] : memref<26x16384xi32, #tpu.memory_space<hbm>> -> memref<1x16384xi32, #tpu.memory_space<hbm>>
          %dma_wait3A_888 = tpu.memref_squeeze %dma_wait3A_887 : memref<1x16384xi32, #tpu.memory_space<hbm>> -> memref<16384xi32, #tpu.memory_space<hbm>>
          tpu.wait_dma2 semaphore(%run_scoped3A : memref<!tpu.dma_semaphore, #tpu.memory_space<semaphore_mem>>) src(%dma_wait3A_888 : memref<16384xi32, #tpu.memory_space<hbm>>) dst(%arg6 : memref<16384xi32, #tpu.memory_space<vmem>>)
          tpu.yield
        }) : () -> ()
      } else {
      }
      %dma_start3A = arith.constant 0 : i32
      %dma_start3A_56 = tpu.memref_slice %arg5[%dma_start3A] : memref<100000xf32, #tpu.memory_space<vmem>> -> memref<10000xf32, #tpu.memory_space<vmem>>
      %dma_start3A_57 = arith.constant 0 : i32
      %dma_start3A_58 = tpu.memref_slice %arg2[%add3A_11, %dma_start3A_57] : memref<832x100000xf32, #tpu.memory_space<hbm>> -> memref<1x10000xf32, #tpu.memory_space<hbm>>
      %dma_start3A_59 = tpu.memref_squeeze %dma_start3A_58 : memref<1x10000xf32, #tpu.memory_space<hbm>> -> memref<10000xf32, #tpu.memory_space<hbm>>
      %dma_start3A_60 = arith.constant 0 : i32
      %dma_start3A_61 = tpu.memref_slice %arg5[%dma_start3A_60] : memref<100000xf32, #tpu.memory_space<vmem>> -> memref<10000xf32, #tpu.memory_space<vmem>>
      %dma_start3A_62 = arith.constant 0 : i32
      %dma_start3A_63 = tpu.memref_slice %arg2[%add3A_11, %dma_start3A_62] : memref<832x100000xf32, #tpu.memory_space<hbm>> -> memref<1x10000xf32, #tpu.memory_space<hbm>>
      %dma_start3A_64 = tpu.memref_squeeze %dma_start3A_63 : memref<1x10000xf32, #tpu.memory_space<hbm>> -> memref<10000xf32, #tpu.memory_space<hbm>>
      tpu.enqueue_dma source(%dma_start3A_64 : memref<10000xf32, #tpu.memory_space<hbm>>) target(%dma_start3A_61 : memref<10000xf32, #tpu.memory_space<vmem>>) target_semaphore(%arg8 : memref<!tpu.dma_semaphore, #tpu.memory_space<semaphore_mem>>)
      %dma_start3A_65 = arith.constant 10000 : i32
      %dma_start3A_66 = tpu.memref_slice %arg5[%dma_start3A_65] : memref<100000xf32, #tpu.memory_space<vmem>> -> memref<10000xf32, #tpu.memory_space<vmem>>
      %dma_start3A_67 = arith.constant 10000 : i32
      %dma_start3A_68 = tpu.memref_slice %arg2[%add3A_11, %dma_start3A_67] : memref<832x100000xf32, #tpu.memory_space<hbm>> -> memref<1x10000xf32, #tpu.memory_space<hbm>>
      %dma_start3A_69 = tpu.memref_squeeze %dma_start3A_68 : memref<1x10000xf32, #tpu.memory_space<hbm>> -> memref<10000xf32, #tpu.memory_space<hbm>>
      %dma_start3A_70 = arith.constant 10000 : i32
      %dma_start3A_71 = tpu.memref_slice %arg5[%dma_start3A_70] : memref<100000xf32, #tpu.memory_space<vmem>> -> memref<10000xf32, #tpu.memory_space<vmem>>
      %dma_start3A_72 = arith.constant 10000 : i32
      %dma_start3A_73 = tpu.memref_slice %arg2[%add3A_11, %dma_start3A_72] : memref<832x100000xf32, #tpu.memory_space<hbm>> -> memref<1x10000xf32, #tpu.memory_space<hbm>>
      %dma_start3A_74 = tpu.memref_squeeze %dma_start3A_73 : memref<1x10000xf32, #tpu.memory_space<hbm>> -> memref<10000xf32, #tpu.memory_space<hbm>>
      tpu.enqueue_dma source(%dma_start3A_74 : memref<10000xf32, #tpu.memory_space<hbm>>) target(%dma_start3A_71 : memref<10000xf32, #tpu.memory_space<vmem>>) target_semaphore(%arg8 : memref<!tpu.dma_semaphore, #tpu.memory_space<semaphore_mem>>)
      %dma_start3A_75 = arith.constant 20000 : i32
      %dma_start3A_76 = tpu.memref_slice %arg5[%dma_start3A_75] : memref<100000xf32, #tpu.memory_space<vmem>> -> memref<10000xf32, #tpu.memory_space<vmem>>
      %dma_start3A_77 = arith.constant 20000 : i32
      %dma_start3A_78 = tpu.memref_slice %arg2[%add3A_11, %dma_start3A_77] : memref<832x100000xf32, #tpu.memory_space<hbm>> -> memref<1x10000xf32, #tpu.memory_space<hbm>>
      %dma_start3A_79 = tpu.memref_squeeze %dma_start3A_78 : memref<1x10000xf32, #tpu.memory_space<hbm>> -> memref<10000xf32, #tpu.memory_space<hbm>>
      %dma_start3A_80 = arith.constant 20000 : i32
      %dma_start3A_81 = tpu.memref_slice %arg5[%dma_start3A_80] : memref<100000xf32, #tpu.memory_space<vmem>> -> memref<10000xf32, #tpu.memory_space<vmem>>
      %dma_start3A_82 = arith.constant 20000 : i32
      %dma_start3A_83 = tpu.memref_slice %arg2[%add3A_11, %dma_start3A_82] : memref<832x100000xf32, #tpu.memory_space<hbm>> -> memref<1x10000xf32, #tpu.memory_space<hbm>>
      %dma_start3A_84 = tpu.memref_squeeze %dma_start3A_83 : memref<1x10000xf32, #tpu.memory_space<hbm>> -> memref<10000xf32, #tpu.memory_space<hbm>>
      tpu.enqueue_dma source(%dma_start3A_84 : memref<10000xf32, #tpu.memory_space<hbm>>) target(%dma_start3A_81 : memref<10000xf32, #tpu.memory_space<vmem>>) target_semaphore(%arg8 : memref<!tpu.dma_semaphore, #tpu.memory_space<semaphore_mem>>)
      %dma_start3A_85 = arith.constant 30000 : i32
      %dma_start3A_86 = tpu.memref_slice %arg5[%dma_start3A_85] : memref<100000xf32, #tpu.memory_space<vmem>> -> memref<10000xf32, #tpu.memory_space<vmem>>
      %dma_start3A_87 = arith.constant 30000 : i32
      %dma_start3A_88 = tpu.memref_slice %arg2[%add3A_11, %dma_start3A_87] : memref<832x100000xf32, #tpu.memory_space<hbm>> -> memref<1x10000xf32, #tpu.memory_space<hbm>>
      %dma_start3A_89 = tpu.memref_squeeze %dma_start3A_88 : memref<1x10000xf32, #tpu.memory_space<hbm>> -> memref<10000xf32, #tpu.memory_space<hbm>>
      %dma_start3A_90 = arith.constant 30000 : i32
      %dma_start3A_91 = tpu.memref_slice %arg5[%dma_start3A_90] : memref<100000xf32, #tpu.memory_space<vmem>> -> memref<10000xf32, #tpu.memory_space<vmem>>
      %dma_start3A_92 = arith.constant 30000 : i32
      %dma_start3A_93 = tpu.memref_slice %arg2[%add3A_11, %dma_start3A_92] : memref<832x100000xf32, #tpu.memory_space<hbm>> -> memref<1x10000xf32, #tpu.memory_space<hbm>>
      %dma_start3A_94 = tpu.memref_squeeze %dma_start3A_93 : memref<1x10000xf32, #tpu.memory_space<hbm>> -> memref<10000xf32, #tpu.memory_space<hbm>>
      tpu.enqueue_dma source(%dma_start3A_94 : memref<10000xf32, #tpu.memory_space<hbm>>) target(%dma_start3A_91 : memref<10000xf32, #tpu.memory_space<vmem>>) target_semaphore(%arg8 : memref<!tpu.dma_semaphore, #tpu.memory_space<semaphore_mem>>)
      %dma_start3A_95 = arith.constant 40000 : i32
      %dma_start3A_96 = tpu.memref_slice %arg5[%dma_start3A_95] : memref<100000xf32, #tpu.memory_space<vmem>> -> memref<10000xf32, #tpu.memory_space<vmem>>
      %dma_start3A_97 = arith.constant 40000 : i32
      %dma_start3A_98 = tpu.memref_slice %arg2[%add3A_11, %dma_start3A_97] : memref<832x100000xf32, #tpu.memory_space<hbm>> -> memref<1x10000xf32, #tpu.memory_space<hbm>>
      %dma_start3A_99 = tpu.memref_squeeze %dma_start3A_98 : memref<1x10000xf32, #tpu.memory_space<hbm>> -> memref<10000xf32, #tpu.memory_space<hbm>>
      %dma_start3A_100 = arith.constant 40000 : i32
      %dma_start3A_101 = tpu.memref_slice %arg5[%dma_start3A_100] : memref<100000xf32, #tpu.memory_space<vmem>> -> memref<10000xf32, #tpu.memory_space<vmem>>
      %dma_start3A_102 = arith.constant 40000 : i32
      %dma_start3A_103 = tpu.memref_slice %arg2[%add3A_11, %dma_start3A_102] : memref<832x100000xf32, #tpu.memory_space<hbm>> -> memref<1x10000xf32, #tpu.memory_space<hbm>>
      %dma_start3A_104 = tpu.memref_squeeze %dma_start3A_103 : memref<1x10000xf32, #tpu.memory_space<hbm>> -> memref<10000xf32, #tpu.memory_space<hbm>>
      tpu.enqueue_dma source(%dma_start3A_104 : memref<10000xf32, #tpu.memory_space<hbm>>) target(%dma_start3A_101 : memref<10000xf32, #tpu.memory_space<vmem>>) target_semaphore(%arg8 : memref<!tpu.dma_semaphore, #tpu.memory_space<semaphore_mem>>)
      %dma_start3A_105 = arith.constant 50000 : i32
      %dma_start3A_106 = tpu.memref_slice %arg5[%dma_start3A_105] : memref<100000xf32, #tpu.memory_space<vmem>> -> memref<10000xf32, #tpu.memory_space<vmem>>
      %dma_start3A_107 = arith.constant 50000 : i32
      %dma_start3A_108 = tpu.memref_slice %arg2[%add3A_11, %dma_start3A_107] : memref<832x100000xf32, #tpu.memory_space<hbm>> -> memref<1x10000xf32, #tpu.memory_space<hbm>>
      %dma_start3A_109 = tpu.memref_squeeze %dma_start3A_108 : memref<1x10000xf32, #tpu.memory_space<hbm>> -> memref<10000xf32, #tpu.memory_space<hbm>>
      %dma_start3A_110 = arith.constant 50000 : i32
      %dma_start3A_111 = tpu.memref_slice %arg5[%dma_start3A_110] : memref<100000xf32, #tpu.memory_space<vmem>> -> memref<10000xf32, #tpu.memory_space<vmem>>
      %dma_start3A_112 = arith.constant 50000 : i32
      %dma_start3A_113 = tpu.memref_slice %arg2[%add3A_11, %dma_start3A_112] : memref<832x100000xf32, #tpu.memory_space<hbm>> -> memref<1x10000xf32, #tpu.memory_space<hbm>>
      %dma_start3A_114 = tpu.memref_squeeze %dma_start3A_113 : memref<1x10000xf32, #tpu.memory_space<hbm>> -> memref<10000xf32, #tpu.memory_space<hbm>>
      tpu.enqueue_dma source(%dma_start3A_114 : memref<10000xf32, #tpu.memory_space<hbm>>) target(%dma_start3A_111 : memref<10000xf32, #tpu.memory_space<vmem>>) target_semaphore(%arg8 : memref<!tpu.dma_semaphore, #tpu.memory_space<semaphore_mem>>)
      %dma_start3A_115 = arith.constant 60000 : i32
      %dma_start3A_116 = tpu.memref_slice %arg5[%dma_start3A_115] : memref<100000xf32, #tpu.memory_space<vmem>> -> memref<10000xf32, #tpu.memory_space<vmem>>
      %dma_start3A_117 = arith.constant 60000 : i32
      %dma_start3A_118 = tpu.memref_slice %arg2[%add3A_11, %dma_start3A_117] : memref<832x100000xf32, #tpu.memory_space<hbm>> -> memref<1x10000xf32, #tpu.memory_space<hbm>>
      %dma_start3A_119 = tpu.memref_squeeze %dma_start3A_118 : memref<1x10000xf32, #tpu.memory_space<hbm>> -> memref<10000xf32, #tpu.memory_space<hbm>>
      %dma_start3A_120 = arith.constant 60000 : i32
      %dma_start3A_121 = tpu.memref_slice %arg5[%dma_start3A_120] : memref<100000xf32, #tpu.memory_space<vmem>> -> memref<10000xf32, #tpu.memory_space<vmem>>
      %dma_start3A_122 = arith.constant 60000 : i32
      %dma_start3A_123 = tpu.memref_slice %arg2[%add3A_11, %dma_start3A_122] : memref<832x100000xf32, #tpu.memory_space<hbm>> -> memref<1x10000xf32, #tpu.memory_space<hbm>>
      %dma_start3A_124 = tpu.memref_squeeze %dma_start3A_123 : memref<1x10000xf32, #tpu.memory_space<hbm>> -> memref<10000xf32, #tpu.memory_space<hbm>>
      tpu.enqueue_dma source(%dma_start3A_124 : memref<10000xf32, #tpu.memory_space<hbm>>) target(%dma_start3A_121 : memref<10000xf32, #tpu.memory_space<vmem>>) target_semaphore(%arg8 : memref<!tpu.dma_semaphore, #tpu.memory_space<semaphore_mem>>)
      %dma_start3A_125 = arith.constant 70000 : i32
      %dma_start3A_126 = tpu.memref_slice %arg5[%dma_start3A_125] : memref<100000xf32, #tpu.memory_space<vmem>> -> memref<10000xf32, #tpu.memory_space<vmem>>
      %dma_start3A_127 = arith.constant 70000 : i32
      %dma_start3A_128 = tpu.memref_slice %arg2[%add3A_11, %dma_start3A_127] : memref<832x100000xf32, #tpu.memory_space<hbm>> -> memref<1x10000xf32, #tpu.memory_space<hbm>>
      %dma_start3A_129 = tpu.memref_squeeze %dma_start3A_128 : memref<1x10000xf32, #tpu.memory_space<hbm>> -> memref<10000xf32, #tpu.memory_space<hbm>>
      %dma_start3A_130 = arith.constant 70000 : i32
      %dma_start3A_131 = tpu.memref_slice %arg5[%dma_start3A_130] : memref<100000xf32, #tpu.memory_space<vmem>> -> memref<10000xf32, #tpu.memory_space<vmem>>
      %dma_start3A_132 = arith.constant 70000 : i32
      %dma_start3A_133 = tpu.memref_slice %arg2[%add3A_11, %dma_start3A_132] : memref<832x100000xf32, #tpu.memory_space<hbm>> -> memref<1x10000xf32, #tpu.memory_space<hbm>>
      %dma_start3A_134 = tpu.memref_squeeze %dma_start3A_133 : memref<1x10000xf32, #tpu.memory_space<hbm>> -> memref<10000xf32, #tpu.memory_space<hbm>>
      tpu.enqueue_dma source(%dma_start3A_134 : memref<10000xf32, #tpu.memory_space<hbm>>) target(%dma_start3A_131 : memref<10000xf32, #tpu.memory_space<vmem>>) target_semaphore(%arg8 : memref<!tpu.dma_semaphore, #tpu.memory_space<semaphore_mem>>)
      %dma_start3A_135 = arith.constant 80000 : i32
      %dma_start3A_136 = tpu.memref_slice %arg5[%dma_start3A_135] : memref<100000xf32, #tpu.memory_space<vmem>> -> memref<10000xf32, #tpu.memory_space<vmem>>
      %dma_start3A_137 = arith.constant 80000 : i32
      %dma_start3A_138 = tpu.memref_slice %arg2[%add3A_11, %dma_start3A_137] : memref<832x100000xf32, #tpu.memory_space<hbm>> -> memref<1x10000xf32, #tpu.memory_space<hbm>>
      %dma_start3A_139 = tpu.memref_squeeze %dma_start3A_138 : memref<1x10000xf32, #tpu.memory_space<hbm>> -> memref<10000xf32, #tpu.memory_space<hbm>>
      %dma_start3A_140 = arith.constant 80000 : i32
      %dma_start3A_141 = tpu.memref_slice %arg5[%dma_start3A_140] : memref<100000xf32, #tpu.memory_space<vmem>> -> memref<10000xf32, #tpu.memory_space<vmem>>
      %dma_start3A_142 = arith.constant 80000 : i32
      %dma_start3A_143 = tpu.memref_slice %arg2[%add3A_11, %dma_start3A_142] : memref<832x100000xf32, #tpu.memory_space<hbm>> -> memref<1x10000xf32, #tpu.memory_space<hbm>>
      %dma_start3A_144 = tpu.memref_squeeze %dma_start3A_143 : memref<1x10000xf32, #tpu.memory_space<hbm>> -> memref<10000xf32, #tpu.memory_space<hbm>>
      tpu.enqueue_dma source(%dma_start3A_144 : memref<10000xf32, #tpu.memory_space<hbm>>) target(%dma_start3A_141 : memref<10000xf32, #tpu.memory_space<vmem>>) target_semaphore(%arg8 : memref<!tpu.dma_semaphore, #tpu.memory_space<semaphore_mem>>)
      %dma_start3A_145 = arith.constant 90000 : i32
      %dma_start3A_146 = tpu.memref_slice %arg5[%dma_start3A_145] : memref<100000xf32, #tpu.memory_space<vmem>> -> memref<10000xf32, #tpu.memory_space<vmem>>
      %dma_start3A_147 = arith.constant 90000 : i32
      %dma_start3A_148 = tpu.memref_slice %arg2[%add3A_11, %dma_start3A_147] : memref<832x100000xf32, #tpu.memory_space<hbm>> -> memref<1x10000xf32, #tpu.memory_space<hbm>>
      %dma_start3A_149 = tpu.memref_squeeze %dma_start3A_148 : memref<1x10000xf32, #tpu.memory_space<hbm>> -> memref<10000xf32, #tpu.memory_space<hbm>>
      %dma_start3A_150 = arith.constant 90000 : i32
      %dma_start3A_151 = tpu.memref_slice %arg5[%dma_start3A_150] : memref<100000xf32, #tpu.memory_space<vmem>> -> memref<10000xf32, #tpu.memory_space<vmem>>
      %dma_start3A_152 = arith.constant 90000 : i32
      %dma_start3A_153 = tpu.memref_slice %arg2[%add3A_11, %dma_start3A_152] : memref<832x100000xf32, #tpu.memory_space<hbm>> -> memref<1x10000xf32, #tpu.memory_space<hbm>>
      %dma_start3A_154 = tpu.memref_squeeze %dma_start3A_153 : memref<1x10000xf32, #tpu.memory_space<hbm>> -> memref<10000xf32, #tpu.memory_space<hbm>>
      tpu.enqueue_dma source(%dma_start3A_154 : memref<10000xf32, #tpu.memory_space<hbm>>) target(%dma_start3A_151 : memref<10000xf32, #tpu.memory_space<vmem>>) target_semaphore(%arg8 : memref<!tpu.dma_semaphore, #tpu.memory_space<semaphore_mem>>)
      %dma_wait3A = arith.constant 0 : i32
      %dma_wait3A_155 = tpu.memref_slice %arg5[%dma_wait3A] : memref<100000xf32, #tpu.memory_space<vmem>> -> memref<10000xf32, #tpu.memory_space<vmem>>
      %dma_wait3A_156 = arith.constant 0 : i32
      %dma_wait3A_157 = tpu.memref_slice %arg2[%add3A_11, %dma_wait3A_156] : memref<832x100000xf32, #tpu.memory_space<hbm>> -> memref<1x10000xf32, #tpu.memory_space<hbm>>
      %dma_wait3A_158 = tpu.memref_squeeze %dma_wait3A_157 : memref<1x10000xf32, #tpu.memory_space<hbm>> -> memref<10000xf32, #tpu.memory_space<hbm>>
      %dma_wait3A_159 = arith.constant 0 : i32
      %dma_wait3A_160 = tpu.memref_slice %arg5[%dma_wait3A_159] : memref<100000xf32, #tpu.memory_space<vmem>> -> memref<10000xf32, #tpu.memory_space<vmem>>
      %dma_wait3A_161 = arith.constant 0 : i32
      %dma_wait3A_162 = tpu.memref_slice %arg2[%add3A_11, %dma_wait3A_161] : memref<832x100000xf32, #tpu.memory_space<hbm>> -> memref<1x10000xf32, #tpu.memory_space<hbm>>
      %dma_wait3A_163 = tpu.memref_squeeze %dma_wait3A_162 : memref<1x10000xf32, #tpu.memory_space<hbm>> -> memref<10000xf32, #tpu.memory_space<hbm>>
      tpu.wait_dma2 semaphore(%arg8 : memref<!tpu.dma_semaphore, #tpu.memory_space<semaphore_mem>>) src(%dma_wait3A_163 : memref<10000xf32, #tpu.memory_space<hbm>>) dst(%dma_wait3A_160 : memref<10000xf32, #tpu.memory_space<vmem>>)
      %dma_wait3A_164 = arith.constant 10000 : i32
      %dma_wait3A_165 = tpu.memref_slice %arg5[%dma_wait3A_164] : memref<100000xf32, #tpu.memory_space<vmem>> -> memref<10000xf32, #tpu.memory_space<vmem>>
      %dma_wait3A_166 = arith.constant 10000 : i32
      %dma_wait3A_167 = tpu.memref_slice %arg2[%add3A_11, %dma_wait3A_166] : memref<832x100000xf32, #tpu.memory_space<hbm>> -> memref<1x10000xf32, #tpu.memory_space<hbm>>
      %dma_wait3A_168 = tpu.memref_squeeze %dma_wait3A_167 : memref<1x10000xf32, #tpu.memory_space<hbm>> -> memref<10000xf32, #tpu.memory_space<hbm>>
      %dma_wait3A_169 = arith.constant 10000 : i32
      %dma_wait3A_170 = tpu.memref_slice %arg5[%dma_wait3A_169] : memref<100000xf32, #tpu.memory_space<vmem>> -> memref<10000xf32, #tpu.memory_space<vmem>>
      %dma_wait3A_171 = arith.constant 10000 : i32
      %dma_wait3A_172 = tpu.memref_slice %arg2[%add3A_11, %dma_wait3A_171] : memref<832x100000xf32, #tpu.memory_space<hbm>> -> memref<1x10000xf32, #tpu.memory_space<hbm>>
      %dma_wait3A_173 = tpu.memref_squeeze %dma_wait3A_172 : memref<1x10000xf32, #tpu.memory_space<hbm>> -> memref<10000xf32, #tpu.memory_space<hbm>>
      tpu.wait_dma2 semaphore(%arg8 : memref<!tpu.dma_semaphore, #tpu.memory_space<semaphore_mem>>) src(%dma_wait3A_173 : memref<10000xf32, #tpu.memory_space<hbm>>) dst(%dma_wait3A_170 : memref<10000xf32, #tpu.memory_space<vmem>>)
      %dma_wait3A_174 = arith.constant 20000 : i32
      %dma_wait3A_175 = tpu.memref_slice %arg5[%dma_wait3A_174] : memref<100000xf32, #tpu.memory_space<vmem>> -> memref<10000xf32, #tpu.memory_space<vmem>>
      %dma_wait3A_176 = arith.constant 20000 : i32
      %dma_wait3A_177 = tpu.memref_slice %arg2[%add3A_11, %dma_wait3A_176] : memref<832x100000xf32, #tpu.memory_space<hbm>> -> memref<1x10000xf32, #tpu.memory_space<hbm>>
      %dma_wait3A_178 = tpu.memref_squeeze %dma_wait3A_177 : memref<1x10000xf32, #tpu.memory_space<hbm>> -> memref<10000xf32, #tpu.memory_space<hbm>>
      %dma_wait3A_179 = arith.constant 20000 : i32
      %dma_wait3A_180 = tpu.memref_slice %arg5[%dma_wait3A_179] : memref<100000xf32, #tpu.memory_space<vmem>> -> memref<10000xf32, #tpu.memory_space<vmem>>
      %dma_wait3A_181 = arith.constant 20000 : i32
      %dma_wait3A_182 = tpu.memref_slice %arg2[%add3A_11, %dma_wait3A_181] : memref<832x100000xf32, #tpu.memory_space<hbm>> -> memref<1x10000xf32, #tpu.memory_space<hbm>>
      %dma_wait3A_183 = tpu.memref_squeeze %dma_wait3A_182 : memref<1x10000xf32, #tpu.memory_space<hbm>> -> memref<10000xf32, #tpu.memory_space<hbm>>
      tpu.wait_dma2 semaphore(%arg8 : memref<!tpu.dma_semaphore, #tpu.memory_space<semaphore_mem>>) src(%dma_wait3A_183 : memref<10000xf32, #tpu.memory_space<hbm>>) dst(%dma_wait3A_180 : memref<10000xf32, #tpu.memory_space<vmem>>)
      %dma_wait3A_184 = arith.constant 30000 : i32
      %dma_wait3A_185 = tpu.memref_slice %arg5[%dma_wait3A_184] : memref<100000xf32, #tpu.memory_space<vmem>> -> memref<10000xf32, #tpu.memory_space<vmem>>
      %dma_wait3A_186 = arith.constant 30000 : i32
      %dma_wait3A_187 = tpu.memref_slice %arg2[%add3A_11, %dma_wait3A_186] : memref<832x100000xf32, #tpu.memory_space<hbm>> -> memref<1x10000xf32, #tpu.memory_space<hbm>>
      %dma_wait3A_188 = tpu.memref_squeeze %dma_wait3A_187 : memref<1x10000xf32, #tpu.memory_space<hbm>> -> memref<10000xf32, #tpu.memory_space<hbm>>
      %dma_wait3A_189 = arith.constant 30000 : i32
      %dma_wait3A_190 = tpu.memref_slice %arg5[%dma_wait3A_189] : memref<100000xf32, #tpu.memory_space<vmem>> -> memref<10000xf32, #tpu.memory_space<vmem>>
      %dma_wait3A_191 = arith.constant 30000 : i32
      %dma_wait3A_192 = tpu.memref_slice %arg2[%add3A_11, %dma_wait3A_191] : memref<832x100000xf32, #tpu.memory_space<hbm>> -> memref<1x10000xf32, #tpu.memory_space<hbm>>
      %dma_wait3A_193 = tpu.memref_squeeze %dma_wait3A_192 : memref<1x10000xf32, #tpu.memory_space<hbm>> -> memref<10000xf32, #tpu.memory_space<hbm>>
      tpu.wait_dma2 semaphore(%arg8 : memref<!tpu.dma_semaphore, #tpu.memory_space<semaphore_mem>>) src(%dma_wait3A_193 : memref<10000xf32, #tpu.memory_space<hbm>>) dst(%dma_wait3A_190 : memref<10000xf32, #tpu.memory_space<vmem>>)
      %dma_wait3A_194 = arith.constant 40000 : i32
      %dma_wait3A_195 = tpu.memref_slice %arg5[%dma_wait3A_194] : memref<100000xf32, #tpu.memory_space<vmem>> -> memref<10000xf32, #tpu.memory_space<vmem>>
      %dma_wait3A_196 = arith.constant 40000 : i32
      %dma_wait3A_197 = tpu.memref_slice %arg2[%add3A_11, %dma_wait3A_196] : memref<832x100000xf32, #tpu.memory_space<hbm>> -> memref<1x10000xf32, #tpu.memory_space<hbm>>
      %dma_wait3A_198 = tpu.memref_squeeze %dma_wait3A_197 : memref<1x10000xf32, #tpu.memory_space<hbm>> -> memref<10000xf32, #tpu.memory_space<hbm>>
      %dma_wait3A_199 = arith.constant 40000 : i32
      %dma_wait3A_200 = tpu.memref_slice %arg5[%dma_wait3A_199] : memref<100000xf32, #tpu.memory_space<vmem>> -> memref<10000xf32, #tpu.memory_space<vmem>>
      %dma_wait3A_201 = arith.constant 40000 : i32
      %dma_wait3A_202 = tpu.memref_slice %arg2[%add3A_11, %dma_wait3A_201] : memref<832x100000xf32, #tpu.memory_space<hbm>> -> memref<1x10000xf32, #tpu.memory_space<hbm>>
      %dma_wait3A_203 = tpu.memref_squeeze %dma_wait3A_202 : memref<1x10000xf32, #tpu.memory_space<hbm>> -> memref<10000xf32, #tpu.memory_space<hbm>>
      tpu.wait_dma2 semaphore(%arg8 : memref<!tpu.dma_semaphore, #tpu.memory_space<semaphore_mem>>) src(%dma_wait3A_203 : memref<10000xf32, #tpu.memory_space<hbm>>) dst(%dma_wait3A_200 : memref<10000xf32, #tpu.memory_space<vmem>>)
      %dma_wait3A_204 = arith.constant 50000 : i32
      %dma_wait3A_205 = tpu.memref_slice %arg5[%dma_wait3A_204] : memref<100000xf32, #tpu.memory_space<vmem>> -> memref<10000xf32, #tpu.memory_space<vmem>>
      %dma_wait3A_206 = arith.constant 50000 : i32
      %dma_wait3A_207 = tpu.memref_slice %arg2[%add3A_11, %dma_wait3A_206] : memref<832x100000xf32, #tpu.memory_space<hbm>> -> memref<1x10000xf32, #tpu.memory_space<hbm>>
      %dma_wait3A_208 = tpu.memref_squeeze %dma_wait3A_207 : memref<1x10000xf32, #tpu.memory_space<hbm>> -> memref<10000xf32, #tpu.memory_space<hbm>>
      %dma_wait3A_209 = arith.constant 50000 : i32
      %dma_wait3A_210 = tpu.memref_slice %arg5[%dma_wait3A_209] : memref<100000xf32, #tpu.memory_space<vmem>> -> memref<10000xf32, #tpu.memory_space<vmem>>
      %dma_wait3A_211 = arith.constant 50000 : i32
      %dma_wait3A_212 = tpu.memref_slice %arg2[%add3A_11, %dma_wait3A_211] : memref<832x100000xf32, #tpu.memory_space<hbm>> -> memref<1x10000xf32, #tpu.memory_space<hbm>>
      %dma_wait3A_213 = tpu.memref_squeeze %dma_wait3A_212 : memref<1x10000xf32, #tpu.memory_space<hbm>> -> memref<10000xf32, #tpu.memory_space<hbm>>
      tpu.wait_dma2 semaphore(%arg8 : memref<!tpu.dma_semaphore, #tpu.memory_space<semaphore_mem>>) src(%dma_wait3A_213 : memref<10000xf32, #tpu.memory_space<hbm>>) dst(%dma_wait3A_210 : memref<10000xf32, #tpu.memory_space<vmem>>)
      %dma_wait3A_214 = arith.constant 60000 : i32
      %dma_wait3A_215 = tpu.memref_slice %arg5[%dma_wait3A_214] : memref<100000xf32, #tpu.memory_space<vmem>> -> memref<10000xf32, #tpu.memory_space<vmem>>
      %dma_wait3A_216 = arith.constant 60000 : i32
      %dma_wait3A_217 = tpu.memref_slice %arg2[%add3A_11, %dma_wait3A_216] : memref<832x100000xf32, #tpu.memory_space<hbm>> -> memref<1x10000xf32, #tpu.memory_space<hbm>>
      %dma_wait3A_218 = tpu.memref_squeeze %dma_wait3A_217 : memref<1x10000xf32, #tpu.memory_space<hbm>> -> memref<10000xf32, #tpu.memory_space<hbm>>
      %dma_wait3A_219 = arith.constant 60000 : i32
      %dma_wait3A_220 = tpu.memref_slice %arg5[%dma_wait3A_219] : memref<100000xf32, #tpu.memory_space<vmem>> -> memref<10000xf32, #tpu.memory_space<vmem>>
      %dma_wait3A_221 = arith.constant 60000 : i32
      %dma_wait3A_222 = tpu.memref_slice %arg2[%add3A_11, %dma_wait3A_221] : memref<832x100000xf32, #tpu.memory_space<hbm>> -> memref<1x10000xf32, #tpu.memory_space<hbm>>
      %dma_wait3A_223 = tpu.memref_squeeze %dma_wait3A_222 : memref<1x10000xf32, #tpu.memory_space<hbm>> -> memref<10000xf32, #tpu.memory_space<hbm>>
      tpu.wait_dma2 semaphore(%arg8 : memref<!tpu.dma_semaphore, #tpu.memory_space<semaphore_mem>>) src(%dma_wait3A_223 : memref<10000xf32, #tpu.memory_space<hbm>>) dst(%dma_wait3A_220 : memref<10000xf32, #tpu.memory_space<vmem>>)
      %dma_wait3A_224 = arith.constant 70000 : i32
      %dma_wait3A_225 = tpu.memref_slice %arg5[%dma_wait3A_224] : memref<100000xf32, #tpu.memory_space<vmem>> -> memref<10000xf32, #tpu.memory_space<vmem>>
      %dma_wait3A_226 = arith.constant 70000 : i32
      %dma_wait3A_227 = tpu.memref_slice %arg2[%add3A_11, %dma_wait3A_226] : memref<832x100000xf32, #tpu.memory_space<hbm>> -> memref<1x10000xf32, #tpu.memory_space<hbm>>
      %dma_wait3A_228 = tpu.memref_squeeze %dma_wait3A_227 : memref<1x10000xf32, #tpu.memory_space<hbm>> -> memref<10000xf32, #tpu.memory_space<hbm>>
      %dma_wait3A_229 = arith.constant 70000 : i32
      %dma_wait3A_230 = tpu.memref_slice %arg5[%dma_wait3A_229] : memref<100000xf32, #tpu.memory_space<vmem>> -> memref<10000xf32, #tpu.memory_space<vmem>>
      %dma_wait3A_231 = arith.constant 70000 : i32
      %dma_wait3A_232 = tpu.memref_slice %arg2[%add3A_11, %dma_wait3A_231] : memref<832x100000xf32, #tpu.memory_space<hbm>> -> memref<1x10000xf32, #tpu.memory_space<hbm>>
      %dma_wait3A_233 = tpu.memref_squeeze %dma_wait3A_232 : memref<1x10000xf32, #tpu.memory_space<hbm>> -> memref<10000xf32, #tpu.memory_space<hbm>>
      tpu.wait_dma2 semaphore(%arg8 : memref<!tpu.dma_semaphore, #tpu.memory_space<semaphore_mem>>) src(%dma_wait3A_233 : memref<10000xf32, #tpu.memory_space<hbm>>) dst(%dma_wait3A_230 : memref<10000xf32, #tpu.memory_space<vmem>>)
      %dma_wait3A_234 = arith.constant 80000 : i32
      %dma_wait3A_235 = tpu.memref_slice %arg5[%dma_wait3A_234] : memref<100000xf32, #tpu.memory_space<vmem>> -> memref<10000xf32, #tpu.memory_space<vmem>>
      %dma_wait3A_236 = arith.constant 80000 : i32
      %dma_wait3A_237 = tpu.memref_slice %arg2[%add3A_11, %dma_wait3A_236] : memref<832x100000xf32, #tpu.memory_space<hbm>> -> memref<1x10000xf32, #tpu.memory_space<hbm>>
      %dma_wait3A_238 = tpu.memref_squeeze %dma_wait3A_237 : memref<1x10000xf32, #tpu.memory_space<hbm>> -> memref<10000xf32, #tpu.memory_space<hbm>>
      %dma_wait3A_239 = arith.constant 80000 : i32
      %dma_wait3A_240 = tpu.memref_slice %arg5[%dma_wait3A_239] : memref<100000xf32, #tpu.memory_space<vmem>> -> memref<10000xf32, #tpu.memory_space<vmem>>
      %dma_wait3A_241 = arith.constant 80000 : i32
      %dma_wait3A_242 = tpu.memref_slice %arg2[%add3A_11, %dma_wait3A_241] : memref<832x100000xf32, #tpu.memory_space<hbm>> -> memref<1x10000xf32, #tpu.memory_space<hbm>>
      %dma_wait3A_243 = tpu.memref_squeeze %dma_wait3A_242 : memref<1x10000xf32, #tpu.memory_space<hbm>> -> memref<10000xf32, #tpu.memory_space<hbm>>
      tpu.wait_dma2 semaphore(%arg8 : memref<!tpu.dma_semaphore, #tpu.memory_space<semaphore_mem>>) src(%dma_wait3A_243 : memref<10000xf32, #tpu.memory_space<hbm>>) dst(%dma_wait3A_240 : memref<10000xf32, #tpu.memory_space<vmem>>)
      %dma_wait3A_244 = arith.constant 90000 : i32
      %dma_wait3A_245 = tpu.memref_slice %arg5[%dma_wait3A_244] : memref<100000xf32, #tpu.memory_space<vmem>> -> memref<10000xf32, #tpu.memory_space<vmem>>
      %dma_wait3A_246 = arith.constant 90000 : i32
      %dma_wait3A_247 = tpu.memref_slice %arg2[%add3A_11, %dma_wait3A_246] : memref<832x100000xf32, #tpu.memory_space<hbm>> -> memref<1x10000xf32, #tpu.memory_space<hbm>>
      %dma_wait3A_248 = tpu.memref_squeeze %dma_wait3A_247 : memref<1x10000xf32, #tpu.memory_space<hbm>> -> memref<10000xf32, #tpu.memory_space<hbm>>
      %dma_wait3A_249 = arith.constant 90000 : i32
      %dma_wait3A_250 = tpu.memref_slice %arg5[%dma_wait3A_249] : memref<100000xf32, #tpu.memory_space<vmem>> -> memref<10000xf32, #tpu.memory_space<vmem>>
      %dma_wait3A_251 = arith.constant 90000 : i32
      %dma_wait3A_252 = tpu.memref_slice %arg2[%add3A_11, %dma_wait3A_251] : memref<832x100000xf32, #tpu.memory_space<hbm>> -> memref<1x10000xf32, #tpu.memory_space<hbm>>
      %dma_wait3A_253 = tpu.memref_squeeze %dma_wait3A_252 : memref<1x10000xf32, #tpu.memory_space<hbm>> -> memref<10000xf32, #tpu.memory_space<hbm>>
      tpu.wait_dma2 semaphore(%arg8 : memref<!tpu.dma_semaphore, #tpu.memory_space<semaphore_mem>>) src(%dma_wait3A_253 : memref<10000xf32, #tpu.memory_space<hbm>>) dst(%dma_wait3A_250 : memref<10000xf32, #tpu.memory_space<vmem>>)
      %parallel_loop3A = arith.constant 0 : i32
      %parallel_loop3A_254 = arith.constant 64 : i32
      %parallel_loop3A_255 = arith.constant 1 : i32
      scf.for %parallel_loop3A_877 = %parallel_loop3A to %parallel_loop3A_254 step %parallel_loop3A_255  : i32 {
        %parallel_loop3A_878 = arith.constant 16 : i32
        %parallel_loop3A_879 = arith.muli %parallel_loop3A_877, %parallel_loop3A_878 : i32
        %parallel_loop3A_880 = arith.constant 0 : i32
        %parallel_loop3A_881 = arith.addi %parallel_loop3A_880, %parallel_loop3A_879 : i32
        %parallel_loop3A_882 = arith.index_cast %parallel_loop3A_881 : i32 to index
        %parallel_loop3A_883 = tpu.vector_load %arg6[%parallel_loop3A_882] {strides = array<i32>} : memref<16384xi32, #tpu.memory_space<vmem>>, vector<16xi32>,
        %parallel_loop3A_884 = tpu.vector_load_idx %arg5[%parallel_loop3A_883] : memref<100000xf32, #tpu.memory_space<vmem>>[vector<16xi32>], vector<16xf32>,
        %parallel_loop3A_885 = arith.constant 8 : i32
        %parallel_loop3A_886 = arith.divsi %parallel_loop3A_877, %parallel_loop3A_885 : i32
        %parallel_loop3A_887 = arith.constant 0 : i32
        %parallel_loop3A_888 = arith.cmpi sgt, %parallel_loop3A_877, %parallel_loop3A_887 : i32
        %parallel_loop3A_889 = arith.extui %parallel_loop3A_888 : i1 to i32
        %parallel_loop3A_890 = arith.constant 0 : i32
        %parallel_loop3A_891 = arith.cmpi slt, %parallel_loop3A_877, %parallel_loop3A_890 : i32
        %parallel_loop3A_892 = arith.extui %parallel_loop3A_891 : i1 to i32
        %parallel_loop3A_893 = arith.subi %parallel_loop3A_889, %parallel_loop3A_892 : i32
        %parallel_loop3A_894 = arith.constant 0 : i32
        %parallel_loop3A_895 = arith.cmpi sgt, %parallel_loop3A_885, %parallel_loop3A_894 : i32
        %parallel_loop3A_896 = arith.extui %parallel_loop3A_895 : i1 to i32
        %parallel_loop3A_897 = arith.constant 0 : i32
        %parallel_loop3A_898 = arith.cmpi slt, %parallel_loop3A_885, %parallel_loop3A_897 : i32
        %parallel_loop3A_899 = arith.extui %parallel_loop3A_898 : i1 to i32
        %parallel_loop3A_900 = arith.subi %parallel_loop3A_896, %parallel_loop3A_899 : i32
        %parallel_loop3A_901 = arith.cmpi ne, %parallel_loop3A_893, %parallel_loop3A_900 : i32
        %parallel_loop3A_902 = arith.remsi %parallel_loop3A_877, %parallel_loop3A_885 : i32
        %parallel_loop3A_903 = arith.constant 0 : i32
        %parallel_loop3A_904 = arith.cmpi ne, %parallel_loop3A_902, %parallel_loop3A_903 : i32
        %parallel_loop3A_905 = arith.andi %parallel_loop3A_901, %parallel_loop3A_904 : i1
        %parallel_loop3A_906 = arith.constant 1 : i32
        %parallel_loop3A_907 = arith.subi %parallel_loop3A_886, %parallel_loop3A_906 : i32
        %parallel_loop3A_908 = arith.select %parallel_loop3A_905, %parallel_loop3A_907, %parallel_loop3A_886 : i32
        %parallel_loop3A_909 = arith.constant 8 : i32
        %parallel_loop3A_910 = arith.constant 0 : i32
        %parallel_loop3A_911 = arith.cmpi eq, %parallel_loop3A_909, %parallel_loop3A_910 : i32
        %parallel_loop3A_912 = arith.constant 1 : i32
        %parallel_loop3A_913 = arith.select %parallel_loop3A_911, %parallel_loop3A_912, %parallel_loop3A_909 : i32
        %parallel_loop3A_914 = arith.remsi %parallel_loop3A_877, %parallel_loop3A_913 : i32
        %parallel_loop3A_915 = arith.constant 0 : i32
        %parallel_loop3A_916 = arith.cmpi ne, %parallel_loop3A_914, %parallel_loop3A_915 : i32
        %parallel_loop3A_917 = arith.constant 0 : i32
        %parallel_loop3A_918 = arith.cmpi slt, %parallel_loop3A_914, %parallel_loop3A_917 : i32
        %parallel_loop3A_919 = arith.constant 0 : i32
        %parallel_loop3A_920 = arith.cmpi slt, %parallel_loop3A_913, %parallel_loop3A_919 : i32
        %parallel_loop3A_921 = arith.xori %parallel_loop3A_918, %parallel_loop3A_920 : i1
        %parallel_loop3A_922 = arith.andi %parallel_loop3A_921, %parallel_loop3A_916 : i1
        %parallel_loop3A_923 = arith.addi %parallel_loop3A_914, %parallel_loop3A_913 : i32
        %parallel_loop3A_924 = arith.select %parallel_loop3A_922, %parallel_loop3A_923, %parallel_loop3A_914 : i32
        %parallel_loop3A_925 = arith.constant 16 : i32
        %parallel_loop3A_926 = arith.muli %parallel_loop3A_924, %parallel_loop3A_925 : i32
        %parallel_loop3A_927 = arith.constant 0 : i32
        %parallel_loop3A_928 = arith.constant 0 : i32
        %parallel_loop3A_929 = arith.index_cast %parallel_loop3A_927 : i32 to index
        %parallel_loop3A_930 = arith.index_cast %parallel_loop3A_928 : i32 to index
        %parallel_loop3A_931 = arith.index_cast %parallel_loop3A_908 : i32 to index
        %parallel_loop3A_932 = arith.index_cast %parallel_loop3A_926 : i32 to index
        %parallel_loop3A_933 = tpu.vector_load %arg7[%parallel_loop3A_929, %parallel_loop3A_930, %parallel_loop3A_931, %parallel_loop3A_932] {strides = array<i32>} : memref<2x4x8x128xf32, #tpu.memory_space<vmem>>, vector<16xf32>,
        tpu.vector_store %arg7[%parallel_loop3A_929, %parallel_loop3A_930, %parallel_loop3A_931, %parallel_loop3A_932], %parallel_loop3A_884 {strides = array<i32>} : memref<2x4x8x128xf32, #tpu.memory_space<vmem>>, vector<16xf32>,
      } {sc.loop_unroll_factor = 16 : i64, sc.parallel_access}
      %parallel_loop3A_256 = arith.constant 0 : i32
      %parallel_loop3A_257 = arith.constant 64 : i32
      %parallel_loop3A_258 = arith.constant 1 : i32
      scf.for %parallel_loop3A_877 = %parallel_loop3A_256 to %parallel_loop3A_257 step %parallel_loop3A_258  : i32 {
        %parallel_loop3A_878 = arith.constant 16 : i32
        %parallel_loop3A_879 = arith.muli %parallel_loop3A_877, %parallel_loop3A_878 : i32
        %parallel_loop3A_880 = arith.constant 1024 : i32
        %parallel_loop3A_881 = arith.addi %parallel_loop3A_880, %parallel_loop3A_879 : i32
        %parallel_loop3A_882 = arith.index_cast %parallel_loop3A_881 : i32 to index
        %parallel_loop3A_883 = tpu.vector_load %arg6[%parallel_loop3A_882] {strides = array<i32>} : memref<16384xi32, #tpu.memory_space<vmem>>, vector<16xi32>,
        %parallel_loop3A_884 = tpu.vector_load_idx %arg5[%parallel_loop3A_883] : memref<100000xf32, #tpu.memory_space<vmem>>[vector<16xi32>], vector<16xf32>,
        %parallel_loop3A_885 = arith.constant 8 : i32
        %parallel_loop3A_886 = arith.divsi %parallel_loop3A_877, %parallel_loop3A_885 : i32
        %parallel_loop3A_887 = arith.constant 0 : i32
        %parallel_loop3A_888 = arith.cmpi sgt, %parallel_loop3A_877, %parallel_loop3A_887 : i32
        %parallel_loop3A_889 = arith.extui %parallel_loop3A_888 : i1 to i32
        %parallel_loop3A_890 = arith.constant 0 : i32
        %parallel_loop3A_891 = arith.cmpi slt, %parallel_loop3A_877, %parallel_loop3A_890 : i32
        %parallel_loop3A_892 = arith.extui %parallel_loop3A_891 : i1 to i32
        %parallel_loop3A_893 = arith.subi %parallel_loop3A_889, %parallel_loop3A_892 : i32
        %parallel_loop3A_894 = arith.constant 0 : i32
        %parallel_loop3A_895 = arith.cmpi sgt, %parallel_loop3A_885, %parallel_loop3A_894 : i32
        %parallel_loop3A_896 = arith.extui %parallel_loop3A_895 : i1 to i32
        %parallel_loop3A_897 = arith.constant 0 : i32
        %parallel_loop3A_898 = arith.cmpi slt, %parallel_loop3A_885, %parallel_loop3A_897 : i32
        %parallel_loop3A_899 = arith.extui %parallel_loop3A_898 : i1 to i32
        %parallel_loop3A_900 = arith.subi %parallel_loop3A_896, %parallel_loop3A_899 : i32
        %parallel_loop3A_901 = arith.cmpi ne, %parallel_loop3A_893, %parallel_loop3A_900 : i32
        %parallel_loop3A_902 = arith.remsi %parallel_loop3A_877, %parallel_loop3A_885 : i32
        %parallel_loop3A_903 = arith.constant 0 : i32
        %parallel_loop3A_904 = arith.cmpi ne, %parallel_loop3A_902, %parallel_loop3A_903 : i32
        %parallel_loop3A_905 = arith.andi %parallel_loop3A_901, %parallel_loop3A_904 : i1
        %parallel_loop3A_906 = arith.constant 1 : i32
        %parallel_loop3A_907 = arith.subi %parallel_loop3A_886, %parallel_loop3A_906 : i32
        %parallel_loop3A_908 = arith.select %parallel_loop3A_905, %parallel_loop3A_907, %parallel_loop3A_886 : i32
        %parallel_loop3A_909 = arith.constant 8 : i32
        %parallel_loop3A_910 = arith.constant 0 : i32
        %parallel_loop3A_911 = arith.cmpi eq, %parallel_loop3A_909, %parallel_loop3A_910 : i32
        %parallel_loop3A_912 = arith.constant 1 : i32
        %parallel_loop3A_913 = arith.select %parallel_loop3A_911, %parallel_loop3A_912, %parallel_loop3A_909 : i32
        %parallel_loop3A_914 = arith.remsi %parallel_loop3A_877, %parallel_loop3A_913 : i32
        %parallel_loop3A_915 = arith.constant 0 : i32
        %parallel_loop3A_916 = arith.cmpi ne, %parallel_loop3A_914, %parallel_loop3A_915 : i32
        %parallel_loop3A_917 = arith.constant 0 : i32
        %parallel_loop3A_918 = arith.cmpi slt, %parallel_loop3A_914, %parallel_loop3A_917 : i32
        %parallel_loop3A_919 = arith.constant 0 : i32
        %parallel_loop3A_920 = arith.cmpi slt, %parallel_loop3A_913, %parallel_loop3A_919 : i32
        %parallel_loop3A_921 = arith.xori %parallel_loop3A_918, %parallel_loop3A_920 : i1
        %parallel_loop3A_922 = arith.andi %parallel_loop3A_921, %parallel_loop3A_916 : i1
        %parallel_loop3A_923 = arith.addi %parallel_loop3A_914, %parallel_loop3A_913 : i32
        %parallel_loop3A_924 = arith.select %parallel_loop3A_922, %parallel_loop3A_923, %parallel_loop3A_914 : i32
        %parallel_loop3A_925 = arith.constant 16 : i32
        %parallel_loop3A_926 = arith.muli %parallel_loop3A_924, %parallel_loop3A_925 : i32
        %parallel_loop3A_927 = arith.constant 0 : i32
        %parallel_loop3A_928 = arith.constant 1 : i32
        %parallel_loop3A_929 = arith.index_cast %parallel_loop3A_927 : i32 to index
        %parallel_loop3A_930 = arith.index_cast %parallel_loop3A_928 : i32 to index
        %parallel_loop3A_931 = arith.index_cast %parallel_loop3A_908 : i32 to index
        %parallel_loop3A_932 = arith.index_cast %parallel_loop3A_926 : i32 to index
        %parallel_loop3A_933 = tpu.vector_load %arg7[%parallel_loop3A_929, %parallel_loop3A_930, %parallel_loop3A_931, %parallel_loop3A_932] {strides = array<i32>} : memref<2x4x8x128xf32, #tpu.memory_space<vmem>>, vector<16xf32>,
        tpu.vector_store %arg7[%parallel_loop3A_929, %parallel_loop3A_930, %parallel_loop3A_931, %parallel_loop3A_932], %parallel_loop3A_884 {strides = array<i32>} : memref<2x4x8x128xf32, #tpu.memory_space<vmem>>, vector<16xf32>,
      } {sc.loop_unroll_factor = 16 : i64, sc.parallel_access}
      %parallel_loop3A_259 = arith.constant 0 : i32
      %parallel_loop3A_260 = arith.constant 64 : i32
      %parallel_loop3A_261 = arith.constant 1 : i32
      scf.for %parallel_loop3A_877 = %parallel_loop3A_259 to %parallel_loop3A_260 step %parallel_loop3A_261  : i32 {
        %parallel_loop3A_878 = arith.constant 16 : i32
        %parallel_loop3A_879 = arith.muli %parallel_loop3A_877, %parallel_loop3A_878 : i32
        %parallel_loop3A_880 = arith.constant 2048 : i32
        %parallel_loop3A_881 = arith.addi %parallel_loop3A_880, %parallel_loop3A_879 : i32
        %parallel_loop3A_882 = arith.index_cast %parallel_loop3A_881 : i32 to index
        %parallel_loop3A_883 = tpu.vector_load %arg6[%parallel_loop3A_882] {strides = array<i32>} : memref<16384xi32, #tpu.memory_space<vmem>>, vector<16xi32>,
        %parallel_loop3A_884 = tpu.vector_load_idx %arg5[%parallel_loop3A_883] : memref<100000xf32, #tpu.memory_space<vmem>>[vector<16xi32>], vector<16xf32>,
        %parallel_loop3A_885 = arith.constant 8 : i32
        %parallel_loop3A_886 = arith.divsi %parallel_loop3A_877, %parallel_loop3A_885 : i32
        %parallel_loop3A_887 = arith.constant 0 : i32
        %parallel_loop3A_888 = arith.cmpi sgt, %parallel_loop3A_877, %parallel_loop3A_887 : i32
        %parallel_loop3A_889 = arith.extui %parallel_loop3A_888 : i1 to i32
        %parallel_loop3A_890 = arith.constant 0 : i32
        %parallel_loop3A_891 = arith.cmpi slt, %parallel_loop3A_877, %parallel_loop3A_890 : i32
        %parallel_loop3A_892 = arith.extui %parallel_loop3A_891 : i1 to i32
        %parallel_loop3A_893 = arith.subi %parallel_loop3A_889, %parallel_loop3A_892 : i32
        %parallel_loop3A_894 = arith.constant 0 : i32
        %parallel_loop3A_895 = arith.cmpi sgt, %parallel_loop3A_885, %parallel_loop3A_894 : i32
        %parallel_loop3A_896 = arith.extui %parallel_loop3A_895 : i1 to i32
        %parallel_loop3A_897 = arith.constant 0 : i32
        %parallel_loop3A_898 = arith.cmpi slt, %parallel_loop3A_885, %parallel_loop3A_897 : i32
        %parallel_loop3A_899 = arith.extui %parallel_loop3A_898 : i1 to i32
        %parallel_loop3A_900 = arith.subi %parallel_loop3A_896, %parallel_loop3A_899 : i32
        %parallel_loop3A_901 = arith.cmpi ne, %parallel_loop3A_893, %parallel_loop3A_900 : i32
        %parallel_loop3A_902 = arith.remsi %parallel_loop3A_877, %parallel_loop3A_885 : i32
        %parallel_loop3A_903 = arith.constant 0 : i32
        %parallel_loop3A_904 = arith.cmpi ne, %parallel_loop3A_902, %parallel_loop3A_903 : i32
        %parallel_loop3A_905 = arith.andi %parallel_loop3A_901, %parallel_loop3A_904 : i1
        %parallel_loop3A_906 = arith.constant 1 : i32
        %parallel_loop3A_907 = arith.subi %parallel_loop3A_886, %parallel_loop3A_906 : i32
        %parallel_loop3A_908 = arith.select %parallel_loop3A_905, %parallel_loop3A_907, %parallel_loop3A_886 : i32
        %parallel_loop3A_909 = arith.constant 8 : i32
        %parallel_loop3A_910 = arith.constant 0 : i32
        %parallel_loop3A_911 = arith.cmpi eq, %parallel_loop3A_909, %parallel_loop3A_910 : i32
        %parallel_loop3A_912 = arith.constant 1 : i32
        %parallel_loop3A_913 = arith.select %parallel_loop3A_911, %parallel_loop3A_912, %parallel_loop3A_909 : i32
        %parallel_loop3A_914 = arith.remsi %parallel_loop3A_877, %parallel_loop3A_913 : i32
        %parallel_loop3A_915 = arith.constant 0 : i32
        %parallel_loop3A_916 = arith.cmpi ne, %parallel_loop3A_914, %parallel_loop3A_915 : i32
        %parallel_loop3A_917 = arith.constant 0 : i32
        %parallel_loop3A_918 = arith.cmpi slt, %parallel_loop3A_914, %parallel_loop3A_917 : i32
        %parallel_loop3A_919 = arith.constant 0 : i32
        %parallel_loop3A_920 = arith.cmpi slt, %parallel_loop3A_913, %parallel_loop3A_919 : i32
        %parallel_loop3A_921 = arith.xori %parallel_loop3A_918, %parallel_loop3A_920 : i1
        %parallel_loop3A_922 = arith.andi %parallel_loop3A_921, %parallel_loop3A_916 : i1
        %parallel_loop3A_923 = arith.addi %parallel_loop3A_914, %parallel_loop3A_913 : i32
        %parallel_loop3A_924 = arith.select %parallel_loop3A_922, %parallel_loop3A_923, %parallel_loop3A_914 : i32
        %parallel_loop3A_925 = arith.constant 16 : i32
        %parallel_loop3A_926 = arith.muli %parallel_loop3A_924, %parallel_loop3A_925 : i32
        %parallel_loop3A_927 = arith.constant 0 : i32
        %parallel_loop3A_928 = arith.constant 2 : i32
        %parallel_loop3A_929 = arith.index_cast %parallel_loop3A_927 : i32 to index
        %parallel_loop3A_930 = arith.index_cast %parallel_loop3A_928 : i32 to index
        %parallel_loop3A_931 = arith.index_cast %parallel_loop3A_908 : i32 to index
        %parallel_loop3A_932 = arith.index_cast %parallel_loop3A_926 : i32 to index
        %parallel_loop3A_933 = tpu.vector_load %arg7[%parallel_loop3A_929, %parallel_loop3A_930, %parallel_loop3A_931, %parallel_loop3A_932] {strides = array<i32>} : memref<2x4x8x128xf32, #tpu.memory_space<vmem>>, vector<16xf32>,
        tpu.vector_store %arg7[%parallel_loop3A_929, %parallel_loop3A_930, %parallel_loop3A_931, %parallel_loop3A_932], %parallel_loop3A_884 {strides = array<i32>} : memref<2x4x8x128xf32, #tpu.memory_space<vmem>>, vector<16xf32>,
      } {sc.loop_unroll_factor = 16 : i64, sc.parallel_access}
      %parallel_loop3A_262 = arith.constant 0 : i32
      %parallel_loop3A_263 = arith.constant 64 : i32
      %parallel_loop3A_264 = arith.constant 1 : i32
      scf.for %parallel_loop3A_877 = %parallel_loop3A_262 to %parallel_loop3A_263 step %parallel_loop3A_264  : i32 {
        %parallel_loop3A_878 = arith.constant 16 : i32
        %parallel_loop3A_879 = arith.muli %parallel_loop3A_877, %parallel_loop3A_878 : i32
        %parallel_loop3A_880 = arith.constant 3072 : i32
        %parallel_loop3A_881 = arith.addi %parallel_loop3A_880, %parallel_loop3A_879 : i32
        %parallel_loop3A_882 = arith.index_cast %parallel_loop3A_881 : i32 to index
        %parallel_loop3A_883 = tpu.vector_load %arg6[%parallel_loop3A_882] {strides = array<i32>} : memref<16384xi32, #tpu.memory_space<vmem>>, vector<16xi32>,
        %parallel_loop3A_884 = tpu.vector_load_idx %arg5[%parallel_loop3A_883] : memref<100000xf32, #tpu.memory_space<vmem>>[vector<16xi32>], vector<16xf32>,
        %parallel_loop3A_885 = arith.constant 8 : i32
        %parallel_loop3A_886 = arith.divsi %parallel_loop3A_877, %parallel_loop3A_885 : i32
        %parallel_loop3A_887 = arith.constant 0 : i32
        %parallel_loop3A_888 = arith.cmpi sgt, %parallel_loop3A_877, %parallel_loop3A_887 : i32
        %parallel_loop3A_889 = arith.extui %parallel_loop3A_888 : i1 to i32
        %parallel_loop3A_890 = arith.constant 0 : i32
        %parallel_loop3A_891 = arith.cmpi slt, %parallel_loop3A_877, %parallel_loop3A_890 : i32
        %parallel_loop3A_892 = arith.extui %parallel_loop3A_891 : i1 to i32
        %parallel_loop3A_893 = arith.subi %parallel_loop3A_889, %parallel_loop3A_892 : i32
        %parallel_loop3A_894 = arith.constant 0 : i32
        %parallel_loop3A_895 = arith.cmpi sgt, %parallel_loop3A_885, %parallel_loop3A_894 : i32
        %parallel_loop3A_896 = arith.extui %parallel_loop3A_895 : i1 to i32
        %parallel_loop3A_897 = arith.constant 0 : i32
        %parallel_loop3A_898 = arith.cmpi slt, %parallel_loop3A_885, %parallel_loop3A_897 : i32
        %parallel_loop3A_899 = arith.extui %parallel_loop3A_898 : i1 to i32
        %parallel_loop3A_900 = arith.subi %parallel_loop3A_896, %parallel_loop3A_899 : i32
        %parallel_loop3A_901 = arith.cmpi ne, %parallel_loop3A_893, %parallel_loop3A_900 : i32
        %parallel_loop3A_902 = arith.remsi %parallel_loop3A_877, %parallel_loop3A_885 : i32
        %parallel_loop3A_903 = arith.constant 0 : i32
        %parallel_loop3A_904 = arith.cmpi ne, %parallel_loop3A_902, %parallel_loop3A_903 : i32
        %parallel_loop3A_905 = arith.andi %parallel_loop3A_901, %parallel_loop3A_904 : i1
        %parallel_loop3A_906 = arith.constant 1 : i32
        %parallel_loop3A_907 = arith.subi %parallel_loop3A_886, %parallel_loop3A_906 : i32
        %parallel_loop3A_908 = arith.select %parallel_loop3A_905, %parallel_loop3A_907, %parallel_loop3A_886 : i32
        %parallel_loop3A_909 = arith.constant 8 : i32
        %parallel_loop3A_910 = arith.constant 0 : i32
        %parallel_loop3A_911 = arith.cmpi eq, %parallel_loop3A_909, %parallel_loop3A_910 : i32
        %parallel_loop3A_912 = arith.constant 1 : i32
        %parallel_loop3A_913 = arith.select %parallel_loop3A_911, %parallel_loop3A_912, %parallel_loop3A_909 : i32
        %parallel_loop3A_914 = arith.remsi %parallel_loop3A_877, %parallel_loop3A_913 : i32
        %parallel_loop3A_915 = arith.constant 0 : i32
        %parallel_loop3A_916 = arith.cmpi ne, %parallel_loop3A_914, %parallel_loop3A_915 : i32
        %parallel_loop3A_917 = arith.constant 0 : i32
        %parallel_loop3A_918 = arith.cmpi slt, %parallel_loop3A_914, %parallel_loop3A_917 : i32
        %parallel_loop3A_919 = arith.constant 0 : i32
        %parallel_loop3A_920 = arith.cmpi slt, %parallel_loop3A_913, %parallel_loop3A_919 : i32
        %parallel_loop3A_921 = arith.xori %parallel_loop3A_918, %parallel_loop3A_920 : i1
        %parallel_loop3A_922 = arith.andi %parallel_loop3A_921, %parallel_loop3A_916 : i1
        %parallel_loop3A_923 = arith.addi %parallel_loop3A_914, %parallel_loop3A_913 : i32
        %parallel_loop3A_924 = arith.select %parallel_loop3A_922, %parallel_loop3A_923, %parallel_loop3A_914 : i32
        %parallel_loop3A_925 = arith.constant 16 : i32
        %parallel_loop3A_926 = arith.muli %parallel_loop3A_924, %parallel_loop3A_925 : i32
        %parallel_loop3A_927 = arith.constant 0 : i32
        %parallel_loop3A_928 = arith.constant 3 : i32
        %parallel_loop3A_929 = arith.index_cast %parallel_loop3A_927 : i32 to index
        %parallel_loop3A_930 = arith.index_cast %parallel_loop3A_928 : i32 to index
        %parallel_loop3A_931 = arith.index_cast %parallel_loop3A_908 : i32 to index
        %parallel_loop3A_932 = arith.index_cast %parallel_loop3A_926 : i32 to index
        %parallel_loop3A_933 = tpu.vector_load %arg7[%parallel_loop3A_929, %parallel_loop3A_930, %parallel_loop3A_931, %parallel_loop3A_932] {strides = array<i32>} : memref<2x4x8x128xf32, #tpu.memory_space<vmem>>, vector<16xf32>,
        tpu.vector_store %arg7[%parallel_loop3A_929, %parallel_loop3A_930, %parallel_loop3A_931, %parallel_loop3A_932], %parallel_loop3A_884 {strides = array<i32>} : memref<2x4x8x128xf32, #tpu.memory_space<vmem>>, vector<16xf32>,
      } {sc.loop_unroll_factor = 16 : i64, sc.parallel_access}
      %dma_start3A_265 = arith.constant 0 : i32
      %dma_start3A_266 = arith.constant 0 : i32
      %dma_start3A_267 = arith.constant 0 : i32
      %dma_start3A_268 = arith.constant 0 : i32
      %dma_start3A_269 = tpu.memref_slice %arg7[%dma_start3A_265, %dma_start3A_266, %dma_start3A_267, %dma_start3A_268] : memref<2x4x8x128xf32, #tpu.memory_space<vmem>> -> memref<1x1x8x128xf32, #tpu.memory_space<vmem>>
      %dma_start3A_270 = tpu.memref_squeeze %dma_start3A_269 : memref<1x1x8x128xf32, #tpu.memory_space<vmem>> -> memref<8x128xf32, #tpu.memory_space<vmem>>
      %dma_start3A_271 = arith.constant 0 : i32
      %dma_start3A_272 = arith.constant 0 : i32
      %dma_start3A_273 = tpu.memref_slice %arg4[%select_n3A_51, %dma_start3A_271, %rem3A_53, %dma_start3A_272] : memref<104x128x8x128xf32, #tpu.memory_space<hbm>> -> memref<1x8x1x128xf32, #tpu.memory_space<hbm>>
      %dma_start3A_274 = tpu.memref_squeeze %dma_start3A_273 : memref<1x8x1x128xf32, #tpu.memory_space<hbm>> -> memref<8x128xf32, #tpu.memory_space<hbm>>
      %dma_start3A_275 = arith.constant 0 : i32
      %dma_start3A_276 = arith.constant 0 : i32
      %dma_start3A_277 = tpu.memref_slice %arg4[%select_n3A_51, %dma_start3A_275, %rem3A_53, %dma_start3A_276] : memref<104x128x8x128xf32, #tpu.memory_space<hbm>> -> memref<1x8x1x128xf32, #tpu.memory_space<hbm>>
      %dma_start3A_278 = tpu.memref_squeeze %dma_start3A_277 : memref<1x8x1x128xf32, #tpu.memory_space<hbm>> -> memref<8x128xf32, #tpu.memory_space<hbm>>
      %dma_start3A_279 = arith.constant 0 : i32
      %dma_start3A_280 = arith.constant 0 : i32
      %dma_start3A_281 = tpu.memref_slice %arg7[%dma_start3A_265, %dma_start3A_266, %dma_start3A_279, %dma_start3A_280] : memref<2x4x8x128xf32, #tpu.memory_space<vmem>> -> memref<1x1x8x128xf32, #tpu.memory_space<vmem>>
      %dma_start3A_282 = tpu.memref_squeeze %dma_start3A_281 : memref<1x1x8x128xf32, #tpu.memory_space<vmem>> -> memref<8x128xf32, #tpu.memory_space<vmem>>
      tpu.enqueue_dma source(%dma_start3A_282 : memref<8x128xf32, #tpu.memory_space<vmem>>) target(%dma_start3A_278 : memref<8x128xf32, #tpu.memory_space<hbm>>) target_semaphore(%arg8 : memref<!tpu.dma_semaphore, #tpu.memory_space<semaphore_mem>>)
      %dma_start3A_283 = arith.constant 0 : i32
      %dma_start3A_284 = arith.constant 1 : i32
      %dma_start3A_285 = arith.constant 0 : i32
      %dma_start3A_286 = arith.constant 0 : i32
      %dma_start3A_287 = tpu.memref_slice %arg7[%dma_start3A_283, %dma_start3A_284, %dma_start3A_285, %dma_start3A_286] : memref<2x4x8x128xf32, #tpu.memory_space<vmem>> -> memref<1x1x8x128xf32, #tpu.memory_space<vmem>>
      %dma_start3A_288 = tpu.memref_squeeze %dma_start3A_287 : memref<1x1x8x128xf32, #tpu.memory_space<vmem>> -> memref<8x128xf32, #tpu.memory_space<vmem>>
      %dma_start3A_289 = arith.constant 8 : i32
      %dma_start3A_290 = arith.constant 0 : i32
      %dma_start3A_291 = tpu.memref_slice %arg4[%select_n3A_51, %dma_start3A_289, %rem3A_53, %dma_start3A_290] : memref<104x128x8x128xf32, #tpu.memory_space<hbm>> -> memref<1x8x1x128xf32, #tpu.memory_space<hbm>>
      %dma_start3A_292 = tpu.memref_squeeze %dma_start3A_291 : memref<1x8x1x128xf32, #tpu.memory_space<hbm>> -> memref<8x128xf32, #tpu.memory_space<hbm>>
      %dma_start3A_293 = arith.constant 8 : i32
      %dma_start3A_294 = arith.constant 0 : i32
      %dma_start3A_295 = tpu.memref_slice %arg4[%select_n3A_51, %dma_start3A_293, %rem3A_53, %dma_start3A_294] : memref<104x128x8x128xf32, #tpu.memory_space<hbm>> -> memref<1x8x1x128xf32, #tpu.memory_space<hbm>>
      %dma_start3A_296 = tpu.memref_squeeze %dma_start3A_295 : memref<1x8x1x128xf32, #tpu.memory_space<hbm>> -> memref<8x128xf32, #tpu.memory_space<hbm>>
      %dma_start3A_297 = arith.constant 0 : i32
      %dma_start3A_298 = arith.constant 0 : i32
      %dma_start3A_299 = tpu.memref_slice %arg7[%dma_start3A_283, %dma_start3A_284, %dma_start3A_297, %dma_start3A_298] : memref<2x4x8x128xf32, #tpu.memory_space<vmem>> -> memref<1x1x8x128xf32, #tpu.memory_space<vmem>>
      %dma_start3A_300 = tpu.memref_squeeze %dma_start3A_299 : memref<1x1x8x128xf32, #tpu.memory_space<vmem>> -> memref<8x128xf32, #tpu.memory_space<vmem>>
      tpu.enqueue_dma source(%dma_start3A_300 : memref<8x128xf32, #tpu.memory_space<vmem>>) target(%dma_start3A_296 : memref<8x128xf32, #tpu.memory_space<hbm>>) target_semaphore(%arg8 : memref<!tpu.dma_semaphore, #tpu.memory_space<semaphore_mem>>)
      %dma_start3A_301 = arith.constant 0 : i32
      %dma_start3A_302 = arith.constant 2 : i32
      %dma_start3A_303 = arith.constant 0 : i32
      %dma_start3A_304 = arith.constant 0 : i32
      %dma_start3A_305 = tpu.memref_slice %arg7[%dma_start3A_301, %dma_start3A_302, %dma_start3A_303, %dma_start3A_304] : memref<2x4x8x128xf32, #tpu.memory_space<vmem>> -> memref<1x1x8x128xf32, #tpu.memory_space<vmem>>
      %dma_start3A_306 = tpu.memref_squeeze %dma_start3A_305 : memref<1x1x8x128xf32, #tpu.memory_space<vmem>> -> memref<8x128xf32, #tpu.memory_space<vmem>>
      %dma_start3A_307 = arith.constant 16 : i32
      %dma_start3A_308 = arith.constant 0 : i32
      %dma_start3A_309 = tpu.memref_slice %arg4[%select_n3A_51, %dma_start3A_307, %rem3A_53, %dma_start3A_308] : memref<104x128x8x128xf32, #tpu.memory_space<hbm>> -> memref<1x8x1x128xf32, #tpu.memory_space<hbm>>
      %dma_start3A_310 = tpu.memref_squeeze %dma_start3A_309 : memref<1x8x1x128xf32, #tpu.memory_space<hbm>> -> memref<8x128xf32, #tpu.memory_space<hbm>>
      %dma_start3A_311 = arith.constant 16 : i32
      %dma_start3A_312 = arith.constant 0 : i32
      %dma_start3A_313 = tpu.memref_slice %arg4[%select_n3A_51, %dma_start3A_311, %rem3A_53, %dma_start3A_312] : memref<104x128x8x128xf32, #tpu.memory_space<hbm>> -> memref<1x8x1x128xf32, #tpu.memory_space<hbm>>
      %dma_start3A_314 = tpu.memref_squeeze %dma_start3A_313 : memref<1x8x1x128xf32, #tpu.memory_space<hbm>> -> memref<8x128xf32, #tpu.memory_space<hbm>>
      %dma_start3A_315 = arith.constant 0 : i32
      %dma_start3A_316 = arith.constant 0 : i32
      %dma_start3A_317 = tpu.memref_slice %arg7[%dma_start3A_301, %dma_start3A_302, %dma_start3A_315, %dma_start3A_316] : memref<2x4x8x128xf32, #tpu.memory_space<vmem>> -> memref<1x1x8x128xf32, #tpu.memory_space<vmem>>
      %dma_start3A_318 = tpu.memref_squeeze %dma_start3A_317 : memref<1x1x8x128xf32, #tpu.memory_space<vmem>> -> memref<8x128xf32, #tpu.memory_space<vmem>>
      tpu.enqueue_dma source(%dma_start3A_318 : memref<8x128xf32, #tpu.memory_space<vmem>>) target(%dma_start3A_314 : memref<8x128xf32, #tpu.memory_space<hbm>>) target_semaphore(%arg8 : memref<!tpu.dma_semaphore, #tpu.memory_space<semaphore_mem>>)
      %dma_start3A_319 = arith.constant 0 : i32
      %dma_start3A_320 = arith.constant 3 : i32
      %dma_start3A_321 = arith.constant 0 : i32
      %dma_start3A_322 = arith.constant 0 : i32
      %dma_start3A_323 = tpu.memref_slice %arg7[%dma_start3A_319, %dma_start3A_320, %dma_start3A_321, %dma_start3A_322] : memref<2x4x8x128xf32, #tpu.memory_space<vmem>> -> memref<1x1x8x128xf32, #tpu.memory_space<vmem>>
      %dma_start3A_324 = tpu.memref_squeeze %dma_start3A_323 : memref<1x1x8x128xf32, #tpu.memory_space<vmem>> -> memref<8x128xf32, #tpu.memory_space<vmem>>
      %dma_start3A_325 = arith.constant 24 : i32
      %dma_start3A_326 = arith.constant 0 : i32
      %dma_start3A_327 = tpu.memref_slice %arg4[%select_n3A_51, %dma_start3A_325, %rem3A_53, %dma_start3A_326] : memref<104x128x8x128xf32, #tpu.memory_space<hbm>> -> memref<1x8x1x128xf32, #tpu.memory_space<hbm>>
      %dma_start3A_328 = tpu.memref_squeeze %dma_start3A_327 : memref<1x8x1x128xf32, #tpu.memory_space<hbm>> -> memref<8x128xf32, #tpu.memory_space<hbm>>
      %dma_start3A_329 = arith.constant 24 : i32
      %dma_start3A_330 = arith.constant 0 : i32
      %dma_start3A_331 = tpu.memref_slice %arg4[%select_n3A_51, %dma_start3A_329, %rem3A_53, %dma_start3A_330] : memref<104x128x8x128xf32, #tpu.memory_space<hbm>> -> memref<1x8x1x128xf32, #tpu.memory_space<hbm>>
      %dma_start3A_332 = tpu.memref_squeeze %dma_start3A_331 : memref<1x8x1x128xf32, #tpu.memory_space<hbm>> -> memref<8x128xf32, #tpu.memory_space<hbm>>
      %dma_start3A_333 = arith.constant 0 : i32
      %dma_start3A_334 = arith.constant 0 : i32
      %dma_start3A_335 = tpu.memref_slice %arg7[%dma_start3A_319, %dma_start3A_320, %dma_start3A_333, %dma_start3A_334] : memref<2x4x8x128xf32, #tpu.memory_space<vmem>> -> memref<1x1x8x128xf32, #tpu.memory_space<vmem>>
      %dma_start3A_336 = tpu.memref_squeeze %dma_start3A_335 : memref<1x1x8x128xf32, #tpu.memory_space<vmem>> -> memref<8x128xf32, #tpu.memory_space<vmem>>
      tpu.enqueue_dma source(%dma_start3A_336 : memref<8x128xf32, #tpu.memory_space<vmem>>) target(%dma_start3A_332 : memref<8x128xf32, #tpu.memory_space<hbm>>) target_semaphore(%arg8 : memref<!tpu.dma_semaphore, #tpu.memory_space<semaphore_mem>>)
      %parallel_loop3A_337 = arith.constant 0 : i32
      %parallel_loop3A_338 = arith.constant 64 : i32
      %parallel_loop3A_339 = arith.constant 1 : i32
      scf.for %parallel_loop3A_877 = %parallel_loop3A_337 to %parallel_loop3A_338 step %parallel_loop3A_339  : i32 {
        %parallel_loop3A_878 = arith.constant 16 : i32
        %parallel_loop3A_879 = arith.muli %parallel_loop3A_877, %parallel_loop3A_878 : i32
        %parallel_loop3A_880 = arith.constant 4096 : i32
        %parallel_loop3A_881 = arith.addi %parallel_loop3A_880, %parallel_loop3A_879 : i32
        %parallel_loop3A_882 = arith.index_cast %parallel_loop3A_881 : i32 to index
        %parallel_loop3A_883 = tpu.vector_load %arg6[%parallel_loop3A_882] {strides = array<i32>} : memref<16384xi32, #tpu.memory_space<vmem>>, vector<16xi32>,
        %parallel_loop3A_884 = tpu.vector_load_idx %arg5[%parallel_loop3A_883] : memref<100000xf32, #tpu.memory_space<vmem>>[vector<16xi32>], vector<16xf32>,
        %parallel_loop3A_885 = arith.constant 8 : i32
        %parallel_loop3A_886 = arith.divsi %parallel_loop3A_877, %parallel_loop3A_885 : i32
        %parallel_loop3A_887 = arith.constant 0 : i32
        %parallel_loop3A_888 = arith.cmpi sgt, %parallel_loop3A_877, %parallel_loop3A_887 : i32
        %parallel_loop3A_889 = arith.extui %parallel_loop3A_888 : i1 to i32
        %parallel_loop3A_890 = arith.constant 0 : i32
        %parallel_loop3A_891 = arith.cmpi slt, %parallel_loop3A_877, %parallel_loop3A_890 : i32
        %parallel_loop3A_892 = arith.extui %parallel_loop3A_891 : i1 to i32
        %parallel_loop3A_893 = arith.subi %parallel_loop3A_889, %parallel_loop3A_892 : i32
        %parallel_loop3A_894 = arith.constant 0 : i32
        %parallel_loop3A_895 = arith.cmpi sgt, %parallel_loop3A_885, %parallel_loop3A_894 : i32
        %parallel_loop3A_896 = arith.extui %parallel_loop3A_895 : i1 to i32
        %parallel_loop3A_897 = arith.constant 0 : i32
        %parallel_loop3A_898 = arith.cmpi slt, %parallel_loop3A_885, %parallel_loop3A_897 : i32
        %parallel_loop3A_899 = arith.extui %parallel_loop3A_898 : i1 to i32
        %parallel_loop3A_900 = arith.subi %parallel_loop3A_896, %parallel_loop3A_899 : i32
        %parallel_loop3A_901 = arith.cmpi ne, %parallel_loop3A_893, %parallel_loop3A_900 : i32
        %parallel_loop3A_902 = arith.remsi %parallel_loop3A_877, %parallel_loop3A_885 : i32
        %parallel_loop3A_903 = arith.constant 0 : i32
        %parallel_loop3A_904 = arith.cmpi ne, %parallel_loop3A_902, %parallel_loop3A_903 : i32
        %parallel_loop3A_905 = arith.andi %parallel_loop3A_901, %parallel_loop3A_904 : i1
        %parallel_loop3A_906 = arith.constant 1 : i32
        %parallel_loop3A_907 = arith.subi %parallel_loop3A_886, %parallel_loop3A_906 : i32
        %parallel_loop3A_908 = arith.select %parallel_loop3A_905, %parallel_loop3A_907, %parallel_loop3A_886 : i32
        %parallel_loop3A_909 = arith.constant 8 : i32
        %parallel_loop3A_910 = arith.constant 0 : i32
        %parallel_loop3A_911 = arith.cmpi eq, %parallel_loop3A_909, %parallel_loop3A_910 : i32
        %parallel_loop3A_912 = arith.constant 1 : i32
        %parallel_loop3A_913 = arith.select %parallel_loop3A_911, %parallel_loop3A_912, %parallel_loop3A_909 : i32
        %parallel_loop3A_914 = arith.remsi %parallel_loop3A_877, %parallel_loop3A_913 : i32
        %parallel_loop3A_915 = arith.constant 0 : i32
        %parallel_loop3A_916 = arith.cmpi ne, %parallel_loop3A_914, %parallel_loop3A_915 : i32
        %parallel_loop3A_917 = arith.constant 0 : i32
        %parallel_loop3A_918 = arith.cmpi slt, %parallel_loop3A_914, %parallel_loop3A_917 : i32
        %parallel_loop3A_919 = arith.constant 0 : i32
        %parallel_loop3A_920 = arith.cmpi slt, %parallel_loop3A_913, %parallel_loop3A_919 : i32
        %parallel_loop3A_921 = arith.xori %parallel_loop3A_918, %parallel_loop3A_920 : i1
        %parallel_loop3A_922 = arith.andi %parallel_loop3A_921, %parallel_loop3A_916 : i1
        %parallel_loop3A_923 = arith.addi %parallel_loop3A_914, %parallel_loop3A_913 : i32
        %parallel_loop3A_924 = arith.select %parallel_loop3A_922, %parallel_loop3A_923, %parallel_loop3A_914 : i32
        %parallel_loop3A_925 = arith.constant 16 : i32
        %parallel_loop3A_926 = arith.muli %parallel_loop3A_924, %parallel_loop3A_925 : i32
        %parallel_loop3A_927 = arith.constant 1 : i32
        %parallel_loop3A_928 = arith.constant 0 : i32
        %parallel_loop3A_929 = arith.index_cast %parallel_loop3A_927 : i32 to index
        %parallel_loop3A_930 = arith.index_cast %parallel_loop3A_928 : i32 to index
        %parallel_loop3A_931 = arith.index_cast %parallel_loop3A_908 : i32 to index
        %parallel_loop3A_932 = arith.index_cast %parallel_loop3A_926 : i32 to index
        %parallel_loop3A_933 = tpu.vector_load %arg7[%parallel_loop3A_929, %parallel_loop3A_930, %parallel_loop3A_931, %parallel_loop3A_932] {strides = array<i32>} : memref<2x4x8x128xf32, #tpu.memory_space<vmem>>, vector<16xf32>,
        tpu.vector_store %arg7[%parallel_loop3A_929, %parallel_loop3A_930, %parallel_loop3A_931, %parallel_loop3A_932], %parallel_loop3A_884 {strides = array<i32>} : memref<2x4x8x128xf32, #tpu.memory_space<vmem>>, vector<16xf32>,
      } {sc.loop_unroll_factor = 16 : i64, sc.parallel_access}
      %parallel_loop3A_340 = arith.constant 0 : i32
      %parallel_loop3A_341 = arith.constant 64 : i32
      %parallel_loop3A_342 = arith.constant 1 : i32
      scf.for %parallel_loop3A_877 = %parallel_loop3A_340 to %parallel_loop3A_341 step %parallel_loop3A_342  : i32 {
        %parallel_loop3A_878 = arith.constant 16 : i32
        %parallel_loop3A_879 = arith.muli %parallel_loop3A_877, %parallel_loop3A_878 : i32
        %parallel_loop3A_880 = arith.constant 5120 : i32
        %parallel_loop3A_881 = arith.addi %parallel_loop3A_880, %parallel_loop3A_879 : i32
        %parallel_loop3A_882 = arith.index_cast %parallel_loop3A_881 : i32 to index
        %parallel_loop3A_883 = tpu.vector_load %arg6[%parallel_loop3A_882] {strides = array<i32>} : memref<16384xi32, #tpu.memory_space<vmem>>, vector<16xi32>,
        %parallel_loop3A_884 = tpu.vector_load_idx %arg5[%parallel_loop3A_883] : memref<100000xf32, #tpu.memory_space<vmem>>[vector<16xi32>], vector<16xf32>,
        %parallel_loop3A_885 = arith.constant 8 : i32
        %parallel_loop3A_886 = arith.divsi %parallel_loop3A_877, %parallel_loop3A_885 : i32
        %parallel_loop3A_887 = arith.constant 0 : i32
        %parallel_loop3A_888 = arith.cmpi sgt, %parallel_loop3A_877, %parallel_loop3A_887 : i32
        %parallel_loop3A_889 = arith.extui %parallel_loop3A_888 : i1 to i32
        %parallel_loop3A_890 = arith.constant 0 : i32
        %parallel_loop3A_891 = arith.cmpi slt, %parallel_loop3A_877, %parallel_loop3A_890 : i32
        %parallel_loop3A_892 = arith.extui %parallel_loop3A_891 : i1 to i32
        %parallel_loop3A_893 = arith.subi %parallel_loop3A_889, %parallel_loop3A_892 : i32
        %parallel_loop3A_894 = arith.constant 0 : i32
        %parallel_loop3A_895 = arith.cmpi sgt, %parallel_loop3A_885, %parallel_loop3A_894 : i32
        %parallel_loop3A_896 = arith.extui %parallel_loop3A_895 : i1 to i32
        %parallel_loop3A_897 = arith.constant 0 : i32
        %parallel_loop3A_898 = arith.cmpi slt, %parallel_loop3A_885, %parallel_loop3A_897 : i32
        %parallel_loop3A_899 = arith.extui %parallel_loop3A_898 : i1 to i32
        %parallel_loop3A_900 = arith.subi %parallel_loop3A_896, %parallel_loop3A_899 : i32
        %parallel_loop3A_901 = arith.cmpi ne, %parallel_loop3A_893, %parallel_loop3A_900 : i32
        %parallel_loop3A_902 = arith.remsi %parallel_loop3A_877, %parallel_loop3A_885 : i32
        %parallel_loop3A_903 = arith.constant 0 : i32
        %parallel_loop3A_904 = arith.cmpi ne, %parallel_loop3A_902, %parallel_loop3A_903 : i32
        %parallel_loop3A_905 = arith.andi %parallel_loop3A_901, %parallel_loop3A_904 : i1
        %parallel_loop3A_906 = arith.constant 1 : i32
        %parallel_loop3A_907 = arith.subi %parallel_loop3A_886, %parallel_loop3A_906 : i32
        %parallel_loop3A_908 = arith.select %parallel_loop3A_905, %parallel_loop3A_907, %parallel_loop3A_886 : i32
        %parallel_loop3A_909 = arith.constant 8 : i32
        %parallel_loop3A_910 = arith.constant 0 : i32
        %parallel_loop3A_911 = arith.cmpi eq, %parallel_loop3A_909, %parallel_loop3A_910 : i32
        %parallel_loop3A_912 = arith.constant 1 : i32
        %parallel_loop3A_913 = arith.select %parallel_loop3A_911, %parallel_loop3A_912, %parallel_loop3A_909 : i32
        %parallel_loop3A_914 = arith.remsi %parallel_loop3A_877, %parallel_loop3A_913 : i32
        %parallel_loop3A_915 = arith.constant 0 : i32
        %parallel_loop3A_916 = arith.cmpi ne, %parallel_loop3A_914, %parallel_loop3A_915 : i32
        %parallel_loop3A_917 = arith.constant 0 : i32
        %parallel_loop3A_918 = arith.cmpi slt, %parallel_loop3A_914, %parallel_loop3A_917 : i32
        %parallel_loop3A_919 = arith.constant 0 : i32
        %parallel_loop3A_920 = arith.cmpi slt, %parallel_loop3A_913, %parallel_loop3A_919 : i32
        %parallel_loop3A_921 = arith.xori %parallel_loop3A_918, %parallel_loop3A_920 : i1
        %parallel_loop3A_922 = arith.andi %parallel_loop3A_921, %parallel_loop3A_916 : i1
        %parallel_loop3A_923 = arith.addi %parallel_loop3A_914, %parallel_loop3A_913 : i32
        %parallel_loop3A_924 = arith.select %parallel_loop3A_922, %parallel_loop3A_923, %parallel_loop3A_914 : i32
        %parallel_loop3A_925 = arith.constant 16 : i32
        %parallel_loop3A_926 = arith.muli %parallel_loop3A_924, %parallel_loop3A_925 : i32
        %parallel_loop3A_927 = arith.constant 1 : i32
        %parallel_loop3A_928 = arith.constant 1 : i32
        %parallel_loop3A_929 = arith.index_cast %parallel_loop3A_927 : i32 to index
        %parallel_loop3A_930 = arith.index_cast %parallel_loop3A_928 : i32 to index
        %parallel_loop3A_931 = arith.index_cast %parallel_loop3A_908 : i32 to index
        %parallel_loop3A_932 = arith.index_cast %parallel_loop3A_926 : i32 to index
        %parallel_loop3A_933 = tpu.vector_load %arg7[%parallel_loop3A_929, %parallel_loop3A_930, %parallel_loop3A_931, %parallel_loop3A_932] {strides = array<i32>} : memref<2x4x8x128xf32, #tpu.memory_space<vmem>>, vector<16xf32>,
        tpu.vector_store %arg7[%parallel_loop3A_929, %parallel_loop3A_930, %parallel_loop3A_931, %parallel_loop3A_932], %parallel_loop3A_884 {strides = array<i32>} : memref<2x4x8x128xf32, #tpu.memory_space<vmem>>, vector<16xf32>,
      } {sc.loop_unroll_factor = 16 : i64, sc.parallel_access}
      %parallel_loop3A_343 = arith.constant 0 : i32
      %parallel_loop3A_344 = arith.constant 64 : i32
      %parallel_loop3A_345 = arith.constant 1 : i32
      scf.for %parallel_loop3A_877 = %parallel_loop3A_343 to %parallel_loop3A_344 step %parallel_loop3A_345  : i32 {
        %parallel_loop3A_878 = arith.constant 16 : i32
        %parallel_loop3A_879 = arith.muli %parallel_loop3A_877, %parallel_loop3A_878 : i32
        %parallel_loop3A_880 = arith.constant 6144 : i32
        %parallel_loop3A_881 = arith.addi %parallel_loop3A_880, %parallel_loop3A_879 : i32
        %parallel_loop3A_882 = arith.index_cast %parallel_loop3A_881 : i32 to index
        %parallel_loop3A_883 = tpu.vector_load %arg6[%parallel_loop3A_882] {strides = array<i32>} : memref<16384xi32, #tpu.memory_space<vmem>>, vector<16xi32>,
        %parallel_loop3A_884 = tpu.vector_load_idx %arg5[%parallel_loop3A_883] : memref<100000xf32, #tpu.memory_space<vmem>>[vector<16xi32>], vector<16xf32>,
        %parallel_loop3A_885 = arith.constant 8 : i32
        %parallel_loop3A_886 = arith.divsi %parallel_loop3A_877, %parallel_loop3A_885 : i32
        %parallel_loop3A_887 = arith.constant 0 : i32
        %parallel_loop3A_888 = arith.cmpi sgt, %parallel_loop3A_877, %parallel_loop3A_887 : i32
        %parallel_loop3A_889 = arith.extui %parallel_loop3A_888 : i1 to i32
        %parallel_loop3A_890 = arith.constant 0 : i32
        %parallel_loop3A_891 = arith.cmpi slt, %parallel_loop3A_877, %parallel_loop3A_890 : i32
        %parallel_loop3A_892 = arith.extui %parallel_loop3A_891 : i1 to i32
        %parallel_loop3A_893 = arith.subi %parallel_loop3A_889, %parallel_loop3A_892 : i32
        %parallel_loop3A_894 = arith.constant 0 : i32
        %parallel_loop3A_895 = arith.cmpi sgt, %parallel_loop3A_885, %parallel_loop3A_894 : i32
        %parallel_loop3A_896 = arith.extui %parallel_loop3A_895 : i1 to i32
        %parallel_loop3A_897 = arith.constant 0 : i32
        %parallel_loop3A_898 = arith.cmpi slt, %parallel_loop3A_885, %parallel_loop3A_897 : i32
        %parallel_loop3A_899 = arith.extui %parallel_loop3A_898 : i1 to i32
        %parallel_loop3A_900 = arith.subi %parallel_loop3A_896, %parallel_loop3A_899 : i32
        %parallel_loop3A_901 = arith.cmpi ne, %parallel_loop3A_893, %parallel_loop3A_900 : i32
        %parallel_loop3A_902 = arith.remsi %parallel_loop3A_877, %parallel_loop3A_885 : i32
        %parallel_loop3A_903 = arith.constant 0 : i32
        %parallel_loop3A_904 = arith.cmpi ne, %parallel_loop3A_902, %parallel_loop3A_903 : i32
        %parallel_loop3A_905 = arith.andi %parallel_loop3A_901, %parallel_loop3A_904 : i1
        %parallel_loop3A_906 = arith.constant 1 : i32
        %parallel_loop3A_907 = arith.subi %parallel_loop3A_886, %parallel_loop3A_906 : i32
        %parallel_loop3A_908 = arith.select %parallel_loop3A_905, %parallel_loop3A_907, %parallel_loop3A_886 : i32
        %parallel_loop3A_909 = arith.constant 8 : i32
        %parallel_loop3A_910 = arith.constant 0 : i32
        %parallel_loop3A_911 = arith.cmpi eq, %parallel_loop3A_909, %parallel_loop3A_910 : i32
        %parallel_loop3A_912 = arith.constant 1 : i32
        %parallel_loop3A_913 = arith.select %parallel_loop3A_911, %parallel_loop3A_912, %parallel_loop3A_909 : i32
        %parallel_loop3A_914 = arith.remsi %parallel_loop3A_877, %parallel_loop3A_913 : i32
        %parallel_loop3A_915 = arith.constant 0 : i32
        %parallel_loop3A_916 = arith.cmpi ne, %parallel_loop3A_914, %parallel_loop3A_915 : i32
        %parallel_loop3A_917 = arith.constant 0 : i32
        %parallel_loop3A_918 = arith.cmpi slt, %parallel_loop3A_914, %parallel_loop3A_917 : i32
        %parallel_loop3A_919 = arith.constant 0 : i32
        %parallel_loop3A_920 = arith.cmpi slt, %parallel_loop3A_913, %parallel_loop3A_919 : i32
        %parallel_loop3A_921 = arith.xori %parallel_loop3A_918, %parallel_loop3A_920 : i1
        %parallel_loop3A_922 = arith.andi %parallel_loop3A_921, %parallel_loop3A_916 : i1
        %parallel_loop3A_923 = arith.addi %parallel_loop3A_914, %parallel_loop3A_913 : i32
        %parallel_loop3A_924 = arith.select %parallel_loop3A_922, %parallel_loop3A_923, %parallel_loop3A_914 : i32
        %parallel_loop3A_925 = arith.constant 16 : i32
        %parallel_loop3A_926 = arith.muli %parallel_loop3A_924, %parallel_loop3A_925 : i32
        %parallel_loop3A_927 = arith.constant 1 : i32
        %parallel_loop3A_928 = arith.constant 2 : i32
        %parallel_loop3A_929 = arith.index_cast %parallel_loop3A_927 : i32 to index
        %parallel_loop3A_930 = arith.index_cast %parallel_loop3A_928 : i32 to index
        %parallel_loop3A_931 = arith.index_cast %parallel_loop3A_908 : i32 to index
        %parallel_loop3A_932 = arith.index_cast %parallel_loop3A_926 : i32 to index
        %parallel_loop3A_933 = tpu.vector_load %arg7[%parallel_loop3A_929, %parallel_loop3A_930, %parallel_loop3A_931, %parallel_loop3A_932] {strides = array<i32>} : memref<2x4x8x128xf32, #tpu.memory_space<vmem>>, vector<16xf32>,
        tpu.vector_store %arg7[%parallel_loop3A_929, %parallel_loop3A_930, %parallel_loop3A_931, %parallel_loop3A_932], %parallel_loop3A_884 {strides = array<i32>} : memref<2x4x8x128xf32, #tpu.memory_space<vmem>>, vector<16xf32>,
      } {sc.loop_unroll_factor = 16 : i64, sc.parallel_access}
      %parallel_loop3A_346 = arith.constant 0 : i32
      %parallel_loop3A_347 = arith.constant 64 : i32
      %parallel_loop3A_348 = arith.constant 1 : i32
      scf.for %parallel_loop3A_877 = %parallel_loop3A_346 to %parallel_loop3A_347 step %parallel_loop3A_348  : i32 {
        %parallel_loop3A_878 = arith.constant 16 : i32
        %parallel_loop3A_879 = arith.muli %parallel_loop3A_877, %parallel_loop3A_878 : i32
        %parallel_loop3A_880 = arith.constant 7168 : i32
        %parallel_loop3A_881 = arith.addi %parallel_loop3A_880, %parallel_loop3A_879 : i32
        %parallel_loop3A_882 = arith.index_cast %parallel_loop3A_881 : i32 to index
        %parallel_loop3A_883 = tpu.vector_load %arg6[%parallel_loop3A_882] {strides = array<i32>} : memref<16384xi32, #tpu.memory_space<vmem>>, vector<16xi32>,
        %parallel_loop3A_884 = tpu.vector_load_idx %arg5[%parallel_loop3A_883] : memref<100000xf32, #tpu.memory_space<vmem>>[vector<16xi32>], vector<16xf32>,
        %parallel_loop3A_885 = arith.constant 8 : i32
        %parallel_loop3A_886 = arith.divsi %parallel_loop3A_877, %parallel_loop3A_885 : i32
        %parallel_loop3A_887 = arith.constant 0 : i32
        %parallel_loop3A_888 = arith.cmpi sgt, %parallel_loop3A_877, %parallel_loop3A_887 : i32
        %parallel_loop3A_889 = arith.extui %parallel_loop3A_888 : i1 to i32
        %parallel_loop3A_890 = arith.constant 0 : i32
        %parallel_loop3A_891 = arith.cmpi slt, %parallel_loop3A_877, %parallel_loop3A_890 : i32
        %parallel_loop3A_892 = arith.extui %parallel_loop3A_891 : i1 to i32
        %parallel_loop3A_893 = arith.subi %parallel_loop3A_889, %parallel_loop3A_892 : i32
        %parallel_loop3A_894 = arith.constant 0 : i32
        %parallel_loop3A_895 = arith.cmpi sgt, %parallel_loop3A_885, %parallel_loop3A_894 : i32
        %parallel_loop3A_896 = arith.extui %parallel_loop3A_895 : i1 to i32
        %parallel_loop3A_897 = arith.constant 0 : i32
        %parallel_loop3A_898 = arith.cmpi slt, %parallel_loop3A_885, %parallel_loop3A_897 : i32
        %parallel_loop3A_899 = arith.extui %parallel_loop3A_898 : i1 to i32
        %parallel_loop3A_900 = arith.subi %parallel_loop3A_896, %parallel_loop3A_899 : i32
        %parallel_loop3A_901 = arith.cmpi ne, %parallel_loop3A_893, %parallel_loop3A_900 : i32
        %parallel_loop3A_902 = arith.remsi %parallel_loop3A_877, %parallel_loop3A_885 : i32
        %parallel_loop3A_903 = arith.constant 0 : i32
        %parallel_loop3A_904 = arith.cmpi ne, %parallel_loop3A_902, %parallel_loop3A_903 : i32
        %parallel_loop3A_905 = arith.andi %parallel_loop3A_901, %parallel_loop3A_904 : i1
        %parallel_loop3A_906 = arith.constant 1 : i32
        %parallel_loop3A_907 = arith.subi %parallel_loop3A_886, %parallel_loop3A_906 : i32
        %parallel_loop3A_908 = arith.select %parallel_loop3A_905, %parallel_loop3A_907, %parallel_loop3A_886 : i32
        %parallel_loop3A_909 = arith.constant 8 : i32
        %parallel_loop3A_910 = arith.constant 0 : i32
        %parallel_loop3A_911 = arith.cmpi eq, %parallel_loop3A_909, %parallel_loop3A_910 : i32
        %parallel_loop3A_912 = arith.constant 1 : i32
        %parallel_loop3A_913 = arith.select %parallel_loop3A_911, %parallel_loop3A_912, %parallel_loop3A_909 : i32
        %parallel_loop3A_914 = arith.remsi %parallel_loop3A_877, %parallel_loop3A_913 : i32
        %parallel_loop3A_915 = arith.constant 0 : i32
        %parallel_loop3A_916 = arith.cmpi ne, %parallel_loop3A_914, %parallel_loop3A_915 : i32
        %parallel_loop3A_917 = arith.constant 0 : i32
        %parallel_loop3A_918 = arith.cmpi slt, %parallel_loop3A_914, %parallel_loop3A_917 : i32
        %parallel_loop3A_919 = arith.constant 0 : i32
        %parallel_loop3A_920 = arith.cmpi slt, %parallel_loop3A_913, %parallel_loop3A_919 : i32
        %parallel_loop3A_921 = arith.xori %parallel_loop3A_918, %parallel_loop3A_920 : i1
        %parallel_loop3A_922 = arith.andi %parallel_loop3A_921, %parallel_loop3A_916 : i1
        %parallel_loop3A_923 = arith.addi %parallel_loop3A_914, %parallel_loop3A_913 : i32
        %parallel_loop3A_924 = arith.select %parallel_loop3A_922, %parallel_loop3A_923, %parallel_loop3A_914 : i32
        %parallel_loop3A_925 = arith.constant 16 : i32
        %parallel_loop3A_926 = arith.muli %parallel_loop3A_924, %parallel_loop3A_925 : i32
        %parallel_loop3A_927 = arith.constant 1 : i32
        %parallel_loop3A_928 = arith.constant 3 : i32
        %parallel_loop3A_929 = arith.index_cast %parallel_loop3A_927 : i32 to index
        %parallel_loop3A_930 = arith.index_cast %parallel_loop3A_928 : i32 to index
        %parallel_loop3A_931 = arith.index_cast %parallel_loop3A_908 : i32 to index
        %parallel_loop3A_932 = arith.index_cast %parallel_loop3A_926 : i32 to index
        %parallel_loop3A_933 = tpu.vector_load %arg7[%parallel_loop3A_929, %parallel_loop3A_930, %parallel_loop3A_931, %parallel_loop3A_932] {strides = array<i32>} : memref<2x4x8x128xf32, #tpu.memory_space<vmem>>, vector<16xf32>,
        tpu.vector_store %arg7[%parallel_loop3A_929, %parallel_loop3A_930, %parallel_loop3A_931, %parallel_loop3A_932], %parallel_loop3A_884 {strides = array<i32>} : memref<2x4x8x128xf32, #tpu.memory_space<vmem>>, vector<16xf32>,
      } {sc.loop_unroll_factor = 16 : i64, sc.parallel_access}
      %dma_start3A_349 = arith.constant 1 : i32
      %dma_start3A_350 = arith.constant 0 : i32
      %dma_start3A_351 = arith.constant 0 : i32
      %dma_start3A_352 = arith.constant 0 : i32
      %dma_start3A_353 = tpu.memref_slice %arg7[%dma_start3A_349, %dma_start3A_350, %dma_start3A_351, %dma_start3A_352] : memref<2x4x8x128xf32, #tpu.memory_space<vmem>> -> memref<1x1x8x128xf32, #tpu.memory_space<vmem>>
      %dma_start3A_354 = tpu.memref_squeeze %dma_start3A_353 : memref<1x1x8x128xf32, #tpu.memory_space<vmem>> -> memref<8x128xf32, #tpu.memory_space<vmem>>
      %dma_start3A_355 = arith.constant 32 : i32
      %dma_start3A_356 = arith.constant 0 : i32
      %dma_start3A_357 = tpu.memref_slice %arg4[%select_n3A_51, %dma_start3A_355, %rem3A_53, %dma_start3A_356] : memref<104x128x8x128xf32, #tpu.memory_space<hbm>> -> memref<1x8x1x128xf32, #tpu.memory_space<hbm>>
      %dma_start3A_358 = tpu.memref_squeeze %dma_start3A_357 : memref<1x8x1x128xf32, #tpu.memory_space<hbm>> -> memref<8x128xf32, #tpu.memory_space<hbm>>
      %dma_start3A_359 = arith.constant 32 : i32
      %dma_start3A_360 = arith.constant 0 : i32
      %dma_start3A_361 = tpu.memref_slice %arg4[%select_n3A_51, %dma_start3A_359, %rem3A_53, %dma_start3A_360] : memref<104x128x8x128xf32, #tpu.memory_space<hbm>> -> memref<1x8x1x128xf32, #tpu.memory_space<hbm>>
      %dma_start3A_362 = tpu.memref_squeeze %dma_start3A_361 : memref<1x8x1x128xf32, #tpu.memory_space<hbm>> -> memref<8x128xf32, #tpu.memory_space<hbm>>
      %dma_start3A_363 = arith.constant 0 : i32
      %dma_start3A_364 = arith.constant 0 : i32
      %dma_start3A_365 = tpu.memref_slice %arg7[%dma_start3A_349, %dma_start3A_350, %dma_start3A_363, %dma_start3A_364] : memref<2x4x8x128xf32, #tpu.memory_space<vmem>> -> memref<1x1x8x128xf32, #tpu.memory_space<vmem>>
      %dma_start3A_366 = tpu.memref_squeeze %dma_start3A_365 : memref<1x1x8x128xf32, #tpu.memory_space<vmem>> -> memref<8x128xf32, #tpu.memory_space<vmem>>
      tpu.enqueue_dma source(%dma_start3A_366 : memref<8x128xf32, #tpu.memory_space<vmem>>) target(%dma_start3A_362 : memref<8x128xf32, #tpu.memory_space<hbm>>) target_semaphore(%arg8 : memref<!tpu.dma_semaphore, #tpu.memory_space<semaphore_mem>>)
      %dma_start3A_367 = arith.constant 1 : i32
      %dma_start3A_368 = arith.constant 1 : i32
      %dma_start3A_369 = arith.constant 0 : i32
      %dma_start3A_370 = arith.constant 0 : i32
      %dma_start3A_371 = tpu.memref_slice %arg7[%dma_start3A_367, %dma_start3A_368, %dma_start3A_369, %dma_start3A_370] : memref<2x4x8x128xf32, #tpu.memory_space<vmem>> -> memref<1x1x8x128xf32, #tpu.memory_space<vmem>>
      %dma_start3A_372 = tpu.memref_squeeze %dma_start3A_371 : memref<1x1x8x128xf32, #tpu.memory_space<vmem>> -> memref<8x128xf32, #tpu.memory_space<vmem>>
      %dma_start3A_373 = arith.constant 40 : i32
      %dma_start3A_374 = arith.constant 0 : i32
      %dma_start3A_375 = tpu.memref_slice %arg4[%select_n3A_51, %dma_start3A_373, %rem3A_53, %dma_start3A_374] : memref<104x128x8x128xf32, #tpu.memory_space<hbm>> -> memref<1x8x1x128xf32, #tpu.memory_space<hbm>>
      %dma_start3A_376 = tpu.memref_squeeze %dma_start3A_375 : memref<1x8x1x128xf32, #tpu.memory_space<hbm>> -> memref<8x128xf32, #tpu.memory_space<hbm>>
      %dma_start3A_377 = arith.constant 40 : i32
      %dma_start3A_378 = arith.constant 0 : i32
      %dma_start3A_379 = tpu.memref_slice %arg4[%select_n3A_51, %dma_start3A_377, %rem3A_53, %dma_start3A_378] : memref<104x128x8x128xf32, #tpu.memory_space<hbm>> -> memref<1x8x1x128xf32, #tpu.memory_space<hbm>>
      %dma_start3A_380 = tpu.memref_squeeze %dma_start3A_379 : memref<1x8x1x128xf32, #tpu.memory_space<hbm>> -> memref<8x128xf32, #tpu.memory_space<hbm>>
      %dma_start3A_381 = arith.constant 0 : i32
      %dma_start3A_382 = arith.constant 0 : i32
      %dma_start3A_383 = tpu.memref_slice %arg7[%dma_start3A_367, %dma_start3A_368, %dma_start3A_381, %dma_start3A_382] : memref<2x4x8x128xf32, #tpu.memory_space<vmem>> -> memref<1x1x8x128xf32, #tpu.memory_space<vmem>>
      %dma_start3A_384 = tpu.memref_squeeze %dma_start3A_383 : memref<1x1x8x128xf32, #tpu.memory_space<vmem>> -> memref<8x128xf32, #tpu.memory_space<vmem>>
      tpu.enqueue_dma source(%dma_start3A_384 : memref<8x128xf32, #tpu.memory_space<vmem>>) target(%dma_start3A_380 : memref<8x128xf32, #tpu.memory_space<hbm>>) target_semaphore(%arg8 : memref<!tpu.dma_semaphore, #tpu.memory_space<semaphore_mem>>)
      %dma_start3A_385 = arith.constant 1 : i32
      %dma_start3A_386 = arith.constant 2 : i32
      %dma_start3A_387 = arith.constant 0 : i32
      %dma_start3A_388 = arith.constant 0 : i32
      %dma_start3A_389 = tpu.memref_slice %arg7[%dma_start3A_385, %dma_start3A_386, %dma_start3A_387, %dma_start3A_388] : memref<2x4x8x128xf32, #tpu.memory_space<vmem>> -> memref<1x1x8x128xf32, #tpu.memory_space<vmem>>
      %dma_start3A_390 = tpu.memref_squeeze %dma_start3A_389 : memref<1x1x8x128xf32, #tpu.memory_space<vmem>> -> memref<8x128xf32, #tpu.memory_space<vmem>>
      %dma_start3A_391 = arith.constant 48 : i32
      %dma_start3A_392 = arith.constant 0 : i32
      %dma_start3A_393 = tpu.memref_slice %arg4[%select_n3A_51, %dma_start3A_391, %rem3A_53, %dma_start3A_392] : memref<104x128x8x128xf32, #tpu.memory_space<hbm>> -> memref<1x8x1x128xf32, #tpu.memory_space<hbm>>
      %dma_start3A_394 = tpu.memref_squeeze %dma_start3A_393 : memref<1x8x1x128xf32, #tpu.memory_space<hbm>> -> memref<8x128xf32, #tpu.memory_space<hbm>>
      %dma_start3A_395 = arith.constant 48 : i32
      %dma_start3A_396 = arith.constant 0 : i32
      %dma_start3A_397 = tpu.memref_slice %arg4[%select_n3A_51, %dma_start3A_395, %rem3A_53, %dma_start3A_396] : memref<104x128x8x128xf32, #tpu.memory_space<hbm>> -> memref<1x8x1x128xf32, #tpu.memory_space<hbm>>
      %dma_start3A_398 = tpu.memref_squeeze %dma_start3A_397 : memref<1x8x1x128xf32, #tpu.memory_space<hbm>> -> memref<8x128xf32, #tpu.memory_space<hbm>>
      %dma_start3A_399 = arith.constant 0 : i32
      %dma_start3A_400 = arith.constant 0 : i32
      %dma_start3A_401 = tpu.memref_slice %arg7[%dma_start3A_385, %dma_start3A_386, %dma_start3A_399, %dma_start3A_400] : memref<2x4x8x128xf32, #tpu.memory_space<vmem>> -> memref<1x1x8x128xf32, #tpu.memory_space<vmem>>
      %dma_start3A_402 = tpu.memref_squeeze %dma_start3A_401 : memref<1x1x8x128xf32, #tpu.memory_space<vmem>> -> memref<8x128xf32, #tpu.memory_space<vmem>>
      tpu.enqueue_dma source(%dma_start3A_402 : memref<8x128xf32, #tpu.memory_space<vmem>>) target(%dma_start3A_398 : memref<8x128xf32, #tpu.memory_space<hbm>>) target_semaphore(%arg8 : memref<!tpu.dma_semaphore, #tpu.memory_space<semaphore_mem>>)
      %dma_start3A_403 = arith.constant 1 : i32
      %dma_start3A_404 = arith.constant 3 : i32
      %dma_start3A_405 = arith.constant 0 : i32
      %dma_start3A_406 = arith.constant 0 : i32
      %dma_start3A_407 = tpu.memref_slice %arg7[%dma_start3A_403, %dma_start3A_404, %dma_start3A_405, %dma_start3A_406] : memref<2x4x8x128xf32, #tpu.memory_space<vmem>> -> memref<1x1x8x128xf32, #tpu.memory_space<vmem>>
      %dma_start3A_408 = tpu.memref_squeeze %dma_start3A_407 : memref<1x1x8x128xf32, #tpu.memory_space<vmem>> -> memref<8x128xf32, #tpu.memory_space<vmem>>
      %dma_start3A_409 = arith.constant 56 : i32
      %dma_start3A_410 = arith.constant 0 : i32
      %dma_start3A_411 = tpu.memref_slice %arg4[%select_n3A_51, %dma_start3A_409, %rem3A_53, %dma_start3A_410] : memref<104x128x8x128xf32, #tpu.memory_space<hbm>> -> memref<1x8x1x128xf32, #tpu.memory_space<hbm>>
      %dma_start3A_412 = tpu.memref_squeeze %dma_start3A_411 : memref<1x8x1x128xf32, #tpu.memory_space<hbm>> -> memref<8x128xf32, #tpu.memory_space<hbm>>
      %dma_start3A_413 = arith.constant 56 : i32
      %dma_start3A_414 = arith.constant 0 : i32
      %dma_start3A_415 = tpu.memref_slice %arg4[%select_n3A_51, %dma_start3A_413, %rem3A_53, %dma_start3A_414] : memref<104x128x8x128xf32, #tpu.memory_space<hbm>> -> memref<1x8x1x128xf32, #tpu.memory_space<hbm>>
      %dma_start3A_416 = tpu.memref_squeeze %dma_start3A_415 : memref<1x8x1x128xf32, #tpu.memory_space<hbm>> -> memref<8x128xf32, #tpu.memory_space<hbm>>
      %dma_start3A_417 = arith.constant 0 : i32
      %dma_start3A_418 = arith.constant 0 : i32
      %dma_start3A_419 = tpu.memref_slice %arg7[%dma_start3A_403, %dma_start3A_404, %dma_start3A_417, %dma_start3A_418] : memref<2x4x8x128xf32, #tpu.memory_space<vmem>> -> memref<1x1x8x128xf32, #tpu.memory_space<vmem>>
      %dma_start3A_420 = tpu.memref_squeeze %dma_start3A_419 : memref<1x1x8x128xf32, #tpu.memory_space<vmem>> -> memref<8x128xf32, #tpu.memory_space<vmem>>
      tpu.enqueue_dma source(%dma_start3A_420 : memref<8x128xf32, #tpu.memory_space<vmem>>) target(%dma_start3A_416 : memref<8x128xf32, #tpu.memory_space<hbm>>) target_semaphore(%arg8 : memref<!tpu.dma_semaphore, #tpu.memory_space<semaphore_mem>>)
      %dma_wait3A_421 = arith.constant 0 : i32
      %dma_wait3A_422 = arith.constant 0 : i32
      %dma_wait3A_423 = arith.constant 0 : i32
      %dma_wait3A_424 = arith.constant 0 : i32
      %dma_wait3A_425 = tpu.memref_slice %arg7[%dma_wait3A_421, %dma_wait3A_422, %dma_wait3A_423, %dma_wait3A_424] : memref<2x4x8x128xf32, #tpu.memory_space<vmem>> -> memref<1x1x8x128xf32, #tpu.memory_space<vmem>>
      %dma_wait3A_426 = tpu.memref_squeeze %dma_wait3A_425 : memref<1x1x8x128xf32, #tpu.memory_space<vmem>> -> memref<8x128xf32, #tpu.memory_space<vmem>>
      %dma_wait3A_427 = arith.constant 0 : i32
      %dma_wait3A_428 = arith.constant 0 : i32
      %dma_wait3A_429 = tpu.memref_slice %arg4[%select_n3A_51, %dma_wait3A_427, %rem3A_53, %dma_wait3A_428] : memref<104x128x8x128xf32, #tpu.memory_space<hbm>> -> memref<1x8x1x128xf32, #tpu.memory_space<hbm>>
      %dma_wait3A_430 = tpu.memref_squeeze %dma_wait3A_429 : memref<1x8x1x128xf32, #tpu.memory_space<hbm>> -> memref<8x128xf32, #tpu.memory_space<hbm>>
      %dma_wait3A_431 = arith.constant 0 : i32
      %dma_wait3A_432 = arith.constant 0 : i32
      %dma_wait3A_433 = tpu.memref_slice %arg4[%select_n3A_51, %dma_wait3A_431, %rem3A_53, %dma_wait3A_432] : memref<104x128x8x128xf32, #tpu.memory_space<hbm>> -> memref<1x8x1x128xf32, #tpu.memory_space<hbm>>
      %dma_wait3A_434 = tpu.memref_squeeze %dma_wait3A_433 : memref<1x8x1x128xf32, #tpu.memory_space<hbm>> -> memref<8x128xf32, #tpu.memory_space<hbm>>
      %dma_wait3A_435 = arith.constant 0 : i32
      %dma_wait3A_436 = arith.constant 0 : i32
      %dma_wait3A_437 = tpu.memref_slice %arg7[%dma_wait3A_421, %dma_wait3A_422, %dma_wait3A_435, %dma_wait3A_436] : memref<2x4x8x128xf32, #tpu.memory_space<vmem>> -> memref<1x1x8x128xf32, #tpu.memory_space<vmem>>
      %dma_wait3A_438 = tpu.memref_squeeze %dma_wait3A_437 : memref<1x1x8x128xf32, #tpu.memory_space<vmem>> -> memref<8x128xf32, #tpu.memory_space<vmem>>
      tpu.wait_dma2 semaphore(%arg8 : memref<!tpu.dma_semaphore, #tpu.memory_space<semaphore_mem>>) src(%dma_wait3A_438 : memref<8x128xf32, #tpu.memory_space<vmem>>) dst(%dma_wait3A_434 : memref<8x128xf32, #tpu.memory_space<hbm>>)
      %dma_wait3A_439 = arith.constant 0 : i32
      %dma_wait3A_440 = arith.constant 1 : i32
      %dma_wait3A_441 = arith.constant 0 : i32
      %dma_wait3A_442 = arith.constant 0 : i32
      %dma_wait3A_443 = tpu.memref_slice %arg7[%dma_wait3A_439, %dma_wait3A_440, %dma_wait3A_441, %dma_wait3A_442] : memref<2x4x8x128xf32, #tpu.memory_space<vmem>> -> memref<1x1x8x128xf32, #tpu.memory_space<vmem>>
      %dma_wait3A_444 = tpu.memref_squeeze %dma_wait3A_443 : memref<1x1x8x128xf32, #tpu.memory_space<vmem>> -> memref<8x128xf32, #tpu.memory_space<vmem>>
      %dma_wait3A_445 = arith.constant 8 : i32
      %dma_wait3A_446 = arith.constant 0 : i32
      %dma_wait3A_447 = tpu.memref_slice %arg4[%select_n3A_51, %dma_wait3A_445, %rem3A_53, %dma_wait3A_446] : memref<104x128x8x128xf32, #tpu.memory_space<hbm>> -> memref<1x8x1x128xf32, #tpu.memory_space<hbm>>
      %dma_wait3A_448 = tpu.memref_squeeze %dma_wait3A_447 : memref<1x8x1x128xf32, #tpu.memory_space<hbm>> -> memref<8x128xf32, #tpu.memory_space<hbm>>
      %dma_wait3A_449 = arith.constant 8 : i32
      %dma_wait3A_450 = arith.constant 0 : i32
      %dma_wait3A_451 = tpu.memref_slice %arg4[%select_n3A_51, %dma_wait3A_449, %rem3A_53, %dma_wait3A_450] : memref<104x128x8x128xf32, #tpu.memory_space<hbm>> -> memref<1x8x1x128xf32, #tpu.memory_space<hbm>>
      %dma_wait3A_452 = tpu.memref_squeeze %dma_wait3A_451 : memref<1x8x1x128xf32, #tpu.memory_space<hbm>> -> memref<8x128xf32, #tpu.memory_space<hbm>>
      %dma_wait3A_453 = arith.constant 0 : i32
      %dma_wait3A_454 = arith.constant 0 : i32
      %dma_wait3A_455 = tpu.memref_slice %arg7[%dma_wait3A_439, %dma_wait3A_440, %dma_wait3A_453, %dma_wait3A_454] : memref<2x4x8x128xf32, #tpu.memory_space<vmem>> -> memref<1x1x8x128xf32, #tpu.memory_space<vmem>>
      %dma_wait3A_456 = tpu.memref_squeeze %dma_wait3A_455 : memref<1x1x8x128xf32, #tpu.memory_space<vmem>> -> memref<8x128xf32, #tpu.memory_space<vmem>>
      tpu.wait_dma2 semaphore(%arg8 : memref<!tpu.dma_semaphore, #tpu.memory_space<semaphore_mem>>) src(%dma_wait3A_456 : memref<8x128xf32, #tpu.memory_space<vmem>>) dst(%dma_wait3A_452 : memref<8x128xf32, #tpu.memory_space<hbm>>)
      %dma_wait3A_457 = arith.constant 0 : i32
      %dma_wait3A_458 = arith.constant 2 : i32
      %dma_wait3A_459 = arith.constant 0 : i32
      %dma_wait3A_460 = arith.constant 0 : i32
      %dma_wait3A_461 = tpu.memref_slice %arg7[%dma_wait3A_457, %dma_wait3A_458, %dma_wait3A_459, %dma_wait3A_460] : memref<2x4x8x128xf32, #tpu.memory_space<vmem>> -> memref<1x1x8x128xf32, #tpu.memory_space<vmem>>
      %dma_wait3A_462 = tpu.memref_squeeze %dma_wait3A_461 : memref<1x1x8x128xf32, #tpu.memory_space<vmem>> -> memref<8x128xf32, #tpu.memory_space<vmem>>
      %dma_wait3A_463 = arith.constant 16 : i32
      %dma_wait3A_464 = arith.constant 0 : i32
      %dma_wait3A_465 = tpu.memref_slice %arg4[%select_n3A_51, %dma_wait3A_463, %rem3A_53, %dma_wait3A_464] : memref<104x128x8x128xf32, #tpu.memory_space<hbm>> -> memref<1x8x1x128xf32, #tpu.memory_space<hbm>>
      %dma_wait3A_466 = tpu.memref_squeeze %dma_wait3A_465 : memref<1x8x1x128xf32, #tpu.memory_space<hbm>> -> memref<8x128xf32, #tpu.memory_space<hbm>>
      %dma_wait3A_467 = arith.constant 16 : i32
      %dma_wait3A_468 = arith.constant 0 : i32
      %dma_wait3A_469 = tpu.memref_slice %arg4[%select_n3A_51, %dma_wait3A_467, %rem3A_53, %dma_wait3A_468] : memref<104x128x8x128xf32, #tpu.memory_space<hbm>> -> memref<1x8x1x128xf32, #tpu.memory_space<hbm>>
      %dma_wait3A_470 = tpu.memref_squeeze %dma_wait3A_469 : memref<1x8x1x128xf32, #tpu.memory_space<hbm>> -> memref<8x128xf32, #tpu.memory_space<hbm>>
      %dma_wait3A_471 = arith.constant 0 : i32
      %dma_wait3A_472 = arith.constant 0 : i32
      %dma_wait3A_473 = tpu.memref_slice %arg7[%dma_wait3A_457, %dma_wait3A_458, %dma_wait3A_471, %dma_wait3A_472] : memref<2x4x8x128xf32, #tpu.memory_space<vmem>> -> memref<1x1x8x128xf32, #tpu.memory_space<vmem>>
      %dma_wait3A_474 = tpu.memref_squeeze %dma_wait3A_473 : memref<1x1x8x128xf32, #tpu.memory_space<vmem>> -> memref<8x128xf32, #tpu.memory_space<vmem>>
      tpu.wait_dma2 semaphore(%arg8 : memref<!tpu.dma_semaphore, #tpu.memory_space<semaphore_mem>>) src(%dma_wait3A_474 : memref<8x128xf32, #tpu.memory_space<vmem>>) dst(%dma_wait3A_470 : memref<8x128xf32, #tpu.memory_space<hbm>>)
      %dma_wait3A_475 = arith.constant 0 : i32
      %dma_wait3A_476 = arith.constant 3 : i32
      %dma_wait3A_477 = arith.constant 0 : i32
      %dma_wait3A_478 = arith.constant 0 : i32
      %dma_wait3A_479 = tpu.memref_slice %arg7[%dma_wait3A_475, %dma_wait3A_476, %dma_wait3A_477, %dma_wait3A_478] : memref<2x4x8x128xf32, #tpu.memory_space<vmem>> -> memref<1x1x8x128xf32, #tpu.memory_space<vmem>>
      %dma_wait3A_480 = tpu.memref_squeeze %dma_wait3A_479 : memref<1x1x8x128xf32, #tpu.memory_space<vmem>> -> memref<8x128xf32, #tpu.memory_space<vmem>>
      %dma_wait3A_481 = arith.constant 24 : i32
      %dma_wait3A_482 = arith.constant 0 : i32
      %dma_wait3A_483 = tpu.memref_slice %arg4[%select_n3A_51, %dma_wait3A_481, %rem3A_53, %dma_wait3A_482] : memref<104x128x8x128xf32, #tpu.memory_space<hbm>> -> memref<1x8x1x128xf32, #tpu.memory_space<hbm>>
      %dma_wait3A_484 = tpu.memref_squeeze %dma_wait3A_483 : memref<1x8x1x128xf32, #tpu.memory_space<hbm>> -> memref<8x128xf32, #tpu.memory_space<hbm>>
      %dma_wait3A_485 = arith.constant 24 : i32
      %dma_wait3A_486 = arith.constant 0 : i32
      %dma_wait3A_487 = tpu.memref_slice %arg4[%select_n3A_51, %dma_wait3A_485, %rem3A_53, %dma_wait3A_486] : memref<104x128x8x128xf32, #tpu.memory_space<hbm>> -> memref<1x8x1x128xf32, #tpu.memory_space<hbm>>
      %dma_wait3A_488 = tpu.memref_squeeze %dma_wait3A_487 : memref<1x8x1x128xf32, #tpu.memory_space<hbm>> -> memref<8x128xf32, #tpu.memory_space<hbm>>
      %dma_wait3A_489 = arith.constant 0 : i32
      %dma_wait3A_490 = arith.constant 0 : i32
      %dma_wait3A_491 = tpu.memref_slice %arg7[%dma_wait3A_475, %dma_wait3A_476, %dma_wait3A_489, %dma_wait3A_490] : memref<2x4x8x128xf32, #tpu.memory_space<vmem>> -> memref<1x1x8x128xf32, #tpu.memory_space<vmem>>
      %dma_wait3A_492 = tpu.memref_squeeze %dma_wait3A_491 : memref<1x1x8x128xf32, #tpu.memory_space<vmem>> -> memref<8x128xf32, #tpu.memory_space<vmem>>
      tpu.wait_dma2 semaphore(%arg8 : memref<!tpu.dma_semaphore, #tpu.memory_space<semaphore_mem>>) src(%dma_wait3A_492 : memref<8x128xf32, #tpu.memory_space<vmem>>) dst(%dma_wait3A_488 : memref<8x128xf32, #tpu.memory_space<hbm>>)
      %parallel_loop3A_493 = arith.constant 0 : i32
      %parallel_loop3A_494 = arith.constant 64 : i32
      %parallel_loop3A_495 = arith.constant 1 : i32
      scf.for %parallel_loop3A_877 = %parallel_loop3A_493 to %parallel_loop3A_494 step %parallel_loop3A_495  : i32 {
        %parallel_loop3A_878 = arith.constant 16 : i32
        %parallel_loop3A_879 = arith.muli %parallel_loop3A_877, %parallel_loop3A_878 : i32
        %parallel_loop3A_880 = arith.constant 8192 : i32
        %parallel_loop3A_881 = arith.addi %parallel_loop3A_880, %parallel_loop3A_879 : i32
        %parallel_loop3A_882 = arith.index_cast %parallel_loop3A_881 : i32 to index
        %parallel_loop3A_883 = tpu.vector_load %arg6[%parallel_loop3A_882] {strides = array<i32>} : memref<16384xi32, #tpu.memory_space<vmem>>, vector<16xi32>,
        %parallel_loop3A_884 = tpu.vector_load_idx %arg5[%parallel_loop3A_883] : memref<100000xf32, #tpu.memory_space<vmem>>[vector<16xi32>], vector<16xf32>,
        %parallel_loop3A_885 = arith.constant 8 : i32
        %parallel_loop3A_886 = arith.divsi %parallel_loop3A_877, %parallel_loop3A_885 : i32
        %parallel_loop3A_887 = arith.constant 0 : i32
        %parallel_loop3A_888 = arith.cmpi sgt, %parallel_loop3A_877, %parallel_loop3A_887 : i32
        %parallel_loop3A_889 = arith.extui %parallel_loop3A_888 : i1 to i32
        %parallel_loop3A_890 = arith.constant 0 : i32
        %parallel_loop3A_891 = arith.cmpi slt, %parallel_loop3A_877, %parallel_loop3A_890 : i32
        %parallel_loop3A_892 = arith.extui %parallel_loop3A_891 : i1 to i32
        %parallel_loop3A_893 = arith.subi %parallel_loop3A_889, %parallel_loop3A_892 : i32
        %parallel_loop3A_894 = arith.constant 0 : i32
        %parallel_loop3A_895 = arith.cmpi sgt, %parallel_loop3A_885, %parallel_loop3A_894 : i32
        %parallel_loop3A_896 = arith.extui %parallel_loop3A_895 : i1 to i32
        %parallel_loop3A_897 = arith.constant 0 : i32
        %parallel_loop3A_898 = arith.cmpi slt, %parallel_loop3A_885, %parallel_loop3A_897 : i32
        %parallel_loop3A_899 = arith.extui %parallel_loop3A_898 : i1 to i32
        %parallel_loop3A_900 = arith.subi %parallel_loop3A_896, %parallel_loop3A_899 : i32
        %parallel_loop3A_901 = arith.cmpi ne, %parallel_loop3A_893, %parallel_loop3A_900 : i32
        %parallel_loop3A_902 = arith.remsi %parallel_loop3A_877, %parallel_loop3A_885 : i32
        %parallel_loop3A_903 = arith.constant 0 : i32
        %parallel_loop3A_904 = arith.cmpi ne, %parallel_loop3A_902, %parallel_loop3A_903 : i32
        %parallel_loop3A_905 = arith.andi %parallel_loop3A_901, %parallel_loop3A_904 : i1
        %parallel_loop3A_906 = arith.constant 1 : i32
        %parallel_loop3A_907 = arith.subi %parallel_loop3A_886, %parallel_loop3A_906 : i32
        %parallel_loop3A_908 = arith.select %parallel_loop3A_905, %parallel_loop3A_907, %parallel_loop3A_886 : i32
        %parallel_loop3A_909 = arith.constant 8 : i32
        %parallel_loop3A_910 = arith.constant 0 : i32
        %parallel_loop3A_911 = arith.cmpi eq, %parallel_loop3A_909, %parallel_loop3A_910 : i32
        %parallel_loop3A_912 = arith.constant 1 : i32
        %parallel_loop3A_913 = arith.select %parallel_loop3A_911, %parallel_loop3A_912, %parallel_loop3A_909 : i32
        %parallel_loop3A_914 = arith.remsi %parallel_loop3A_877, %parallel_loop3A_913 : i32
        %parallel_loop3A_915 = arith.constant 0 : i32
        %parallel_loop3A_916 = arith.cmpi ne, %parallel_loop3A_914, %parallel_loop3A_915 : i32
        %parallel_loop3A_917 = arith.constant 0 : i32
        %parallel_loop3A_918 = arith.cmpi slt, %parallel_loop3A_914, %parallel_loop3A_917 : i32
        %parallel_loop3A_919 = arith.constant 0 : i32
        %parallel_loop3A_920 = arith.cmpi slt, %parallel_loop3A_913, %parallel_loop3A_919 : i32
        %parallel_loop3A_921 = arith.xori %parallel_loop3A_918, %parallel_loop3A_920 : i1
        %parallel_loop3A_922 = arith.andi %parallel_loop3A_921, %parallel_loop3A_916 : i1
        %parallel_loop3A_923 = arith.addi %parallel_loop3A_914, %parallel_loop3A_913 : i32
        %parallel_loop3A_924 = arith.select %parallel_loop3A_922, %parallel_loop3A_923, %parallel_loop3A_914 : i32
        %parallel_loop3A_925 = arith.constant 16 : i32
        %parallel_loop3A_926 = arith.muli %parallel_loop3A_924, %parallel_loop3A_925 : i32
        %parallel_loop3A_927 = arith.constant 0 : i32
        %parallel_loop3A_928 = arith.constant 0 : i32
        %parallel_loop3A_929 = arith.index_cast %parallel_loop3A_927 : i32 to index
        %parallel_loop3A_930 = arith.index_cast %parallel_loop3A_928 : i32 to index
        %parallel_loop3A_931 = arith.index_cast %parallel_loop3A_908 : i32 to index
        %parallel_loop3A_932 = arith.index_cast %parallel_loop3A_926 : i32 to index
        %parallel_loop3A_933 = tpu.vector_load %arg7[%parallel_loop3A_929, %parallel_loop3A_930, %parallel_loop3A_931, %parallel_loop3A_932] {strides = array<i32>} : memref<2x4x8x128xf32, #tpu.memory_space<vmem>>, vector<16xf32>,
        tpu.vector_store %arg7[%parallel_loop3A_929, %parallel_loop3A_930, %parallel_loop3A_931, %parallel_loop3A_932], %parallel_loop3A_884 {strides = array<i32>} : memref<2x4x8x128xf32, #tpu.memory_space<vmem>>, vector<16xf32>,
      } {sc.loop_unroll_factor = 16 : i64, sc.parallel_access}
      %parallel_loop3A_496 = arith.constant 0 : i32
      %parallel_loop3A_497 = arith.constant 64 : i32
      %parallel_loop3A_498 = arith.constant 1 : i32
      scf.for %parallel_loop3A_877 = %parallel_loop3A_496 to %parallel_loop3A_497 step %parallel_loop3A_498  : i32 {
        %parallel_loop3A_878 = arith.constant 16 : i32
        %parallel_loop3A_879 = arith.muli %parallel_loop3A_877, %parallel_loop3A_878 : i32
        %parallel_loop3A_880 = arith.constant 9216 : i32
        %parallel_loop3A_881 = arith.addi %parallel_loop3A_880, %parallel_loop3A_879 : i32
        %parallel_loop3A_882 = arith.index_cast %parallel_loop3A_881 : i32 to index
        %parallel_loop3A_883 = tpu.vector_load %arg6[%parallel_loop3A_882] {strides = array<i32>} : memref<16384xi32, #tpu.memory_space<vmem>>, vector<16xi32>,
        %parallel_loop3A_884 = tpu.vector_load_idx %arg5[%parallel_loop3A_883] : memref<100000xf32, #tpu.memory_space<vmem>>[vector<16xi32>], vector<16xf32>,
        %parallel_loop3A_885 = arith.constant 8 : i32
        %parallel_loop3A_886 = arith.divsi %parallel_loop3A_877, %parallel_loop3A_885 : i32
        %parallel_loop3A_887 = arith.constant 0 : i32
        %parallel_loop3A_888 = arith.cmpi sgt, %parallel_loop3A_877, %parallel_loop3A_887 : i32
        %parallel_loop3A_889 = arith.extui %parallel_loop3A_888 : i1 to i32
        %parallel_loop3A_890 = arith.constant 0 : i32
        %parallel_loop3A_891 = arith.cmpi slt, %parallel_loop3A_877, %parallel_loop3A_890 : i32
        %parallel_loop3A_892 = arith.extui %parallel_loop3A_891 : i1 to i32
        %parallel_loop3A_893 = arith.subi %parallel_loop3A_889, %parallel_loop3A_892 : i32
        %parallel_loop3A_894 = arith.constant 0 : i32
        %parallel_loop3A_895 = arith.cmpi sgt, %parallel_loop3A_885, %parallel_loop3A_894 : i32
        %parallel_loop3A_896 = arith.extui %parallel_loop3A_895 : i1 to i32
        %parallel_loop3A_897 = arith.constant 0 : i32
        %parallel_loop3A_898 = arith.cmpi slt, %parallel_loop3A_885, %parallel_loop3A_897 : i32
        %parallel_loop3A_899 = arith.extui %parallel_loop3A_898 : i1 to i32
        %parallel_loop3A_900 = arith.subi %parallel_loop3A_896, %parallel_loop3A_899 : i32
        %parallel_loop3A_901 = arith.cmpi ne, %parallel_loop3A_893, %parallel_loop3A_900 : i32
        %parallel_loop3A_902 = arith.remsi %parallel_loop3A_877, %parallel_loop3A_885 : i32
        %parallel_loop3A_903 = arith.constant 0 : i32
        %parallel_loop3A_904 = arith.cmpi ne, %parallel_loop3A_902, %parallel_loop3A_903 : i32
        %parallel_loop3A_905 = arith.andi %parallel_loop3A_901, %parallel_loop3A_904 : i1
        %parallel_loop3A_906 = arith.constant 1 : i32
        %parallel_loop3A_907 = arith.subi %parallel_loop3A_886, %parallel_loop3A_906 : i32
        %parallel_loop3A_908 = arith.select %parallel_loop3A_905, %parallel_loop3A_907, %parallel_loop3A_886 : i32
        %parallel_loop3A_909 = arith.constant 8 : i32
        %parallel_loop3A_910 = arith.constant 0 : i32
        %parallel_loop3A_911 = arith.cmpi eq, %parallel_loop3A_909, %parallel_loop3A_910 : i32
        %parallel_loop3A_912 = arith.constant 1 : i32
        %parallel_loop3A_913 = arith.select %parallel_loop3A_911, %parallel_loop3A_912, %parallel_loop3A_909 : i32
        %parallel_loop3A_914 = arith.remsi %parallel_loop3A_877, %parallel_loop3A_913 : i32
        %parallel_loop3A_915 = arith.constant 0 : i32
        %parallel_loop3A_916 = arith.cmpi ne, %parallel_loop3A_914, %parallel_loop3A_915 : i32
        %parallel_loop3A_917 = arith.constant 0 : i32
        %parallel_loop3A_918 = arith.cmpi slt, %parallel_loop3A_914, %parallel_loop3A_917 : i32
        %parallel_loop3A_919 = arith.constant 0 : i32
        %parallel_loop3A_920 = arith.cmpi slt, %parallel_loop3A_913, %parallel_loop3A_919 : i32
        %parallel_loop3A_921 = arith.xori %parallel_loop3A_918, %parallel_loop3A_920 : i1
        %parallel_loop3A_922 = arith.andi %parallel_loop3A_921, %parallel_loop3A_916 : i1
        %parallel_loop3A_923 = arith.addi %parallel_loop3A_914, %parallel_loop3A_913 : i32
        %parallel_loop3A_924 = arith.select %parallel_loop3A_922, %parallel_loop3A_923, %parallel_loop3A_914 : i32
        %parallel_loop3A_925 = arith.constant 16 : i32
        %parallel_loop3A_926 = arith.muli %parallel_loop3A_924, %parallel_loop3A_925 : i32
        %parallel_loop3A_927 = arith.constant 0 : i32
        %parallel_loop3A_928 = arith.constant 1 : i32
        %parallel_loop3A_929 = arith.index_cast %parallel_loop3A_927 : i32 to index
        %parallel_loop3A_930 = arith.index_cast %parallel_loop3A_928 : i32 to index
        %parallel_loop3A_931 = arith.index_cast %parallel_loop3A_908 : i32 to index
        %parallel_loop3A_932 = arith.index_cast %parallel_loop3A_926 : i32 to index
        %parallel_loop3A_933 = tpu.vector_load %arg7[%parallel_loop3A_929, %parallel_loop3A_930, %parallel_loop3A_931, %parallel_loop3A_932] {strides = array<i32>} : memref<2x4x8x128xf32, #tpu.memory_space<vmem>>, vector<16xf32>,
        tpu.vector_store %arg7[%parallel_loop3A_929, %parallel_loop3A_930, %parallel_loop3A_931, %parallel_loop3A_932], %parallel_loop3A_884 {strides = array<i32>} : memref<2x4x8x128xf32, #tpu.memory_space<vmem>>, vector<16xf32>,
      } {sc.loop_unroll_factor = 16 : i64, sc.parallel_access}
      %parallel_loop3A_499 = arith.constant 0 : i32
      %parallel_loop3A_500 = arith.constant 64 : i32
      %parallel_loop3A_501 = arith.constant 1 : i32
      scf.for %parallel_loop3A_877 = %parallel_loop3A_499 to %parallel_loop3A_500 step %parallel_loop3A_501  : i32 {
        %parallel_loop3A_878 = arith.constant 16 : i32
        %parallel_loop3A_879 = arith.muli %parallel_loop3A_877, %parallel_loop3A_878 : i32
        %parallel_loop3A_880 = arith.constant 10240 : i32
        %parallel_loop3A_881 = arith.addi %parallel_loop3A_880, %parallel_loop3A_879 : i32
        %parallel_loop3A_882 = arith.index_cast %parallel_loop3A_881 : i32 to index
        %parallel_loop3A_883 = tpu.vector_load %arg6[%parallel_loop3A_882] {strides = array<i32>} : memref<16384xi32, #tpu.memory_space<vmem>>, vector<16xi32>,
        %parallel_loop3A_884 = tpu.vector_load_idx %arg5[%parallel_loop3A_883] : memref<100000xf32, #tpu.memory_space<vmem>>[vector<16xi32>], vector<16xf32>,
        %parallel_loop3A_885 = arith.constant 8 : i32
        %parallel_loop3A_886 = arith.divsi %parallel_loop3A_877, %parallel_loop3A_885 : i32
        %parallel_loop3A_887 = arith.constant 0 : i32
        %parallel_loop3A_888 = arith.cmpi sgt, %parallel_loop3A_877, %parallel_loop3A_887 : i32
        %parallel_loop3A_889 = arith.extui %parallel_loop3A_888 : i1 to i32
        %parallel_loop3A_890 = arith.constant 0 : i32
        %parallel_loop3A_891 = arith.cmpi slt, %parallel_loop3A_877, %parallel_loop3A_890 : i32
        %parallel_loop3A_892 = arith.extui %parallel_loop3A_891 : i1 to i32
        %parallel_loop3A_893 = arith.subi %parallel_loop3A_889, %parallel_loop3A_892 : i32
        %parallel_loop3A_894 = arith.constant 0 : i32
        %parallel_loop3A_895 = arith.cmpi sgt, %parallel_loop3A_885, %parallel_loop3A_894 : i32
        %parallel_loop3A_896 = arith.extui %parallel_loop3A_895 : i1 to i32
        %parallel_loop3A_897 = arith.constant 0 : i32
        %parallel_loop3A_898 = arith.cmpi slt, %parallel_loop3A_885, %parallel_loop3A_897 : i32
        %parallel_loop3A_899 = arith.extui %parallel_loop3A_898 : i1 to i32
        %parallel_loop3A_900 = arith.subi %parallel_loop3A_896, %parallel_loop3A_899 : i32
        %parallel_loop3A_901 = arith.cmpi ne, %parallel_loop3A_893, %parallel_loop3A_900 : i32
        %parallel_loop3A_902 = arith.remsi %parallel_loop3A_877, %parallel_loop3A_885 : i32
        %parallel_loop3A_903 = arith.constant 0 : i32
        %parallel_loop3A_904 = arith.cmpi ne, %parallel_loop3A_902, %parallel_loop3A_903 : i32
        %parallel_loop3A_905 = arith.andi %parallel_loop3A_901, %parallel_loop3A_904 : i1
        %parallel_loop3A_906 = arith.constant 1 : i32
        %parallel_loop3A_907 = arith.subi %parallel_loop3A_886, %parallel_loop3A_906 : i32
        %parallel_loop3A_908 = arith.select %parallel_loop3A_905, %parallel_loop3A_907, %parallel_loop3A_886 : i32
        %parallel_loop3A_909 = arith.constant 8 : i32
        %parallel_loop3A_910 = arith.constant 0 : i32
        %parallel_loop3A_911 = arith.cmpi eq, %parallel_loop3A_909, %parallel_loop3A_910 : i32
        %parallel_loop3A_912 = arith.constant 1 : i32
        %parallel_loop3A_913 = arith.select %parallel_loop3A_911, %parallel_loop3A_912, %parallel_loop3A_909 : i32
        %parallel_loop3A_914 = arith.remsi %parallel_loop3A_877, %parallel_loop3A_913 : i32
        %parallel_loop3A_915 = arith.constant 0 : i32
        %parallel_loop3A_916 = arith.cmpi ne, %parallel_loop3A_914, %parallel_loop3A_915 : i32
        %parallel_loop3A_917 = arith.constant 0 : i32
        %parallel_loop3A_918 = arith.cmpi slt, %parallel_loop3A_914, %parallel_loop3A_917 : i32
        %parallel_loop3A_919 = arith.constant 0 : i32
        %parallel_loop3A_920 = arith.cmpi slt, %parallel_loop3A_913, %parallel_loop3A_919 : i32
        %parallel_loop3A_921 = arith.xori %parallel_loop3A_918, %parallel_loop3A_920 : i1
        %parallel_loop3A_922 = arith.andi %parallel_loop3A_921, %parallel_loop3A_916 : i1
        %parallel_loop3A_923 = arith.addi %parallel_loop3A_914, %parallel_loop3A_913 : i32
        %parallel_loop3A_924 = arith.select %parallel_loop3A_922, %parallel_loop3A_923, %parallel_loop3A_914 : i32
        %parallel_loop3A_925 = arith.constant 16 : i32
        %parallel_loop3A_926 = arith.muli %parallel_loop3A_924, %parallel_loop3A_925 : i32
        %parallel_loop3A_927 = arith.constant 0 : i32
        %parallel_loop3A_928 = arith.constant 2 : i32
        %parallel_loop3A_929 = arith.index_cast %parallel_loop3A_927 : i32 to index
        %parallel_loop3A_930 = arith.index_cast %parallel_loop3A_928 : i32 to index
        %parallel_loop3A_931 = arith.index_cast %parallel_loop3A_908 : i32 to index
        %parallel_loop3A_932 = arith.index_cast %parallel_loop3A_926 : i32 to index
        %parallel_loop3A_933 = tpu.vector_load %arg7[%parallel_loop3A_929, %parallel_loop3A_930, %parallel_loop3A_931, %parallel_loop3A_932] {strides = array<i32>} : memref<2x4x8x128xf32, #tpu.memory_space<vmem>>, vector<16xf32>,
        tpu.vector_store %arg7[%parallel_loop3A_929, %parallel_loop3A_930, %parallel_loop3A_931, %parallel_loop3A_932], %parallel_loop3A_884 {strides = array<i32>} : memref<2x4x8x128xf32, #tpu.memory_space<vmem>>, vector<16xf32>,
      } {sc.loop_unroll_factor = 16 : i64, sc.parallel_access}
      %parallel_loop3A_502 = arith.constant 0 : i32
      %parallel_loop3A_503 = arith.constant 64 : i32
      %parallel_loop3A_504 = arith.constant 1 : i32
      scf.for %parallel_loop3A_877 = %parallel_loop3A_502 to %parallel_loop3A_503 step %parallel_loop3A_504  : i32 {
        %parallel_loop3A_878 = arith.constant 16 : i32
        %parallel_loop3A_879 = arith.muli %parallel_loop3A_877, %parallel_loop3A_878 : i32
        %parallel_loop3A_880 = arith.constant 11264 : i32
        %parallel_loop3A_881 = arith.addi %parallel_loop3A_880, %parallel_loop3A_879 : i32
        %parallel_loop3A_882 = arith.index_cast %parallel_loop3A_881 : i32 to index
        %parallel_loop3A_883 = tpu.vector_load %arg6[%parallel_loop3A_882] {strides = array<i32>} : memref<16384xi32, #tpu.memory_space<vmem>>, vector<16xi32>,
        %parallel_loop3A_884 = tpu.vector_load_idx %arg5[%parallel_loop3A_883] : memref<100000xf32, #tpu.memory_space<vmem>>[vector<16xi32>], vector<16xf32>,
        %parallel_loop3A_885 = arith.constant 8 : i32
        %parallel_loop3A_886 = arith.divsi %parallel_loop3A_877, %parallel_loop3A_885 : i32
        %parallel_loop3A_887 = arith.constant 0 : i32
        %parallel_loop3A_888 = arith.cmpi sgt, %parallel_loop3A_877, %parallel_loop3A_887 : i32
        %parallel_loop3A_889 = arith.extui %parallel_loop3A_888 : i1 to i32
        %parallel_loop3A_890 = arith.constant 0 : i32
        %parallel_loop3A_891 = arith.cmpi slt, %parallel_loop3A_877, %parallel_loop3A_890 : i32
        %parallel_loop3A_892 = arith.extui %parallel_loop3A_891 : i1 to i32
        %parallel_loop3A_893 = arith.subi %parallel_loop3A_889, %parallel_loop3A_892 : i32
        %parallel_loop3A_894 = arith.constant 0 : i32
        %parallel_loop3A_895 = arith.cmpi sgt, %parallel_loop3A_885, %parallel_loop3A_894 : i32
        %parallel_loop3A_896 = arith.extui %parallel_loop3A_895 : i1 to i32
        %parallel_loop3A_897 = arith.constant 0 : i32
        %parallel_loop3A_898 = arith.cmpi slt, %parallel_loop3A_885, %parallel_loop3A_897 : i32
        %parallel_loop3A_899 = arith.extui %parallel_loop3A_898 : i1 to i32
        %parallel_loop3A_900 = arith.subi %parallel_loop3A_896, %parallel_loop3A_899 : i32
        %parallel_loop3A_901 = arith.cmpi ne, %parallel_loop3A_893, %parallel_loop3A_900 : i32
        %parallel_loop3A_902 = arith.remsi %parallel_loop3A_877, %parallel_loop3A_885 : i32
        %parallel_loop3A_903 = arith.constant 0 : i32
        %parallel_loop3A_904 = arith.cmpi ne, %parallel_loop3A_902, %parallel_loop3A_903 : i32
        %parallel_loop3A_905 = arith.andi %parallel_loop3A_901, %parallel_loop3A_904 : i1
        %parallel_loop3A_906 = arith.constant 1 : i32
        %parallel_loop3A_907 = arith.subi %parallel_loop3A_886, %parallel_loop3A_906 : i32
        %parallel_loop3A_908 = arith.select %parallel_loop3A_905, %parallel_loop3A_907, %parallel_loop3A_886 : i32
        %parallel_loop3A_909 = arith.constant 8 : i32
        %parallel_loop3A_910 = arith.constant 0 : i32
        %parallel_loop3A_911 = arith.cmpi eq, %parallel_loop3A_909, %parallel_loop3A_910 : i32
        %parallel_loop3A_912 = arith.constant 1 : i32
        %parallel_loop3A_913 = arith.select %parallel_loop3A_911, %parallel_loop3A_912, %parallel_loop3A_909 : i32
        %parallel_loop3A_914 = arith.remsi %parallel_loop3A_877, %parallel_loop3A_913 : i32
        %parallel_loop3A_915 = arith.constant 0 : i32
        %parallel_loop3A_916 = arith.cmpi ne, %parallel_loop3A_914, %parallel_loop3A_915 : i32
        %parallel_loop3A_917 = arith.constant 0 : i32
        %parallel_loop3A_918 = arith.cmpi slt, %parallel_loop3A_914, %parallel_loop3A_917 : i32
        %parallel_loop3A_919 = arith.constant 0 : i32
        %parallel_loop3A_920 = arith.cmpi slt, %parallel_loop3A_913, %parallel_loop3A_919 : i32
        %parallel_loop3A_921 = arith.xori %parallel_loop3A_918, %parallel_loop3A_920 : i1
        %parallel_loop3A_922 = arith.andi %parallel_loop3A_921, %parallel_loop3A_916 : i1
        %parallel_loop3A_923 = arith.addi %parallel_loop3A_914, %parallel_loop3A_913 : i32
        %parallel_loop3A_924 = arith.select %parallel_loop3A_922, %parallel_loop3A_923, %parallel_loop3A_914 : i32
        %parallel_loop3A_925 = arith.constant 16 : i32
        %parallel_loop3A_926 = arith.muli %parallel_loop3A_924, %parallel_loop3A_925 : i32
        %parallel_loop3A_927 = arith.constant 0 : i32
        %parallel_loop3A_928 = arith.constant 3 : i32
        %parallel_loop3A_929 = arith.index_cast %parallel_loop3A_927 : i32 to index
        %parallel_loop3A_930 = arith.index_cast %parallel_loop3A_928 : i32 to index
        %parallel_loop3A_931 = arith.index_cast %parallel_loop3A_908 : i32 to index
        %parallel_loop3A_932 = arith.index_cast %parallel_loop3A_926 : i32 to index
        %parallel_loop3A_933 = tpu.vector_load %arg7[%parallel_loop3A_929, %parallel_loop3A_930, %parallel_loop3A_931, %parallel_loop3A_932] {strides = array<i32>} : memref<2x4x8x128xf32, #tpu.memory_space<vmem>>, vector<16xf32>,
        tpu.vector_store %arg7[%parallel_loop3A_929, %parallel_loop3A_930, %parallel_loop3A_931, %parallel_loop3A_932], %parallel_loop3A_884 {strides = array<i32>} : memref<2x4x8x128xf32, #tpu.memory_space<vmem>>, vector<16xf32>,
      } {sc.loop_unroll_factor = 16 : i64, sc.parallel_access}
      %dma_start3A_505 = arith.constant 0 : i32
      %dma_start3A_506 = arith.constant 0 : i32
      %dma_start3A_507 = arith.constant 0 : i32
      %dma_start3A_508 = arith.constant 0 : i32
      %dma_start3A_509 = tpu.memref_slice %arg7[%dma_start3A_505, %dma_start3A_506, %dma_start3A_507, %dma_start3A_508] : memref<2x4x8x128xf32, #tpu.memory_space<vmem>> -> memref<1x1x8x128xf32, #tpu.memory_space<vmem>>
      %dma_start3A_510 = tpu.memref_squeeze %dma_start3A_509 : memref<1x1x8x128xf32, #tpu.memory_space<vmem>> -> memref<8x128xf32, #tpu.memory_space<vmem>>
      %dma_start3A_511 = arith.constant 64 : i32
      %dma_start3A_512 = arith.constant 0 : i32
      %dma_start3A_513 = tpu.memref_slice %arg4[%select_n3A_51, %dma_start3A_511, %rem3A_53, %dma_start3A_512] : memref<104x128x8x128xf32, #tpu.memory_space<hbm>> -> memref<1x8x1x128xf32, #tpu.memory_space<hbm>>
      %dma_start3A_514 = tpu.memref_squeeze %dma_start3A_513 : memref<1x8x1x128xf32, #tpu.memory_space<hbm>> -> memref<8x128xf32, #tpu.memory_space<hbm>>
      %dma_start3A_515 = arith.constant 64 : i32
      %dma_start3A_516 = arith.constant 0 : i32
      %dma_start3A_517 = tpu.memref_slice %arg4[%select_n3A_51, %dma_start3A_515, %rem3A_53, %dma_start3A_516] : memref<104x128x8x128xf32, #tpu.memory_space<hbm>> -> memref<1x8x1x128xf32, #tpu.memory_space<hbm>>
      %dma_start3A_518 = tpu.memref_squeeze %dma_start3A_517 : memref<1x8x1x128xf32, #tpu.memory_space<hbm>> -> memref<8x128xf32, #tpu.memory_space<hbm>>
      %dma_start3A_519 = arith.constant 0 : i32
      %dma_start3A_520 = arith.constant 0 : i32
      %dma_start3A_521 = tpu.memref_slice %arg7[%dma_start3A_505, %dma_start3A_506, %dma_start3A_519, %dma_start3A_520] : memref<2x4x8x128xf32, #tpu.memory_space<vmem>> -> memref<1x1x8x128xf32, #tpu.memory_space<vmem>>
      %dma_start3A_522 = tpu.memref_squeeze %dma_start3A_521 : memref<1x1x8x128xf32, #tpu.memory_space<vmem>> -> memref<8x128xf32, #tpu.memory_space<vmem>>
      tpu.enqueue_dma source(%dma_start3A_522 : memref<8x128xf32, #tpu.memory_space<vmem>>) target(%dma_start3A_518 : memref<8x128xf32, #tpu.memory_space<hbm>>) target_semaphore(%arg8 : memref<!tpu.dma_semaphore, #tpu.memory_space<semaphore_mem>>)
      %dma_start3A_523 = arith.constant 0 : i32
      %dma_start3A_524 = arith.constant 1 : i32
      %dma_start3A_525 = arith.constant 0 : i32
      %dma_start3A_526 = arith.constant 0 : i32
      %dma_start3A_527 = tpu.memref_slice %arg7[%dma_start3A_523, %dma_start3A_524, %dma_start3A_525, %dma_start3A_526] : memref<2x4x8x128xf32, #tpu.memory_space<vmem>> -> memref<1x1x8x128xf32, #tpu.memory_space<vmem>>
      %dma_start3A_528 = tpu.memref_squeeze %dma_start3A_527 : memref<1x1x8x128xf32, #tpu.memory_space<vmem>> -> memref<8x128xf32, #tpu.memory_space<vmem>>
      %dma_start3A_529 = arith.constant 72 : i32
      %dma_start3A_530 = arith.constant 0 : i32
      %dma_start3A_531 = tpu.memref_slice %arg4[%select_n3A_51, %dma_start3A_529, %rem3A_53, %dma_start3A_530] : memref<104x128x8x128xf32, #tpu.memory_space<hbm>> -> memref<1x8x1x128xf32, #tpu.memory_space<hbm>>
      %dma_start3A_532 = tpu.memref_squeeze %dma_start3A_531 : memref<1x8x1x128xf32, #tpu.memory_space<hbm>> -> memref<8x128xf32, #tpu.memory_space<hbm>>
      %dma_start3A_533 = arith.constant 72 : i32
      %dma_start3A_534 = arith.constant 0 : i32
      %dma_start3A_535 = tpu.memref_slice %arg4[%select_n3A_51, %dma_start3A_533, %rem3A_53, %dma_start3A_534] : memref<104x128x8x128xf32, #tpu.memory_space<hbm>> -> memref<1x8x1x128xf32, #tpu.memory_space<hbm>>
      %dma_start3A_536 = tpu.memref_squeeze %dma_start3A_535 : memref<1x8x1x128xf32, #tpu.memory_space<hbm>> -> memref<8x128xf32, #tpu.memory_space<hbm>>
      %dma_start3A_537 = arith.constant 0 : i32
      %dma_start3A_538 = arith.constant 0 : i32
      %dma_start3A_539 = tpu.memref_slice %arg7[%dma_start3A_523, %dma_start3A_524, %dma_start3A_537, %dma_start3A_538] : memref<2x4x8x128xf32, #tpu.memory_space<vmem>> -> memref<1x1x8x128xf32, #tpu.memory_space<vmem>>
      %dma_start3A_540 = tpu.memref_squeeze %dma_start3A_539 : memref<1x1x8x128xf32, #tpu.memory_space<vmem>> -> memref<8x128xf32, #tpu.memory_space<vmem>>
      tpu.enqueue_dma source(%dma_start3A_540 : memref<8x128xf32, #tpu.memory_space<vmem>>) target(%dma_start3A_536 : memref<8x128xf32, #tpu.memory_space<hbm>>) target_semaphore(%arg8 : memref<!tpu.dma_semaphore, #tpu.memory_space<semaphore_mem>>)
      %dma_start3A_541 = arith.constant 0 : i32
      %dma_start3A_542 = arith.constant 2 : i32
      %dma_start3A_543 = arith.constant 0 : i32
      %dma_start3A_544 = arith.constant 0 : i32
      %dma_start3A_545 = tpu.memref_slice %arg7[%dma_start3A_541, %dma_start3A_542, %dma_start3A_543, %dma_start3A_544] : memref<2x4x8x128xf32, #tpu.memory_space<vmem>> -> memref<1x1x8x128xf32, #tpu.memory_space<vmem>>
      %dma_start3A_546 = tpu.memref_squeeze %dma_start3A_545 : memref<1x1x8x128xf32, #tpu.memory_space<vmem>> -> memref<8x128xf32, #tpu.memory_space<vmem>>
      %dma_start3A_547 = arith.constant 80 : i32
      %dma_start3A_548 = arith.constant 0 : i32
      %dma_start3A_549 = tpu.memref_slice %arg4[%select_n3A_51, %dma_start3A_547, %rem3A_53, %dma_start3A_548] : memref<104x128x8x128xf32, #tpu.memory_space<hbm>> -> memref<1x8x1x128xf32, #tpu.memory_space<hbm>>
      %dma_start3A_550 = tpu.memref_squeeze %dma_start3A_549 : memref<1x8x1x128xf32, #tpu.memory_space<hbm>> -> memref<8x128xf32, #tpu.memory_space<hbm>>
      %dma_start3A_551 = arith.constant 80 : i32
      %dma_start3A_552 = arith.constant 0 : i32
      %dma_start3A_553 = tpu.memref_slice %arg4[%select_n3A_51, %dma_start3A_551, %rem3A_53, %dma_start3A_552] : memref<104x128x8x128xf32, #tpu.memory_space<hbm>> -> memref<1x8x1x128xf32, #tpu.memory_space<hbm>>
      %dma_start3A_554 = tpu.memref_squeeze %dma_start3A_553 : memref<1x8x1x128xf32, #tpu.memory_space<hbm>> -> memref<8x128xf32, #tpu.memory_space<hbm>>
      %dma_start3A_555 = arith.constant 0 : i32
      %dma_start3A_556 = arith.constant 0 : i32
      %dma_start3A_557 = tpu.memref_slice %arg7[%dma_start3A_541, %dma_start3A_542, %dma_start3A_555, %dma_start3A_556] : memref<2x4x8x128xf32, #tpu.memory_space<vmem>> -> memref<1x1x8x128xf32, #tpu.memory_space<vmem>>
      %dma_start3A_558 = tpu.memref_squeeze %dma_start3A_557 : memref<1x1x8x128xf32, #tpu.memory_space<vmem>> -> memref<8x128xf32, #tpu.memory_space<vmem>>
      tpu.enqueue_dma source(%dma_start3A_558 : memref<8x128xf32, #tpu.memory_space<vmem>>) target(%dma_start3A_554 : memref<8x128xf32, #tpu.memory_space<hbm>>) target_semaphore(%arg8 : memref<!tpu.dma_semaphore, #tpu.memory_space<semaphore_mem>>)
      %dma_start3A_559 = arith.constant 0 : i32
      %dma_start3A_560 = arith.constant 3 : i32
      %dma_start3A_561 = arith.constant 0 : i32
      %dma_start3A_562 = arith.constant 0 : i32
      %dma_start3A_563 = tpu.memref_slice %arg7[%dma_start3A_559, %dma_start3A_560, %dma_start3A_561, %dma_start3A_562] : memref<2x4x8x128xf32, #tpu.memory_space<vmem>> -> memref<1x1x8x128xf32, #tpu.memory_space<vmem>>
      %dma_start3A_564 = tpu.memref_squeeze %dma_start3A_563 : memref<1x1x8x128xf32, #tpu.memory_space<vmem>> -> memref<8x128xf32, #tpu.memory_space<vmem>>
      %dma_start3A_565 = arith.constant 88 : i32
      %dma_start3A_566 = arith.constant 0 : i32
      %dma_start3A_567 = tpu.memref_slice %arg4[%select_n3A_51, %dma_start3A_565, %rem3A_53, %dma_start3A_566] : memref<104x128x8x128xf32, #tpu.memory_space<hbm>> -> memref<1x8x1x128xf32, #tpu.memory_space<hbm>>
      %dma_start3A_568 = tpu.memref_squeeze %dma_start3A_567 : memref<1x8x1x128xf32, #tpu.memory_space<hbm>> -> memref<8x128xf32, #tpu.memory_space<hbm>>
      %dma_start3A_569 = arith.constant 88 : i32
      %dma_start3A_570 = arith.constant 0 : i32
      %dma_start3A_571 = tpu.memref_slice %arg4[%select_n3A_51, %dma_start3A_569, %rem3A_53, %dma_start3A_570] : memref<104x128x8x128xf32, #tpu.memory_space<hbm>> -> memref<1x8x1x128xf32, #tpu.memory_space<hbm>>
      %dma_start3A_572 = tpu.memref_squeeze %dma_start3A_571 : memref<1x8x1x128xf32, #tpu.memory_space<hbm>> -> memref<8x128xf32, #tpu.memory_space<hbm>>
      %dma_start3A_573 = arith.constant 0 : i32
      %dma_start3A_574 = arith.constant 0 : i32
      %dma_start3A_575 = tpu.memref_slice %arg7[%dma_start3A_559, %dma_start3A_560, %dma_start3A_573, %dma_start3A_574] : memref<2x4x8x128xf32, #tpu.memory_space<vmem>> -> memref<1x1x8x128xf32, #tpu.memory_space<vmem>>
      %dma_start3A_576 = tpu.memref_squeeze %dma_start3A_575 : memref<1x1x8x128xf32, #tpu.memory_space<vmem>> -> memref<8x128xf32, #tpu.memory_space<vmem>>
      tpu.enqueue_dma source(%dma_start3A_576 : memref<8x128xf32, #tpu.memory_space<vmem>>) target(%dma_start3A_572 : memref<8x128xf32, #tpu.memory_space<hbm>>) target_semaphore(%arg8 : memref<!tpu.dma_semaphore, #tpu.memory_space<semaphore_mem>>)
      %dma_wait3A_577 = arith.constant 1 : i32
      %dma_wait3A_578 = arith.constant 0 : i32
      %dma_wait3A_579 = arith.constant 0 : i32
      %dma_wait3A_580 = arith.constant 0 : i32
      %dma_wait3A_581 = tpu.memref_slice %arg7[%dma_wait3A_577, %dma_wait3A_578, %dma_wait3A_579, %dma_wait3A_580] : memref<2x4x8x128xf32, #tpu.memory_space<vmem>> -> memref<1x1x8x128xf32, #tpu.memory_space<vmem>>
      %dma_wait3A_582 = tpu.memref_squeeze %dma_wait3A_581 : memref<1x1x8x128xf32, #tpu.memory_space<vmem>> -> memref<8x128xf32, #tpu.memory_space<vmem>>
      %dma_wait3A_583 = arith.constant 32 : i32
      %dma_wait3A_584 = arith.constant 0 : i32
      %dma_wait3A_585 = tpu.memref_slice %arg4[%select_n3A_51, %dma_wait3A_583, %rem3A_53, %dma_wait3A_584] : memref<104x128x8x128xf32, #tpu.memory_space<hbm>> -> memref<1x8x1x128xf32, #tpu.memory_space<hbm>>
      %dma_wait3A_586 = tpu.memref_squeeze %dma_wait3A_585 : memref<1x8x1x128xf32, #tpu.memory_space<hbm>> -> memref<8x128xf32, #tpu.memory_space<hbm>>
      %dma_wait3A_587 = arith.constant 32 : i32
      %dma_wait3A_588 = arith.constant 0 : i32
      %dma_wait3A_589 = tpu.memref_slice %arg4[%select_n3A_51, %dma_wait3A_587, %rem3A_53, %dma_wait3A_588] : memref<104x128x8x128xf32, #tpu.memory_space<hbm>> -> memref<1x8x1x128xf32, #tpu.memory_space<hbm>>
      %dma_wait3A_590 = tpu.memref_squeeze %dma_wait3A_589 : memref<1x8x1x128xf32, #tpu.memory_space<hbm>> -> memref<8x128xf32, #tpu.memory_space<hbm>>
      %dma_wait3A_591 = arith.constant 0 : i32
      %dma_wait3A_592 = arith.constant 0 : i32
      %dma_wait3A_593 = tpu.memref_slice %arg7[%dma_wait3A_577, %dma_wait3A_578, %dma_wait3A_591, %dma_wait3A_592] : memref<2x4x8x128xf32, #tpu.memory_space<vmem>> -> memref<1x1x8x128xf32, #tpu.memory_space<vmem>>
      %dma_wait3A_594 = tpu.memref_squeeze %dma_wait3A_593 : memref<1x1x8x128xf32, #tpu.memory_space<vmem>> -> memref<8x128xf32, #tpu.memory_space<vmem>>
      tpu.wait_dma2 semaphore(%arg8 : memref<!tpu.dma_semaphore, #tpu.memory_space<semaphore_mem>>) src(%dma_wait3A_594 : memref<8x128xf32, #tpu.memory_space<vmem>>) dst(%dma_wait3A_590 : memref<8x128xf32, #tpu.memory_space<hbm>>)
      %dma_wait3A_595 = arith.constant 1 : i32
      %dma_wait3A_596 = arith.constant 1 : i32
      %dma_wait3A_597 = arith.constant 0 : i32
      %dma_wait3A_598 = arith.constant 0 : i32
      %dma_wait3A_599 = tpu.memref_slice %arg7[%dma_wait3A_595, %dma_wait3A_596, %dma_wait3A_597, %dma_wait3A_598] : memref<2x4x8x128xf32, #tpu.memory_space<vmem>> -> memref<1x1x8x128xf32, #tpu.memory_space<vmem>>
      %dma_wait3A_600 = tpu.memref_squeeze %dma_wait3A_599 : memref<1x1x8x128xf32, #tpu.memory_space<vmem>> -> memref<8x128xf32, #tpu.memory_space<vmem>>
      %dma_wait3A_601 = arith.constant 40 : i32
      %dma_wait3A_602 = arith.constant 0 : i32
      %dma_wait3A_603 = tpu.memref_slice %arg4[%select_n3A_51, %dma_wait3A_601, %rem3A_53, %dma_wait3A_602] : memref<104x128x8x128xf32, #tpu.memory_space<hbm>> -> memref<1x8x1x128xf32, #tpu.memory_space<hbm>>
      %dma_wait3A_604 = tpu.memref_squeeze %dma_wait3A_603 : memref<1x8x1x128xf32, #tpu.memory_space<hbm>> -> memref<8x128xf32, #tpu.memory_space<hbm>>
      %dma_wait3A_605 = arith.constant 40 : i32
      %dma_wait3A_606 = arith.constant 0 : i32
      %dma_wait3A_607 = tpu.memref_slice %arg4[%select_n3A_51, %dma_wait3A_605, %rem3A_53, %dma_wait3A_606] : memref<104x128x8x128xf32, #tpu.memory_space<hbm>> -> memref<1x8x1x128xf32, #tpu.memory_space<hbm>>
      %dma_wait3A_608 = tpu.memref_squeeze %dma_wait3A_607 : memref<1x8x1x128xf32, #tpu.memory_space<hbm>> -> memref<8x128xf32, #tpu.memory_space<hbm>>
      %dma_wait3A_609 = arith.constant 0 : i32
      %dma_wait3A_610 = arith.constant 0 : i32
      %dma_wait3A_611 = tpu.memref_slice %arg7[%dma_wait3A_595, %dma_wait3A_596, %dma_wait3A_609, %dma_wait3A_610] : memref<2x4x8x128xf32, #tpu.memory_space<vmem>> -> memref<1x1x8x128xf32, #tpu.memory_space<vmem>>
      %dma_wait3A_612 = tpu.memref_squeeze %dma_wait3A_611 : memref<1x1x8x128xf32, #tpu.memory_space<vmem>> -> memref<8x128xf32, #tpu.memory_space<vmem>>
      tpu.wait_dma2 semaphore(%arg8 : memref<!tpu.dma_semaphore, #tpu.memory_space<semaphore_mem>>) src(%dma_wait3A_612 : memref<8x128xf32, #tpu.memory_space<vmem>>) dst(%dma_wait3A_608 : memref<8x128xf32, #tpu.memory_space<hbm>>)
      %dma_wait3A_613 = arith.constant 1 : i32
      %dma_wait3A_614 = arith.constant 2 : i32
      %dma_wait3A_615 = arith.constant 0 : i32
      %dma_wait3A_616 = arith.constant 0 : i32
      %dma_wait3A_617 = tpu.memref_slice %arg7[%dma_wait3A_613, %dma_wait3A_614, %dma_wait3A_615, %dma_wait3A_616] : memref<2x4x8x128xf32, #tpu.memory_space<vmem>> -> memref<1x1x8x128xf32, #tpu.memory_space<vmem>>
      %dma_wait3A_618 = tpu.memref_squeeze %dma_wait3A_617 : memref<1x1x8x128xf32, #tpu.memory_space<vmem>> -> memref<8x128xf32, #tpu.memory_space<vmem>>
      %dma_wait3A_619 = arith.constant 48 : i32
      %dma_wait3A_620 = arith.constant 0 : i32
      %dma_wait3A_621 = tpu.memref_slice %arg4[%select_n3A_51, %dma_wait3A_619, %rem3A_53, %dma_wait3A_620] : memref<104x128x8x128xf32, #tpu.memory_space<hbm>> -> memref<1x8x1x128xf32, #tpu.memory_space<hbm>>
      %dma_wait3A_622 = tpu.memref_squeeze %dma_wait3A_621 : memref<1x8x1x128xf32, #tpu.memory_space<hbm>> -> memref<8x128xf32, #tpu.memory_space<hbm>>
      %dma_wait3A_623 = arith.constant 48 : i32
      %dma_wait3A_624 = arith.constant 0 : i32
      %dma_wait3A_625 = tpu.memref_slice %arg4[%select_n3A_51, %dma_wait3A_623, %rem3A_53, %dma_wait3A_624] : memref<104x128x8x128xf32, #tpu.memory_space<hbm>> -> memref<1x8x1x128xf32, #tpu.memory_space<hbm>>
      %dma_wait3A_626 = tpu.memref_squeeze %dma_wait3A_625 : memref<1x8x1x128xf32, #tpu.memory_space<hbm>> -> memref<8x128xf32, #tpu.memory_space<hbm>>
      %dma_wait3A_627 = arith.constant 0 : i32
      %dma_wait3A_628 = arith.constant 0 : i32
      %dma_wait3A_629 = tpu.memref_slice %arg7[%dma_wait3A_613, %dma_wait3A_614, %dma_wait3A_627, %dma_wait3A_628] : memref<2x4x8x128xf32, #tpu.memory_space<vmem>> -> memref<1x1x8x128xf32, #tpu.memory_space<vmem>>
      %dma_wait3A_630 = tpu.memref_squeeze %dma_wait3A_629 : memref<1x1x8x128xf32, #tpu.memory_space<vmem>> -> memref<8x128xf32, #tpu.memory_space<vmem>>
      tpu.wait_dma2 semaphore(%arg8 : memref<!tpu.dma_semaphore, #tpu.memory_space<semaphore_mem>>) src(%dma_wait3A_630 : memref<8x128xf32, #tpu.memory_space<vmem>>) dst(%dma_wait3A_626 : memref<8x128xf32, #tpu.memory_space<hbm>>)
      %dma_wait3A_631 = arith.constant 1 : i32
      %dma_wait3A_632 = arith.constant 3 : i32
      %dma_wait3A_633 = arith.constant 0 : i32
      %dma_wait3A_634 = arith.constant 0 : i32
      %dma_wait3A_635 = tpu.memref_slice %arg7[%dma_wait3A_631, %dma_wait3A_632, %dma_wait3A_633, %dma_wait3A_634] : memref<2x4x8x128xf32, #tpu.memory_space<vmem>> -> memref<1x1x8x128xf32, #tpu.memory_space<vmem>>
      %dma_wait3A_636 = tpu.memref_squeeze %dma_wait3A_635 : memref<1x1x8x128xf32, #tpu.memory_space<vmem>> -> memref<8x128xf32, #tpu.memory_space<vmem>>
      %dma_wait3A_637 = arith.constant 56 : i32
      %dma_wait3A_638 = arith.constant 0 : i32
      %dma_wait3A_639 = tpu.memref_slice %arg4[%select_n3A_51, %dma_wait3A_637, %rem3A_53, %dma_wait3A_638] : memref<104x128x8x128xf32, #tpu.memory_space<hbm>> -> memref<1x8x1x128xf32, #tpu.memory_space<hbm>>
      %dma_wait3A_640 = tpu.memref_squeeze %dma_wait3A_639 : memref<1x8x1x128xf32, #tpu.memory_space<hbm>> -> memref<8x128xf32, #tpu.memory_space<hbm>>
      %dma_wait3A_641 = arith.constant 56 : i32
      %dma_wait3A_642 = arith.constant 0 : i32
      %dma_wait3A_643 = tpu.memref_slice %arg4[%select_n3A_51, %dma_wait3A_641, %rem3A_53, %dma_wait3A_642] : memref<104x128x8x128xf32, #tpu.memory_space<hbm>> -> memref<1x8x1x128xf32, #tpu.memory_space<hbm>>
      %dma_wait3A_644 = tpu.memref_squeeze %dma_wait3A_643 : memref<1x8x1x128xf32, #tpu.memory_space<hbm>> -> memref<8x128xf32, #tpu.memory_space<hbm>>
      %dma_wait3A_645 = arith.constant 0 : i32
      %dma_wait3A_646 = arith.constant 0 : i32
      %dma_wait3A_647 = tpu.memref_slice %arg7[%dma_wait3A_631, %dma_wait3A_632, %dma_wait3A_645, %dma_wait3A_646] : memref<2x4x8x128xf32, #tpu.memory_space<vmem>> -> memref<1x1x8x128xf32, #tpu.memory_space<vmem>>
      %dma_wait3A_648 = tpu.memref_squeeze %dma_wait3A_647 : memref<1x1x8x128xf32, #tpu.memory_space<vmem>> -> memref<8x128xf32, #tpu.memory_space<vmem>>
      tpu.wait_dma2 semaphore(%arg8 : memref<!tpu.dma_semaphore, #tpu.memory_space<semaphore_mem>>) src(%dma_wait3A_648 : memref<8x128xf32, #tpu.memory_space<vmem>>) dst(%dma_wait3A_644 : memref<8x128xf32, #tpu.memory_space<hbm>>)
      %parallel_loop3A_649 = arith.constant 0 : i32
      %parallel_loop3A_650 = arith.constant 64 : i32
      %parallel_loop3A_651 = arith.constant 1 : i32
      scf.for %parallel_loop3A_877 = %parallel_loop3A_649 to %parallel_loop3A_650 step %parallel_loop3A_651  : i32 {
        %parallel_loop3A_878 = arith.constant 16 : i32
        %parallel_loop3A_879 = arith.muli %parallel_loop3A_877, %parallel_loop3A_878 : i32
        %parallel_loop3A_880 = arith.constant 12288 : i32
        %parallel_loop3A_881 = arith.addi %parallel_loop3A_880, %parallel_loop3A_879 : i32
        %parallel_loop3A_882 = arith.index_cast %parallel_loop3A_881 : i32 to index
        %parallel_loop3A_883 = tpu.vector_load %arg6[%parallel_loop3A_882] {strides = array<i32>} : memref<16384xi32, #tpu.memory_space<vmem>>, vector<16xi32>,
        %parallel_loop3A_884 = tpu.vector_load_idx %arg5[%parallel_loop3A_883] : memref<100000xf32, #tpu.memory_space<vmem>>[vector<16xi32>], vector<16xf32>,
        %parallel_loop3A_885 = arith.constant 8 : i32
        %parallel_loop3A_886 = arith.divsi %parallel_loop3A_877, %parallel_loop3A_885 : i32
        %parallel_loop3A_887 = arith.constant 0 : i32
        %parallel_loop3A_888 = arith.cmpi sgt, %parallel_loop3A_877, %parallel_loop3A_887 : i32
        %parallel_loop3A_889 = arith.extui %parallel_loop3A_888 : i1 to i32
        %parallel_loop3A_890 = arith.constant 0 : i32
        %parallel_loop3A_891 = arith.cmpi slt, %parallel_loop3A_877, %parallel_loop3A_890 : i32
        %parallel_loop3A_892 = arith.extui %parallel_loop3A_891 : i1 to i32
        %parallel_loop3A_893 = arith.subi %parallel_loop3A_889, %parallel_loop3A_892 : i32
        %parallel_loop3A_894 = arith.constant 0 : i32
        %parallel_loop3A_895 = arith.cmpi sgt, %parallel_loop3A_885, %parallel_loop3A_894 : i32
        %parallel_loop3A_896 = arith.extui %parallel_loop3A_895 : i1 to i32
        %parallel_loop3A_897 = arith.constant 0 : i32
        %parallel_loop3A_898 = arith.cmpi slt, %parallel_loop3A_885, %parallel_loop3A_897 : i32
        %parallel_loop3A_899 = arith.extui %parallel_loop3A_898 : i1 to i32
        %parallel_loop3A_900 = arith.subi %parallel_loop3A_896, %parallel_loop3A_899 : i32
        %parallel_loop3A_901 = arith.cmpi ne, %parallel_loop3A_893, %parallel_loop3A_900 : i32
        %parallel_loop3A_902 = arith.remsi %parallel_loop3A_877, %parallel_loop3A_885 : i32
        %parallel_loop3A_903 = arith.constant 0 : i32
        %parallel_loop3A_904 = arith.cmpi ne, %parallel_loop3A_902, %parallel_loop3A_903 : i32
        %parallel_loop3A_905 = arith.andi %parallel_loop3A_901, %parallel_loop3A_904 : i1
        %parallel_loop3A_906 = arith.constant 1 : i32
        %parallel_loop3A_907 = arith.subi %parallel_loop3A_886, %parallel_loop3A_906 : i32
        %parallel_loop3A_908 = arith.select %parallel_loop3A_905, %parallel_loop3A_907, %parallel_loop3A_886 : i32
        %parallel_loop3A_909 = arith.constant 8 : i32
        %parallel_loop3A_910 = arith.constant 0 : i32
        %parallel_loop3A_911 = arith.cmpi eq, %parallel_loop3A_909, %parallel_loop3A_910 : i32
        %parallel_loop3A_912 = arith.constant 1 : i32
        %parallel_loop3A_913 = arith.select %parallel_loop3A_911, %parallel_loop3A_912, %parallel_loop3A_909 : i32
        %parallel_loop3A_914 = arith.remsi %parallel_loop3A_877, %parallel_loop3A_913 : i32
        %parallel_loop3A_915 = arith.constant 0 : i32
        %parallel_loop3A_916 = arith.cmpi ne, %parallel_loop3A_914, %parallel_loop3A_915 : i32
        %parallel_loop3A_917 = arith.constant 0 : i32
        %parallel_loop3A_918 = arith.cmpi slt, %parallel_loop3A_914, %parallel_loop3A_917 : i32
        %parallel_loop3A_919 = arith.constant 0 : i32
        %parallel_loop3A_920 = arith.cmpi slt, %parallel_loop3A_913, %parallel_loop3A_919 : i32
        %parallel_loop3A_921 = arith.xori %parallel_loop3A_918, %parallel_loop3A_920 : i1
        %parallel_loop3A_922 = arith.andi %parallel_loop3A_921, %parallel_loop3A_916 : i1
        %parallel_loop3A_923 = arith.addi %parallel_loop3A_914, %parallel_loop3A_913 : i32
        %parallel_loop3A_924 = arith.select %parallel_loop3A_922, %parallel_loop3A_923, %parallel_loop3A_914 : i32
        %parallel_loop3A_925 = arith.constant 16 : i32
        %parallel_loop3A_926 = arith.muli %parallel_loop3A_924, %parallel_loop3A_925 : i32
        %parallel_loop3A_927 = arith.constant 1 : i32
        %parallel_loop3A_928 = arith.constant 0 : i32
        %parallel_loop3A_929 = arith.index_cast %parallel_loop3A_927 : i32 to index
        %parallel_loop3A_930 = arith.index_cast %parallel_loop3A_928 : i32 to index
        %parallel_loop3A_931 = arith.index_cast %parallel_loop3A_908 : i32 to index
        %parallel_loop3A_932 = arith.index_cast %parallel_loop3A_926 : i32 to index
        %parallel_loop3A_933 = tpu.vector_load %arg7[%parallel_loop3A_929, %parallel_loop3A_930, %parallel_loop3A_931, %parallel_loop3A_932] {strides = array<i32>} : memref<2x4x8x128xf32, #tpu.memory_space<vmem>>, vector<16xf32>,
        tpu.vector_store %arg7[%parallel_loop3A_929, %parallel_loop3A_930, %parallel_loop3A_931, %parallel_loop3A_932], %parallel_loop3A_884 {strides = array<i32>} : memref<2x4x8x128xf32, #tpu.memory_space<vmem>>, vector<16xf32>,
      } {sc.loop_unroll_factor = 16 : i64, sc.parallel_access}
      %parallel_loop3A_652 = arith.constant 0 : i32
      %parallel_loop3A_653 = arith.constant 64 : i32
      %parallel_loop3A_654 = arith.constant 1 : i32
      scf.for %parallel_loop3A_877 = %parallel_loop3A_652 to %parallel_loop3A_653 step %parallel_loop3A_654  : i32 {
        %parallel_loop3A_878 = arith.constant 16 : i32
        %parallel_loop3A_879 = arith.muli %parallel_loop3A_877, %parallel_loop3A_878 : i32
        %parallel_loop3A_880 = arith.constant 13312 : i32
        %parallel_loop3A_881 = arith.addi %parallel_loop3A_880, %parallel_loop3A_879 : i32
        %parallel_loop3A_882 = arith.index_cast %parallel_loop3A_881 : i32 to index
        %parallel_loop3A_883 = tpu.vector_load %arg6[%parallel_loop3A_882] {strides = array<i32>} : memref<16384xi32, #tpu.memory_space<vmem>>, vector<16xi32>,
        %parallel_loop3A_884 = tpu.vector_load_idx %arg5[%parallel_loop3A_883] : memref<100000xf32, #tpu.memory_space<vmem>>[vector<16xi32>], vector<16xf32>,
        %parallel_loop3A_885 = arith.constant 8 : i32
        %parallel_loop3A_886 = arith.divsi %parallel_loop3A_877, %parallel_loop3A_885 : i32
        %parallel_loop3A_887 = arith.constant 0 : i32
        %parallel_loop3A_888 = arith.cmpi sgt, %parallel_loop3A_877, %parallel_loop3A_887 : i32
        %parallel_loop3A_889 = arith.extui %parallel_loop3A_888 : i1 to i32
        %parallel_loop3A_890 = arith.constant 0 : i32
        %parallel_loop3A_891 = arith.cmpi slt, %parallel_loop3A_877, %parallel_loop3A_890 : i32
        %parallel_loop3A_892 = arith.extui %parallel_loop3A_891 : i1 to i32
        %parallel_loop3A_893 = arith.subi %parallel_loop3A_889, %parallel_loop3A_892 : i32
        %parallel_loop3A_894 = arith.constant 0 : i32
        %parallel_loop3A_895 = arith.cmpi sgt, %parallel_loop3A_885, %parallel_loop3A_894 : i32
        %parallel_loop3A_896 = arith.extui %parallel_loop3A_895 : i1 to i32
        %parallel_loop3A_897 = arith.constant 0 : i32
        %parallel_loop3A_898 = arith.cmpi slt, %parallel_loop3A_885, %parallel_loop3A_897 : i32
        %parallel_loop3A_899 = arith.extui %parallel_loop3A_898 : i1 to i32
        %parallel_loop3A_900 = arith.subi %parallel_loop3A_896, %parallel_loop3A_899 : i32
        %parallel_loop3A_901 = arith.cmpi ne, %parallel_loop3A_893, %parallel_loop3A_900 : i32
        %parallel_loop3A_902 = arith.remsi %parallel_loop3A_877, %parallel_loop3A_885 : i32
        %parallel_loop3A_903 = arith.constant 0 : i32
        %parallel_loop3A_904 = arith.cmpi ne, %parallel_loop3A_902, %parallel_loop3A_903 : i32
        %parallel_loop3A_905 = arith.andi %parallel_loop3A_901, %parallel_loop3A_904 : i1
        %parallel_loop3A_906 = arith.constant 1 : i32
        %parallel_loop3A_907 = arith.subi %parallel_loop3A_886, %parallel_loop3A_906 : i32
        %parallel_loop3A_908 = arith.select %parallel_loop3A_905, %parallel_loop3A_907, %parallel_loop3A_886 : i32
        %parallel_loop3A_909 = arith.constant 8 : i32
        %parallel_loop3A_910 = arith.constant 0 : i32
        %parallel_loop3A_911 = arith.cmpi eq, %parallel_loop3A_909, %parallel_loop3A_910 : i32
        %parallel_loop3A_912 = arith.constant 1 : i32
        %parallel_loop3A_913 = arith.select %parallel_loop3A_911, %parallel_loop3A_912, %parallel_loop3A_909 : i32
        %parallel_loop3A_914 = arith.remsi %parallel_loop3A_877, %parallel_loop3A_913 : i32
        %parallel_loop3A_915 = arith.constant 0 : i32
        %parallel_loop3A_916 = arith.cmpi ne, %parallel_loop3A_914, %parallel_loop3A_915 : i32
        %parallel_loop3A_917 = arith.constant 0 : i32
        %parallel_loop3A_918 = arith.cmpi slt, %parallel_loop3A_914, %parallel_loop3A_917 : i32
        %parallel_loop3A_919 = arith.constant 0 : i32
        %parallel_loop3A_920 = arith.cmpi slt, %parallel_loop3A_913, %parallel_loop3A_919 : i32
        %parallel_loop3A_921 = arith.xori %parallel_loop3A_918, %parallel_loop3A_920 : i1
        %parallel_loop3A_922 = arith.andi %parallel_loop3A_921, %parallel_loop3A_916 : i1
        %parallel_loop3A_923 = arith.addi %parallel_loop3A_914, %parallel_loop3A_913 : i32
        %parallel_loop3A_924 = arith.select %parallel_loop3A_922, %parallel_loop3A_923, %parallel_loop3A_914 : i32
        %parallel_loop3A_925 = arith.constant 16 : i32
        %parallel_loop3A_926 = arith.muli %parallel_loop3A_924, %parallel_loop3A_925 : i32
        %parallel_loop3A_927 = arith.constant 1 : i32
        %parallel_loop3A_928 = arith.constant 1 : i32
        %parallel_loop3A_929 = arith.index_cast %parallel_loop3A_927 : i32 to index
        %parallel_loop3A_930 = arith.index_cast %parallel_loop3A_928 : i32 to index
        %parallel_loop3A_931 = arith.index_cast %parallel_loop3A_908 : i32 to index
        %parallel_loop3A_932 = arith.index_cast %parallel_loop3A_926 : i32 to index
        %parallel_loop3A_933 = tpu.vector_load %arg7[%parallel_loop3A_929, %parallel_loop3A_930, %parallel_loop3A_931, %parallel_loop3A_932] {strides = array<i32>} : memref<2x4x8x128xf32, #tpu.memory_space<vmem>>, vector<16xf32>,
        tpu.vector_store %arg7[%parallel_loop3A_929, %parallel_loop3A_930, %parallel_loop3A_931, %parallel_loop3A_932], %parallel_loop3A_884 {strides = array<i32>} : memref<2x4x8x128xf32, #tpu.memory_space<vmem>>, vector<16xf32>,
      } {sc.loop_unroll_factor = 16 : i64, sc.parallel_access}
      %parallel_loop3A_655 = arith.constant 0 : i32
      %parallel_loop3A_656 = arith.constant 64 : i32
      %parallel_loop3A_657 = arith.constant 1 : i32
      scf.for %parallel_loop3A_877 = %parallel_loop3A_655 to %parallel_loop3A_656 step %parallel_loop3A_657  : i32 {
        %parallel_loop3A_878 = arith.constant 16 : i32
        %parallel_loop3A_879 = arith.muli %parallel_loop3A_877, %parallel_loop3A_878 : i32
        %parallel_loop3A_880 = arith.constant 14336 : i32
        %parallel_loop3A_881 = arith.addi %parallel_loop3A_880, %parallel_loop3A_879 : i32
        %parallel_loop3A_882 = arith.index_cast %parallel_loop3A_881 : i32 to index
        %parallel_loop3A_883 = tpu.vector_load %arg6[%parallel_loop3A_882] {strides = array<i32>} : memref<16384xi32, #tpu.memory_space<vmem>>, vector<16xi32>,
        %parallel_loop3A_884 = tpu.vector_load_idx %arg5[%parallel_loop3A_883] : memref<100000xf32, #tpu.memory_space<vmem>>[vector<16xi32>], vector<16xf32>,
        %parallel_loop3A_885 = arith.constant 8 : i32
        %parallel_loop3A_886 = arith.divsi %parallel_loop3A_877, %parallel_loop3A_885 : i32
        %parallel_loop3A_887 = arith.constant 0 : i32
        %parallel_loop3A_888 = arith.cmpi sgt, %parallel_loop3A_877, %parallel_loop3A_887 : i32
        %parallel_loop3A_889 = arith.extui %parallel_loop3A_888 : i1 to i32
        %parallel_loop3A_890 = arith.constant 0 : i32
        %parallel_loop3A_891 = arith.cmpi slt, %parallel_loop3A_877, %parallel_loop3A_890 : i32
        %parallel_loop3A_892 = arith.extui %parallel_loop3A_891 : i1 to i32
        %parallel_loop3A_893 = arith.subi %parallel_loop3A_889, %parallel_loop3A_892 : i32
        %parallel_loop3A_894 = arith.constant 0 : i32
        %parallel_loop3A_895 = arith.cmpi sgt, %parallel_loop3A_885, %parallel_loop3A_894 : i32
        %parallel_loop3A_896 = arith.extui %parallel_loop3A_895 : i1 to i32
        %parallel_loop3A_897 = arith.constant 0 : i32
        %parallel_loop3A_898 = arith.cmpi slt, %parallel_loop3A_885, %parallel_loop3A_897 : i32
        %parallel_loop3A_899 = arith.extui %parallel_loop3A_898 : i1 to i32
        %parallel_loop3A_900 = arith.subi %parallel_loop3A_896, %parallel_loop3A_899 : i32
        %parallel_loop3A_901 = arith.cmpi ne, %parallel_loop3A_893, %parallel_loop3A_900 : i32
        %parallel_loop3A_902 = arith.remsi %parallel_loop3A_877, %parallel_loop3A_885 : i32
        %parallel_loop3A_903 = arith.constant 0 : i32
        %parallel_loop3A_904 = arith.cmpi ne, %parallel_loop3A_902, %parallel_loop3A_903 : i32
        %parallel_loop3A_905 = arith.andi %parallel_loop3A_901, %parallel_loop3A_904 : i1
        %parallel_loop3A_906 = arith.constant 1 : i32
        %parallel_loop3A_907 = arith.subi %parallel_loop3A_886, %parallel_loop3A_906 : i32
        %parallel_loop3A_908 = arith.select %parallel_loop3A_905, %parallel_loop3A_907, %parallel_loop3A_886 : i32
        %parallel_loop3A_909 = arith.constant 8 : i32
        %parallel_loop3A_910 = arith.constant 0 : i32
        %parallel_loop3A_911 = arith.cmpi eq, %parallel_loop3A_909, %parallel_loop3A_910 : i32
        %parallel_loop3A_912 = arith.constant 1 : i32
        %parallel_loop3A_913 = arith.select %parallel_loop3A_911, %parallel_loop3A_912, %parallel_loop3A_909 : i32
        %parallel_loop3A_914 = arith.remsi %parallel_loop3A_877, %parallel_loop3A_913 : i32
        %parallel_loop3A_915 = arith.constant 0 : i32
        %parallel_loop3A_916 = arith.cmpi ne, %parallel_loop3A_914, %parallel_loop3A_915 : i32
        %parallel_loop3A_917 = arith.constant 0 : i32
        %parallel_loop3A_918 = arith.cmpi slt, %parallel_loop3A_914, %parallel_loop3A_917 : i32
        %parallel_loop3A_919 = arith.constant 0 : i32
        %parallel_loop3A_920 = arith.cmpi slt, %parallel_loop3A_913, %parallel_loop3A_919 : i32
        %parallel_loop3A_921 = arith.xori %parallel_loop3A_918, %parallel_loop3A_920 : i1
        %parallel_loop3A_922 = arith.andi %parallel_loop3A_921, %parallel_loop3A_916 : i1
        %parallel_loop3A_923 = arith.addi %parallel_loop3A_914, %parallel_loop3A_913 : i32
        %parallel_loop3A_924 = arith.select %parallel_loop3A_922, %parallel_loop3A_923, %parallel_loop3A_914 : i32
        %parallel_loop3A_925 = arith.constant 16 : i32
        %parallel_loop3A_926 = arith.muli %parallel_loop3A_924, %parallel_loop3A_925 : i32
        %parallel_loop3A_927 = arith.constant 1 : i32
        %parallel_loop3A_928 = arith.constant 2 : i32
        %parallel_loop3A_929 = arith.index_cast %parallel_loop3A_927 : i32 to index
        %parallel_loop3A_930 = arith.index_cast %parallel_loop3A_928 : i32 to index
        %parallel_loop3A_931 = arith.index_cast %parallel_loop3A_908 : i32 to index
        %parallel_loop3A_932 = arith.index_cast %parallel_loop3A_926 : i32 to index
        %parallel_loop3A_933 = tpu.vector_load %arg7[%parallel_loop3A_929, %parallel_loop3A_930, %parallel_loop3A_931, %parallel_loop3A_932] {strides = array<i32>} : memref<2x4x8x128xf32, #tpu.memory_space<vmem>>, vector<16xf32>,
        tpu.vector_store %arg7[%parallel_loop3A_929, %parallel_loop3A_930, %parallel_loop3A_931, %parallel_loop3A_932], %parallel_loop3A_884 {strides = array<i32>} : memref<2x4x8x128xf32, #tpu.memory_space<vmem>>, vector<16xf32>,
      } {sc.loop_unroll_factor = 16 : i64, sc.parallel_access}
      %parallel_loop3A_658 = arith.constant 0 : i32
      %parallel_loop3A_659 = arith.constant 64 : i32
      %parallel_loop3A_660 = arith.constant 1 : i32
      scf.for %parallel_loop3A_877 = %parallel_loop3A_658 to %parallel_loop3A_659 step %parallel_loop3A_660  : i32 {
        %parallel_loop3A_878 = arith.constant 16 : i32
        %parallel_loop3A_879 = arith.muli %parallel_loop3A_877, %parallel_loop3A_878 : i32
        %parallel_loop3A_880 = arith.constant 15360 : i32
        %parallel_loop3A_881 = arith.addi %parallel_loop3A_880, %parallel_loop3A_879 : i32
        %parallel_loop3A_882 = arith.index_cast %parallel_loop3A_881 : i32 to index
        %parallel_loop3A_883 = tpu.vector_load %arg6[%parallel_loop3A_882] {strides = array<i32>} : memref<16384xi32, #tpu.memory_space<vmem>>, vector<16xi32>,
        %parallel_loop3A_884 = tpu.vector_load_idx %arg5[%parallel_loop3A_883] : memref<100000xf32, #tpu.memory_space<vmem>>[vector<16xi32>], vector<16xf32>,
        %parallel_loop3A_885 = arith.constant 8 : i32
        %parallel_loop3A_886 = arith.divsi %parallel_loop3A_877, %parallel_loop3A_885 : i32
        %parallel_loop3A_887 = arith.constant 0 : i32
        %parallel_loop3A_888 = arith.cmpi sgt, %parallel_loop3A_877, %parallel_loop3A_887 : i32
        %parallel_loop3A_889 = arith.extui %parallel_loop3A_888 : i1 to i32
        %parallel_loop3A_890 = arith.constant 0 : i32
        %parallel_loop3A_891 = arith.cmpi slt, %parallel_loop3A_877, %parallel_loop3A_890 : i32
        %parallel_loop3A_892 = arith.extui %parallel_loop3A_891 : i1 to i32
        %parallel_loop3A_893 = arith.subi %parallel_loop3A_889, %parallel_loop3A_892 : i32
        %parallel_loop3A_894 = arith.constant 0 : i32
        %parallel_loop3A_895 = arith.cmpi sgt, %parallel_loop3A_885, %parallel_loop3A_894 : i32
        %parallel_loop3A_896 = arith.extui %parallel_loop3A_895 : i1 to i32
        %parallel_loop3A_897 = arith.constant 0 : i32
        %parallel_loop3A_898 = arith.cmpi slt, %parallel_loop3A_885, %parallel_loop3A_897 : i32
        %parallel_loop3A_899 = arith.extui %parallel_loop3A_898 : i1 to i32
        %parallel_loop3A_900 = arith.subi %parallel_loop3A_896, %parallel_loop3A_899 : i32
        %parallel_loop3A_901 = arith.cmpi ne, %parallel_loop3A_893, %parallel_loop3A_900 : i32
        %parallel_loop3A_902 = arith.remsi %parallel_loop3A_877, %parallel_loop3A_885 : i32
        %parallel_loop3A_903 = arith.constant 0 : i32
        %parallel_loop3A_904 = arith.cmpi ne, %parallel_loop3A_902, %parallel_loop3A_903 : i32
        %parallel_loop3A_905 = arith.andi %parallel_loop3A_901, %parallel_loop3A_904 : i1
        %parallel_loop3A_906 = arith.constant 1 : i32
        %parallel_loop3A_907 = arith.subi %parallel_loop3A_886, %parallel_loop3A_906 : i32
        %parallel_loop3A_908 = arith.select %parallel_loop3A_905, %parallel_loop3A_907, %parallel_loop3A_886 : i32
        %parallel_loop3A_909 = arith.constant 8 : i32
        %parallel_loop3A_910 = arith.constant 0 : i32
        %parallel_loop3A_911 = arith.cmpi eq, %parallel_loop3A_909, %parallel_loop3A_910 : i32
        %parallel_loop3A_912 = arith.constant 1 : i32
        %parallel_loop3A_913 = arith.select %parallel_loop3A_911, %parallel_loop3A_912, %parallel_loop3A_909 : i32
        %parallel_loop3A_914 = arith.remsi %parallel_loop3A_877, %parallel_loop3A_913 : i32
        %parallel_loop3A_915 = arith.constant 0 : i32
        %parallel_loop3A_916 = arith.cmpi ne, %parallel_loop3A_914, %parallel_loop3A_915 : i32
        %parallel_loop3A_917 = arith.constant 0 : i32
        %parallel_loop3A_918 = arith.cmpi slt, %parallel_loop3A_914, %parallel_loop3A_917 : i32
        %parallel_loop3A_919 = arith.constant 0 : i32
        %parallel_loop3A_920 = arith.cmpi slt, %parallel_loop3A_913, %parallel_loop3A_919 : i32
        %parallel_loop3A_921 = arith.xori %parallel_loop3A_918, %parallel_loop3A_920 : i1
        %parallel_loop3A_922 = arith.andi %parallel_loop3A_921, %parallel_loop3A_916 : i1
        %parallel_loop3A_923 = arith.addi %parallel_loop3A_914, %parallel_loop3A_913 : i32
        %parallel_loop3A_924 = arith.select %parallel_loop3A_922, %parallel_loop3A_923, %parallel_loop3A_914 : i32
        %parallel_loop3A_925 = arith.constant 16 : i32
        %parallel_loop3A_926 = arith.muli %parallel_loop3A_924, %parallel_loop3A_925 : i32
        %parallel_loop3A_927 = arith.constant 1 : i32
        %parallel_loop3A_928 = arith.constant 3 : i32
        %parallel_loop3A_929 = arith.index_cast %parallel_loop3A_927 : i32 to index
        %parallel_loop3A_930 = arith.index_cast %parallel_loop3A_928 : i32 to index
        %parallel_loop3A_931 = arith.index_cast %parallel_loop3A_908 : i32 to index
        %parallel_loop3A_932 = arith.index_cast %parallel_loop3A_926 : i32 to index
        %parallel_loop3A_933 = tpu.vector_load %arg7[%parallel_loop3A_929, %parallel_loop3A_930, %parallel_loop3A_931, %parallel_loop3A_932] {strides = array<i32>} : memref<2x4x8x128xf32, #tpu.memory_space<vmem>>, vector<16xf32>,
        tpu.vector_store %arg7[%parallel_loop3A_929, %parallel_loop3A_930, %parallel_loop3A_931, %parallel_loop3A_932], %parallel_loop3A_884 {strides = array<i32>} : memref<2x4x8x128xf32, #tpu.memory_space<vmem>>, vector<16xf32>,
      } {sc.loop_unroll_factor = 16 : i64, sc.parallel_access}
      %dma_start3A_661 = arith.constant 1 : i32
      %dma_start3A_662 = arith.constant 0 : i32
      %dma_start3A_663 = arith.constant 0 : i32
      %dma_start3A_664 = arith.constant 0 : i32
      %dma_start3A_665 = tpu.memref_slice %arg7[%dma_start3A_661, %dma_start3A_662, %dma_start3A_663, %dma_start3A_664] : memref<2x4x8x128xf32, #tpu.memory_space<vmem>> -> memref<1x1x8x128xf32, #tpu.memory_space<vmem>>
      %dma_start3A_666 = tpu.memref_squeeze %dma_start3A_665 : memref<1x1x8x128xf32, #tpu.memory_space<vmem>> -> memref<8x128xf32, #tpu.memory_space<vmem>>
      %dma_start3A_667 = arith.constant 96 : i32
      %dma_start3A_668 = arith.constant 0 : i32
      %dma_start3A_669 = tpu.memref_slice %arg4[%select_n3A_51, %dma_start3A_667, %rem3A_53, %dma_start3A_668] : memref<104x128x8x128xf32, #tpu.memory_space<hbm>> -> memref<1x8x1x128xf32, #tpu.memory_space<hbm>>
      %dma_start3A_670 = tpu.memref_squeeze %dma_start3A_669 : memref<1x8x1x128xf32, #tpu.memory_space<hbm>> -> memref<8x128xf32, #tpu.memory_space<hbm>>
      %dma_start3A_671 = arith.constant 96 : i32
      %dma_start3A_672 = arith.constant 0 : i32
      %dma_start3A_673 = tpu.memref_slice %arg4[%select_n3A_51, %dma_start3A_671, %rem3A_53, %dma_start3A_672] : memref<104x128x8x128xf32, #tpu.memory_space<hbm>> -> memref<1x8x1x128xf32, #tpu.memory_space<hbm>>
      %dma_start3A_674 = tpu.memref_squeeze %dma_start3A_673 : memref<1x8x1x128xf32, #tpu.memory_space<hbm>> -> memref<8x128xf32, #tpu.memory_space<hbm>>
      %dma_start3A_675 = arith.constant 0 : i32
      %dma_start3A_676 = arith.constant 0 : i32
      %dma_start3A_677 = tpu.memref_slice %arg7[%dma_start3A_661, %dma_start3A_662, %dma_start3A_675, %dma_start3A_676] : memref<2x4x8x128xf32, #tpu.memory_space<vmem>> -> memref<1x1x8x128xf32, #tpu.memory_space<vmem>>
      %dma_start3A_678 = tpu.memref_squeeze %dma_start3A_677 : memref<1x1x8x128xf32, #tpu.memory_space<vmem>> -> memref<8x128xf32, #tpu.memory_space<vmem>>
      tpu.enqueue_dma source(%dma_start3A_678 : memref<8x128xf32, #tpu.memory_space<vmem>>) target(%dma_start3A_674 : memref<8x128xf32, #tpu.memory_space<hbm>>) target_semaphore(%arg8 : memref<!tpu.dma_semaphore, #tpu.memory_space<semaphore_mem>>)
      %dma_start3A_679 = arith.constant 1 : i32
      %dma_start3A_680 = arith.constant 1 : i32
      %dma_start3A_681 = arith.constant 0 : i32
      %dma_start3A_682 = arith.constant 0 : i32
      %dma_start3A_683 = tpu.memref_slice %arg7[%dma_start3A_679, %dma_start3A_680, %dma_start3A_681, %dma_start3A_682] : memref<2x4x8x128xf32, #tpu.memory_space<vmem>> -> memref<1x1x8x128xf32, #tpu.memory_space<vmem>>
      %dma_start3A_684 = tpu.memref_squeeze %dma_start3A_683 : memref<1x1x8x128xf32, #tpu.memory_space<vmem>> -> memref<8x128xf32, #tpu.memory_space<vmem>>
      %dma_start3A_685 = arith.constant 104 : i32
      %dma_start3A_686 = arith.constant 0 : i32
      %dma_start3A_687 = tpu.memref_slice %arg4[%select_n3A_51, %dma_start3A_685, %rem3A_53, %dma_start3A_686] : memref<104x128x8x128xf32, #tpu.memory_space<hbm>> -> memref<1x8x1x128xf32, #tpu.memory_space<hbm>>
      %dma_start3A_688 = tpu.memref_squeeze %dma_start3A_687 : memref<1x8x1x128xf32, #tpu.memory_space<hbm>> -> memref<8x128xf32, #tpu.memory_space<hbm>>
      %dma_start3A_689 = arith.constant 104 : i32
      %dma_start3A_690 = arith.constant 0 : i32
      %dma_start3A_691 = tpu.memref_slice %arg4[%select_n3A_51, %dma_start3A_689, %rem3A_53, %dma_start3A_690] : memref<104x128x8x128xf32, #tpu.memory_space<hbm>> -> memref<1x8x1x128xf32, #tpu.memory_space<hbm>>
      %dma_start3A_692 = tpu.memref_squeeze %dma_start3A_691 : memref<1x8x1x128xf32, #tpu.memory_space<hbm>> -> memref<8x128xf32, #tpu.memory_space<hbm>>
      %dma_start3A_693 = arith.constant 0 : i32
      %dma_start3A_694 = arith.constant 0 : i32
      %dma_start3A_695 = tpu.memref_slice %arg7[%dma_start3A_679, %dma_start3A_680, %dma_start3A_693, %dma_start3A_694] : memref<2x4x8x128xf32, #tpu.memory_space<vmem>> -> memref<1x1x8x128xf32, #tpu.memory_space<vmem>>
      %dma_start3A_696 = tpu.memref_squeeze %dma_start3A_695 : memref<1x1x8x128xf32, #tpu.memory_space<vmem>> -> memref<8x128xf32, #tpu.memory_space<vmem>>
      tpu.enqueue_dma source(%dma_start3A_696 : memref<8x128xf32, #tpu.memory_space<vmem>>) target(%dma_start3A_692 : memref<8x128xf32, #tpu.memory_space<hbm>>) target_semaphore(%arg8 : memref<!tpu.dma_semaphore, #tpu.memory_space<semaphore_mem>>)
      %dma_start3A_697 = arith.constant 1 : i32
      %dma_start3A_698 = arith.constant 2 : i32
      %dma_start3A_699 = arith.constant 0 : i32
      %dma_start3A_700 = arith.constant 0 : i32
      %dma_start3A_701 = tpu.memref_slice %arg7[%dma_start3A_697, %dma_start3A_698, %dma_start3A_699, %dma_start3A_700] : memref<2x4x8x128xf32, #tpu.memory_space<vmem>> -> memref<1x1x8x128xf32, #tpu.memory_space<vmem>>
      %dma_start3A_702 = tpu.memref_squeeze %dma_start3A_701 : memref<1x1x8x128xf32, #tpu.memory_space<vmem>> -> memref<8x128xf32, #tpu.memory_space<vmem>>
      %dma_start3A_703 = arith.constant 112 : i32
      %dma_start3A_704 = arith.constant 0 : i32
      %dma_start3A_705 = tpu.memref_slice %arg4[%select_n3A_51, %dma_start3A_703, %rem3A_53, %dma_start3A_704] : memref<104x128x8x128xf32, #tpu.memory_space<hbm>> -> memref<1x8x1x128xf32, #tpu.memory_space<hbm>>
      %dma_start3A_706 = tpu.memref_squeeze %dma_start3A_705 : memref<1x8x1x128xf32, #tpu.memory_space<hbm>> -> memref<8x128xf32, #tpu.memory_space<hbm>>
      %dma_start3A_707 = arith.constant 112 : i32
      %dma_start3A_708 = arith.constant 0 : i32
      %dma_start3A_709 = tpu.memref_slice %arg4[%select_n3A_51, %dma_start3A_707, %rem3A_53, %dma_start3A_708] : memref<104x128x8x128xf32, #tpu.memory_space<hbm>> -> memref<1x8x1x128xf32, #tpu.memory_space<hbm>>
      %dma_start3A_710 = tpu.memref_squeeze %dma_start3A_709 : memref<1x8x1x128xf32, #tpu.memory_space<hbm>> -> memref<8x128xf32, #tpu.memory_space<hbm>>
      %dma_start3A_711 = arith.constant 0 : i32
      %dma_start3A_712 = arith.constant 0 : i32
      %dma_start3A_713 = tpu.memref_slice %arg7[%dma_start3A_697, %dma_start3A_698, %dma_start3A_711, %dma_start3A_712] : memref<2x4x8x128xf32, #tpu.memory_space<vmem>> -> memref<1x1x8x128xf32, #tpu.memory_space<vmem>>
      %dma_start3A_714 = tpu.memref_squeeze %dma_start3A_713 : memref<1x1x8x128xf32, #tpu.memory_space<vmem>> -> memref<8x128xf32, #tpu.memory_space<vmem>>
      tpu.enqueue_dma source(%dma_start3A_714 : memref<8x128xf32, #tpu.memory_space<vmem>>) target(%dma_start3A_710 : memref<8x128xf32, #tpu.memory_space<hbm>>) target_semaphore(%arg8 : memref<!tpu.dma_semaphore, #tpu.memory_space<semaphore_mem>>)
      %dma_start3A_715 = arith.constant 1 : i32
      %dma_start3A_716 = arith.constant 3 : i32
      %dma_start3A_717 = arith.constant 0 : i32
      %dma_start3A_718 = arith.constant 0 : i32
      %dma_start3A_719 = tpu.memref_slice %arg7[%dma_start3A_715, %dma_start3A_716, %dma_start3A_717, %dma_start3A_718] : memref<2x4x8x128xf32, #tpu.memory_space<vmem>> -> memref<1x1x8x128xf32, #tpu.memory_space<vmem>>
      %dma_start3A_720 = tpu.memref_squeeze %dma_start3A_719 : memref<1x1x8x128xf32, #tpu.memory_space<vmem>> -> memref<8x128xf32, #tpu.memory_space<vmem>>
      %dma_start3A_721 = arith.constant 120 : i32
      %dma_start3A_722 = arith.constant 0 : i32
      %dma_start3A_723 = tpu.memref_slice %arg4[%select_n3A_51, %dma_start3A_721, %rem3A_53, %dma_start3A_722] : memref<104x128x8x128xf32, #tpu.memory_space<hbm>> -> memref<1x8x1x128xf32, #tpu.memory_space<hbm>>
      %dma_start3A_724 = tpu.memref_squeeze %dma_start3A_723 : memref<1x8x1x128xf32, #tpu.memory_space<hbm>> -> memref<8x128xf32, #tpu.memory_space<hbm>>
      %dma_start3A_725 = arith.constant 120 : i32
      %dma_start3A_726 = arith.constant 0 : i32
      %dma_start3A_727 = tpu.memref_slice %arg4[%select_n3A_51, %dma_start3A_725, %rem3A_53, %dma_start3A_726] : memref<104x128x8x128xf32, #tpu.memory_space<hbm>> -> memref<1x8x1x128xf32, #tpu.memory_space<hbm>>
      %dma_start3A_728 = tpu.memref_squeeze %dma_start3A_727 : memref<1x8x1x128xf32, #tpu.memory_space<hbm>> -> memref<8x128xf32, #tpu.memory_space<hbm>>
      %dma_start3A_729 = arith.constant 0 : i32
      %dma_start3A_730 = arith.constant 0 : i32
      %dma_start3A_731 = tpu.memref_slice %arg7[%dma_start3A_715, %dma_start3A_716, %dma_start3A_729, %dma_start3A_730] : memref<2x4x8x128xf32, #tpu.memory_space<vmem>> -> memref<1x1x8x128xf32, #tpu.memory_space<vmem>>
      %dma_start3A_732 = tpu.memref_squeeze %dma_start3A_731 : memref<1x1x8x128xf32, #tpu.memory_space<vmem>> -> memref<8x128xf32, #tpu.memory_space<vmem>>
      tpu.enqueue_dma source(%dma_start3A_732 : memref<8x128xf32, #tpu.memory_space<vmem>>) target(%dma_start3A_728 : memref<8x128xf32, #tpu.memory_space<hbm>>) target_semaphore(%arg8 : memref<!tpu.dma_semaphore, #tpu.memory_space<semaphore_mem>>)
      %dma_wait3A_733 = arith.constant 0 : i32
      %dma_wait3A_734 = arith.constant 0 : i32
      %dma_wait3A_735 = arith.constant 0 : i32
      %dma_wait3A_736 = arith.constant 0 : i32
      %dma_wait3A_737 = tpu.memref_slice %arg7[%dma_wait3A_733, %dma_wait3A_734, %dma_wait3A_735, %dma_wait3A_736] : memref<2x4x8x128xf32, #tpu.memory_space<vmem>> -> memref<1x1x8x128xf32, #tpu.memory_space<vmem>>
      %dma_wait3A_738 = tpu.memref_squeeze %dma_wait3A_737 : memref<1x1x8x128xf32, #tpu.memory_space<vmem>> -> memref<8x128xf32, #tpu.memory_space<vmem>>
      %dma_wait3A_739 = arith.constant 64 : i32
      %dma_wait3A_740 = arith.constant 0 : i32
      %dma_wait3A_741 = tpu.memref_slice %arg4[%select_n3A_51, %dma_wait3A_739, %rem3A_53, %dma_wait3A_740] : memref<104x128x8x128xf32, #tpu.memory_space<hbm>> -> memref<1x8x1x128xf32, #tpu.memory_space<hbm>>
      %dma_wait3A_742 = tpu.memref_squeeze %dma_wait3A_741 : memref<1x8x1x128xf32, #tpu.memory_space<hbm>> -> memref<8x128xf32, #tpu.memory_space<hbm>>
      %dma_wait3A_743 = arith.constant 64 : i32
      %dma_wait3A_744 = arith.constant 0 : i32
      %dma_wait3A_745 = tpu.memref_slice %arg4[%select_n3A_51, %dma_wait3A_743, %rem3A_53, %dma_wait3A_744] : memref<104x128x8x128xf32, #tpu.memory_space<hbm>> -> memref<1x8x1x128xf32, #tpu.memory_space<hbm>>
      %dma_wait3A_746 = tpu.memref_squeeze %dma_wait3A_745 : memref<1x8x1x128xf32, #tpu.memory_space<hbm>> -> memref<8x128xf32, #tpu.memory_space<hbm>>
      %dma_wait3A_747 = arith.constant 0 : i32
      %dma_wait3A_748 = arith.constant 0 : i32
      %dma_wait3A_749 = tpu.memref_slice %arg7[%dma_wait3A_733, %dma_wait3A_734, %dma_wait3A_747, %dma_wait3A_748] : memref<2x4x8x128xf32, #tpu.memory_space<vmem>> -> memref<1x1x8x128xf32, #tpu.memory_space<vmem>>
      %dma_wait3A_750 = tpu.memref_squeeze %dma_wait3A_749 : memref<1x1x8x128xf32, #tpu.memory_space<vmem>> -> memref<8x128xf32, #tpu.memory_space<vmem>>
      tpu.wait_dma2 semaphore(%arg8 : memref<!tpu.dma_semaphore, #tpu.memory_space<semaphore_mem>>) src(%dma_wait3A_750 : memref<8x128xf32, #tpu.memory_space<vmem>>) dst(%dma_wait3A_746 : memref<8x128xf32, #tpu.memory_space<hbm>>)
      %dma_wait3A_751 = arith.constant 0 : i32
      %dma_wait3A_752 = arith.constant 1 : i32
      %dma_wait3A_753 = arith.constant 0 : i32
      %dma_wait3A_754 = arith.constant 0 : i32
      %dma_wait3A_755 = tpu.memref_slice %arg7[%dma_wait3A_751, %dma_wait3A_752, %dma_wait3A_753, %dma_wait3A_754] : memref<2x4x8x128xf32, #tpu.memory_space<vmem>> -> memref<1x1x8x128xf32, #tpu.memory_space<vmem>>
      %dma_wait3A_756 = tpu.memref_squeeze %dma_wait3A_755 : memref<1x1x8x128xf32, #tpu.memory_space<vmem>> -> memref<8x128xf32, #tpu.memory_space<vmem>>
      %dma_wait3A_757 = arith.constant 72 : i32
      %dma_wait3A_758 = arith.constant 0 : i32
      %dma_wait3A_759 = tpu.memref_slice %arg4[%select_n3A_51, %dma_wait3A_757, %rem3A_53, %dma_wait3A_758] : memref<104x128x8x128xf32, #tpu.memory_space<hbm>> -> memref<1x8x1x128xf32, #tpu.memory_space<hbm>>
      %dma_wait3A_760 = tpu.memref_squeeze %dma_wait3A_759 : memref<1x8x1x128xf32, #tpu.memory_space<hbm>> -> memref<8x128xf32, #tpu.memory_space<hbm>>
      %dma_wait3A_761 = arith.constant 72 : i32
      %dma_wait3A_762 = arith.constant 0 : i32
      %dma_wait3A_763 = tpu.memref_slice %arg4[%select_n3A_51, %dma_wait3A_761, %rem3A_53, %dma_wait3A_762] : memref<104x128x8x128xf32, #tpu.memory_space<hbm>> -> memref<1x8x1x128xf32, #tpu.memory_space<hbm>>
      %dma_wait3A_764 = tpu.memref_squeeze %dma_wait3A_763 : memref<1x8x1x128xf32, #tpu.memory_space<hbm>> -> memref<8x128xf32, #tpu.memory_space<hbm>>
      %dma_wait3A_765 = arith.constant 0 : i32
      %dma_wait3A_766 = arith.constant 0 : i32
      %dma_wait3A_767 = tpu.memref_slice %arg7[%dma_wait3A_751, %dma_wait3A_752, %dma_wait3A_765, %dma_wait3A_766] : memref<2x4x8x128xf32, #tpu.memory_space<vmem>> -> memref<1x1x8x128xf32, #tpu.memory_space<vmem>>
      %dma_wait3A_768 = tpu.memref_squeeze %dma_wait3A_767 : memref<1x1x8x128xf32, #tpu.memory_space<vmem>> -> memref<8x128xf32, #tpu.memory_space<vmem>>
      tpu.wait_dma2 semaphore(%arg8 : memref<!tpu.dma_semaphore, #tpu.memory_space<semaphore_mem>>) src(%dma_wait3A_768 : memref<8x128xf32, #tpu.memory_space<vmem>>) dst(%dma_wait3A_764 : memref<8x128xf32, #tpu.memory_space<hbm>>)
      %dma_wait3A_769 = arith.constant 0 : i32
      %dma_wait3A_770 = arith.constant 2 : i32
      %dma_wait3A_771 = arith.constant 0 : i32
      %dma_wait3A_772 = arith.constant 0 : i32
      %dma_wait3A_773 = tpu.memref_slice %arg7[%dma_wait3A_769, %dma_wait3A_770, %dma_wait3A_771, %dma_wait3A_772] : memref<2x4x8x128xf32, #tpu.memory_space<vmem>> -> memref<1x1x8x128xf32, #tpu.memory_space<vmem>>
      %dma_wait3A_774 = tpu.memref_squeeze %dma_wait3A_773 : memref<1x1x8x128xf32, #tpu.memory_space<vmem>> -> memref<8x128xf32, #tpu.memory_space<vmem>>
      %dma_wait3A_775 = arith.constant 80 : i32
      %dma_wait3A_776 = arith.constant 0 : i32
      %dma_wait3A_777 = tpu.memref_slice %arg4[%select_n3A_51, %dma_wait3A_775, %rem3A_53, %dma_wait3A_776] : memref<104x128x8x128xf32, #tpu.memory_space<hbm>> -> memref<1x8x1x128xf32, #tpu.memory_space<hbm>>
      %dma_wait3A_778 = tpu.memref_squeeze %dma_wait3A_777 : memref<1x8x1x128xf32, #tpu.memory_space<hbm>> -> memref<8x128xf32, #tpu.memory_space<hbm>>
      %dma_wait3A_779 = arith.constant 80 : i32
      %dma_wait3A_780 = arith.constant 0 : i32
      %dma_wait3A_781 = tpu.memref_slice %arg4[%select_n3A_51, %dma_wait3A_779, %rem3A_53, %dma_wait3A_780] : memref<104x128x8x128xf32, #tpu.memory_space<hbm>> -> memref<1x8x1x128xf32, #tpu.memory_space<hbm>>
      %dma_wait3A_782 = tpu.memref_squeeze %dma_wait3A_781 : memref<1x8x1x128xf32, #tpu.memory_space<hbm>> -> memref<8x128xf32, #tpu.memory_space<hbm>>
      %dma_wait3A_783 = arith.constant 0 : i32
      %dma_wait3A_784 = arith.constant 0 : i32
      %dma_wait3A_785 = tpu.memref_slice %arg7[%dma_wait3A_769, %dma_wait3A_770, %dma_wait3A_783, %dma_wait3A_784] : memref<2x4x8x128xf32, #tpu.memory_space<vmem>> -> memref<1x1x8x128xf32, #tpu.memory_space<vmem>>
      %dma_wait3A_786 = tpu.memref_squeeze %dma_wait3A_785 : memref<1x1x8x128xf32, #tpu.memory_space<vmem>> -> memref<8x128xf32, #tpu.memory_space<vmem>>
      tpu.wait_dma2 semaphore(%arg8 : memref<!tpu.dma_semaphore, #tpu.memory_space<semaphore_mem>>) src(%dma_wait3A_786 : memref<8x128xf32, #tpu.memory_space<vmem>>) dst(%dma_wait3A_782 : memref<8x128xf32, #tpu.memory_space<hbm>>)
      %dma_wait3A_787 = arith.constant 0 : i32
      %dma_wait3A_788 = arith.constant 3 : i32
      %dma_wait3A_789 = arith.constant 0 : i32
      %dma_wait3A_790 = arith.constant 0 : i32
      %dma_wait3A_791 = tpu.memref_slice %arg7[%dma_wait3A_787, %dma_wait3A_788, %dma_wait3A_789, %dma_wait3A_790] : memref<2x4x8x128xf32, #tpu.memory_space<vmem>> -> memref<1x1x8x128xf32, #tpu.memory_space<vmem>>
      %dma_wait3A_792 = tpu.memref_squeeze %dma_wait3A_791 : memref<1x1x8x128xf32, #tpu.memory_space<vmem>> -> memref<8x128xf32, #tpu.memory_space<vmem>>
      %dma_wait3A_793 = arith.constant 88 : i32
      %dma_wait3A_794 = arith.constant 0 : i32
      %dma_wait3A_795 = tpu.memref_slice %arg4[%select_n3A_51, %dma_wait3A_793, %rem3A_53, %dma_wait3A_794] : memref<104x128x8x128xf32, #tpu.memory_space<hbm>> -> memref<1x8x1x128xf32, #tpu.memory_space<hbm>>
      %dma_wait3A_796 = tpu.memref_squeeze %dma_wait3A_795 : memref<1x8x1x128xf32, #tpu.memory_space<hbm>> -> memref<8x128xf32, #tpu.memory_space<hbm>>
      %dma_wait3A_797 = arith.constant 88 : i32
      %dma_wait3A_798 = arith.constant 0 : i32
      %dma_wait3A_799 = tpu.memref_slice %arg4[%select_n3A_51, %dma_wait3A_797, %rem3A_53, %dma_wait3A_798] : memref<104x128x8x128xf32, #tpu.memory_space<hbm>> -> memref<1x8x1x128xf32, #tpu.memory_space<hbm>>
      %dma_wait3A_800 = tpu.memref_squeeze %dma_wait3A_799 : memref<1x8x1x128xf32, #tpu.memory_space<hbm>> -> memref<8x128xf32, #tpu.memory_space<hbm>>
      %dma_wait3A_801 = arith.constant 0 : i32
      %dma_wait3A_802 = arith.constant 0 : i32
      %dma_wait3A_803 = tpu.memref_slice %arg7[%dma_wait3A_787, %dma_wait3A_788, %dma_wait3A_801, %dma_wait3A_802] : memref<2x4x8x128xf32, #tpu.memory_space<vmem>> -> memref<1x1x8x128xf32, #tpu.memory_space<vmem>>
      %dma_wait3A_804 = tpu.memref_squeeze %dma_wait3A_803 : memref<1x1x8x128xf32, #tpu.memory_space<vmem>> -> memref<8x128xf32, #tpu.memory_space<vmem>>
      tpu.wait_dma2 semaphore(%arg8 : memref<!tpu.dma_semaphore, #tpu.memory_space<semaphore_mem>>) src(%dma_wait3A_804 : memref<8x128xf32, #tpu.memory_space<vmem>>) dst(%dma_wait3A_800 : memref<8x128xf32, #tpu.memory_space<hbm>>)
      %dma_wait3A_805 = arith.constant 1 : i32
      %dma_wait3A_806 = arith.constant 0 : i32
      %dma_wait3A_807 = arith.constant 0 : i32
      %dma_wait3A_808 = arith.constant 0 : i32
      %dma_wait3A_809 = tpu.memref_slice %arg7[%dma_wait3A_805, %dma_wait3A_806, %dma_wait3A_807, %dma_wait3A_808] : memref<2x4x8x128xf32, #tpu.memory_space<vmem>> -> memref<1x1x8x128xf32, #tpu.memory_space<vmem>>
      %dma_wait3A_810 = tpu.memref_squeeze %dma_wait3A_809 : memref<1x1x8x128xf32, #tpu.memory_space<vmem>> -> memref<8x128xf32, #tpu.memory_space<vmem>>
      %dma_wait3A_811 = arith.constant 96 : i32
      %dma_wait3A_812 = arith.constant 0 : i32
      %dma_wait3A_813 = tpu.memref_slice %arg4[%select_n3A_51, %dma_wait3A_811, %rem3A_53, %dma_wait3A_812] : memref<104x128x8x128xf32, #tpu.memory_space<hbm>> -> memref<1x8x1x128xf32, #tpu.memory_space<hbm>>
      %dma_wait3A_814 = tpu.memref_squeeze %dma_wait3A_813 : memref<1x8x1x128xf32, #tpu.memory_space<hbm>> -> memref<8x128xf32, #tpu.memory_space<hbm>>
      %dma_wait3A_815 = arith.constant 96 : i32
      %dma_wait3A_816 = arith.constant 0 : i32
      %dma_wait3A_817 = tpu.memref_slice %arg4[%select_n3A_51, %dma_wait3A_815, %rem3A_53, %dma_wait3A_816] : memref<104x128x8x128xf32, #tpu.memory_space<hbm>> -> memref<1x8x1x128xf32, #tpu.memory_space<hbm>>
      %dma_wait3A_818 = tpu.memref_squeeze %dma_wait3A_817 : memref<1x8x1x128xf32, #tpu.memory_space<hbm>> -> memref<8x128xf32, #tpu.memory_space<hbm>>
      %dma_wait3A_819 = arith.constant 0 : i32
      %dma_wait3A_820 = arith.constant 0 : i32
      %dma_wait3A_821 = tpu.memref_slice %arg7[%dma_wait3A_805, %dma_wait3A_806, %dma_wait3A_819, %dma_wait3A_820] : memref<2x4x8x128xf32, #tpu.memory_space<vmem>> -> memref<1x1x8x128xf32, #tpu.memory_space<vmem>>
      %dma_wait3A_822 = tpu.memref_squeeze %dma_wait3A_821 : memref<1x1x8x128xf32, #tpu.memory_space<vmem>> -> memref<8x128xf32, #tpu.memory_space<vmem>>
      tpu.wait_dma2 semaphore(%arg8 : memref<!tpu.dma_semaphore, #tpu.memory_space<semaphore_mem>>) src(%dma_wait3A_822 : memref<8x128xf32, #tpu.memory_space<vmem>>) dst(%dma_wait3A_818 : memref<8x128xf32, #tpu.memory_space<hbm>>)
      %dma_wait3A_823 = arith.constant 1 : i32
      %dma_wait3A_824 = arith.constant 1 : i32
      %dma_wait3A_825 = arith.constant 0 : i32
      %dma_wait3A_826 = arith.constant 0 : i32
      %dma_wait3A_827 = tpu.memref_slice %arg7[%dma_wait3A_823, %dma_wait3A_824, %dma_wait3A_825, %dma_wait3A_826] : memref<2x4x8x128xf32, #tpu.memory_space<vmem>> -> memref<1x1x8x128xf32, #tpu.memory_space<vmem>>
      %dma_wait3A_828 = tpu.memref_squeeze %dma_wait3A_827 : memref<1x1x8x128xf32, #tpu.memory_space<vmem>> -> memref<8x128xf32, #tpu.memory_space<vmem>>
      %dma_wait3A_829 = arith.constant 104 : i32
      %dma_wait3A_830 = arith.constant 0 : i32
      %dma_wait3A_831 = tpu.memref_slice %arg4[%select_n3A_51, %dma_wait3A_829, %rem3A_53, %dma_wait3A_830] : memref<104x128x8x128xf32, #tpu.memory_space<hbm>> -> memref<1x8x1x128xf32, #tpu.memory_space<hbm>>
      %dma_wait3A_832 = tpu.memref_squeeze %dma_wait3A_831 : memref<1x8x1x128xf32, #tpu.memory_space<hbm>> -> memref<8x128xf32, #tpu.memory_space<hbm>>
      %dma_wait3A_833 = arith.constant 104 : i32
      %dma_wait3A_834 = arith.constant 0 : i32
      %dma_wait3A_835 = tpu.memref_slice %arg4[%select_n3A_51, %dma_wait3A_833, %rem3A_53, %dma_wait3A_834] : memref<104x128x8x128xf32, #tpu.memory_space<hbm>> -> memref<1x8x1x128xf32, #tpu.memory_space<hbm>>
      %dma_wait3A_836 = tpu.memref_squeeze %dma_wait3A_835 : memref<1x8x1x128xf32, #tpu.memory_space<hbm>> -> memref<8x128xf32, #tpu.memory_space<hbm>>
      %dma_wait3A_837 = arith.constant 0 : i32
      %dma_wait3A_838 = arith.constant 0 : i32
      %dma_wait3A_839 = tpu.memref_slice %arg7[%dma_wait3A_823, %dma_wait3A_824, %dma_wait3A_837, %dma_wait3A_838] : memref<2x4x8x128xf32, #tpu.memory_space<vmem>> -> memref<1x1x8x128xf32, #tpu.memory_space<vmem>>
      %dma_wait3A_840 = tpu.memref_squeeze %dma_wait3A_839 : memref<1x1x8x128xf32, #tpu.memory_space<vmem>> -> memref<8x128xf32, #tpu.memory_space<vmem>>
      tpu.wait_dma2 semaphore(%arg8 : memref<!tpu.dma_semaphore, #tpu.memory_space<semaphore_mem>>) src(%dma_wait3A_840 : memref<8x128xf32, #tpu.memory_space<vmem>>) dst(%dma_wait3A_836 : memref<8x128xf32, #tpu.memory_space<hbm>>)
      %dma_wait3A_841 = arith.constant 1 : i32
      %dma_wait3A_842 = arith.constant 2 : i32
      %dma_wait3A_843 = arith.constant 0 : i32
      %dma_wait3A_844 = arith.constant 0 : i32
      %dma_wait3A_845 = tpu.memref_slice %arg7[%dma_wait3A_841, %dma_wait3A_842, %dma_wait3A_843, %dma_wait3A_844] : memref<2x4x8x128xf32, #tpu.memory_space<vmem>> -> memref<1x1x8x128xf32, #tpu.memory_space<vmem>>
      %dma_wait3A_846 = tpu.memref_squeeze %dma_wait3A_845 : memref<1x1x8x128xf32, #tpu.memory_space<vmem>> -> memref<8x128xf32, #tpu.memory_space<vmem>>
      %dma_wait3A_847 = arith.constant 112 : i32
      %dma_wait3A_848 = arith.constant 0 : i32
      %dma_wait3A_849 = tpu.memref_slice %arg4[%select_n3A_51, %dma_wait3A_847, %rem3A_53, %dma_wait3A_848] : memref<104x128x8x128xf32, #tpu.memory_space<hbm>> -> memref<1x8x1x128xf32, #tpu.memory_space<hbm>>
      %dma_wait3A_850 = tpu.memref_squeeze %dma_wait3A_849 : memref<1x8x1x128xf32, #tpu.memory_space<hbm>> -> memref<8x128xf32, #tpu.memory_space<hbm>>
      %dma_wait3A_851 = arith.constant 112 : i32
      %dma_wait3A_852 = arith.constant 0 : i32
      %dma_wait3A_853 = tpu.memref_slice %arg4[%select_n3A_51, %dma_wait3A_851, %rem3A_53, %dma_wait3A_852] : memref<104x128x8x128xf32, #tpu.memory_space<hbm>> -> memref<1x8x1x128xf32, #tpu.memory_space<hbm>>
      %dma_wait3A_854 = tpu.memref_squeeze %dma_wait3A_853 : memref<1x8x1x128xf32, #tpu.memory_space<hbm>> -> memref<8x128xf32, #tpu.memory_space<hbm>>
      %dma_wait3A_855 = arith.constant 0 : i32
      %dma_wait3A_856 = arith.constant 0 : i32
      %dma_wait3A_857 = tpu.memref_slice %arg7[%dma_wait3A_841, %dma_wait3A_842, %dma_wait3A_855, %dma_wait3A_856] : memref<2x4x8x128xf32, #tpu.memory_space<vmem>> -> memref<1x1x8x128xf32, #tpu.memory_space<vmem>>
      %dma_wait3A_858 = tpu.memref_squeeze %dma_wait3A_857 : memref<1x1x8x128xf32, #tpu.memory_space<vmem>> -> memref<8x128xf32, #tpu.memory_space<vmem>>
      tpu.wait_dma2 semaphore(%arg8 : memref<!tpu.dma_semaphore, #tpu.memory_space<semaphore_mem>>) src(%dma_wait3A_858 : memref<8x128xf32, #tpu.memory_space<vmem>>) dst(%dma_wait3A_854 : memref<8x128xf32, #tpu.memory_space<hbm>>)
      %dma_wait3A_859 = arith.constant 1 : i32
      %dma_wait3A_860 = arith.constant 3 : i32
      %dma_wait3A_861 = arith.constant 0 : i32
      %dma_wait3A_862 = arith.constant 0 : i32
      %dma_wait3A_863 = tpu.memref_slice %arg7[%dma_wait3A_859, %dma_wait3A_860, %dma_wait3A_861, %dma_wait3A_862] : memref<2x4x8x128xf32, #tpu.memory_space<vmem>> -> memref<1x1x8x128xf32, #tpu.memory_space<vmem>>
      %dma_wait3A_864 = tpu.memref_squeeze %dma_wait3A_863 : memref<1x1x8x128xf32, #tpu.memory_space<vmem>> -> memref<8x128xf32, #tpu.memory_space<vmem>>
      %dma_wait3A_865 = arith.constant 120 : i32
      %dma_wait3A_866 = arith.constant 0 : i32
      %dma_wait3A_867 = tpu.memref_slice %arg4[%select_n3A_51, %dma_wait3A_865, %rem3A_53, %dma_wait3A_866] : memref<104x128x8x128xf32, #tpu.memory_space<hbm>> -> memref<1x8x1x128xf32, #tpu.memory_space<hbm>>
      %dma_wait3A_868 = tpu.memref_squeeze %dma_wait3A_867 : memref<1x8x1x128xf32, #tpu.memory_space<hbm>> -> memref<8x128xf32, #tpu.memory_space<hbm>>
      %dma_wait3A_869 = arith.constant 120 : i32
      %dma_wait3A_870 = arith.constant 0 : i32
      %dma_wait3A_871 = tpu.memref_slice %arg4[%select_n3A_51, %dma_wait3A_869, %rem3A_53, %dma_wait3A_870] : memref<104x128x8x128xf32, #tpu.memory_space<hbm>> -> memref<1x8x1x128xf32, #tpu.memory_space<hbm>>
      %dma_wait3A_872 = tpu.memref_squeeze %dma_wait3A_871 : memref<1x8x1x128xf32, #tpu.memory_space<hbm>> -> memref<8x128xf32, #tpu.memory_space<hbm>>
      %dma_wait3A_873 = arith.constant 0 : i32
      %dma_wait3A_874 = arith.constant 0 : i32
      %dma_wait3A_875 = tpu.memref_slice %arg7[%dma_wait3A_859, %dma_wait3A_860, %dma_wait3A_873, %dma_wait3A_874] : memref<2x4x8x128xf32, #tpu.memory_space<vmem>> -> memref<1x1x8x128xf32, #tpu.memory_space<vmem>>
      %dma_wait3A_876 = tpu.memref_squeeze %dma_wait3A_875 : memref<1x1x8x128xf32, #tpu.memory_space<vmem>> -> memref<8x128xf32, #tpu.memory_space<vmem>>
      tpu.wait_dma2 semaphore(%arg8 : memref<!tpu.dma_semaphore, #tpu.memory_space<semaphore_mem>>) src(%dma_wait3A_876 : memref<8x128xf32, #tpu.memory_space<vmem>>) dst(%dma_wait3A_872 : memref<8x128xf32, #tpu.memory_space<hbm>>)
      scf.yield %select_n3A : i32
    }
    %scan3A_6 = arith.constant 26 : i32
    return
  }
}

module attributes {stable_mosaic.version = 14 : i64} {
  func.func @_mlp_body(%arg0: i32, %arg1: memref<104x8x8x128xf32, #tpu.memory_space<vmem>>, %arg2: memref<13x1024xf32, #tpu.memory_space<vmem>>, %arg3: memref<128x832xf32, #tpu.memory_space<vmem>>, %arg4: memref<128x13xf32, #tpu.memory_space<vmem>>, %arg5: memref<128x1xf32, #tpu.memory_space<vmem>>, %arg6: memref<1x128xf32, #tpu.memory_space<vmem>>, %arg7: memref<1x1xf32, #tpu.memory_space<vmem>>, %arg8: memref<1x1024xf32, #tpu.memory_space<vmem>>) attributes {dimension_semantics = [#tpu.dimension_semantics<arbitrary>], iteration_bounds = array<i64: 16>, scalar_prefetch = 0 : i64, scratch_operands = 0 : i64, tpu.core_type = #tpu.core_type<tc>, window_params = [{transform_indices = @transform_0, window_bounds = array<i64: 104, 8, 8, 128>}, {transform_indices = @transform_1, window_bounds = array<i64: 13, 1024>}, {pipeline_mode = #tpu.pipeline_mode<synchronous>, transform_indices = @transform_2, window_bounds = array<i64: 128, 832>}, {pipeline_mode = #tpu.pipeline_mode<synchronous>, transform_indices = @transform_3, window_bounds = array<i64: 128, 13>}, {pipeline_mode = #tpu.pipeline_mode<synchronous>, transform_indices = @transform_4, window_bounds = array<i64: 128, 1>}, {pipeline_mode = #tpu.pipeline_mode<synchronous>, transform_indices = @transform_5, window_bounds = array<i64: 1, 128>}, {pipeline_mode = #tpu.pipeline_mode<synchronous>, transform_indices = @transform_6, window_bounds = array<i64: 1, 1>}, {transform_indices = @transform_7, window_bounds = array<i64: 1, 1024>}]} {
    %get3A = arith.constant 0 : index
    %get3A_0 = arith.constant 0 : index
    %get3A_1 = arith.constant 0 : index
    %get3A_2 = arith.constant 0 : index
    %get3A_3 = vector.load %arg1[%get3A, %get3A_0, %get3A_1, %get3A_2] : memref<104x8x8x128xf32, #tpu.memory_space<vmem>>, vector<104x1x8x128xf32>
    %get3A_4 = vector.shape_cast %get3A_3 : vector<104x1x8x128xf32> to vector<104x8x128xf32>
    %reshape3A = vector.shape_cast %get3A_4 : vector<104x8x128xf32> to vector<832x128xf32>
    %get3A_5 = arith.constant 0 : index
    %get3A_6 = arith.constant 0 : index
    %get3A_7 = vector.load %arg3[%get3A_5, %get3A_6] : memref<128x832xf32, #tpu.memory_space<vmem>>, vector<128x832xf32>
    %dot_general3A = arith.constant dense<0.000000e+00> : vector<128x128xf32>
    %dot_general3A_8 = tpu.matmul %get3A_7, %reshape3A, %dot_general3A {dimension_numbers = #tpu.dot_dimension_numbers<[1], [0], [0], [1], [0, 0, 1, 1], [], []>, precision = #tpu.contract_precision<fp32>, transpose_lhs_hint = false} : vector<128x832xf32>, vector<832x128xf32>, vector<128x128xf32> -> vector<128x128xf32>
    %get3A_9 = arith.constant 0 : index
    %get3A_10 = arith.constant 0 : index
    %get3A_11 = vector.load %arg4[%get3A_9, %get3A_10] : memref<128x13xf32, #tpu.memory_space<vmem>>, vector<128x13xf32>
    %get3A_12 = arith.constant 0 : index
    %get3A_13 = arith.constant 0 : index
    %get3A_14 = vector.load %arg2[%get3A_12, %get3A_13] : memref<13x1024xf32, #tpu.memory_space<vmem>>, vector<13x128xf32>
    %dot_general3A_15 = arith.constant dense<0.000000e+00> : vector<128x128xf32>
    %dot_general3A_16 = tpu.matmul %get3A_11, %get3A_14, %dot_general3A_15 {dimension_numbers = #tpu.dot_dimension_numbers<[1], [0], [0], [1], [0, 0, 1, 1], [], []>, precision = #tpu.contract_precision<fp32>, transpose_lhs_hint = false} : vector<128x13xf32>, vector<13x128xf32>, vector<128x128xf32> -> vector<128x128xf32>
    %add3A = arith.addf %dot_general3A_8, %dot_general3A_16 : vector<128x128xf32>
    %get3A_17 = arith.constant 0 : index
    %get3A_18 = arith.constant 0 : index
    %get3A_19 = vector.load %arg5[%get3A_17, %get3A_18] : memref<128x1xf32, #tpu.memory_space<vmem>>, vector<128x1xf32>
    %add3A_20 = vector.broadcast %get3A_19 : vector<128x1xf32> to vector<128x128xf32>
    %add3A_21 = arith.addf %add3A, %add3A_20 : vector<128x128xf32>
    %max3A = arith.constant 0.000000e+00 : f32
    %max3A_22 = vector.broadcast %max3A : f32 to vector<128x128xf32>
    %max3A_23 = arith.maximumf %add3A_21, %max3A_22 : vector<128x128xf32>
    %get3A_24 = arith.constant 0 : index
    %get3A_25 = arith.constant 0 : index
    %get3A_26 = vector.load %arg6[%get3A_24, %get3A_25] : memref<1x128xf32, #tpu.memory_space<vmem>>, vector<1x128xf32>
    %dot_general3A_27 = arith.constant dense<0.000000e+00> : vector<1x128xf32>
    %dot_general3A_28 = tpu.matmul %get3A_26, %max3A_23, %dot_general3A_27 {dimension_numbers = #tpu.dot_dimension_numbers<[1], [0], [0], [1], [0, 0, 1, 1], [], []>, precision = #tpu.contract_precision<fp32>, transpose_lhs_hint = false} : vector<1x128xf32>, vector<128x128xf32>, vector<1x128xf32> -> vector<1x128xf32>
    %get3A_29 = arith.constant 0 : index
    %get3A_30 = arith.constant 0 : index
    %get3A_31 = vector.load %arg7[%get3A_29, %get3A_30] : memref<1x1xf32, #tpu.memory_space<vmem>>, vector<1x1xf32>
    %add3A_32 = vector.broadcast %get3A_31 : vector<1x1xf32> to vector<1x128xf32>
    %add3A_33 = arith.addf %dot_general3A_28, %add3A_32 : vector<1x128xf32>
    %logistic3A = arith.negf %add3A_33 : vector<1x128xf32>
    %logistic3A_34 = math.exp %logistic3A : vector<1x128xf32>
    %logistic3A_35 = arith.constant 1.000000e+00 : f32
    %logistic3A_36 = vector.broadcast %logistic3A_35 : f32 to vector<1x128xf32>
    %logistic3A_37 = arith.addf %logistic3A_36, %logistic3A_34 : vector<1x128xf32>
    %logistic3A_38 = arith.divf %logistic3A_36, %logistic3A_37 : vector<1x128xf32>
    %swap3A = arith.constant 0 : index
    %swap3A_39 = arith.constant 0 : index
    %swap3A_40 = vector.load %arg8[%swap3A, %swap3A_39] : memref<1x1024xf32, #tpu.memory_space<vmem>>, vector<1x128xf32>
    tpu.vector_store %arg8[%swap3A, %swap3A_39], %logistic3A_38 {strides = array<i32>} : memref<1x1024xf32, #tpu.memory_space<vmem>>, vector<1x128xf32>,
    %get3A_41 = arith.constant 0 : index
    %get3A_42 = arith.constant 1 : index
    %get3A_43 = arith.constant 0 : index
    %get3A_44 = arith.constant 0 : index
    %get3A_45 = vector.load %arg1[%get3A_41, %get3A_42, %get3A_43, %get3A_44] : memref<104x8x8x128xf32, #tpu.memory_space<vmem>>, vector<104x1x8x128xf32>
    %get3A_46 = vector.shape_cast %get3A_45 : vector<104x1x8x128xf32> to vector<104x8x128xf32>
    %reshape3A_47 = vector.shape_cast %get3A_46 : vector<104x8x128xf32> to vector<832x128xf32>
    %get3A_48 = arith.constant 0 : index
    %get3A_49 = arith.constant 0 : index
    %get3A_50 = vector.load %arg3[%get3A_48, %get3A_49] : memref<128x832xf32, #tpu.memory_space<vmem>>, vector<128x832xf32>
    %dot_general3A_51 = arith.constant dense<0.000000e+00> : vector<128x128xf32>
    %dot_general3A_52 = tpu.matmul %get3A_50, %reshape3A_47, %dot_general3A_51 {dimension_numbers = #tpu.dot_dimension_numbers<[1], [0], [0], [1], [0, 0, 1, 1], [], []>, precision = #tpu.contract_precision<fp32>, transpose_lhs_hint = false} : vector<128x832xf32>, vector<832x128xf32>, vector<128x128xf32> -> vector<128x128xf32>
    %get3A_53 = arith.constant 0 : index
    %get3A_54 = arith.constant 0 : index
    %get3A_55 = vector.load %arg4[%get3A_53, %get3A_54] : memref<128x13xf32, #tpu.memory_space<vmem>>, vector<128x13xf32>
    %get3A_56 = arith.constant 0 : index
    %get3A_57 = arith.constant 128 : index
    %get3A_58 = vector.load %arg2[%get3A_56, %get3A_57] : memref<13x1024xf32, #tpu.memory_space<vmem>>, vector<13x128xf32>
    %dot_general3A_59 = arith.constant dense<0.000000e+00> : vector<128x128xf32>
    %dot_general3A_60 = tpu.matmul %get3A_55, %get3A_58, %dot_general3A_59 {dimension_numbers = #tpu.dot_dimension_numbers<[1], [0], [0], [1], [0, 0, 1, 1], [], []>, precision = #tpu.contract_precision<fp32>, transpose_lhs_hint = false} : vector<128x13xf32>, vector<13x128xf32>, vector<128x128xf32> -> vector<128x128xf32>
    %add3A_61 = arith.addf %dot_general3A_52, %dot_general3A_60 : vector<128x128xf32>
    %get3A_62 = arith.constant 0 : index
    %get3A_63 = arith.constant 0 : index
    %get3A_64 = vector.load %arg5[%get3A_62, %get3A_63] : memref<128x1xf32, #tpu.memory_space<vmem>>, vector<128x1xf32>
    %add3A_65 = vector.broadcast %get3A_64 : vector<128x1xf32> to vector<128x128xf32>
    %add3A_66 = arith.addf %add3A_61, %add3A_65 : vector<128x128xf32>
    %max3A_67 = arith.constant 0.000000e+00 : f32
    %max3A_68 = vector.broadcast %max3A_67 : f32 to vector<128x128xf32>
    %max3A_69 = arith.maximumf %add3A_66, %max3A_68 : vector<128x128xf32>
    %get3A_70 = arith.constant 0 : index
    %get3A_71 = arith.constant 0 : index
    %get3A_72 = vector.load %arg6[%get3A_70, %get3A_71] : memref<1x128xf32, #tpu.memory_space<vmem>>, vector<1x128xf32>
    %dot_general3A_73 = arith.constant dense<0.000000e+00> : vector<1x128xf32>
    %dot_general3A_74 = tpu.matmul %get3A_72, %max3A_69, %dot_general3A_73 {dimension_numbers = #tpu.dot_dimension_numbers<[1], [0], [0], [1], [0, 0, 1, 1], [], []>, precision = #tpu.contract_precision<fp32>, transpose_lhs_hint = false} : vector<1x128xf32>, vector<128x128xf32>, vector<1x128xf32> -> vector<1x128xf32>
    %get3A_75 = arith.constant 0 : index
    %get3A_76 = arith.constant 0 : index
    %get3A_77 = vector.load %arg7[%get3A_75, %get3A_76] : memref<1x1xf32, #tpu.memory_space<vmem>>, vector<1x1xf32>
    %add3A_78 = vector.broadcast %get3A_77 : vector<1x1xf32> to vector<1x128xf32>
    %add3A_79 = arith.addf %dot_general3A_74, %add3A_78 : vector<1x128xf32>
    %logistic3A_80 = arith.negf %add3A_79 : vector<1x128xf32>
    %logistic3A_81 = math.exp %logistic3A_80 : vector<1x128xf32>
    %logistic3A_82 = arith.constant 1.000000e+00 : f32
    %logistic3A_83 = vector.broadcast %logistic3A_82 : f32 to vector<1x128xf32>
    %logistic3A_84 = arith.addf %logistic3A_83, %logistic3A_81 : vector<1x128xf32>
    %logistic3A_85 = arith.divf %logistic3A_83, %logistic3A_84 : vector<1x128xf32>
    %swap3A_86 = arith.constant 0 : index
    %swap3A_87 = arith.constant 128 : index
    %swap3A_88 = vector.load %arg8[%swap3A_86, %swap3A_87] : memref<1x1024xf32, #tpu.memory_space<vmem>>, vector<1x128xf32>
    tpu.vector_store %arg8[%swap3A_86, %swap3A_87], %logistic3A_85 {strides = array<i32>} : memref<1x1024xf32, #tpu.memory_space<vmem>>, vector<1x128xf32>,
    %get3A_89 = arith.constant 0 : index
    %get3A_90 = arith.constant 2 : index
    %get3A_91 = arith.constant 0 : index
    %get3A_92 = arith.constant 0 : index
    %get3A_93 = vector.load %arg1[%get3A_89, %get3A_90, %get3A_91, %get3A_92] : memref<104x8x8x128xf32, #tpu.memory_space<vmem>>, vector<104x1x8x128xf32>
    %get3A_94 = vector.shape_cast %get3A_93 : vector<104x1x8x128xf32> to vector<104x8x128xf32>
    %reshape3A_95 = vector.shape_cast %get3A_94 : vector<104x8x128xf32> to vector<832x128xf32>
    %get3A_96 = arith.constant 0 : index
    %get3A_97 = arith.constant 0 : index
    %get3A_98 = vector.load %arg3[%get3A_96, %get3A_97] : memref<128x832xf32, #tpu.memory_space<vmem>>, vector<128x832xf32>
    %dot_general3A_99 = arith.constant dense<0.000000e+00> : vector<128x128xf32>
    %dot_general3A_100 = tpu.matmul %get3A_98, %reshape3A_95, %dot_general3A_99 {dimension_numbers = #tpu.dot_dimension_numbers<[1], [0], [0], [1], [0, 0, 1, 1], [], []>, precision = #tpu.contract_precision<fp32>, transpose_lhs_hint = false} : vector<128x832xf32>, vector<832x128xf32>, vector<128x128xf32> -> vector<128x128xf32>
    %get3A_101 = arith.constant 0 : index
    %get3A_102 = arith.constant 0 : index
    %get3A_103 = vector.load %arg4[%get3A_101, %get3A_102] : memref<128x13xf32, #tpu.memory_space<vmem>>, vector<128x13xf32>
    %get3A_104 = arith.constant 0 : index
    %get3A_105 = arith.constant 256 : index
    %get3A_106 = vector.load %arg2[%get3A_104, %get3A_105] : memref<13x1024xf32, #tpu.memory_space<vmem>>, vector<13x128xf32>
    %dot_general3A_107 = arith.constant dense<0.000000e+00> : vector<128x128xf32>
    %dot_general3A_108 = tpu.matmul %get3A_103, %get3A_106, %dot_general3A_107 {dimension_numbers = #tpu.dot_dimension_numbers<[1], [0], [0], [1], [0, 0, 1, 1], [], []>, precision = #tpu.contract_precision<fp32>, transpose_lhs_hint = false} : vector<128x13xf32>, vector<13x128xf32>, vector<128x128xf32> -> vector<128x128xf32>
    %add3A_109 = arith.addf %dot_general3A_100, %dot_general3A_108 : vector<128x128xf32>
    %get3A_110 = arith.constant 0 : index
    %get3A_111 = arith.constant 0 : index
    %get3A_112 = vector.load %arg5[%get3A_110, %get3A_111] : memref<128x1xf32, #tpu.memory_space<vmem>>, vector<128x1xf32>
    %add3A_113 = vector.broadcast %get3A_112 : vector<128x1xf32> to vector<128x128xf32>
    %add3A_114 = arith.addf %add3A_109, %add3A_113 : vector<128x128xf32>
    %max3A_115 = arith.constant 0.000000e+00 : f32
    %max3A_116 = vector.broadcast %max3A_115 : f32 to vector<128x128xf32>
    %max3A_117 = arith.maximumf %add3A_114, %max3A_116 : vector<128x128xf32>
    %get3A_118 = arith.constant 0 : index
    %get3A_119 = arith.constant 0 : index
    %get3A_120 = vector.load %arg6[%get3A_118, %get3A_119] : memref<1x128xf32, #tpu.memory_space<vmem>>, vector<1x128xf32>
    %dot_general3A_121 = arith.constant dense<0.000000e+00> : vector<1x128xf32>
    %dot_general3A_122 = tpu.matmul %get3A_120, %max3A_117, %dot_general3A_121 {dimension_numbers = #tpu.dot_dimension_numbers<[1], [0], [0], [1], [0, 0, 1, 1], [], []>, precision = #tpu.contract_precision<fp32>, transpose_lhs_hint = false} : vector<1x128xf32>, vector<128x128xf32>, vector<1x128xf32> -> vector<1x128xf32>
    %get3A_123 = arith.constant 0 : index
    %get3A_124 = arith.constant 0 : index
    %get3A_125 = vector.load %arg7[%get3A_123, %get3A_124] : memref<1x1xf32, #tpu.memory_space<vmem>>, vector<1x1xf32>
    %add3A_126 = vector.broadcast %get3A_125 : vector<1x1xf32> to vector<1x128xf32>
    %add3A_127 = arith.addf %dot_general3A_122, %add3A_126 : vector<1x128xf32>
    %logistic3A_128 = arith.negf %add3A_127 : vector<1x128xf32>
    %logistic3A_129 = math.exp %logistic3A_128 : vector<1x128xf32>
    %logistic3A_130 = arith.constant 1.000000e+00 : f32
    %logistic3A_131 = vector.broadcast %logistic3A_130 : f32 to vector<1x128xf32>
    %logistic3A_132 = arith.addf %logistic3A_131, %logistic3A_129 : vector<1x128xf32>
    %logistic3A_133 = arith.divf %logistic3A_131, %logistic3A_132 : vector<1x128xf32>
    %swap3A_134 = arith.constant 0 : index
    %swap3A_135 = arith.constant 256 : index
    %swap3A_136 = vector.load %arg8[%swap3A_134, %swap3A_135] : memref<1x1024xf32, #tpu.memory_space<vmem>>, vector<1x128xf32>
    tpu.vector_store %arg8[%swap3A_134, %swap3A_135], %logistic3A_133 {strides = array<i32>} : memref<1x1024xf32, #tpu.memory_space<vmem>>, vector<1x128xf32>,
    %get3A_137 = arith.constant 0 : index
    %get3A_138 = arith.constant 3 : index
    %get3A_139 = arith.constant 0 : index
    %get3A_140 = arith.constant 0 : index
    %get3A_141 = vector.load %arg1[%get3A_137, %get3A_138, %get3A_139, %get3A_140] : memref<104x8x8x128xf32, #tpu.memory_space<vmem>>, vector<104x1x8x128xf32>
    %get3A_142 = vector.shape_cast %get3A_141 : vector<104x1x8x128xf32> to vector<104x8x128xf32>
    %reshape3A_143 = vector.shape_cast %get3A_142 : vector<104x8x128xf32> to vector<832x128xf32>
    %get3A_144 = arith.constant 0 : index
    %get3A_145 = arith.constant 0 : index
    %get3A_146 = vector.load %arg3[%get3A_144, %get3A_145] : memref<128x832xf32, #tpu.memory_space<vmem>>, vector<128x832xf32>
    %dot_general3A_147 = arith.constant dense<0.000000e+00> : vector<128x128xf32>
    %dot_general3A_148 = tpu.matmul %get3A_146, %reshape3A_143, %dot_general3A_147 {dimension_numbers = #tpu.dot_dimension_numbers<[1], [0], [0], [1], [0, 0, 1, 1], [], []>, precision = #tpu.contract_precision<fp32>, transpose_lhs_hint = false} : vector<128x832xf32>, vector<832x128xf32>, vector<128x128xf32> -> vector<128x128xf32>
    %get3A_149 = arith.constant 0 : index
    %get3A_150 = arith.constant 0 : index
    %get3A_151 = vector.load %arg4[%get3A_149, %get3A_150] : memref<128x13xf32, #tpu.memory_space<vmem>>, vector<128x13xf32>
    %get3A_152 = arith.constant 0 : index
    %get3A_153 = arith.constant 384 : index
    %get3A_154 = vector.load %arg2[%get3A_152, %get3A_153] : memref<13x1024xf32, #tpu.memory_space<vmem>>, vector<13x128xf32>
    %dot_general3A_155 = arith.constant dense<0.000000e+00> : vector<128x128xf32>
    %dot_general3A_156 = tpu.matmul %get3A_151, %get3A_154, %dot_general3A_155 {dimension_numbers = #tpu.dot_dimension_numbers<[1], [0], [0], [1], [0, 0, 1, 1], [], []>, precision = #tpu.contract_precision<fp32>, transpose_lhs_hint = false} : vector<128x13xf32>, vector<13x128xf32>, vector<128x128xf32> -> vector<128x128xf32>
    %add3A_157 = arith.addf %dot_general3A_148, %dot_general3A_156 : vector<128x128xf32>
    %get3A_158 = arith.constant 0 : index
    %get3A_159 = arith.constant 0 : index
    %get3A_160 = vector.load %arg5[%get3A_158, %get3A_159] : memref<128x1xf32, #tpu.memory_space<vmem>>, vector<128x1xf32>
    %add3A_161 = vector.broadcast %get3A_160 : vector<128x1xf32> to vector<128x128xf32>
    %add3A_162 = arith.addf %add3A_157, %add3A_161 : vector<128x128xf32>
    %max3A_163 = arith.constant 0.000000e+00 : f32
    %max3A_164 = vector.broadcast %max3A_163 : f32 to vector<128x128xf32>
    %max3A_165 = arith.maximumf %add3A_162, %max3A_164 : vector<128x128xf32>
    %get3A_166 = arith.constant 0 : index
    %get3A_167 = arith.constant 0 : index
    %get3A_168 = vector.load %arg6[%get3A_166, %get3A_167] : memref<1x128xf32, #tpu.memory_space<vmem>>, vector<1x128xf32>
    %dot_general3A_169 = arith.constant dense<0.000000e+00> : vector<1x128xf32>
    %dot_general3A_170 = tpu.matmul %get3A_168, %max3A_165, %dot_general3A_169 {dimension_numbers = #tpu.dot_dimension_numbers<[1], [0], [0], [1], [0, 0, 1, 1], [], []>, precision = #tpu.contract_precision<fp32>, transpose_lhs_hint = false} : vector<1x128xf32>, vector<128x128xf32>, vector<1x128xf32> -> vector<1x128xf32>
    %get3A_171 = arith.constant 0 : index
    %get3A_172 = arith.constant 0 : index
    %get3A_173 = vector.load %arg7[%get3A_171, %get3A_172] : memref<1x1xf32, #tpu.memory_space<vmem>>, vector<1x1xf32>
    %add3A_174 = vector.broadcast %get3A_173 : vector<1x1xf32> to vector<1x128xf32>
    %add3A_175 = arith.addf %dot_general3A_170, %add3A_174 : vector<1x128xf32>
    %logistic3A_176 = arith.negf %add3A_175 : vector<1x128xf32>
    %logistic3A_177 = math.exp %logistic3A_176 : vector<1x128xf32>
    %logistic3A_178 = arith.constant 1.000000e+00 : f32
    %logistic3A_179 = vector.broadcast %logistic3A_178 : f32 to vector<1x128xf32>
    %logistic3A_180 = arith.addf %logistic3A_179, %logistic3A_177 : vector<1x128xf32>
    %logistic3A_181 = arith.divf %logistic3A_179, %logistic3A_180 : vector<1x128xf32>
    %swap3A_182 = arith.constant 0 : index
    %swap3A_183 = arith.constant 384 : index
    %swap3A_184 = vector.load %arg8[%swap3A_182, %swap3A_183] : memref<1x1024xf32, #tpu.memory_space<vmem>>, vector<1x128xf32>
    tpu.vector_store %arg8[%swap3A_182, %swap3A_183], %logistic3A_181 {strides = array<i32>} : memref<1x1024xf32, #tpu.memory_space<vmem>>, vector<1x128xf32>,
    %get3A_185 = arith.constant 0 : index
    %get3A_186 = arith.constant 4 : index
    %get3A_187 = arith.constant 0 : index
    %get3A_188 = arith.constant 0 : index
    %get3A_189 = vector.load %arg1[%get3A_185, %get3A_186, %get3A_187, %get3A_188] : memref<104x8x8x128xf32, #tpu.memory_space<vmem>>, vector<104x1x8x128xf32>
    %get3A_190 = vector.shape_cast %get3A_189 : vector<104x1x8x128xf32> to vector<104x8x128xf32>
    %reshape3A_191 = vector.shape_cast %get3A_190 : vector<104x8x128xf32> to vector<832x128xf32>
    %get3A_192 = arith.constant 0 : index
    %get3A_193 = arith.constant 0 : index
    %get3A_194 = vector.load %arg3[%get3A_192, %get3A_193] : memref<128x832xf32, #tpu.memory_space<vmem>>, vector<128x832xf32>
    %dot_general3A_195 = arith.constant dense<0.000000e+00> : vector<128x128xf32>
    %dot_general3A_196 = tpu.matmul %get3A_194, %reshape3A_191, %dot_general3A_195 {dimension_numbers = #tpu.dot_dimension_numbers<[1], [0], [0], [1], [0, 0, 1, 1], [], []>, precision = #tpu.contract_precision<fp32>, transpose_lhs_hint = false} : vector<128x832xf32>, vector<832x128xf32>, vector<128x128xf32> -> vector<128x128xf32>
    %get3A_197 = arith.constant 0 : index
    %get3A_198 = arith.constant 0 : index
    %get3A_199 = vector.load %arg4[%get3A_197, %get3A_198] : memref<128x13xf32, #tpu.memory_space<vmem>>, vector<128x13xf32>
    %get3A_200 = arith.constant 0 : index
    %get3A_201 = arith.constant 512 : index
    %get3A_202 = vector.load %arg2[%get3A_200, %get3A_201] : memref<13x1024xf32, #tpu.memory_space<vmem>>, vector<13x128xf32>
    %dot_general3A_203 = arith.constant dense<0.000000e+00> : vector<128x128xf32>
    %dot_general3A_204 = tpu.matmul %get3A_199, %get3A_202, %dot_general3A_203 {dimension_numbers = #tpu.dot_dimension_numbers<[1], [0], [0], [1], [0, 0, 1, 1], [], []>, precision = #tpu.contract_precision<fp32>, transpose_lhs_hint = false} : vector<128x13xf32>, vector<13x128xf32>, vector<128x128xf32> -> vector<128x128xf32>
    %add3A_205 = arith.addf %dot_general3A_196, %dot_general3A_204 : vector<128x128xf32>
    %get3A_206 = arith.constant 0 : index
    %get3A_207 = arith.constant 0 : index
    %get3A_208 = vector.load %arg5[%get3A_206, %get3A_207] : memref<128x1xf32, #tpu.memory_space<vmem>>, vector<128x1xf32>
    %add3A_209 = vector.broadcast %get3A_208 : vector<128x1xf32> to vector<128x128xf32>
    %add3A_210 = arith.addf %add3A_205, %add3A_209 : vector<128x128xf32>
    %max3A_211 = arith.constant 0.000000e+00 : f32
    %max3A_212 = vector.broadcast %max3A_211 : f32 to vector<128x128xf32>
    %max3A_213 = arith.maximumf %add3A_210, %max3A_212 : vector<128x128xf32>
    %get3A_214 = arith.constant 0 : index
    %get3A_215 = arith.constant 0 : index
    %get3A_216 = vector.load %arg6[%get3A_214, %get3A_215] : memref<1x128xf32, #tpu.memory_space<vmem>>, vector<1x128xf32>
    %dot_general3A_217 = arith.constant dense<0.000000e+00> : vector<1x128xf32>
    %dot_general3A_218 = tpu.matmul %get3A_216, %max3A_213, %dot_general3A_217 {dimension_numbers = #tpu.dot_dimension_numbers<[1], [0], [0], [1], [0, 0, 1, 1], [], []>, precision = #tpu.contract_precision<fp32>, transpose_lhs_hint = false} : vector<1x128xf32>, vector<128x128xf32>, vector<1x128xf32> -> vector<1x128xf32>
    %get3A_219 = arith.constant 0 : index
    %get3A_220 = arith.constant 0 : index
    %get3A_221 = vector.load %arg7[%get3A_219, %get3A_220] : memref<1x1xf32, #tpu.memory_space<vmem>>, vector<1x1xf32>
    %add3A_222 = vector.broadcast %get3A_221 : vector<1x1xf32> to vector<1x128xf32>
    %add3A_223 = arith.addf %dot_general3A_218, %add3A_222 : vector<1x128xf32>
    %logistic3A_224 = arith.negf %add3A_223 : vector<1x128xf32>
    %logistic3A_225 = math.exp %logistic3A_224 : vector<1x128xf32>
    %logistic3A_226 = arith.constant 1.000000e+00 : f32
    %logistic3A_227 = vector.broadcast %logistic3A_226 : f32 to vector<1x128xf32>
    %logistic3A_228 = arith.addf %logistic3A_227, %logistic3A_225 : vector<1x128xf32>
    %logistic3A_229 = arith.divf %logistic3A_227, %logistic3A_228 : vector<1x128xf32>
    %swap3A_230 = arith.constant 0 : index
    %swap3A_231 = arith.constant 512 : index
    %swap3A_232 = vector.load %arg8[%swap3A_230, %swap3A_231] : memref<1x1024xf32, #tpu.memory_space<vmem>>, vector<1x128xf32>
    tpu.vector_store %arg8[%swap3A_230, %swap3A_231], %logistic3A_229 {strides = array<i32>} : memref<1x1024xf32, #tpu.memory_space<vmem>>, vector<1x128xf32>,
    %get3A_233 = arith.constant 0 : index
    %get3A_234 = arith.constant 5 : index
    %get3A_235 = arith.constant 0 : index
    %get3A_236 = arith.constant 0 : index
    %get3A_237 = vector.load %arg1[%get3A_233, %get3A_234, %get3A_235, %get3A_236] : memref<104x8x8x128xf32, #tpu.memory_space<vmem>>, vector<104x1x8x128xf32>
    %get3A_238 = vector.shape_cast %get3A_237 : vector<104x1x8x128xf32> to vector<104x8x128xf32>
    %reshape3A_239 = vector.shape_cast %get3A_238 : vector<104x8x128xf32> to vector<832x128xf32>
    %get3A_240 = arith.constant 0 : index
    %get3A_241 = arith.constant 0 : index
    %get3A_242 = vector.load %arg3[%get3A_240, %get3A_241] : memref<128x832xf32, #tpu.memory_space<vmem>>, vector<128x832xf32>
    %dot_general3A_243 = arith.constant dense<0.000000e+00> : vector<128x128xf32>
    %dot_general3A_244 = tpu.matmul %get3A_242, %reshape3A_239, %dot_general3A_243 {dimension_numbers = #tpu.dot_dimension_numbers<[1], [0], [0], [1], [0, 0, 1, 1], [], []>, precision = #tpu.contract_precision<fp32>, transpose_lhs_hint = false} : vector<128x832xf32>, vector<832x128xf32>, vector<128x128xf32> -> vector<128x128xf32>
    %get3A_245 = arith.constant 0 : index
    %get3A_246 = arith.constant 0 : index
    %get3A_247 = vector.load %arg4[%get3A_245, %get3A_246] : memref<128x13xf32, #tpu.memory_space<vmem>>, vector<128x13xf32>
    %get3A_248 = arith.constant 0 : index
    %get3A_249 = arith.constant 640 : index
    %get3A_250 = vector.load %arg2[%get3A_248, %get3A_249] : memref<13x1024xf32, #tpu.memory_space<vmem>>, vector<13x128xf32>
    %dot_general3A_251 = arith.constant dense<0.000000e+00> : vector<128x128xf32>
    %dot_general3A_252 = tpu.matmul %get3A_247, %get3A_250, %dot_general3A_251 {dimension_numbers = #tpu.dot_dimension_numbers<[1], [0], [0], [1], [0, 0, 1, 1], [], []>, precision = #tpu.contract_precision<fp32>, transpose_lhs_hint = false} : vector<128x13xf32>, vector<13x128xf32>, vector<128x128xf32> -> vector<128x128xf32>
    %add3A_253 = arith.addf %dot_general3A_244, %dot_general3A_252 : vector<128x128xf32>
    %get3A_254 = arith.constant 0 : index
    %get3A_255 = arith.constant 0 : index
    %get3A_256 = vector.load %arg5[%get3A_254, %get3A_255] : memref<128x1xf32, #tpu.memory_space<vmem>>, vector<128x1xf32>
    %add3A_257 = vector.broadcast %get3A_256 : vector<128x1xf32> to vector<128x128xf32>
    %add3A_258 = arith.addf %add3A_253, %add3A_257 : vector<128x128xf32>
    %max3A_259 = arith.constant 0.000000e+00 : f32
    %max3A_260 = vector.broadcast %max3A_259 : f32 to vector<128x128xf32>
    %max3A_261 = arith.maximumf %add3A_258, %max3A_260 : vector<128x128xf32>
    %get3A_262 = arith.constant 0 : index
    %get3A_263 = arith.constant 0 : index
    %get3A_264 = vector.load %arg6[%get3A_262, %get3A_263] : memref<1x128xf32, #tpu.memory_space<vmem>>, vector<1x128xf32>
    %dot_general3A_265 = arith.constant dense<0.000000e+00> : vector<1x128xf32>
    %dot_general3A_266 = tpu.matmul %get3A_264, %max3A_261, %dot_general3A_265 {dimension_numbers = #tpu.dot_dimension_numbers<[1], [0], [0], [1], [0, 0, 1, 1], [], []>, precision = #tpu.contract_precision<fp32>, transpose_lhs_hint = false} : vector<1x128xf32>, vector<128x128xf32>, vector<1x128xf32> -> vector<1x128xf32>
    %get3A_267 = arith.constant 0 : index
    %get3A_268 = arith.constant 0 : index
    %get3A_269 = vector.load %arg7[%get3A_267, %get3A_268] : memref<1x1xf32, #tpu.memory_space<vmem>>, vector<1x1xf32>
    %add3A_270 = vector.broadcast %get3A_269 : vector<1x1xf32> to vector<1x128xf32>
    %add3A_271 = arith.addf %dot_general3A_266, %add3A_270 : vector<1x128xf32>
    %logistic3A_272 = arith.negf %add3A_271 : vector<1x128xf32>
    %logistic3A_273 = math.exp %logistic3A_272 : vector<1x128xf32>
    %logistic3A_274 = arith.constant 1.000000e+00 : f32
    %logistic3A_275 = vector.broadcast %logistic3A_274 : f32 to vector<1x128xf32>
    %logistic3A_276 = arith.addf %logistic3A_275, %logistic3A_273 : vector<1x128xf32>
    %logistic3A_277 = arith.divf %logistic3A_275, %logistic3A_276 : vector<1x128xf32>
    %swap3A_278 = arith.constant 0 : index
    %swap3A_279 = arith.constant 640 : index
    %swap3A_280 = vector.load %arg8[%swap3A_278, %swap3A_279] : memref<1x1024xf32, #tpu.memory_space<vmem>>, vector<1x128xf32>
    tpu.vector_store %arg8[%swap3A_278, %swap3A_279], %logistic3A_277 {strides = array<i32>} : memref<1x1024xf32, #tpu.memory_space<vmem>>, vector<1x128xf32>,
    %get3A_281 = arith.constant 0 : index
    %get3A_282 = arith.constant 6 : index
    %get3A_283 = arith.constant 0 : index
    %get3A_284 = arith.constant 0 : index
    %get3A_285 = vector.load %arg1[%get3A_281, %get3A_282, %get3A_283, %get3A_284] : memref<104x8x8x128xf32, #tpu.memory_space<vmem>>, vector<104x1x8x128xf32>
    %get3A_286 = vector.shape_cast %get3A_285 : vector<104x1x8x128xf32> to vector<104x8x128xf32>
    %reshape3A_287 = vector.shape_cast %get3A_286 : vector<104x8x128xf32> to vector<832x128xf32>
    %get3A_288 = arith.constant 0 : index
    %get3A_289 = arith.constant 0 : index
    %get3A_290 = vector.load %arg3[%get3A_288, %get3A_289] : memref<128x832xf32, #tpu.memory_space<vmem>>, vector<128x832xf32>
    %dot_general3A_291 = arith.constant dense<0.000000e+00> : vector<128x128xf32>
    %dot_general3A_292 = tpu.matmul %get3A_290, %reshape3A_287, %dot_general3A_291 {dimension_numbers = #tpu.dot_dimension_numbers<[1], [0], [0], [1], [0, 0, 1, 1], [], []>, precision = #tpu.contract_precision<fp32>, transpose_lhs_hint = false} : vector<128x832xf32>, vector<832x128xf32>, vector<128x128xf32> -> vector<128x128xf32>
    %get3A_293 = arith.constant 0 : index
    %get3A_294 = arith.constant 0 : index
    %get3A_295 = vector.load %arg4[%get3A_293, %get3A_294] : memref<128x13xf32, #tpu.memory_space<vmem>>, vector<128x13xf32>
    %get3A_296 = arith.constant 0 : index
    %get3A_297 = arith.constant 768 : index
    %get3A_298 = vector.load %arg2[%get3A_296, %get3A_297] : memref<13x1024xf32, #tpu.memory_space<vmem>>, vector<13x128xf32>
    %dot_general3A_299 = arith.constant dense<0.000000e+00> : vector<128x128xf32>
    %dot_general3A_300 = tpu.matmul %get3A_295, %get3A_298, %dot_general3A_299 {dimension_numbers = #tpu.dot_dimension_numbers<[1], [0], [0], [1], [0, 0, 1, 1], [], []>, precision = #tpu.contract_precision<fp32>, transpose_lhs_hint = false} : vector<128x13xf32>, vector<13x128xf32>, vector<128x128xf32> -> vector<128x128xf32>
    %add3A_301 = arith.addf %dot_general3A_292, %dot_general3A_300 : vector<128x128xf32>
    %get3A_302 = arith.constant 0 : index
    %get3A_303 = arith.constant 0 : index
    %get3A_304 = vector.load %arg5[%get3A_302, %get3A_303] : memref<128x1xf32, #tpu.memory_space<vmem>>, vector<128x1xf32>
    %add3A_305 = vector.broadcast %get3A_304 : vector<128x1xf32> to vector<128x128xf32>
    %add3A_306 = arith.addf %add3A_301, %add3A_305 : vector<128x128xf32>
    %max3A_307 = arith.constant 0.000000e+00 : f32
    %max3A_308 = vector.broadcast %max3A_307 : f32 to vector<128x128xf32>
    %max3A_309 = arith.maximumf %add3A_306, %max3A_308 : vector<128x128xf32>
    %get3A_310 = arith.constant 0 : index
    %get3A_311 = arith.constant 0 : index
    %get3A_312 = vector.load %arg6[%get3A_310, %get3A_311] : memref<1x128xf32, #tpu.memory_space<vmem>>, vector<1x128xf32>
    %dot_general3A_313 = arith.constant dense<0.000000e+00> : vector<1x128xf32>
    %dot_general3A_314 = tpu.matmul %get3A_312, %max3A_309, %dot_general3A_313 {dimension_numbers = #tpu.dot_dimension_numbers<[1], [0], [0], [1], [0, 0, 1, 1], [], []>, precision = #tpu.contract_precision<fp32>, transpose_lhs_hint = false} : vector<1x128xf32>, vector<128x128xf32>, vector<1x128xf32> -> vector<1x128xf32>
    %get3A_315 = arith.constant 0 : index
    %get3A_316 = arith.constant 0 : index
    %get3A_317 = vector.load %arg7[%get3A_315, %get3A_316] : memref<1x1xf32, #tpu.memory_space<vmem>>, vector<1x1xf32>
    %add3A_318 = vector.broadcast %get3A_317 : vector<1x1xf32> to vector<1x128xf32>
    %add3A_319 = arith.addf %dot_general3A_314, %add3A_318 : vector<1x128xf32>
    %logistic3A_320 = arith.negf %add3A_319 : vector<1x128xf32>
    %logistic3A_321 = math.exp %logistic3A_320 : vector<1x128xf32>
    %logistic3A_322 = arith.constant 1.000000e+00 : f32
    %logistic3A_323 = vector.broadcast %logistic3A_322 : f32 to vector<1x128xf32>
    %logistic3A_324 = arith.addf %logistic3A_323, %logistic3A_321 : vector<1x128xf32>
    %logistic3A_325 = arith.divf %logistic3A_323, %logistic3A_324 : vector<1x128xf32>
    %swap3A_326 = arith.constant 0 : index
    %swap3A_327 = arith.constant 768 : index
    %swap3A_328 = vector.load %arg8[%swap3A_326, %swap3A_327] : memref<1x1024xf32, #tpu.memory_space<vmem>>, vector<1x128xf32>
    tpu.vector_store %arg8[%swap3A_326, %swap3A_327], %logistic3A_325 {strides = array<i32>} : memref<1x1024xf32, #tpu.memory_space<vmem>>, vector<1x128xf32>,
    %get3A_329 = arith.constant 0 : index
    %get3A_330 = arith.constant 7 : index
    %get3A_331 = arith.constant 0 : index
    %get3A_332 = arith.constant 0 : index
    %get3A_333 = vector.load %arg1[%get3A_329, %get3A_330, %get3A_331, %get3A_332] : memref<104x8x8x128xf32, #tpu.memory_space<vmem>>, vector<104x1x8x128xf32>
    %get3A_334 = vector.shape_cast %get3A_333 : vector<104x1x8x128xf32> to vector<104x8x128xf32>
    %reshape3A_335 = vector.shape_cast %get3A_334 : vector<104x8x128xf32> to vector<832x128xf32>
    %get3A_336 = arith.constant 0 : index
    %get3A_337 = arith.constant 0 : index
    %get3A_338 = vector.load %arg3[%get3A_336, %get3A_337] : memref<128x832xf32, #tpu.memory_space<vmem>>, vector<128x832xf32>
    %dot_general3A_339 = arith.constant dense<0.000000e+00> : vector<128x128xf32>
    %dot_general3A_340 = tpu.matmul %get3A_338, %reshape3A_335, %dot_general3A_339 {dimension_numbers = #tpu.dot_dimension_numbers<[1], [0], [0], [1], [0, 0, 1, 1], [], []>, precision = #tpu.contract_precision<fp32>, transpose_lhs_hint = false} : vector<128x832xf32>, vector<832x128xf32>, vector<128x128xf32> -> vector<128x128xf32>
    %get3A_341 = arith.constant 0 : index
    %get3A_342 = arith.constant 0 : index
    %get3A_343 = vector.load %arg4[%get3A_341, %get3A_342] : memref<128x13xf32, #tpu.memory_space<vmem>>, vector<128x13xf32>
    %get3A_344 = arith.constant 0 : index
    %get3A_345 = arith.constant 896 : index
    %get3A_346 = vector.load %arg2[%get3A_344, %get3A_345] : memref<13x1024xf32, #tpu.memory_space<vmem>>, vector<13x128xf32>
    %dot_general3A_347 = arith.constant dense<0.000000e+00> : vector<128x128xf32>
    %dot_general3A_348 = tpu.matmul %get3A_343, %get3A_346, %dot_general3A_347 {dimension_numbers = #tpu.dot_dimension_numbers<[1], [0], [0], [1], [0, 0, 1, 1], [], []>, precision = #tpu.contract_precision<fp32>, transpose_lhs_hint = false} : vector<128x13xf32>, vector<13x128xf32>, vector<128x128xf32> -> vector<128x128xf32>
    %add3A_349 = arith.addf %dot_general3A_340, %dot_general3A_348 : vector<128x128xf32>
    %get3A_350 = arith.constant 0 : index
    %get3A_351 = arith.constant 0 : index
    %get3A_352 = vector.load %arg5[%get3A_350, %get3A_351] : memref<128x1xf32, #tpu.memory_space<vmem>>, vector<128x1xf32>
    %add3A_353 = vector.broadcast %get3A_352 : vector<128x1xf32> to vector<128x128xf32>
    %add3A_354 = arith.addf %add3A_349, %add3A_353 : vector<128x128xf32>
    %max3A_355 = arith.constant 0.000000e+00 : f32
    %max3A_356 = vector.broadcast %max3A_355 : f32 to vector<128x128xf32>
    %max3A_357 = arith.maximumf %add3A_354, %max3A_356 : vector<128x128xf32>
    %get3A_358 = arith.constant 0 : index
    %get3A_359 = arith.constant 0 : index
    %get3A_360 = vector.load %arg6[%get3A_358, %get3A_359] : memref<1x128xf32, #tpu.memory_space<vmem>>, vector<1x128xf32>
    %dot_general3A_361 = arith.constant dense<0.000000e+00> : vector<1x128xf32>
    %dot_general3A_362 = tpu.matmul %get3A_360, %max3A_357, %dot_general3A_361 {dimension_numbers = #tpu.dot_dimension_numbers<[1], [0], [0], [1], [0, 0, 1, 1], [], []>, precision = #tpu.contract_precision<fp32>, transpose_lhs_hint = false} : vector<1x128xf32>, vector<128x128xf32>, vector<1x128xf32> -> vector<1x128xf32>
    %get3A_363 = arith.constant 0 : index
    %get3A_364 = arith.constant 0 : index
    %get3A_365 = vector.load %arg7[%get3A_363, %get3A_364] : memref<1x1xf32, #tpu.memory_space<vmem>>, vector<1x1xf32>
    %add3A_366 = vector.broadcast %get3A_365 : vector<1x1xf32> to vector<1x128xf32>
    %add3A_367 = arith.addf %dot_general3A_362, %add3A_366 : vector<1x128xf32>
    %logistic3A_368 = arith.negf %add3A_367 : vector<1x128xf32>
    %logistic3A_369 = math.exp %logistic3A_368 : vector<1x128xf32>
    %logistic3A_370 = arith.constant 1.000000e+00 : f32
    %logistic3A_371 = vector.broadcast %logistic3A_370 : f32 to vector<1x128xf32>
    %logistic3A_372 = arith.addf %logistic3A_371, %logistic3A_369 : vector<1x128xf32>
    %logistic3A_373 = arith.divf %logistic3A_371, %logistic3A_372 : vector<1x128xf32>
    %swap3A_374 = arith.constant 0 : index
    %swap3A_375 = arith.constant 896 : index
    %swap3A_376 = vector.load %arg8[%swap3A_374, %swap3A_375] : memref<1x1024xf32, #tpu.memory_space<vmem>>, vector<1x128xf32>
    tpu.vector_store %arg8[%swap3A_374, %swap3A_375], %logistic3A_373 {strides = array<i32>} : memref<1x1024xf32, #tpu.memory_space<vmem>>, vector<1x128xf32>,
    return
  }
  func.func @transform_0(%arg0: i32) -> (i32, i32, i32, i32) {
    %c0_i32 = arith.constant 0 : i32
    %c0_i32_0 = arith.constant 0 : i32
    %c0_i32_1 = arith.constant 0 : i32
    %c0_i32_2 = arith.constant 0 : i32
    return %c0_i32, %arg0, %c0_i32_0, %c0_i32_1 : i32, i32, i32, i32
  }
  func.func @transform_1(%arg0: i32) -> (i32, i32) {
    %c0_i32 = arith.constant 0 : i32
    %c0_i32_0 = arith.constant 0 : i32
    return %c0_i32, %arg0 : i32, i32
  }
  func.func @transform_2(%arg0: i32) -> (i32, i32) {
    %c0_i32 = arith.constant 0 : i32
    %c0_i32_0 = arith.constant 0 : i32
    %c0_i32_1 = arith.constant 0 : i32
    return %c0_i32, %c0_i32_0 : i32, i32
  }
  func.func @transform_3(%arg0: i32) -> (i32, i32) {
    %c0_i32 = arith.constant 0 : i32
    %c0_i32_0 = arith.constant 0 : i32
    %c0_i32_1 = arith.constant 0 : i32
    return %c0_i32, %c0_i32_0 : i32, i32
  }
  func.func @transform_4(%arg0: i32) -> (i32, i32) {
    %c0_i32 = arith.constant 0 : i32
    %c0_i32_0 = arith.constant 0 : i32
    %c0_i32_1 = arith.constant 0 : i32
    return %c0_i32, %c0_i32_0 : i32, i32
  }
  func.func @transform_5(%arg0: i32) -> (i32, i32) {
    %c0_i32 = arith.constant 0 : i32
    %c0_i32_0 = arith.constant 0 : i32
    %c0_i32_1 = arith.constant 0 : i32
    return %c0_i32, %c0_i32_0 : i32, i32
  }
  func.func @transform_6(%arg0: i32) -> (i32, i32) {
    %c0_i32 = arith.constant 0 : i32
    %c0_i32_0 = arith.constant 0 : i32
    %c0_i32_1 = arith.constant 0 : i32
    return %c0_i32, %c0_i32_0 : i32, i32
  }
  func.func @transform_7(%arg0: i32) -> (i32, i32) {
    %c0_i32 = arith.constant 0 : i32
    %c0_i32_0 = arith.constant 0 : i32
    return %c0_i32, %arg0 : i32, i32
  }
}

</mosaic_0001>

<sc_bundles>
// kernel: kernel.4.cloned.1.call-start
scs
__scs_entry_jumppad:
0x0: {  	(pc) =	sbr.rel $0x88, $3  }
0x1: {  	(tag) =	ssettag $0x0;
	lr =	simm.s32 $0x1  }
0x2: {  	[smem:$0x3F9B] =	sst lr;
	_ =	strace $0xD0000000  }
0x3: {  	_ = 	snop  }
0x4: {  	_ = 	snop  }
0x5: {  	_ = 	snop  }
0x6: {  	_ = 	snop  }
0x7: {  	_ = 	snop  }
__scs_overlays_trampoline_lowered:
0x8: {  	[smem:$0x3FAA] =	sst s0  }
0x9: {  	[smem:$0x3FAB] =	sst s1  }
0xa: {  	[smem:$0x3FAC] =	sst s2  }
0xb: {  	[smem:$0x3FAD] =	sst s3  }
0xc: {  	[smem:$0x3FAE] =	sst s4  }
0xd: {  	[smem:$0x3FAF] =	sst s5  }
0xe: {  	[smem:$0x3FB0] =	sst s6  }
0xf: {  	[smem:$0x3FB1] =	sst s7  }
0x10: {  	[smem:$0x3FB2] =	sst s8  }
0x11: {  	[smem:$0x3FB3] =	sst s9;
	s0 =	simm.s32 @!p0 $0x0  }
0x12: {  	s1 =	sld [smem:$0x3F99];
	s0 =	simm.s32 @p0 $0x1  }
0x13: {  	[smem:$0x3FB4] =	sst s0;
	s0 =	simm.s32 @!p1 $0x0  }
0x14: {  	s2 =	sld [smem:$0x3F98];
	s0 =	simm.s32 @p1 $0x1  }
0x15: {  	[smem:$0x3FB5] =	sst s0;
	s0 =	simm.s32 @!p2 $0x0  }
0x16: {  	s3 =	sld [smem:$0x3FDB];
	s0 =	simm.s32 @p2 $0x1  }
0x17: {  	s4 =	simm.s32 $0x1BF5;
	[smem:$0x3FB7] =	sst s0  }
0x18: {  	s0 =	sld [smem:$0x3F9A];
	_ =	swait.ge [sflag:s4], $0x0  }
0x19: {  	s7 =	sld [smem:$0x3F9B]  }
0x1a: {  	s8 =	sadd.s32 $0xFFFFE003, lr  }
0x1b: {  	s9 =	sadd.s32 $0xFFFFFEF7, lr;
	s5 =	simm.s32 $0xFFFFFFFF;
	p2 =	slt.u32 s8, $0xFFFFF086  }
0x1c: {  	p1 =	slt.u32 s9, $0xF7A;
	s5 =	simm.s32 @!p2 $0x0  }
0x1d: {  	s5 =	simm.s32 @p1 $0x1;
	p0 =	seq.s32 s7, s2  }
0x1e: {  	s7 =	smul.u32 @!p0 $0xF7A, s2;
	p2 =	seq.s32 @!p0 s5, $0x0  }
0x1f: {  	s9 =	smul.u32 $0xF7A, s1;
	s8 =	simm.s32 @!p0 $0x1BF5;
	p2 =	por !p2, p0  }
0x20: {  	[sflag:s8] =	ssyncset.s32 @!p0 $0xFFFFF086;
	s6 =	sadd.s32 @!p0 s3, s7;
	s7 =	simm.s32 @!p0 $0x108  }
0x21: {  	s3 =	sadd.s32 s3, s9;
	s6 =	sadd.s32 @!p0 $0x88, s6;
	s7 =	simm.s32 @p2 $0x1082  }
0x22: {  	[simem:s7], [sflag:s8] =	dma.local @!p0 [hbm:s6], $0xF7A  }
0x23: {  	s9 =	sor.u32 $0xD0000000, s2;
	s6 =	simm.s32 $0x108;
	_ =	swait.ge @!p0 [sflag:s8], $0x0  }
0x24: {  	s3 =	sadd.s32 $0x88, s3;
	s6 =	simm.s32 @!p1 $0x1082;
	[sflag:s4] =	ssyncset.s32 $0xFFFFF086  }
0x25: {  	[simem:s6], [sflag:s4] =	dma.local [hbm:s3], $0xF7A  }
0x26: {  	[smem:$0x3F9B] =	sst s1;
	(tag) =	ssettag s2;
	_ =	strace s9  }
0x27: {  	s1 =	sld [smem:$0x3FAB]  }
0x28: {  	s2 =	sld [smem:$0x3FAC]  }
0x29: {  	s4 =	sld [smem:$0x3FAE]  }
0x2a: {  	p0 =	seq.s32 s5, $0x0;
	s5 =	sld [smem:$0x3FAF]  }
0x2b: {  	s6 =	sld [smem:$0x3FB0]  }
0x2c: {  	s7 =	sld [smem:$0x3FB1]  }
0x2d: {  	s3 =	simm.s32 $0x108;
	s8 =	sld [smem:$0x3FB2]  }
0x2e: {  	s3 =	simm.s32 @!p0 $0x1082;
	s9 =	sld [smem:$0x3FB3]  }
0x2f: {  	lr =	sadd.s32 s0, s3;
	s0 =	sld [smem:$0x3FAA]  }
0x30: {  	s3 =	sld [smem:$0x3FAD]  }
0x31: {  	[smem:$0x3FB6] =	sst s10  }
0x32: {  	s10 =	sld [smem:$0x3FB4];
	_ =	sdelay $0x3  }
0x33: {  	p0 =	seq.s32 s10, $0x1;
	s10 =	sld [smem:$0x3FB6];
	_ =	sdelay $0x3  }
0x34: {  	[smem:$0x3FB6] =	sst s10  }
0x35: {  	s10 =	sld [smem:$0x3FB5];
	_ =	sdelay $0x3  }
0x36: {  	p1 =	seq.s32 s10, $0x1;
	s10 =	sld [smem:$0x3FB6];
	_ =	sdelay $0x3  }
0x37: {  	[smem:$0x3FB6] =	sst s10  }
0x38: {  	s10 =	sld [smem:$0x3FB7]  }
0x39: {  	_ = 	snop;
	(pc) =	sbr.ind lr, $3  }
0x3a: {  	_ = 	snop  }
0x3b: {  	_ = 	snop  }
0x3c: {  	p2 =	seq.s32 s10, $0x1;
	s10 =	sld [smem:$0x3FB6]  }
0x3d: {  	_ =	shalt  }
0x3e: {  	_ =	shalt  }
0x3f: {  	_ =	shalt  }
0x40: {  	_ =	shalt  }
0x41: {  	_ =	shalt  }
0x42: {  	_ =	shalt  }
0x43: {  	_ =	shalt  }
0x44: {  	_ =	shalt  }
0x45: {  	_ =	shalt  }
0x46: {  	_ =	shalt  }
0x47: {  	_ =	shalt  }
0x48: {  	_ =	shalt  }
0x49: {  	_ =	shalt  }
0x4a: {  	_ =	shalt  }
0x4b: {  	_ =	shalt  }
0x4c: {  	_ =	shalt  }
0x4d: {  	_ =	shalt  }
0x4e: {  	_ =	shalt  }
0x4f: {  	_ =	shalt  }
0x50: {  	_ =	shalt  }
0x51: {  	_ =	shalt  }
0x52: {  	_ =	shalt  }
0x53: {  	_ =	shalt  }
0x54: {  	_ =	shalt  }
0x55: {  	_ =	shalt  }
0x56: {  	_ =	shalt  }
0x57: {  	_ =	shalt  }
0x58: {  	_ =	shalt  }
0x59: {  	_ =	shalt  }
0x5a: {  	_ =	shalt  }
0x5b: {  	_ =	shalt  }
0x5c: {  	_ =	shalt  }
0x5d: {  	_ =	shalt  }
0x5e: {  	_ =	shalt  }
0x5f: {  	_ =	shalt  }
0x60: {  	_ =	shalt  }
0x61: {  	_ =	shalt  }
0x62: {  	_ =	shalt  }
0x63: {  	_ =	shalt  }
0x64: {  	_ =	shalt  }
0x65: {  	_ =	shalt  }
0x66: {  	_ =	shalt  }
0x67: {  	_ =	shalt  }
0x68: {  	_ =	shalt  }
0x69: {  	_ =	shalt  }
0x6a: {  	_ =	shalt  }
0x6b: {  	_ =	shalt  }
0x6c: {  	_ =	shalt  }
0x6d: {  	_ =	shalt  }
0x6e: {  	_ =	shalt  }
0x6f: {  	_ =	shalt  }
0x70: {  	_ =	shalt  }
0x71: {  	_ =	shalt  }
0x72: {  	_ =	shalt  }
0x73: {  	_ =	shalt  }
0x74: {  	_ =	shalt  }
0x75: {  	_ =	shalt  }
0x76: {  	_ =	shalt  }
0x77: {  	_ =	shalt  }
0x78: {  	_ =	shalt  }
0x79: {  	_ =	shalt  }
0x7a: {  	_ =	shalt  }
0x7b: {  	_ =	shalt  }
0x7c: {  	_ =	shalt  }
0x7d: {  	_ =	shalt  }
0x7e: {  	_ =	shalt  }
0x7f: {  	_ =	shalt  }
0x80: {  	_ =	shalt  }
0x81: {  	_ =	shalt  }
0x82: {  	_ =	shalt  }
0x83: {  	_ =	shalt  }
0x84: {  	_ =	shalt  }
0x85: {  	_ =	shalt  }
0x86: {  	_ =	shalt  }
0x87: {  	_ =	shalt  }
.Lfunc_end0:
.L_simem_size_0:
called_computation_lowered:
.L_overlay_start_0:
0x88: {  	s2 =	sld [smem:$0x3FD9]  }
0x89: {  	s3 =	sld [smem:$0x3FFE];
	_ =	sdelay $0x1  }
0x8a: {  	s1 =	srdreg.scid  }
0x8b: {  	s0 =	sand.u32 $0x1, s1  }
0x8c: {  	s16 =	sshll.u32 s0, $0xA;
	s2 =	sadd.s32 s3, s2  }
0x8d: {  	s2 =	sadd.s32 s2, s16  }
0x8e: {  	[smem:$0x3FC2] =	sst s2  }
0x8f: {  	_ = 	snop  }
0x90: {  	(tm) =	ssettm $0x1  }
0x91: {  	s17 =	sld [smem:$0x3FFB];
	_ =	sdelay $0x3  }
0x92: {  	_ =	strace s17  }
0x93: {  	s2 =	sld [smem:$0x3FFC];
	_ =	sdelay $0x3  }
0x94: {  	_ =	strace s2  }
0x95: {  	s2 =	sld [smem:$0x3FFD];
	_ =	sdelay $0x3  }
0x96: {  	_ =	strace s2  }
0x97: {  	_ =	strace $0x8FFFFFFF  }
0x98: {  	s18 =	sld [smem:$0x3FDB];
	_ =	sdelay $0x1  }
0x99: {  	s19 =	simm.s32 $_scs_section_size  }
0x9a: {  	s4 =	simm.s32 $_size__tile_overlayer_lowered;
	s5 =	simm.s32 $_tile_overlayer_lowered  }
0x9b: {  	s22 =	simm.s32 $0x1BFF;
	s21 =	sshll.u32 s5, $0x1;
	s2 =	sadd.s32 s19, s18  }
0x9c: {  	s6 =	simm.s32 $0x0;
	s20 =	sshll.u32 s4, $0x1;
	s4 =	sadd.s32 s21, s2  }
0x9d: {  	[timem:s6], [sflag:s22] =	dma.local [hbm:s4], s20  }
0x9e: {  	_ =	swait.ge [sflag:s22], s20  }
0x9f: {  	s3 =	ssub.s32 $0x0, s20;
	[sflag:s22] =	ssyncset.done $0x0  }
0xa0: {  	[sflag:s22] =	ssyncadd.s32 s3;
	_ =	sdelay $0x1  }
0xa1: {  	s23 =	simm.s32 $0x1B8B  }
0xa2: {  	_ =	swait.ge [sflag:s23], $0x1  }
0xa3: {  	[sflag:s23] =	ssyncset.done $0x0  }
0xa4: {  	s25 =	simm.s32 $0x1B8E;
	s24 =	sld [smem:$0x3FFE];
	[sflag:s23] =	ssyncadd.s32 $0xFFFFFFFF  }
0xa5: {  	s26 =	simm.s32 $execute0_lowered;
	[smem:$0x3FD2] =	sst s25  }
0xa6: {  	s4 =	sshll.u32 s26, $0x1;
	_ =	strace $0x80000046;
	[dreg:$0x1] =	wrdreg $0xFFFFFFFF  }
0xa7: {  	s28 =	simm.s32 $_size_execute0_lowered;
	s2 =	sadd.s32 s2, s4;
	[dreg:$0x0] =	wrdreg $0x0  }
0xa8: {  	s4 =	sshll.u32 s28, $0x1;
	[dreg:$0x2] =	wrdreg s2  }
0xa9: {  	[dreg:$0x3] =	wrdreg s4  }
0xaa: {  	[dreg:$0x4] =	wrdreg $0xC0  }
0xab: {  	_ =	task [dreg:s6], $0x5FFFF  }
0xac: {  	[dreg:$0x1] =	wrdreg $0xFFFFFFFF  }
0xad: {  	[dreg:$0x0] =	wrdreg $0x60  }
0xae: {  	[dreg:$0x2] =	wrdreg s24  }
0xaf: {  	[dreg:$0x3] =	wrdreg $0x9  }
0xb0: {  	_ =	task.clear_ibuf [dreg:s6], $0x4FFFF;
	_ =	strace $0x90000046  }
0xb1: {  	s29 =	simm.s32 $0x9;
	_ =	strace $0x80000048  }
0xb2: {  	_ =	swait.ge [sflag:s29], $0x1  }
0xb3: {  	[sflag:s29] =	ssyncadd.s32 $0xFFFFFFFF  }
0xb4: {  	_ =	strace $0x90000048  }
0xb5: {  	_ =	sfence  }
0xb6: {  	s30 =	sld [smem:$0x0];
	_ =	sdelay $0x2  }
0xb7: {  	s31 =	sshll.u32 s1, $0xD;
	s1 =	sshrl.u32 s1, $0x2  }
0xb8: {  	s3 =	sand.u32 $0x4000, s31;
	s1 =	sadd.s32 s1, s30  }
0xb9: {  	s0 =	sor.u32 s3, s0;
	s1 =	sshll.u32 s1, $0x11  }
0xba: {  	s0 =	sor.u32 s1, s0  }
0xbb: {  	s0 =	sadd.s32 $0x8F2B, s0  }
0xbc: {  	[sflag:s0] =	ssyncadd.remote.s32 $0x1  }
0xbd: {  	_ =	sfence.sel $0xFFFF  }
0xbe: {  	[dreg:$0x0] =	wrdreg $0xFFFFFFFF;
	(pc) =	sbr.abs _section_cstart, $3  }
0xbf: {  	[dreg:$0x1] =	wrdreg $0xFFFFFFFF  }
0xc0: {  	_ =	task.clear_ibuf [dreg:s6], $0x2FFFF;
	_ =	strace $0x9FFFFFFF  }
0xc1: {  	(tm) =	ssettm $0x7FFFFFFF  }
tec
execute0_lowered:
.L_overlay_start_1:
0x0: {  	(tag) =	ssettag $0x1  }
0x1: {  	s0 =	rddreg [dreg:$0x0];
	s1 =	simm.s32 $0x0  }
0x2: {  	s20 =	srdreg.scid;
	s3 =	stileid.u32;
	s28 =	simm.s32 $0x1D2A0  }
0x3: {  	s29 =	simm.s32 $0x1D6A0;
	s30 =	simm.s32 $0x1DAA0;
	s31 =	simm.s32 $0x1DEA0  }
0x4: {  	[smem:$0x7FF] =	sst s1;
	s2 =	sadd.s32 $0x1200, s0;
	s19 =	sadd.s32 $0x9EC400, s0  }
0x5: {  	s4 =	sadd.s32 $0x9F9400, s0;
	s3 =	sshll.u32 s3, $0x1;
	s21 =	sadd.s32 $0x9F9800, s0  }
0x6: {  	s22 =	sadd.s32 $0x9F9C00, s0;
	_ =	strace $0x80000047;
	[dreg:$0x2] =	wrdreg s2  }
0x7: {  	s23 =	sadd.s32 $0x9FA000, s0;
	s24 =	sadd.s32 $0x9FA400, s0;
	[dreg:$0x3] =	wrdreg s19  }
0x8: {  	s11 =	sadd.s32 $0x9FA800, s0;
	s12 =	sadd.s32 $0x9FAC00, s0;
	[dreg:$0x4] =	wrdreg s4  }
0x9: {  	s13 =	sadd.s32 $0x9FB400, s0;
	s14 =	sadd.s32 $0x9FB800, s0;
	[dreg:$0x5] =	wrdreg s21  }
0xa: {  	s15 =	sadd.s32 $0x9FB000, s0;
	s16 =	sadd.s32 $0x9FBC00, s0;
	[dreg:$0x6] =	wrdreg s22  }
0xb: {  	s17 =	sadd.s32 $0x9FC000, s0;
	s18 =	sadd.s32 $0x9FC400, s0;
	[dreg:$0x8] =	wrdreg s23  }
0xc: {  	s2 =	sand.u32 $0x1, s20;
	[dreg:$0x9] =	wrdreg s24;
	s19 =	sadd.s32 $0x9FC800, s0  }
0xd: {  	s20 =	sadd.s32 $0x9FCC00, s0;
	s21 =	sadd.s32 $0x9FD000, s0;
	s22 =	simm.s32 $0x80  }
0xe: {  	s23 =	simm.s32 $0x400;
	s3 =	sor.u32 s2, s3;
	s2 =	ssub.s32 $0x2, s2  }
0xf: {  	s24 =	simm.s32 $0x1C6A0;
	s3 =	smul.u32 $0x1A, s3;
	s25 =	sshrl.u32 s2, $0x1  }
0x10: {  	s0 =	simm.s32 $0x1E2A0;
	s4 =	simm.s32 $0x0;
	s2 =	ssub.s32 s2, s25  }
0x11: {  	s25 =	simm.s32 $0x1CAA0;
	[dreg:$0x7] =	wrdreg s3;
	s26 =	smax.u32 s2, $0x1  }
0x12: {  	s2 =	simm.s32 $0x1;
	[dreg:$0xa] =	wrdreg s26;
	s26 =	simm.s32 $0x1CEA0  }
.LBB2_1:
0x13: {  	[dreg:$0xb] =	wrdreg s4;
	s4 =	simm.s32 $0xFFFFFFFF;
	s3 =	simm.s32 $0x0  }
.LBB2_2:
0x14: {  	s7 =	rddreg [dreg:$0x7]  }
0x15: {  	s5 =	sadd.s32 s7, s3  }
0x16: {  	s6 =	smov.u32 s4;
	s4 =	sshrl.u32 s5, $0x5  }
0x17: {  	p0 =	seq.s32 s4, s6  }
0x18: {  	s6 =	sshll.u32 @!p0 s4, $0xB  }
0x19: {  	s7 =	rddreg [dreg:$0x3];
	s6 =	sand.u32 @!p0 $0x1FFFF800, s6  }
0x1a: {  	s8 =	simm.s32 @!p0 $0x186A0;
	s6 =	sadd.s32 @!p0 s7, s6;
	s7 =	simm.s32 @!p0 $0x0  }
0x1b: {  	[tilespmem:s8], [sflag:$0x2] =	stream.linear.gather @!p0 [hbm4b:s6+s7], $0x4000, $0x38;
	[tilespmem:$0x1E6A0] =	vst v63  }
0x1c: {  	s6 =	simm.s32 @!p0 $0x2;
	s8 =	smul.u32 $0x186A0, s5  }
0x1d: {  	_ =	swait.ge @!p0 [sflag:s6], $0x4000  }
0x1e: {  	[sflag:s6] =	ssyncset.done @!p0 $0x0;
	s7 =	sshrl.u32 s8, $0x3;
	s9 =	rddreg [dreg:$0x2]  }
0x1f: {  	[sflag:s6] =	ssyncadd.s32 @!p0 $0xFFFFC000;
	s6 =	sadd.s32 s9, s7  }
0x20: {  	[tilespmem:s1], [sflag:$0x1] =	stream.linear.gather [hbm4b:s6+s1], $0x2710, $0x38;
	[tilespmem:$0x1E6A0] =	vst v63  }
0x21: {  	s10 =	simm.s32 $0x2710;
	s7 =	sadd.s32 $0x4E2, s6  }
0x22: {  	[tilespmem:s10], [sflag:$0x1] =	stream.linear.gather [hbm4b:s7+s1], $0x2710, $0x38;
	[tilespmem:$0x1E6A0] =	vst v63  }
0x23: {  	s9 =	sadd.s32 $0x9C4, s6;
	s10 =	simm.s32 $0x4E20  }
0x24: {  	[tilespmem:s10], [sflag:$0x1] =	stream.linear.gather [hbm4b:s9+s1], $0x2710, $0x38;
	[tilespmem:$0x1E6A0] =	vst v63  }
0x25: {  	s9 =	sadd.s32 $0xEA6, s6;
	s10 =	simm.s32 $0x7530  }
0x26: {  	[tilespmem:s10], [sflag:$0x1] =	stream.linear.gather [hbm4b:s9+s1], $0x2710, $0x38;
	[tilespmem:$0x1E6A0] =	vst v63  }
0x27: {  	s9 =	sadd.s32 $0x1388, s6;
	s10 =	simm.s32 $0x9C40  }
0x28: {  	[tilespmem:s10], [sflag:$0x1] =	stream.linear.gather [hbm4b:s9+s1], $0x2710, $0x38;
	[tilespmem:$0x1E6A0] =	vst v63  }
0x29: {  	s9 =	sadd.s32 $0x186A, s6;
	s10 =	simm.s32 $0xC350  }
0x2a: {  	[tilespmem:s10], [sflag:$0x1] =	stream.linear.gather [hbm4b:s9+s1], $0x2710, $0x38;
	[tilespmem:$0x1E6A0] =	vst v63  }
0x2b: {  	s9 =	sadd.s32 $0x1D4C, s6;
	s10 =	simm.s32 $0xEA60  }
0x2c: {  	[tilespmem:s10], [sflag:$0x1] =	stream.linear.gather [hbm4b:s9+s1], $0x2710, $0x38;
	[tilespmem:$0x1E6A0] =	vst v63  }
0x2d: {  	s9 =	sadd.s32 $0x222E, s6;
	s10 =	simm.s32 $0x11170  }
0x2e: {  	[tilespmem:s10], [sflag:$0x1] =	stream.linear.gather [hbm4b:s9+s1], $0x2710, $0x38;
	[tilespmem:$0x1E6A0] =	vst v63  }
0x2f: {  	s9 =	sadd.s32 $0x2710, s6;
	s10 =	simm.s32 $0x13880  }
0x30: {  	[tilespmem:s10], [sflag:$0x1] =	stream.linear.gather [hbm4b:s9+s1], $0x2710, $0x38;
	[tilespmem:$0x1E6A0] =	vst v63  }
0x31: {  	s6 =	sadd.s32 $0x2BF2, s6;
	s9 =	simm.s32 $0x15F90  }
0x32: {  	[tilespmem:s9], [sflag:$0x1] =	stream.linear.gather [hbm4b:s6+s1], $0x2710, $0x38;
	[tilespmem:$0x1E6A0] =	vst v63  }
0x33: {  	_ =	swait.ge [sflag:s2], $0x2710  }
0x34: {  	[sflag:s2] =	ssyncset.done $0x0  }
0x35: {  	[sflag:s2] =	ssyncadd.s32 $0xFFFFD8F0  }
0x36: {  	_ =	swait.ge [sflag:s2], $0x2710  }
0x37: {  	[sflag:s2] =	ssyncset.done $0x0  }
0x38: {  	[sflag:s2] =	ssyncadd.s32 $0xFFFFD8F0  }
0x39: {  	_ =	swait.ge [sflag:s2], $0x2710  }
0x3a: {  	[sflag:s2] =	ssyncset.done $0x0  }
0x3b: {  	[sflag:s2] =	ssyncadd.s32 $0xFFFFD8F0  }
0x3c: {  	_ =	swait.ge [sflag:s2], $0x2710  }
0x3d: {  	[sflag:s2] =	ssyncset.done $0x0  }
0x3e: {  	[sflag:s2] =	ssyncadd.s32 $0xFFFFD8F0  }
0x3f: {  	_ =	swait.ge [sflag:s2], $0x2710  }
0x40: {  	[sflag:s2] =	ssyncset.done $0x0  }
0x41: {  	[sflag:s2] =	ssyncadd.s32 $0xFFFFD8F0  }
0x42: {  	_ =	swait.ge [sflag:s2], $0x2710  }
0x43: {  	[sflag:s2] =	ssyncset.done $0x0  }
0x44: {  	[sflag:s2] =	ssyncadd.s32 $0xFFFFD8F0  }
0x45: {  	_ =	swait.ge [sflag:s2], $0x2710  }
0x46: {  	[sflag:s2] =	ssyncset.done $0x0  }
0x47: {  	[sflag:s2] =	ssyncadd.s32 $0xFFFFD8F0  }
0x48: {  	_ =	swait.ge [sflag:s2], $0x2710  }
0x49: {  	[sflag:s2] =	ssyncset.done $0x0  }
0x4a: {  	[sflag:s2] =	ssyncadd.s32 $0xFFFFD8F0  }
0x4b: {  	_ =	swait.ge [sflag:s2], $0x2710  }
0x4c: {  	[sflag:s2] =	ssyncset.done $0x0  }
0x4d: {  	[sflag:s2] =	ssyncadd.s32 $0xFFFFD8F0  }
0x4e: {  	_ =	swait.ge [sflag:s2], $0x2710  }
0x4f: {  	[sflag:s2] =	ssyncset.done $0x0  }
0x50: {  	s10 =	simm.s32 $0x18720;
	[sflag:s2] =	ssyncadd.s32 $0xFFFFD8F0  }
0x51: {  	v0 =	vld [tilespmem:s10+$0x70]  }
0x52: {  	v1 =	vld [tilespmem:s10+$0xFFFFFF90]  }
0x53: {  	v2 =	vld [tilespmem:s10+$0xFFFFFFA0]  }
0x54: {  	v3 =	vld [tilespmem:s10+$0xFFFFFFB0]  }
0x55: {  	v4 =	vld [tilespmem:s10+$0xFFFFFFC0]  }
0x56: {  	v5 =	vld [tilespmem:s10+$0xFFFFFFD0]  }
0x57: {  	v6 =	vld [tilespmem:s10+$0xFFFFFFE0]  }
0x58: {  	v7 =	vld [tilespmem:s10+$0xFFFFFFF0]  }
0x59: {  	v8 =	vld [tilespmem:s10+$0x0]  }
0x5a: {  	v9 =	vld [tilespmem:s10+$0x10]  }
0x5b: {  	v10 =	vld [tilespmem:s10+$0x20]  }
0x5c: {  	v11 =	vld [tilespmem:s10+$0x30]  }
0x5d: {  	v12 =	vld [tilespmem:s10+$0x40]  }
0x5e: {  	v13 =	vld [tilespmem:s10+$0x50]  }
0x5f: {  	v14 =	vld [tilespmem:s10+$0x60]  }
0x60: {  	v15 =	vld [tilespmem:s10+$0xFFFFFF80]  }
0x61: {  	v0 =	vld.idx.msk [tilespmem:v0+s1+$0x0], $0xffff  }
0x62: {  	v1 =	vld.idx.msk [tilespmem:v1+s1+$0x0], $0xffff  }
0x63: {  	v2 =	vld.idx.msk [tilespmem:v2+s1+$0x0], $0xffff  }
0x64: {  	v3 =	vld.idx.msk [tilespmem:v3+s1+$0x0], $0xffff  }
0x65: {  	v4 =	vld.idx.msk [tilespmem:v4+s1+$0x0], $0xffff  }
0x66: {  	s7 =	simm.s32 $0x1C720;
	v5 =	vld.idx.msk [tilespmem:v5+s1+$0x0], $0xffff  }
0x67: {  	v6 =	vld.idx.msk [tilespmem:v6+s1+$0x0], $0xffff;
	[tilespmem:s7+$0x70] =	vst v0  }
0x68: {  	v7 =	vld.idx.msk [tilespmem:v7+s1+$0x0], $0xffff;
	[tilespmem:s7+$0xFFFFFF90] =	vst v1  }
0x69: {  	v15 =	vld.idx.msk [tilespmem:v15+s1+$0x0], $0xffff;
	[tilespmem:s7+$0xFFFFFFA0] =	vst v2  }
0x6a: {  	v8 =	vld.idx.msk [tilespmem:v8+s1+$0x0], $0xffff;
	[tilespmem:s7+$0xFFFFFFB0] =	vst v3  }
0x6b: {  	[tilespmem:s7+$0xFFFFFFC0] =	vst v4;
	v0 =	vld.idx.msk [tilespmem:v9+s1+$0x0], $0xffff  }
0x6c: {  	[tilespmem:s7+$0xFFFFFFD0] =	vst v5;
	v1 =	vld.idx.msk [tilespmem:v10+s1+$0x0], $0xffff  }
0x6d: {  	[tilespmem:s7+$0xFFFFFFE0] =	vst v6;
	v2 =	vld.idx.msk [tilespmem:v11+s1+$0x0], $0xffff  }
0x6e: {  	[tilespmem:s7+$0xFFFFFFF0] =	vst v7;
	v3 =	vld.idx.msk [tilespmem:v12+s1+$0x0], $0xffff  }
0x6f: {  	s8 =	simm.s32 $0x18B90;
	[tilespmem:s7+$0xFFFFFF80] =	vst v15;
	v4 =	vld.idx.msk [tilespmem:v13+s1+$0x0], $0xffff  }
0x70: {  	s9 =	simm.s32 $0x0;
	s6 =	simm.s32 $0x1CB90;
	s10 =	simm.s32 $0x18820;
	[tilespmem:s7+$0x0] =	vst v8;
	v5 =	vld.idx.msk [tilespmem:v14+s1+$0x0], $0xffff  }
.LBB2_3:
0x71: {  	v6 =	vld [tilespmem:s10+$0x70];
	s9 =	sadd.s32 $0x10, s9;
	[tilespmem:s7+$0x10] =	vst v0  }
0x72: {  	v0 =	vld [tilespmem:s10+$0xFFFFFF90];
	p0 =	slt.u32 s9, $0x30;
	[tilespmem:s7+$0x20] =	vst v1  }
0x73: {  	v1 =	vld [tilespmem:s10+$0xFFFFFFA0];
	[tilespmem:s7+$0x30] =	vst v2  }
0x74: {  	v2 =	vld [tilespmem:s10+$0xFFFFFFB0];
	[tilespmem:s7+$0x40] =	vst v3  }
0x75: {  	v3 =	vld [tilespmem:s10+$0xFFFFFFC0];
	[tilespmem:s7+$0x50] =	vst v4  }
0x76: {  	v4 =	vld [tilespmem:s10+$0xFFFFFFD0];
	[tilespmem:s7+$0x60] =	vst v5  }
0x77: {  	v5 =	vld [tilespmem:s10+$0xFFFFFFE0]  }
0x78: {  	v7 =	vld [tilespmem:s10+$0xFFFFFFF0]  }
0x79: {  	v6 =	vld.idx.msk [tilespmem:v6+s1+$0x0], $0xffff  }
0x7a: {  	v8 =	vld [tilespmem:s10+$0x0]  }
0x7b: {  	v9 =	vld [tilespmem:s10+$0x10]  }
0x7c: {  	v10 =	vld [tilespmem:s10+$0x20]  }
0x7d: {  	v11 =	vld [tilespmem:s10+$0x30]  }
0x7e: {  	s7 =	sadd.s32 $0x100, s7;
	v12 =	vld [tilespmem:s10+$0x40]  }
0x7f: {  	v13 =	vld [tilespmem:s10+$0x50];
	[tilespmem:s7+$0x70] =	vst v6  }
0x80: {  	v6 =	vld [tilespmem:s10+$0x60]  }
0x81: {  	v14 =	vld [tilespmem:s10+$0xFFFFFF80]  }
0x82: {  	v0 =	vld.idx.msk [tilespmem:v0+s1+$0x0], $0xffff  }
0x83: {  	v1 =	vld.idx.msk [tilespmem:v1+s1+$0x0], $0xffff  }
0x84: {  	v2 =	vld.idx.msk [tilespmem:v2+s1+$0x0], $0xffff  }
0x85: {  	v3 =	vld.idx.msk [tilespmem:v3+s1+$0x0], $0xffff  }
0x86: {  	v4 =	vld.idx.msk [tilespmem:v4+s1+$0x0], $0xffff  }
0x87: {  	v5 =	vld.idx.msk [tilespmem:v5+s1+$0x0], $0xffff  }
0x88: {  	[tilespmem:s7+$0xFFFFFF90] =	vst v0;
	v7 =	vld.idx.msk [tilespmem:v7+s1+$0x0], $0xffff  }
0x89: {  	v14 =	vld.idx.msk [tilespmem:v14+s1+$0x0], $0xffff;
	[tilespmem:s7+$0xFFFFFFA0] =	vst v1  }
0x8a: {  	[tilespmem:s7+$0xFFFFFFB0] =	vst v2;
	v8 =	vld.idx.msk [tilespmem:v8+s1+$0x0], $0xffff  }
0x8b: {  	[tilespmem:s7+$0xFFFFFFC0] =	vst v3;
	v0 =	vld.idx.msk [tilespmem:v9+s1+$0x0], $0xffff  }
.Ltmp0:
0x8c: {  	[tilespmem:s7+$0xFFFFFFD0] =	vst v4;
	v1 =	vld.idx.msk [tilespmem:v10+s1+$0x0], $0xffff;
	(pc) =	sbr.rel @p0 .LBB2_3-.Ltmp0, $4  }
0x8d: {  	[tilespmem:s7+$0xFFFFFFE0] =	vst v5;
	v2 =	vld.idx.msk [tilespmem:v11+s1+$0x0], $0xffff  }
0x8e: {  	[tilespmem:s7+$0xFFFFFFF0] =	vst v7;
	v3 =	vld.idx.msk [tilespmem:v12+s1+$0x0], $0xffff  }
0x8f: {  	[tilespmem:s7+$0xFFFFFF80] =	vst v14;
	v4 =	vld.idx.msk [tilespmem:v13+s1+$0x0], $0xffff  }
0x90: {  	s10 =	sadd.s32 $0x100, s10;
	[tilespmem:s7+$0x0] =	vst v8;
	v5 =	vld.idx.msk [tilespmem:v6+s1+$0x0], $0xffff  }
0x91: {  	[tilespmem:s7+$0x10] =	vst v0  }
0x92: {  	[tilespmem:s7+$0x20] =	vst v1  }
0x93: {  	[tilespmem:s7+$0x30] =	vst v2  }
0x94: {  	[tilespmem:s7+$0x40] =	vst v3  }
0x95: {  	[tilespmem:s7+$0x50] =	vst v4  }
0x96: {  	[tilespmem:s7+$0x60] =	vst v5  }
0x97: {  	v0 =	vld [tilespmem:s8+$0x0]  }
0x98: {  	v1 =	vld [tilespmem:s8+$0xFFFFFF20]  }
0x99: {  	v2 =	vld [tilespmem:s8+$0xFFFFFF30]  }
0x9a: {  	v3 =	vld [tilespmem:s8+$0xFFFFFF40]  }
0x9b: {  	v4 =	vld [tilespmem:s8+$0xFFFFFF50]  }
0x9c: {  	v5 =	vld [tilespmem:s8+$0xFFFFFF60]  }
0x9d: {  	v6 =	vld [tilespmem:s8+$0xFFFFFF70]  }
0x9e: {  	v7 =	vld [tilespmem:s8+$0xFFFFFF80]  }
0x9f: {  	v8 =	vld [tilespmem:s8+$0xFFFFFF90]  }
0xa0: {  	v9 =	vld [tilespmem:s8+$0xFFFFFFA0]  }
0xa1: {  	v10 =	vld [tilespmem:s8+$0xFFFFFFB0]  }
0xa2: {  	v11 =	vld [tilespmem:s8+$0xFFFFFFC0]  }
0xa3: {  	v12 =	vld [tilespmem:s8+$0xFFFFFFD0]  }
0xa4: {  	v13 =	vld [tilespmem:s8+$0xFFFFFFE0]  }
0xa5: {  	v14 =	vld [tilespmem:s8+$0xFFFFFFF0]  }
0xa6: {  	v15 =	vld [tilespmem:s8+$0xFFFFFF10]  }
0xa7: {  	v0 =	vld.idx.msk [tilespmem:v0+s1+$0x0], $0xffff  }
0xa8: {  	v1 =	vld.idx.msk [tilespmem:v1+s1+$0x0], $0xffff  }
0xa9: {  	v2 =	vld.idx.msk [tilespmem:v2+s1+$0x0], $0xffff  }
0xaa: {  	v3 =	vld.idx.msk [tilespmem:v3+s1+$0x0], $0xffff  }
0xab: {  	v4 =	vld.idx.msk [tilespmem:v4+s1+$0x0], $0xffff  }
0xac: {  	v5 =	vld.idx.msk [tilespmem:v5+s1+$0x0], $0xffff  }
0xad: {  	v6 =	vld.idx.msk [tilespmem:v6+s1+$0x0], $0xffff;
	[tilespmem:s6+$0x0] =	vst v0  }
0xae: {  	v7 =	vld.idx.msk [tilespmem:v7+s1+$0x0], $0xffff;
	[tilespmem:s6+$0xFFFFFF20] =	vst v1  }
0xaf: {  	v15 =	vld.idx.msk [tilespmem:v15+s1+$0x0], $0xffff;
	[tilespmem:s6+$0xFFFFFF30] =	vst v2  }
0xb0: {  	v8 =	vld.idx.msk [tilespmem:v8+s1+$0x0], $0xffff;
	[tilespmem:s6+$0xFFFFFF40] =	vst v3  }
0xb1: {  	[tilespmem:s6+$0xFFFFFF50] =	vst v4;
	v0 =	vld.idx.msk [tilespmem:v9+s1+$0x0], $0xffff  }
0xb2: {  	[tilespmem:s6+$0xFFFFFF60] =	vst v5;
	v1 =	vld.idx.msk [tilespmem:v10+s1+$0x0], $0xffff  }
0xb3: {  	[tilespmem:s6+$0xFFFFFF70] =	vst v6;
	v2 =	vld.idx.msk [tilespmem:v11+s1+$0x0], $0xffff  }
0xb4: {  	[tilespmem:s6+$0xFFFFFF80] =	vst v7;
	v3 =	vld.idx.msk [tilespmem:v12+s1+$0x0], $0xffff  }
0xb5: {  	s9 =	simm.s32 $0x0;
	[tilespmem:s6+$0xFFFFFF10] =	vst v15;
	v4 =	vld.idx.msk [tilespmem:v13+s1+$0x0], $0xffff  }
0xb6: {  	s10 =	simm.s32 $0x18C90;
	s7 =	simm.s32 $0x1CF90;
	s8 =	simm.s32 $0x18F90;
	[tilespmem:s6+$0xFFFFFF90] =	vst v8;
	v5 =	vld.idx.msk [tilespmem:v14+s1+$0x0], $0xffff  }
.LBB2_5:
0xb7: {  	v6 =	vld [tilespmem:s10+$0x0];
	s9 =	sadd.s32 $0x10, s9;
	[tilespmem:s6+$0xFFFFFFA0] =	vst v0  }
0xb8: {  	v0 =	vld [tilespmem:s10+$0xFFFFFF20];
	p0 =	slt.u32 s9, $0x30;
	[tilespmem:s6+$0xFFFFFFB0] =	vst v1  }
0xb9: {  	v1 =	vld [tilespmem:s10+$0xFFFFFF30];
	[tilespmem:s6+$0xFFFFFFC0] =	vst v2  }
0xba: {  	v2 =	vld [tilespmem:s10+$0xFFFFFF40];
	[tilespmem:s6+$0xFFFFFFD0] =	vst v3  }
0xbb: {  	v3 =	vld [tilespmem:s10+$0xFFFFFF50];
	[tilespmem:s6+$0xFFFFFFE0] =	vst v4  }
0xbc: {  	v4 =	vld [tilespmem:s10+$0xFFFFFF60];
	[tilespmem:s6+$0xFFFFFFF0] =	vst v5  }
0xbd: {  	v5 =	vld [tilespmem:s10+$0xFFFFFF70]  }
0xbe: {  	v7 =	vld [tilespmem:s10+$0xFFFFFF80]  }
0xbf: {  	v6 =	vld.idx.msk [tilespmem:v6+s1+$0x0], $0xffff  }
0xc0: {  	v8 =	vld [tilespmem:s10+$0xFFFFFF90]  }
0xc1: {  	v9 =	vld [tilespmem:s10+$0xFFFFFFA0]  }
0xc2: {  	v10 =	vld [tilespmem:s10+$0xFFFFFFB0]  }
0xc3: {  	v11 =	vld [tilespmem:s10+$0xFFFFFFC0]  }
0xc4: {  	s6 =	sadd.s32 $0x100, s6;
	v12 =	vld [tilespmem:s10+$0xFFFFFFD0]  }
0xc5: {  	v13 =	vld [tilespmem:s10+$0xFFFFFFE0];
	[tilespmem:s6+$0x0] =	vst v6  }
0xc6: {  	v6 =	vld [tilespmem:s10+$0xFFFFFFF0]  }
0xc7: {  	v14 =	vld [tilespmem:s10+$0xFFFFFF10]  }
0xc8: {  	v0 =	vld.idx.msk [tilespmem:v0+s1+$0x0], $0xffff  }
0xc9: {  	v1 =	vld.idx.msk [tilespmem:v1+s1+$0x0], $0xffff  }
0xca: {  	v2 =	vld.idx.msk [tilespmem:v2+s1+$0x0], $0xffff  }
0xcb: {  	v3 =	vld.idx.msk [tilespmem:v3+s1+$0x0], $0xffff  }
0xcc: {  	v4 =	vld.idx.msk [tilespmem:v4+s1+$0x0], $0xffff  }
0xcd: {  	v5 =	vld.idx.msk [tilespmem:v5+s1+$0x0], $0xffff  }
0xce: {  	[tilespmem:s6+$0xFFFFFF20] =	vst v0;
	v7 =	vld.idx.msk [tilespmem:v7+s1+$0x0], $0xffff  }
0xcf: {  	v14 =	vld.idx.msk [tilespmem:v14+s1+$0x0], $0xffff;
	[tilespmem:s6+$0xFFFFFF30] =	vst v1  }
0xd0: {  	[tilespmem:s6+$0xFFFFFF40] =	vst v2;
	v8 =	vld.idx.msk [tilespmem:v8+s1+$0x0], $0xffff  }
0xd1: {  	[tilespmem:s6+$0xFFFFFF50] =	vst v3;
	v0 =	vld.idx.msk [tilespmem:v9+s1+$0x0], $0xffff  }
.Ltmp1:
0xd2: {  	[tilespmem:s6+$0xFFFFFF60] =	vst v4;
	v1 =	vld.idx.msk [tilespmem:v10+s1+$0x0], $0xffff;
	(pc) =	sbr.rel @p0 .LBB2_5-.Ltmp1, $4  }
0xd3: {  	[tilespmem:s6+$0xFFFFFF70] =	vst v5;
	v2 =	vld.idx.msk [tilespmem:v11+s1+$0x0], $0xffff  }
0xd4: {  	[tilespmem:s6+$0xFFFFFF80] =	vst v7;
	v3 =	vld.idx.msk [tilespmem:v12+s1+$0x0], $0xffff  }
0xd5: {  	[tilespmem:s6+$0xFFFFFF10] =	vst v14;
	v4 =	vld.idx.msk [tilespmem:v13+s1+$0x0], $0xffff  }
0xd6: {  	s10 =	sadd.s32 $0x100, s10;
	[tilespmem:s6+$0xFFFFFF90] =	vst v8;
	v5 =	vld.idx.msk [tilespmem:v6+s1+$0x0], $0xffff  }
0xd7: {  	[tilespmem:s6+$0xFFFFFFA0] =	vst v0  }
0xd8: {  	[tilespmem:s6+$0xFFFFFFB0] =	vst v1  }
0xd9: {  	[tilespmem:s6+$0xFFFFFFC0] =	vst v2  }
0xda: {  	[tilespmem:s6+$0xFFFFFFD0] =	vst v3  }
0xdb: {  	[tilespmem:s6+$0xFFFFFFE0] =	vst v4  }
0xdc: {  	[tilespmem:s6+$0xFFFFFFF0] =	vst v5  }
0xdd: {  	v0 =	vld [tilespmem:s8+$0x0]  }
0xde: {  	v1 =	vld [tilespmem:s8+$0xFFFFFF20]  }
0xdf: {  	v2 =	vld [tilespmem:s8+$0xFFFFFF30]  }
0xe0: {  	v3 =	vld [tilespmem:s8+$0xFFFFFF40]  }
0xe1: {  	v4 =	vld [tilespmem:s8+$0xFFFFFF50]  }
0xe2: {  	v5 =	vld [tilespmem:s8+$0xFFFFFF60]  }
0xe3: {  	v6 =	vld [tilespmem:s8+$0xFFFFFF70]  }
0xe4: {  	v7 =	vld [tilespmem:s8+$0xFFFFFF80]  }
0xe5: {  	v8 =	vld [tilespmem:s8+$0xFFFFFF90]  }
0xe6: {  	v9 =	vld [tilespmem:s8+$0xFFFFFFA0]  }
0xe7: {  	v10 =	vld [tilespmem:s8+$0xFFFFFFB0]  }
0xe8: {  	v11 =	vld [tilespmem:s8+$0xFFFFFFC0]  }
0xe9: {  	v12 =	vld [tilespmem:s8+$0xFFFFFFD0]  }
0xea: {  	v13 =	vld [tilespmem:s8+$0xFFFFFFE0]  }
0xeb: {  	v14 =	vld [tilespmem:s8+$0xFFFFFFF0]  }
0xec: {  	v15 =	vld [tilespmem:s8+$0xFFFFFF10]  }
0xed: {  	v0 =	vld.idx.msk [tilespmem:v0+s1+$0x0], $0xffff  }
0xee: {  	v1 =	vld.idx.msk [tilespmem:v1+s1+$0x0], $0xffff  }
0xef: {  	v2 =	vld.idx.msk [tilespmem:v2+s1+$0x0], $0xffff  }
0xf0: {  	v3 =	vld.idx.msk [tilespmem:v3+s1+$0x0], $0xffff  }
0xf1: {  	v4 =	vld.idx.msk [tilespmem:v4+s1+$0x0], $0xffff  }
0xf2: {  	v5 =	vld.idx.msk [tilespmem:v5+s1+$0x0], $0xffff  }
0xf3: {  	v6 =	vld.idx.msk [tilespmem:v6+s1+$0x0], $0xffff;
	[tilespmem:s7+$0x0] =	vst v0  }
0xf4: {  	v7 =	vld.idx.msk [tilespmem:v7+s1+$0x0], $0xffff;
	[tilespmem:s7+$0xFFFFFF20] =	vst v1  }
0xf5: {  	v15 =	vld.idx.msk [tilespmem:v15+s1+$0x0], $0xffff;
	[tilespmem:s7+$0xFFFFFF30] =	vst v2  }
0xf6: {  	v8 =	vld.idx.msk [tilespmem:v8+s1+$0x0], $0xffff;
	[tilespmem:s7+$0xFFFFFF40] =	vst v3  }
0xf7: {  	[tilespmem:s7+$0xFFFFFF50] =	vst v4;
	v0 =	vld.idx.msk [tilespmem:v9+s1+$0x0], $0xffff  }
0xf8: {  	[tilespmem:s7+$0xFFFFFF60] =	vst v5;
	v1 =	vld.idx.msk [tilespmem:v10+s1+$0x0], $0xffff  }
0xf9: {  	[tilespmem:s7+$0xFFFFFF70] =	vst v6;
	v2 =	vld.idx.msk [tilespmem:v11+s1+$0x0], $0xffff  }
0xfa: {  	[tilespmem:s7+$0xFFFFFF80] =	vst v7;
	v3 =	vld.idx.msk [tilespmem:v12+s1+$0x0], $0xffff  }
0xfb: {  	s9 =	simm.s32 $0x0;
	[tilespmem:s7+$0xFFFFFF10] =	vst v15;
	v4 =	vld.idx.msk [tilespmem:v13+s1+$0x0], $0xffff  }
0xfc: {  	s10 =	simm.s32 $0x19090;
	s6 =	simm.s32 $0x1D390;
	s8 =	simm.s32 $0x19390;
	[tilespmem:s7+$0xFFFFFF90] =	vst v8;
	v5 =	vld.idx.msk [tilespmem:v14+s1+$0x0], $0xffff  }
.LBB2_7:
0xfd: {  	v6 =	vld [tilespmem:s10+$0x0];
	s9 =	sadd.s32 $0x10, s9;
	[tilespmem:s7+$0xFFFFFFA0] =	vst v0  }
0xfe: {  	v0 =	vld [tilespmem:s10+$0xFFFFFF20];
	p0 =	slt.u32 s9, $0x30;
	[tilespmem:s7+$0xFFFFFFB0] =	vst v1  }
0xff: {  	v1 =	vld [tilespmem:s10+$0xFFFFFF30];
	[tilespmem:s7+$0xFFFFFFC0] =	vst v2  }
0x100: {  	v2 =	vld [tilespmem:s10+$0xFFFFFF40];
	[tilespmem:s7+$0xFFFFFFD0] =	vst v3  }
0x101: {  	v3 =	vld [tilespmem:s10+$0xFFFFFF50];
	[tilespmem:s7+$0xFFFFFFE0] =	vst v4  }
0x102: {  	v4 =	vld [tilespmem:s10+$0xFFFFFF60];
	[tilespmem:s7+$0xFFFFFFF0] =	vst v5  }
0x103: {  	v5 =	vld [tilespmem:s10+$0xFFFFFF70]  }
0x104: {  	v7 =	vld [tilespmem:s10+$0xFFFFFF80]  }
0x105: {  	v6 =	vld.idx.msk [tilespmem:v6+s1+$0x0], $0xffff  }
0x106: {  	v8 =	vld [tilespmem:s10+$0xFFFFFF90]  }
0x107: {  	v9 =	vld [tilespmem:s10+$0xFFFFFFA0]  }
0x108: {  	v10 =	vld [tilespmem:s10+$0xFFFFFFB0]  }
0x109: {  	v11 =	vld [tilespmem:s10+$0xFFFFFFC0]  }
0x10a: {  	s7 =	sadd.s32 $0x100, s7;
	v12 =	vld [tilespmem:s10+$0xFFFFFFD0]  }
0x10b: {  	v13 =	vld [tilespmem:s10+$0xFFFFFFE0];
	[tilespmem:s7+$0x0] =	vst v6  }
0x10c: {  	v6 =	vld [tilespmem:s10+$0xFFFFFFF0]  }
0x10d: {  	v14 =	vld [tilespmem:s10+$0xFFFFFF10]  }
0x10e: {  	v0 =	vld.idx.msk [tilespmem:v0+s1+$0x0], $0xffff  }
0x10f: {  	v1 =	vld.idx.msk [tilespmem:v1+s1+$0x0], $0xffff  }
0x110: {  	v2 =	vld.idx.msk [tilespmem:v2+s1+$0x0], $0xffff  }
0x111: {  	v3 =	vld.idx.msk [tilespmem:v3+s1+$0x0], $0xffff  }
0x112: {  	v4 =	vld.idx.msk [tilespmem:v4+s1+$0x0], $0xffff  }
0x113: {  	v5 =	vld.idx.msk [tilespmem:v5+s1+$0x0], $0xffff  }
0x114: {  	[tilespmem:s7+$0xFFFFFF20] =	vst v0;
	v7 =	vld.idx.msk [tilespmem:v7+s1+$0x0], $0xffff  }
0x115: {  	v14 =	vld.idx.msk [tilespmem:v14+s1+$0x0], $0xffff;
	[tilespmem:s7+$0xFFFFFF30] =	vst v1  }
0x116: {  	[tilespmem:s7+$0xFFFFFF40] =	vst v2;
	v8 =	vld.idx.msk [tilespmem:v8+s1+$0x0], $0xffff  }
0x117: {  	[tilespmem:s7+$0xFFFFFF50] =	vst v3;
	v0 =	vld.idx.msk [tilespmem:v9+s1+$0x0], $0xffff  }
.Ltmp2:
0x118: {  	[tilespmem:s7+$0xFFFFFF60] =	vst v4;
	v1 =	vld.idx.msk [tilespmem:v10+s1+$0x0], $0xffff;
	(pc) =	sbr.rel @p0 .LBB2_7-.Ltmp2, $4  }
0x119: {  	[tilespmem:s7+$0xFFFFFF70] =	vst v5;
	v2 =	vld.idx.msk [tilespmem:v11+s1+$0x0], $0xffff  }
0x11a: {  	[tilespmem:s7+$0xFFFFFF80] =	vst v7;
	v3 =	vld.idx.msk [tilespmem:v12+s1+$0x0], $0xffff  }
0x11b: {  	[tilespmem:s7+$0xFFFFFF10] =	vst v14;
	v4 =	vld.idx.msk [tilespmem:v13+s1+$0x0], $0xffff  }
0x11c: {  	s10 =	sadd.s32 $0x100, s10;
	[tilespmem:s7+$0xFFFFFF90] =	vst v8;
	v5 =	vld.idx.msk [tilespmem:v6+s1+$0x0], $0xffff  }
0x11d: {  	[tilespmem:s7+$0xFFFFFFA0] =	vst v0  }
0x11e: {  	[tilespmem:s7+$0xFFFFFFB0] =	vst v1  }
0x11f: {  	[tilespmem:s7+$0xFFFFFFC0] =	vst v2  }
0x120: {  	[tilespmem:s7+$0xFFFFFFD0] =	vst v3  }
0x121: {  	[tilespmem:s7+$0xFFFFFFE0] =	vst v4  }
0x122: {  	[tilespmem:s7+$0xFFFFFFF0] =	vst v5  }
0x123: {  	v0 =	vld [tilespmem:s8+$0x0]  }
0x124: {  	v1 =	vld [tilespmem:s8+$0xFFFFFF20]  }
0x125: {  	v2 =	vld [tilespmem:s8+$0xFFFFFF30]  }
0x126: {  	v3 =	vld [tilespmem:s8+$0xFFFFFF40]  }
0x127: {  	v4 =	vld [tilespmem:s8+$0xFFFFFF50]  }
0x128: {  	v5 =	vld [tilespmem:s8+$0xFFFFFF60]  }
0x129: {  	v6 =	vld [tilespmem:s8+$0xFFFFFF70]  }
0x12a: {  	v7 =	vld [tilespmem:s8+$0xFFFFFF80]  }
0x12b: {  	v8 =	vld [tilespmem:s8+$0xFFFFFF90]  }
0x12c: {  	v9 =	vld [tilespmem:s8+$0xFFFFFFA0]  }
0x12d: {  	v10 =	vld [tilespmem:s8+$0xFFFFFFB0]  }
0x12e: {  	v11 =	vld [tilespmem:s8+$0xFFFFFFC0]  }
0x12f: {  	v12 =	vld [tilespmem:s8+$0xFFFFFFD0]  }
0x130: {  	v13 =	vld [tilespmem:s8+$0xFFFFFFE0]  }
0x131: {  	v14 =	vld [tilespmem:s8+$0xFFFFFFF0]  }
0x132: {  	v15 =	vld [tilespmem:s8+$0xFFFFFF10]  }
0x133: {  	v0 =	vld.idx.msk [tilespmem:v0+s1+$0x0], $0xffff  }
0x134: {  	v1 =	vld.idx.msk [tilespmem:v1+s1+$0x0], $0xffff  }
0x135: {  	v2 =	vld.idx.msk [tilespmem:v2+s1+$0x0], $0xffff  }
0x136: {  	v3 =	vld.idx.msk [tilespmem:v3+s1+$0x0], $0xffff  }
0x137: {  	v4 =	vld.idx.msk [tilespmem:v4+s1+$0x0], $0xffff  }
0x138: {  	v5 =	vld.idx.msk [tilespmem:v5+s1+$0x0], $0xffff  }
0x139: {  	v8 =	vld.idx.msk [tilespmem:v8+s1+$0x0], $0xffff;
	[tilespmem:s6+$0x0] =	vst v0  }
0x13a: {  	v0 =	vld.idx.msk [tilespmem:v6+s1+$0x0], $0xffff;
	[tilespmem:s6+$0xFFFFFF20] =	vst v1  }
0x13b: {  	v6 =	vld.idx.msk [tilespmem:v7+s1+$0x0], $0xffff;
	[tilespmem:s6+$0xFFFFFF30] =	vst v2  }
0x13c: {  	v7 =	vld.idx.msk [tilespmem:v15+s1+$0x0], $0xffff;
	[tilespmem:s6+$0xFFFFFF40] =	vst v3  }
0x13d: {  	[tilespmem:s6+$0xFFFFFF50] =	vst v4;
	v1 =	vld.idx.msk [tilespmem:v9+s1+$0x0], $0xffff  }
0x13e: {  	[tilespmem:s6+$0xFFFFFF60] =	vst v5;
	v2 =	vld.idx.msk [tilespmem:v10+s1+$0x0], $0xffff  }
0x13f: {  	v5 =	vld.idx.msk [tilespmem:v11+s1+$0x0], $0xffff;
	[tilespmem:s6+$0xFFFFFF90] =	vst v8  }
0x140: {  	v3 =	vld.idx.msk [tilespmem:v12+s1+$0x0], $0xffff;
	[tilespmem:s6+$0xFFFFFF70] =	vst v0  }
0x141: {  	v4 =	vld.idx.msk [tilespmem:v14+s1+$0x0], $0xffff;
	[tilespmem:s6+$0xFFFFFF80] =	vst v6  }
0x142: {  	s7 =	simm.s32 $0x0;
	s8 =	simm.s32 $0x19490;
	[tilespmem:s6+$0xFFFFFF10] =	vst v7;
	v0 =	vld.idx.msk [tilespmem:v13+s1+$0x0], $0xffff  }
.LBB2_9:
0x143: {  	v6 =	vld [tilespmem:s8+$0x0];
	s7 =	sadd.s32 $0x10, s7;
	[tilespmem:s6+$0xFFFFFFA0] =	vst v1  }
0x144: {  	v1 =	vld [tilespmem:s8+$0xFFFFFF20];
	p0 =	slt.u32 s7, $0x30;
	[tilespmem:s6+$0xFFFFFFB0] =	vst v2  }
0x145: {  	v2 =	vld [tilespmem:s8+$0xFFFFFF30];
	[tilespmem:s6+$0xFFFFFFC0] =	vst v5  }
0x146: {  	v5 =	vld [tilespmem:s8+$0xFFFFFF40];
	[tilespmem:s6+$0xFFFFFFD0] =	vst v3  }
0x147: {  	v3 =	vld [tilespmem:s8+$0xFFFFFF50];
	[tilespmem:s6+$0xFFFFFFE0] =	vst v0  }
0x148: {  	v0 =	vld [tilespmem:s8+$0xFFFFFF60];
	[tilespmem:s6+$0xFFFFFFF0] =	vst v4  }
0x149: {  	v4 =	vld [tilespmem:s8+$0xFFFFFF70]  }
0x14a: {  	v7 =	vld [tilespmem:s8+$0xFFFFFF80]  }
0x14b: {  	v6 =	vld.idx.msk [tilespmem:v6+s1+$0x0], $0xffff  }
0x14c: {  	v8 =	vld [tilespmem:s8+$0xFFFFFF90]  }
0x14d: {  	v9 =	vld [tilespmem:s8+$0xFFFFFFA0]  }
0x14e: {  	v10 =	vld [tilespmem:s8+$0xFFFFFFB0]  }
0x14f: {  	v11 =	vld [tilespmem:s8+$0xFFFFFFC0]  }
0x150: {  	s6 =	sadd.s32 $0x100, s6;
	v12 =	vld [tilespmem:s8+$0xFFFFFFD0]  }
0x151: {  	v13 =	vld [tilespmem:s8+$0xFFFFFFE0];
	[tilespmem:s6+$0x0] =	vst v6  }
0x152: {  	v6 =	vld [tilespmem:s8+$0xFFFFFFF0]  }
0x153: {  	v14 =	vld [tilespmem:s8+$0xFFFFFF10]  }
0x154: {  	v1 =	vld.idx.msk [tilespmem:v1+s1+$0x0], $0xffff  }
0x155: {  	v2 =	vld.idx.msk [tilespmem:v2+s1+$0x0], $0xffff  }
0x156: {  	v5 =	vld.idx.msk [tilespmem:v5+s1+$0x0], $0xffff  }
0x157: {  	v3 =	vld.idx.msk [tilespmem:v3+s1+$0x0], $0xffff  }
0x158: {  	v0 =	vld.idx.msk [tilespmem:v0+s1+$0x0], $0xffff  }
0x159: {  	v4 =	vld.idx.msk [tilespmem:v4+s1+$0x0], $0xffff  }
0x15a: {  	[tilespmem:s6+$0xFFFFFF20] =	vst v1;
	v7 =	vld.idx.msk [tilespmem:v7+s1+$0x0], $0xffff  }
0x15b: {  	v14 =	vld.idx.msk [tilespmem:v14+s1+$0x0], $0xffff;
	[tilespmem:s6+$0xFFFFFF30] =	vst v2  }
0x15c: {  	[tilespmem:s6+$0xFFFFFF40] =	vst v5;
	v8 =	vld.idx.msk [tilespmem:v8+s1+$0x0], $0xffff  }
0x15d: {  	[tilespmem:s6+$0xFFFFFF50] =	vst v3;
	v1 =	vld.idx.msk [tilespmem:v9+s1+$0x0], $0xffff  }
.Ltmp3:
0x15e: {  	[tilespmem:s6+$0xFFFFFF60] =	vst v0;
	v2 =	vld.idx.msk [tilespmem:v10+s1+$0x0], $0xffff;
	(pc) =	sbr.rel @p0 .LBB2_9-.Ltmp3, $4  }
0x15f: {  	[tilespmem:s6+$0xFFFFFF70] =	vst v4;
	v5 =	vld.idx.msk [tilespmem:v11+s1+$0x0], $0xffff  }
0x160: {  	[tilespmem:s6+$0xFFFFFF80] =	vst v7;
	v3 =	vld.idx.msk [tilespmem:v12+s1+$0x0], $0xffff  }
0x161: {  	[tilespmem:s6+$0xFFFFFF10] =	vst v14;
	v0 =	vld.idx.msk [tilespmem:v13+s1+$0x0], $0xffff  }
0x162: {  	s8 =	sadd.s32 $0x100, s8;
	[tilespmem:s6+$0xFFFFFF90] =	vst v8;
	v4 =	vld.idx.msk [tilespmem:v6+s1+$0x0], $0xffff  }
0x163: {  	[tilespmem:s6+$0xFFFFFFA0] =	vst v1  }
0x164: {  	[tilespmem:s6+$0xFFFFFFB0] =	vst v2  }
0x165: {  	[tilespmem:s6+$0xFFFFFFC0] =	vst v5  }
0x166: {  	[tilespmem:s6+$0xFFFFFFD0] =	vst v3  }
0x167: {  	s7 =	sshll.u32 s5, $0xB;
	s10 =	sshll.u32 s5, $0x4;
	[tilespmem:s6+$0xFFFFFFE0] =	vst v0  }
0x168: {  	s7 =	sand.u32 $0xFFFC000, s7;
	s5 =	sand.u32 $0x70, s10;
	[tilespmem:s6+$0xFFFFFFF0] =	vst v4  }
0x169: {  	s5 =	sor.u32 s5, s7;
	s6 =	rddreg [dreg:$0x4]  }
0x16a: {  	s7 =	rddreg [dreg:$0x5];
	s6 =	sadd.s32 s6, s5  }
0x16b: {  	[hbm4b:s6+s22] =	stream.strided.scatter [tilespmem:s24], [sflag:$0x1], $0x400, s23, s22, $0x38;
	[tilespmem:$0x1E6A0] =	vst v63  }
0x16c: {  	s8 =	rddreg [dreg:$0x6];
	s6 =	sadd.s32 s5, s7  }
0x16d: {  	[hbm4b:s6+s22] =	stream.strided.scatter [tilespmem:s25], [sflag:$0x1], $0x400, s23, s22, $0x38;
	[tilespmem:$0x1E6A0] =	vst v63  }
0x16e: {  	s9 =	rddreg [dreg:$0x8];
	s6 =	sadd.s32 s5, s8  }
0x16f: {  	[hbm4b:s6+s22] =	stream.strided.scatter [tilespmem:s26], [sflag:$0x1], $0x400, s23, s22, $0x38;
	[tilespmem:$0x1E6A0] =	vst v63  }
0x170: {  	s10 =	simm.s32 $0x19790;
	s6 =	sadd.s32 s5, s9  }
0x171: {  	[hbm4b:s6+s22] =	stream.strided.scatter [tilespmem:s28], [sflag:$0x1], $0x400, s23, s22, $0x38;
	[tilespmem:$0x1E6A0] =	vst v63  }
0x172: {  	v0 =	vld [tilespmem:s10+$0x0]  }
0x173: {  	v1 =	vld [tilespmem:s10+$0xFFFFFF20]  }
0x174: {  	v2 =	vld [tilespmem:s10+$0xFFFFFF30]  }
0x175: {  	v3 =	vld [tilespmem:s10+$0xFFFFFF40]  }
0x176: {  	v4 =	vld [tilespmem:s10+$0xFFFFFF50]  }
0x177: {  	v5 =	vld [tilespmem:s10+$0xFFFFFF60]  }
0x178: {  	v6 =	vld [tilespmem:s10+$0xFFFFFF70]  }
0x179: {  	v7 =	vld [tilespmem:s10+$0xFFFFFF80]  }
0x17a: {  	v8 =	vld [tilespmem:s10+$0xFFFFFF90]  }
0x17b: {  	v9 =	vld [tilespmem:s10+$0xFFFFFFA0]  }
0x17c: {  	v10 =	vld [tilespmem:s10+$0xFFFFFFB0]  }
0x17d: {  	v11 =	vld [tilespmem:s10+$0xFFFFFFC0]  }
0x17e: {  	v12 =	vld [tilespmem:s10+$0xFFFFFFD0]  }
0x17f: {  	v13 =	vld [tilespmem:s10+$0xFFFFFFE0]  }
0x180: {  	v14 =	vld [tilespmem:s10+$0xFFFFFFF0]  }
0x181: {  	v15 =	vld [tilespmem:s10+$0xFFFFFF10]  }
0x182: {  	v0 =	vld.idx.msk [tilespmem:v0+s1+$0x0], $0xffff  }
0x183: {  	v1 =	vld.idx.msk [tilespmem:v1+s1+$0x0], $0xffff  }
0x184: {  	v2 =	vld.idx.msk [tilespmem:v2+s1+$0x0], $0xffff  }
0x185: {  	v3 =	vld.idx.msk [tilespmem:v3+s1+$0x0], $0xffff  }
0x186: {  	v4 =	vld.idx.msk [tilespmem:v4+s1+$0x0], $0xffff  }
0x187: {  	s7 =	simm.s32 $0x1D790;
	v5 =	vld.idx.msk [tilespmem:v5+s1+$0x0], $0xffff  }
0x188: {  	v6 =	vld.idx.msk [tilespmem:v6+s1+$0x0], $0xffff;
	[tilespmem:s7+$0x0] =	vst v0  }
0x189: {  	v7 =	vld.idx.msk [tilespmem:v7+s1+$0x0], $0xffff;
	[tilespmem:s7+$0xFFFFFF20] =	vst v1  }
0x18a: {  	v15 =	vld.idx.msk [tilespmem:v15+s1+$0x0], $0xffff;
	[tilespmem:s7+$0xFFFFFF30] =	vst v2  }
0x18b: {  	v8 =	vld.idx.msk [tilespmem:v8+s1+$0x0], $0xffff;
	[tilespmem:s7+$0xFFFFFF40] =	vst v3  }
0x18c: {  	[tilespmem:s7+$0xFFFFFF50] =	vst v4;
	v0 =	vld.idx.msk [tilespmem:v9+s1+$0x0], $0xffff  }
0x18d: {  	[tilespmem:s7+$0xFFFFFF60] =	vst v5;
	v1 =	vld.idx.msk [tilespmem:v10+s1+$0x0], $0xffff  }
0x18e: {  	[tilespmem:s7+$0xFFFFFF70] =	vst v6;
	v2 =	vld.idx.msk [tilespmem:v11+s1+$0x0], $0xffff  }
0x18f: {  	[tilespmem:s7+$0xFFFFFF80] =	vst v7;
	v3 =	vld.idx.msk [tilespmem:v12+s1+$0x0], $0xffff  }
0x190: {  	s8 =	simm.s32 $0x19B90;
	[tilespmem:s7+$0xFFFFFF10] =	vst v15;
	v4 =	vld.idx.msk [tilespmem:v13+s1+$0x0], $0xffff  }
0x191: {  	s9 =	simm.s32 $0x0;
	s6 =	simm.s32 $0x1DB90;
	s10 =	simm.s32 $0x19890;
	[tilespmem:s7+$0xFFFFFF90] =	vst v8;
	v5 =	vld.idx.msk [tilespmem:v14+s1+$0x0], $0xffff  }
.LBB2_11:
0x192: {  	v6 =	vld [tilespmem:s10+$0x0];
	s9 =	sadd.s32 $0x10, s9;
	[tilespmem:s7+$0xFFFFFFA0] =	vst v0  }
0x193: {  	v0 =	vld [tilespmem:s10+$0xFFFFFF20];
	p0 =	slt.u32 s9, $0x30;
	[tilespmem:s7+$0xFFFFFFB0] =	vst v1  }
0x194: {  	v1 =	vld [tilespmem:s10+$0xFFFFFF30];
	[tilespmem:s7+$0xFFFFFFC0] =	vst v2  }
0x195: {  	v2 =	vld [tilespmem:s10+$0xFFFFFF40];
	[tilespmem:s7+$0xFFFFFFD0] =	vst v3  }
0x196: {  	v3 =	vld [tilespmem:s10+$0xFFFFFF50];
	[tilespmem:s7+$0xFFFFFFE0] =	vst v4  }
0x197: {  	v4 =	vld [tilespmem:s10+$0xFFFFFF60];
	[tilespmem:s7+$0xFFFFFFF0] =	vst v5  }
0x198: {  	v5 =	vld [tilespmem:s10+$0xFFFFFF70]  }
0x199: {  	v7 =	vld [tilespmem:s10+$0xFFFFFF80]  }
0x19a: {  	v6 =	vld.idx.msk [tilespmem:v6+s1+$0x0], $0xffff  }
0x19b: {  	v8 =	vld [tilespmem:s10+$0xFFFFFF90]  }
0x19c: {  	v9 =	vld [tilespmem:s10+$0xFFFFFFA0]  }
0x19d: {  	v10 =	vld [tilespmem:s10+$0xFFFFFFB0]  }
0x19e: {  	v11 =	vld [tilespmem:s10+$0xFFFFFFC0]  }
0x19f: {  	s7 =	sadd.s32 $0x100, s7;
	v12 =	vld [tilespmem:s10+$0xFFFFFFD0]  }
0x1a0: {  	v13 =	vld [tilespmem:s10+$0xFFFFFFE0];
	[tilespmem:s7+$0x0] =	vst v6  }
0x1a1: {  	v6 =	vld [tilespmem:s10+$0xFFFFFFF0]  }
0x1a2: {  	v14 =	vld [tilespmem:s10+$0xFFFFFF10]  }
0x1a3: {  	v0 =	vld.idx.msk [tilespmem:v0+s1+$0x0], $0xffff  }
0x1a4: {  	v1 =	vld.idx.msk [tilespmem:v1+s1+$0x0], $0xffff  }
0x1a5: {  	v2 =	vld.idx.msk [tilespmem:v2+s1+$0x0], $0xffff  }
0x1a6: {  	v3 =	vld.idx.msk [tilespmem:v3+s1+$0x0], $0xffff  }
0x1a7: {  	v4 =	vld.idx.msk [tilespmem:v4+s1+$0x0], $0xffff  }
0x1a8: {  	v5 =	vld.idx.msk [tilespmem:v5+s1+$0x0], $0xffff  }
0x1a9: {  	[tilespmem:s7+$0xFFFFFF20] =	vst v0;
	v7 =	vld.idx.msk [tilespmem:v7+s1+$0x0], $0xffff  }
0x1aa: {  	v14 =	vld.idx.msk [tilespmem:v14+s1+$0x0], $0xffff;
	[tilespmem:s7+$0xFFFFFF30] =	vst v1  }
0x1ab: {  	[tilespmem:s7+$0xFFFFFF40] =	vst v2;
	v8 =	vld.idx.msk [tilespmem:v8+s1+$0x0], $0xffff  }
0x1ac: {  	[tilespmem:s7+$0xFFFFFF50] =	vst v3;
	v0 =	vld.idx.msk [tilespmem:v9+s1+$0x0], $0xffff  }
.Ltmp4:
0x1ad: {  	[tilespmem:s7+$0xFFFFFF60] =	vst v4;
	v1 =	vld.idx.msk [tilespmem:v10+s1+$0x0], $0xffff;
	(pc) =	sbr.rel @p0 .LBB2_11-.Ltmp4, $4  }
0x1ae: {  	[tilespmem:s7+$0xFFFFFF70] =	vst v5;
	v2 =	vld.idx.msk [tilespmem:v11+s1+$0x0], $0xffff  }
0x1af: {  	[tilespmem:s7+$0xFFFFFF80] =	vst v7;
	v3 =	vld.idx.msk [tilespmem:v12+s1+$0x0], $0xffff  }
0x1b0: {  	[tilespmem:s7+$0xFFFFFF10] =	vst v14;
	v4 =	vld.idx.msk [tilespmem:v13+s1+$0x0], $0xffff  }
0x1b1: {  	s10 =	sadd.s32 $0x100, s10;
	[tilespmem:s7+$0xFFFFFF90] =	vst v8;
	v5 =	vld.idx.msk [tilespmem:v6+s1+$0x0], $0xffff  }
0x1b2: {  	[tilespmem:s7+$0xFFFFFFA0] =	vst v0  }
0x1b3: {  	[tilespmem:s7+$0xFFFFFFB0] =	vst v1  }
0x1b4: {  	[tilespmem:s7+$0xFFFFFFC0] =	vst v2  }
0x1b5: {  	[tilespmem:s7+$0xFFFFFFD0] =	vst v3  }
0x1b6: {  	[tilespmem:s7+$0xFFFFFFE0] =	vst v4  }
0x1b7: {  	[tilespmem:s7+$0xFFFFFFF0] =	vst v5  }
0x1b8: {  	v0 =	vld [tilespmem:s8+$0x0]  }
0x1b9: {  	v1 =	vld [tilespmem:s8+$0xFFFFFF20]  }
0x1ba: {  	v2 =	vld [tilespmem:s8+$0xFFFFFF30]  }
0x1bb: {  	v3 =	vld [tilespmem:s8+$0xFFFFFF40]  }
0x1bc: {  	v4 =	vld [tilespmem:s8+$0xFFFFFF50]  }
0x1bd: {  	v5 =	vld [tilespmem:s8+$0xFFFFFF60]  }
0x1be: {  	v6 =	vld [tilespmem:s8+$0xFFFFFF70]  }
0x1bf: {  	v7 =	vld [tilespmem:s8+$0xFFFFFF80]  }
0x1c0: {  	v8 =	vld [tilespmem:s8+$0xFFFFFF90]  }
0x1c1: {  	v9 =	vld [tilespmem:s8+$0xFFFFFFA0]  }
0x1c2: {  	v10 =	vld [tilespmem:s8+$0xFFFFFFB0]  }
0x1c3: {  	v11 =	vld [tilespmem:s8+$0xFFFFFFC0]  }
0x1c4: {  	v12 =	vld [tilespmem:s8+$0xFFFFFFD0]  }
0x1c5: {  	v13 =	vld [tilespmem:s8+$0xFFFFFFE0]  }
0x1c6: {  	v14 =	vld [tilespmem:s8+$0xFFFFFFF0]  }
0x1c7: {  	v15 =	vld [tilespmem:s8+$0xFFFFFF10]  }
0x1c8: {  	v0 =	vld.idx.msk [tilespmem:v0+s1+$0x0], $0xffff  }
0x1c9: {  	v1 =	vld.idx.msk [tilespmem:v1+s1+$0x0], $0xffff  }
0x1ca: {  	v2 =	vld.idx.msk [tilespmem:v2+s1+$0x0], $0xffff  }
0x1cb: {  	v3 =	vld.idx.msk [tilespmem:v3+s1+$0x0], $0xffff  }
0x1cc: {  	v4 =	vld.idx.msk [tilespmem:v4+s1+$0x0], $0xffff  }
0x1cd: {  	v5 =	vld.idx.msk [tilespmem:v5+s1+$0x0], $0xffff  }
0x1ce: {  	v6 =	vld.idx.msk [tilespmem:v6+s1+$0x0], $0xffff;
	[tilespmem:s6+$0x0] =	vst v0  }
0x1cf: {  	v7 =	vld.idx.msk [tilespmem:v7+s1+$0x0], $0xffff;
	[tilespmem:s6+$0xFFFFFF20] =	vst v1  }
0x1d0: {  	v15 =	vld.idx.msk [tilespmem:v15+s1+$0x0], $0xffff;
	[tilespmem:s6+$0xFFFFFF30] =	vst v2  }
0x1d1: {  	v8 =	vld.idx.msk [tilespmem:v8+s1+$0x0], $0xffff;
	[tilespmem:s6+$0xFFFFFF40] =	vst v3  }
0x1d2: {  	[tilespmem:s6+$0xFFFFFF50] =	vst v4;
	v0 =	vld.idx.msk [tilespmem:v9+s1+$0x0], $0xffff  }
0x1d3: {  	[tilespmem:s6+$0xFFFFFF60] =	vst v5;
	v1 =	vld.idx.msk [tilespmem:v10+s1+$0x0], $0xffff  }
0x1d4: {  	[tilespmem:s6+$0xFFFFFF70] =	vst v6;
	v2 =	vld.idx.msk [tilespmem:v11+s1+$0x0], $0xffff  }
0x1d5: {  	[tilespmem:s6+$0xFFFFFF80] =	vst v7;
	v3 =	vld.idx.msk [tilespmem:v12+s1+$0x0], $0xffff  }
0x1d6: {  	s9 =	simm.s32 $0x0;
	[tilespmem:s6+$0xFFFFFF10] =	vst v15;
	v4 =	vld.idx.msk [tilespmem:v13+s1+$0x0], $0xffff  }
0x1d7: {  	s10 =	simm.s32 $0x19C90;
	s7 =	simm.s32 $0x1DF90;
	s8 =	simm.s32 $0x19F90;
	[tilespmem:s6+$0xFFFFFF90] =	vst v8;
	v5 =	vld.idx.msk [tilespmem:v14+s1+$0x0], $0xffff  }
.LBB2_13:
0x1d8: {  	v6 =	vld [tilespmem:s10+$0x0];
	s9 =	sadd.s32 $0x10, s9;
	[tilespmem:s6+$0xFFFFFFA0] =	vst v0  }
0x1d9: {  	v0 =	vld [tilespmem:s10+$0xFFFFFF20];
	p0 =	slt.u32 s9, $0x30;
	[tilespmem:s6+$0xFFFFFFB0] =	vst v1  }
0x1da: {  	v1 =	vld [tilespmem:s10+$0xFFFFFF30];
	[tilespmem:s6+$0xFFFFFFC0] =	vst v2  }
0x1db: {  	v2 =	vld [tilespmem:s10+$0xFFFFFF40];
	[tilespmem:s6+$0xFFFFFFD0] =	vst v3  }
0x1dc: {  	v3 =	vld [tilespmem:s10+$0xFFFFFF50];
	[tilespmem:s6+$0xFFFFFFE0] =	vst v4  }
0x1dd: {  	v4 =	vld [tilespmem:s10+$0xFFFFFF60];
	[tilespmem:s6+$0xFFFFFFF0] =	vst v5  }
0x1de: {  	v5 =	vld [tilespmem:s10+$0xFFFFFF70]  }
0x1df: {  	v7 =	vld [tilespmem:s10+$0xFFFFFF80]  }
0x1e0: {  	v6 =	vld.idx.msk [tilespmem:v6+s1+$0x0], $0xffff  }
0x1e1: {  	v8 =	vld [tilespmem:s10+$0xFFFFFF90]  }
0x1e2: {  	v9 =	vld [tilespmem:s10+$0xFFFFFFA0]  }
0x1e3: {  	v10 =	vld [tilespmem:s10+$0xFFFFFFB0]  }
0x1e4: {  	v11 =	vld [tilespmem:s10+$0xFFFFFFC0]  }
0x1e5: {  	s6 =	sadd.s32 $0x100, s6;
	v12 =	vld [tilespmem:s10+$0xFFFFFFD0]  }
0x1e6: {  	v13 =	vld [tilespmem:s10+$0xFFFFFFE0];
	[tilespmem:s6+$0x0] =	vst v6  }
0x1e7: {  	v6 =	vld [tilespmem:s10+$0xFFFFFFF0]  }
0x1e8: {  	v14 =	vld [tilespmem:s10+$0xFFFFFF10]  }
0x1e9: {  	v0 =	vld.idx.msk [tilespmem:v0+s1+$0x0], $0xffff  }
0x1ea: {  	v1 =	vld.idx.msk [tilespmem:v1+s1+$0x0], $0xffff  }
0x1eb: {  	v2 =	vld.idx.msk [tilespmem:v2+s1+$0x0], $0xffff  }
0x1ec: {  	v3 =	vld.idx.msk [tilespmem:v3+s1+$0x0], $0xffff  }
0x1ed: {  	v4 =	vld.idx.msk [tilespmem:v4+s1+$0x0], $0xffff  }
0x1ee: {  	v5 =	vld.idx.msk [tilespmem:v5+s1+$0x0], $0xffff  }
0x1ef: {  	[tilespmem:s6+$0xFFFFFF20] =	vst v0;
	v7 =	vld.idx.msk [tilespmem:v7+s1+$0x0], $0xffff  }
0x1f0: {  	v14 =	vld.idx.msk [tilespmem:v14+s1+$0x0], $0xffff;
	[tilespmem:s6+$0xFFFFFF30] =	vst v1  }
0x1f1: {  	[tilespmem:s6+$0xFFFFFF40] =	vst v2;
	v8 =	vld.idx.msk [tilespmem:v8+s1+$0x0], $0xffff  }
0x1f2: {  	[tilespmem:s6+$0xFFFFFF50] =	vst v3;
	v0 =	vld.idx.msk [tilespmem:v9+s1+$0x0], $0xffff  }
.Ltmp5:
0x1f3: {  	[tilespmem:s6+$0xFFFFFF60] =	vst v4;
	v1 =	vld.idx.msk [tilespmem:v10+s1+$0x0], $0xffff;
	(pc) =	sbr.rel @p0 .LBB2_13-.Ltmp5, $4  }
0x1f4: {  	[tilespmem:s6+$0xFFFFFF70] =	vst v5;
	v2 =	vld.idx.msk [tilespmem:v11+s1+$0x0], $0xffff  }
0x1f5: {  	[tilespmem:s6+$0xFFFFFF80] =	vst v7;
	v3 =	vld.idx.msk [tilespmem:v12+s1+$0x0], $0xffff  }
0x1f6: {  	[tilespmem:s6+$0xFFFFFF10] =	vst v14;
	v4 =	vld.idx.msk [tilespmem:v13+s1+$0x0], $0xffff  }
0x1f7: {  	s10 =	sadd.s32 $0x100, s10;
	[tilespmem:s6+$0xFFFFFF90] =	vst v8;
	v5 =	vld.idx.msk [tilespmem:v6+s1+$0x0], $0xffff  }
0x1f8: {  	[tilespmem:s6+$0xFFFFFFA0] =	vst v0  }
0x1f9: {  	[tilespmem:s6+$0xFFFFFFB0] =	vst v1  }
0x1fa: {  	[tilespmem:s6+$0xFFFFFFC0] =	vst v2  }
0x1fb: {  	[tilespmem:s6+$0xFFFFFFD0] =	vst v3  }
0x1fc: {  	[tilespmem:s6+$0xFFFFFFE0] =	vst v4  }
0x1fd: {  	[tilespmem:s6+$0xFFFFFFF0] =	vst v5  }
0x1fe: {  	v0 =	vld [tilespmem:s8+$0x0]  }
0x1ff: {  	v1 =	vld [tilespmem:s8+$0xFFFFFF20]  }
0x200: {  	v2 =	vld [tilespmem:s8+$0xFFFFFF30]  }
0x201: {  	v3 =	vld [tilespmem:s8+$0xFFFFFF40]  }
0x202: {  	v4 =	vld [tilespmem:s8+$0xFFFFFF50]  }
0x203: {  	v5 =	vld [tilespmem:s8+$0xFFFFFF60]  }
0x204: {  	v6 =	vld [tilespmem:s8+$0xFFFFFF70]  }
0x205: {  	v7 =	vld [tilespmem:s8+$0xFFFFFF80]  }
0x206: {  	v8 =	vld [tilespmem:s8+$0xFFFFFF90]  }
0x207: {  	v9 =	vld [tilespmem:s8+$0xFFFFFFA0]  }
0x208: {  	v10 =	vld [tilespmem:s8+$0xFFFFFFB0]  }
0x209: {  	v11 =	vld [tilespmem:s8+$0xFFFFFFC0]  }
0x20a: {  	v12 =	vld [tilespmem:s8+$0xFFFFFFD0]  }
0x20b: {  	v13 =	vld [tilespmem:s8+$0xFFFFFFE0]  }
0x20c: {  	v14 =	vld [tilespmem:s8+$0xFFFFFFF0]  }
0x20d: {  	v15 =	vld [tilespmem:s8+$0xFFFFFF10]  }
0x20e: {  	v0 =	vld.idx.msk [tilespmem:v0+s1+$0x0], $0xffff  }
0x20f: {  	v1 =	vld.idx.msk [tilespmem:v1+s1+$0x0], $0xffff  }
0x210: {  	v2 =	vld.idx.msk [tilespmem:v2+s1+$0x0], $0xffff  }
0x211: {  	v3 =	vld.idx.msk [tilespmem:v3+s1+$0x0], $0xffff  }
0x212: {  	v4 =	vld.idx.msk [tilespmem:v4+s1+$0x0], $0xffff  }
0x213: {  	v5 =	vld.idx.msk [tilespmem:v5+s1+$0x0], $0xffff  }
0x214: {  	v6 =	vld.idx.msk [tilespmem:v6+s1+$0x0], $0xffff;
	[tilespmem:s7+$0x0] =	vst v0  }
0x215: {  	v7 =	vld.idx.msk [tilespmem:v7+s1+$0x0], $0xffff;
	[tilespmem:s7+$0xFFFFFF20] =	vst v1  }
0x216: {  	v15 =	vld.idx.msk [tilespmem:v15+s1+$0x0], $0xffff;
	[tilespmem:s7+$0xFFFFFF30] =	vst v2  }
0x217: {  	v8 =	vld.idx.msk [tilespmem:v8+s1+$0x0], $0xffff;
	[tilespmem:s7+$0xFFFFFF40] =	vst v3  }
0x218: {  	[tilespmem:s7+$0xFFFFFF50] =	vst v4;
	v0 =	vld.idx.msk [tilespmem:v9+s1+$0x0], $0xffff  }
0x219: {  	[tilespmem:s7+$0xFFFFFF60] =	vst v5;
	v1 =	vld.idx.msk [tilespmem:v10+s1+$0x0], $0xffff  }
0x21a: {  	[tilespmem:s7+$0xFFFFFF70] =	vst v6;
	v2 =	vld.idx.msk [tilespmem:v11+s1+$0x0], $0xffff  }
0x21b: {  	[tilespmem:s7+$0xFFFFFF80] =	vst v7;
	v3 =	vld.idx.msk [tilespmem:v12+s1+$0x0], $0xffff  }
0x21c: {  	s9 =	simm.s32 $0x0;
	[tilespmem:s7+$0xFFFFFF10] =	vst v15;
	v4 =	vld.idx.msk [tilespmem:v13+s1+$0x0], $0xffff  }
0x21d: {  	s10 =	simm.s32 $0x1A090;
	s6 =	simm.s32 $0x1E390;
	s8 =	simm.s32 $0x1A390;
	[tilespmem:s7+$0xFFFFFF90] =	vst v8;
	v5 =	vld.idx.msk [tilespmem:v14+s1+$0x0], $0xffff  }
.LBB2_15:
0x21e: {  	v6 =	vld [tilespmem:s10+$0x0];
	s9 =	sadd.s32 $0x10, s9;
	[tilespmem:s7+$0xFFFFFFA0] =	vst v0  }
0x21f: {  	v0 =	vld [tilespmem:s10+$0xFFFFFF20];
	p0 =	slt.u32 s9, $0x30;
	[tilespmem:s7+$0xFFFFFFB0] =	vst v1  }
0x220: {  	v1 =	vld [tilespmem:s10+$0xFFFFFF30];
	[tilespmem:s7+$0xFFFFFFC0] =	vst v2  }
0x221: {  	v2 =	vld [tilespmem:s10+$0xFFFFFF40];
	[tilespmem:s7+$0xFFFFFFD0] =	vst v3  }
0x222: {  	v3 =	vld [tilespmem:s10+$0xFFFFFF50];
	[tilespmem:s7+$0xFFFFFFE0] =	vst v4  }
0x223: {  	v4 =	vld [tilespmem:s10+$0xFFFFFF60];
	[tilespmem:s7+$0xFFFFFFF0] =	vst v5  }
0x224: {  	v5 =	vld [tilespmem:s10+$0xFFFFFF70]  }
0x225: {  	v7 =	vld [tilespmem:s10+$0xFFFFFF80]  }
0x226: {  	v6 =	vld.idx.msk [tilespmem:v6+s1+$0x0], $0xffff  }
0x227: {  	v8 =	vld [tilespmem:s10+$0xFFFFFF90]  }
0x228: {  	v9 =	vld [tilespmem:s10+$0xFFFFFFA0]  }
0x229: {  	v10 =	vld [tilespmem:s10+$0xFFFFFFB0]  }
0x22a: {  	v11 =	vld [tilespmem:s10+$0xFFFFFFC0]  }
0x22b: {  	s7 =	sadd.s32 $0x100, s7;
	v12 =	vld [tilespmem:s10+$0xFFFFFFD0]  }
0x22c: {  	v13 =	vld [tilespmem:s10+$0xFFFFFFE0];
	[tilespmem:s7+$0x0] =	vst v6  }
0x22d: {  	v6 =	vld [tilespmem:s10+$0xFFFFFFF0]  }
0x22e: {  	v14 =	vld [tilespmem:s10+$0xFFFFFF10]  }
0x22f: {  	v0 =	vld.idx.msk [tilespmem:v0+s1+$0x0], $0xffff  }
0x230: {  	v1 =	vld.idx.msk [tilespmem:v1+s1+$0x0], $0xffff  }
0x231: {  	v2 =	vld.idx.msk [tilespmem:v2+s1+$0x0], $0xffff  }
0x232: {  	v3 =	vld.idx.msk [tilespmem:v3+s1+$0x0], $0xffff  }
0x233: {  	v4 =	vld.idx.msk [tilespmem:v4+s1+$0x0], $0xffff  }
0x234: {  	v5 =	vld.idx.msk [tilespmem:v5+s1+$0x0], $0xffff  }
0x235: {  	[tilespmem:s7+$0xFFFFFF20] =	vst v0;
	v7 =	vld.idx.msk [tilespmem:v7+s1+$0x0], $0xffff  }
0x236: {  	v14 =	vld.idx.msk [tilespmem:v14+s1+$0x0], $0xffff;
	[tilespmem:s7+$0xFFFFFF30] =	vst v1  }
0x237: {  	[tilespmem:s7+$0xFFFFFF40] =	vst v2;
	v8 =	vld.idx.msk [tilespmem:v8+s1+$0x0], $0xffff  }
0x238: {  	[tilespmem:s7+$0xFFFFFF50] =	vst v3;
	v0 =	vld.idx.msk [tilespmem:v9+s1+$0x0], $0xffff  }
.Ltmp6:
0x239: {  	[tilespmem:s7+$0xFFFFFF60] =	vst v4;
	v1 =	vld.idx.msk [tilespmem:v10+s1+$0x0], $0xffff;
	(pc) =	sbr.rel @p0 .LBB2_15-.Ltmp6, $4  }
0x23a: {  	[tilespmem:s7+$0xFFFFFF70] =	vst v5;
	v2 =	vld.idx.msk [tilespmem:v11+s1+$0x0], $0xffff  }
0x23b: {  	[tilespmem:s7+$0xFFFFFF80] =	vst v7;
	v3 =	vld.idx.msk [tilespmem:v12+s1+$0x0], $0xffff  }
0x23c: {  	[tilespmem:s7+$0xFFFFFF10] =	vst v14;
	v4 =	vld.idx.msk [tilespmem:v13+s1+$0x0], $0xffff  }
0x23d: {  	s10 =	sadd.s32 $0x100, s10;
	[tilespmem:s7+$0xFFFFFF90] =	vst v8;
	v5 =	vld.idx.msk [tilespmem:v6+s1+$0x0], $0xffff  }
0x23e: {  	[tilespmem:s7+$0xFFFFFFA0] =	vst v0  }
0x23f: {  	[tilespmem:s7+$0xFFFFFFB0] =	vst v1  }
0x240: {  	[tilespmem:s7+$0xFFFFFFC0] =	vst v2  }
0x241: {  	[tilespmem:s7+$0xFFFFFFD0] =	vst v3  }
0x242: {  	[tilespmem:s7+$0xFFFFFFE0] =	vst v4  }
0x243: {  	[tilespmem:s7+$0xFFFFFFF0] =	vst v5  }
0x244: {  	v0 =	vld [tilespmem:s8+$0x0]  }
0x245: {  	v1 =	vld [tilespmem:s8+$0xFFFFFF20]  }
0x246: {  	v2 =	vld [tilespmem:s8+$0xFFFFFF30]  }
0x247: {  	v3 =	vld [tilespmem:s8+$0xFFFFFF40]  }
0x248: {  	v4 =	vld [tilespmem:s8+$0xFFFFFF50]  }
0x249: {  	v5 =	vld [tilespmem:s8+$0xFFFFFF60]  }
0x24a: {  	v6 =	vld [tilespmem:s8+$0xFFFFFF70]  }
0x24b: {  	v7 =	vld [tilespmem:s8+$0xFFFFFF80]  }
0x24c: {  	v8 =	vld [tilespmem:s8+$0xFFFFFF90]  }
0x24d: {  	v9 =	vld [tilespmem:s8+$0xFFFFFFA0]  }
0x24e: {  	v10 =	vld [tilespmem:s8+$0xFFFFFFB0]  }
0x24f: {  	v11 =	vld [tilespmem:s8+$0xFFFFFFC0]  }
0x250: {  	v12 =	vld [tilespmem:s8+$0xFFFFFFD0]  }
0x251: {  	v13 =	vld [tilespmem:s8+$0xFFFFFFE0]  }
0x252: {  	v14 =	vld [tilespmem:s8+$0xFFFFFFF0]  }
0x253: {  	v15 =	vld [tilespmem:s8+$0xFFFFFF10]  }
0x254: {  	v0 =	vld.idx.msk [tilespmem:v0+s1+$0x0], $0xffff  }
0x255: {  	v1 =	vld.idx.msk [tilespmem:v1+s1+$0x0], $0xffff  }
0x256: {  	v2 =	vld.idx.msk [tilespmem:v2+s1+$0x0], $0xffff  }
0x257: {  	v3 =	vld.idx.msk [tilespmem:v3+s1+$0x0], $0xffff  }
0x258: {  	v4 =	vld.idx.msk [tilespmem:v4+s1+$0x0], $0xffff  }
0x259: {  	v5 =	vld.idx.msk [tilespmem:v5+s1+$0x0], $0xffff  }
0x25a: {  	v6 =	vld.idx.msk [tilespmem:v6+s1+$0x0], $0xffff;
	[tilespmem:s6+$0x0] =	vst v0  }
0x25b: {  	v7 =	vld.idx.msk [tilespmem:v7+s1+$0x0], $0xffff;
	[tilespmem:s6+$0xFFFFFF20] =	vst v1  }
0x25c: {  	v15 =	vld.idx.msk [tilespmem:v15+s1+$0x0], $0xffff;
	[tilespmem:s6+$0xFFFFFF30] =	vst v2  }
0x25d: {  	v8 =	vld.idx.msk [tilespmem:v8+s1+$0x0], $0xffff;
	[tilespmem:s6+$0xFFFFFF40] =	vst v3  }
0x25e: {  	[tilespmem:s6+$0xFFFFFF50] =	vst v4;
	v0 =	vld.idx.msk [tilespmem:v9+s1+$0x0], $0xffff  }
0x25f: {  	[tilespmem:s6+$0xFFFFFF60] =	vst v5;
	v1 =	vld.idx.msk [tilespmem:v10+s1+$0x0], $0xffff  }
0x260: {  	[tilespmem:s6+$0xFFFFFF70] =	vst v6;
	v2 =	vld.idx.msk [tilespmem:v11+s1+$0x0], $0xffff  }
0x261: {  	[tilespmem:s6+$0xFFFFFF80] =	vst v7;
	v3 =	vld.idx.msk [tilespmem:v12+s1+$0x0], $0xffff  }
0x262: {  	[tilespmem:s6+$0xFFFFFF10] =	vst v15;
	v4 =	vld.idx.msk [tilespmem:v13+s1+$0x0], $0xffff  }
0x263: {  	s7 =	simm.s32 $0x0;
	s8 =	simm.s32 $0x1A490;
	[tilespmem:s6+$0xFFFFFF90] =	vst v8;
	v5 =	vld.idx.msk [tilespmem:v14+s1+$0x0], $0xffff  }
.LBB2_17:
0x264: {  	v6 =	vld [tilespmem:s8+$0x0];
	s7 =	sadd.s32 $0x10, s7;
	[tilespmem:s6+$0xFFFFFFA0] =	vst v0  }
0x265: {  	v0 =	vld [tilespmem:s8+$0xFFFFFF20];
	p0 =	slt.u32 s7, $0x30;
	[tilespmem:s6+$0xFFFFFFB0] =	vst v1  }
0x266: {  	v1 =	vld [tilespmem:s8+$0xFFFFFF30];
	[tilespmem:s6+$0xFFFFFFC0] =	vst v2  }
0x267: {  	v2 =	vld [tilespmem:s8+$0xFFFFFF40];
	[tilespmem:s6+$0xFFFFFFD0] =	vst v3  }
0x268: {  	v3 =	vld [tilespmem:s8+$0xFFFFFF50];
	[tilespmem:s6+$0xFFFFFFE0] =	vst v4  }
0x269: {  	v4 =	vld [tilespmem:s8+$0xFFFFFF60];
	[tilespmem:s6+$0xFFFFFFF0] =	vst v5  }
0x26a: {  	v5 =	vld [tilespmem:s8+$0xFFFFFF70]  }
0x26b: {  	v7 =	vld [tilespmem:s8+$0xFFFFFF80]  }
0x26c: {  	v6 =	vld.idx.msk [tilespmem:v6+s1+$0x0], $0xffff  }
0x26d: {  	v8 =	vld [tilespmem:s8+$0xFFFFFF90]  }
0x26e: {  	v9 =	vld [tilespmem:s8+$0xFFFFFFA0]  }
0x26f: {  	v10 =	vld [tilespmem:s8+$0xFFFFFFB0]  }
0x270: {  	v11 =	vld [tilespmem:s8+$0xFFFFFFC0]  }
0x271: {  	s6 =	sadd.s32 $0x100, s6;
	v12 =	vld [tilespmem:s8+$0xFFFFFFD0]  }
0x272: {  	v13 =	vld [tilespmem:s8+$0xFFFFFFE0];
	[tilespmem:s6+$0x0] =	vst v6  }
0x273: {  	v6 =	vld [tilespmem:s8+$0xFFFFFFF0]  }
0x274: {  	v14 =	vld [tilespmem:s8+$0xFFFFFF10]  }
0x275: {  	v0 =	vld.idx.msk [tilespmem:v0+s1+$0x0], $0xffff  }
0x276: {  	v1 =	vld.idx.msk [tilespmem:v1+s1+$0x0], $0xffff  }
0x277: {  	v2 =	vld.idx.msk [tilespmem:v2+s1+$0x0], $0xffff  }
0x278: {  	v3 =	vld.idx.msk [tilespmem:v3+s1+$0x0], $0xffff  }
0x279: {  	v4 =	vld.idx.msk [tilespmem:v4+s1+$0x0], $0xffff  }
0x27a: {  	v5 =	vld.idx.msk [tilespmem:v5+s1+$0x0], $0xffff  }
0x27b: {  	[tilespmem:s6+$0xFFFFFF20] =	vst v0;
	v7 =	vld.idx.msk [tilespmem:v7+s1+$0x0], $0xffff  }
0x27c: {  	v14 =	vld.idx.msk [tilespmem:v14+s1+$0x0], $0xffff;
	[tilespmem:s6+$0xFFFFFF30] =	vst v1  }
0x27d: {  	[tilespmem:s6+$0xFFFFFF40] =	vst v2;
	v8 =	vld.idx.msk [tilespmem:v8+s1+$0x0], $0xffff  }
0x27e: {  	[tilespmem:s6+$0xFFFFFF50] =	vst v3;
	v0 =	vld.idx.msk [tilespmem:v9+s1+$0x0], $0xffff  }
.Ltmp7:
0x27f: {  	[tilespmem:s6+$0xFFFFFF60] =	vst v4;
	v1 =	vld.idx.msk [tilespmem:v10+s1+$0x0], $0xffff;
	(pc) =	sbr.rel @p0 .LBB2_17-.Ltmp7, $4  }
0x280: {  	[tilespmem:s6+$0xFFFFFF70] =	vst v5;
	v2 =	vld.idx.msk [tilespmem:v11+s1+$0x0], $0xffff  }
0x281: {  	[tilespmem:s6+$0xFFFFFF80] =	vst v7;
	v3 =	vld.idx.msk [tilespmem:v12+s1+$0x0], $0xffff  }
0x282: {  	[tilespmem:s6+$0xFFFFFF10] =	vst v14;
	v4 =	vld.idx.msk [tilespmem:v13+s1+$0x0], $0xffff  }
0x283: {  	s8 =	sadd.s32 $0x100, s8;
	[tilespmem:s6+$0xFFFFFF90] =	vst v8;
	v5 =	vld.idx.msk [tilespmem:v6+s1+$0x0], $0xffff  }
0x284: {  	[tilespmem:s6+$0xFFFFFFA0] =	vst v0  }
0x285: {  	[tilespmem:s6+$0xFFFFFFB0] =	vst v1  }
0x286: {  	[tilespmem:s6+$0xFFFFFFC0] =	vst v2  }
0x287: {  	[tilespmem:s6+$0xFFFFFFD0] =	vst v3  }
0x288: {  	[tilespmem:s6+$0xFFFFFFE0] =	vst v4  }
0x289: {  	[tilespmem:s6+$0xFFFFFFF0] =	vst v5  }
0x28a: {  	s6 =	rddreg [dreg:$0x9]  }
0x28b: {  	s6 =	sadd.s32 s5, s6  }
0x28c: {  	[hbm4b:s6+s22] =	stream.strided.scatter [tilespmem:s29], [sflag:$0x1], $0x400, s23, s22, $0x38;
	[tilespmem:$0x1E6A0] =	vst v63  }
0x28d: {  	s7 =	sadd.s32 s5, s11  }
0x28e: {  	[hbm4b:s7+s22] =	stream.strided.scatter [tilespmem:s30], [sflag:$0x1], $0x400, s23, s22, $0x38;
	[tilespmem:$0x1E6A0] =	vst v63  }
0x28f: {  	s8 =	sadd.s32 s5, s12  }
0x290: {  	[hbm4b:s8+s22] =	stream.strided.scatter [tilespmem:s31], [sflag:$0x1], $0x400, s23, s22, $0x38;
	[tilespmem:$0x1E6A0] =	vst v63  }
0x291: {  	s9 =	sadd.s32 s5, s15  }
0x292: {  	[hbm4b:s9+s22] =	stream.strided.scatter [tilespmem:s0], [sflag:$0x1], $0x400, s23, s22, $0x38;
	[tilespmem:$0x1E6A0] =	vst v63  }
0x293: {  	_ =	swait.ge [sflag:s2], $0x400  }
0x294: {  	[sflag:s2] =	ssyncset.done $0x0  }
0x295: {  	[sflag:s2] =	ssyncadd.s32 $0xFFFFFC00  }
0x296: {  	_ =	swait.ge [sflag:s2], $0x400  }
0x297: {  	[sflag:s2] =	ssyncset.done $0x0  }
0x298: {  	[sflag:s2] =	ssyncadd.s32 $0xFFFFFC00  }
0x299: {  	_ =	swait.ge [sflag:s2], $0x400  }
0x29a: {  	[sflag:s2] =	ssyncset.done $0x0  }
0x29b: {  	[sflag:s2] =	ssyncadd.s32 $0xFFFFFC00  }
0x29c: {  	_ =	swait.ge [sflag:s2], $0x400  }
0x29d: {  	[sflag:s2] =	ssyncset.done $0x0  }
0x29e: {  	s10 =	simm.s32 $0x1A790;
	[sflag:s2] =	ssyncadd.s32 $0xFFFFFC00  }
0x29f: {  	v0 =	vld [tilespmem:s10+$0x0]  }
0x2a0: {  	v1 =	vld [tilespmem:s10+$0xFFFFFF20]  }
0x2a1: {  	v2 =	vld [tilespmem:s10+$0xFFFFFF30]  }
0x2a2: {  	v3 =	vld [tilespmem:s10+$0xFFFFFF40]  }
0x2a3: {  	v4 =	vld [tilespmem:s10+$0xFFFFFF50]  }
0x2a4: {  	v5 =	vld [tilespmem:s10+$0xFFFFFF60]  }
0x2a5: {  	v6 =	vld [tilespmem:s10+$0xFFFFFF70]  }
0x2a6: {  	v7 =	vld [tilespmem:s10+$0xFFFFFF80]  }
0x2a7: {  	v8 =	vld [tilespmem:s10+$0xFFFFFF90]  }
0x2a8: {  	v9 =	vld [tilespmem:s10+$0xFFFFFFA0]  }
0x2a9: {  	v10 =	vld [tilespmem:s10+$0xFFFFFFB0]  }
0x2aa: {  	v11 =	vld [tilespmem:s10+$0xFFFFFFC0]  }
0x2ab: {  	v12 =	vld [tilespmem:s10+$0xFFFFFFD0]  }
0x2ac: {  	v13 =	vld [tilespmem:s10+$0xFFFFFFE0]  }
0x2ad: {  	v14 =	vld [tilespmem:s10+$0xFFFFFFF0]  }
0x2ae: {  	v15 =	vld [tilespmem:s10+$0xFFFFFF10]  }
0x2af: {  	v0 =	vld.idx.msk [tilespmem:v0+s1+$0x0], $0xffff  }
0x2b0: {  	v1 =	vld.idx.msk [tilespmem:v1+s1+$0x0], $0xffff  }
0x2b1: {  	v2 =	vld.idx.msk [tilespmem:v2+s1+$0x0], $0xffff  }
0x2b2: {  	v3 =	vld.idx.msk [tilespmem:v3+s1+$0x0], $0xffff  }
0x2b3: {  	v4 =	vld.idx.msk [tilespmem:v4+s1+$0x0], $0xffff  }
0x2b4: {  	s7 =	simm.s32 $0x1C720;
	v5 =	vld.idx.msk [tilespmem:v5+s1+$0x0], $0xffff  }
0x2b5: {  	v6 =	vld.idx.msk [tilespmem:v6+s1+$0x0], $0xffff;
	[tilespmem:s7+$0x70] =	vst v0  }
0x2b6: {  	v7 =	vld.idx.msk [tilespmem:v7+s1+$0x0], $0xffff;
	[tilespmem:s7+$0xFFFFFF90] =	vst v1  }
0x2b7: {  	v15 =	vld.idx.msk [tilespmem:v15+s1+$0x0], $0xffff;
	[tilespmem:s7+$0xFFFFFFA0] =	vst v2  }
0x2b8: {  	v8 =	vld.idx.msk [tilespmem:v8+s1+$0x0], $0xffff;
	[tilespmem:s7+$0xFFFFFFB0] =	vst v3  }
0x2b9: {  	[tilespmem:s7+$0xFFFFFFC0] =	vst v4;
	v0 =	vld.idx.msk [tilespmem:v9+s1+$0x0], $0xffff  }
0x2ba: {  	[tilespmem:s7+$0xFFFFFFD0] =	vst v5;
	v1 =	vld.idx.msk [tilespmem:v10+s1+$0x0], $0xffff  }
0x2bb: {  	[tilespmem:s7+$0xFFFFFFE0] =	vst v6;
	v2 =	vld.idx.msk [tilespmem:v11+s1+$0x0], $0xffff  }
0x2bc: {  	[tilespmem:s7+$0xFFFFFFF0] =	vst v7;
	v3 =	vld.idx.msk [tilespmem:v12+s1+$0x0], $0xffff  }
0x2bd: {  	[tilespmem:s7+$0xFFFFFF80] =	vst v15;
	v4 =	vld.idx.msk [tilespmem:v13+s1+$0x0], $0xffff  }
0x2be: {  	s8 =	simm.s32 $0x1AB90;
	s9 =	simm.s32 $0x0;
	s10 =	simm.s32 $0x1A890;
	[tilespmem:s7+$0x0] =	vst v8;
	v5 =	vld.idx.msk [tilespmem:v14+s1+$0x0], $0xffff  }
.LBB2_19:
0x2bf: {  	v6 =	vld [tilespmem:s10+$0x0];
	s9 =	sadd.s32 $0x10, s9;
	[tilespmem:s7+$0x10] =	vst v0  }
0x2c0: {  	v0 =	vld [tilespmem:s10+$0xFFFFFF20];
	p0 =	slt.u32 s9, $0x30;
	[tilespmem:s7+$0x20] =	vst v1  }
0x2c1: {  	v1 =	vld [tilespmem:s10+$0xFFFFFF30];
	[tilespmem:s7+$0x30] =	vst v2  }
0x2c2: {  	v2 =	vld [tilespmem:s10+$0xFFFFFF40];
	[tilespmem:s7+$0x40] =	vst v3  }
0x2c3: {  	v3 =	vld [tilespmem:s10+$0xFFFFFF50];
	[tilespmem:s7+$0x50] =	vst v4  }
0x2c4: {  	v4 =	vld [tilespmem:s10+$0xFFFFFF60];
	[tilespmem:s7+$0x60] =	vst v5  }
0x2c5: {  	v5 =	vld [tilespmem:s10+$0xFFFFFF70]  }
0x2c6: {  	v7 =	vld [tilespmem:s10+$0xFFFFFF80]  }
0x2c7: {  	v6 =	vld.idx.msk [tilespmem:v6+s1+$0x0], $0xffff  }
0x2c8: {  	v8 =	vld [tilespmem:s10+$0xFFFFFF90]  }
0x2c9: {  	v9 =	vld [tilespmem:s10+$0xFFFFFFA0]  }
0x2ca: {  	v10 =	vld [tilespmem:s10+$0xFFFFFFB0]  }
0x2cb: {  	v11 =	vld [tilespmem:s10+$0xFFFFFFC0]  }
0x2cc: {  	s7 =	sadd.s32 $0x100, s7;
	v12 =	vld [tilespmem:s10+$0xFFFFFFD0]  }
0x2cd: {  	s6 =	simm.s32 $0x1CB90;
	v13 =	vld [tilespmem:s10+$0xFFFFFFE0];
	[tilespmem:s7+$0x70] =	vst v6  }
0x2ce: {  	v6 =	vld [tilespmem:s10+$0xFFFFFFF0]  }
0x2cf: {  	v14 =	vld [tilespmem:s10+$0xFFFFFF10]  }
0x2d0: {  	v0 =	vld.idx.msk [tilespmem:v0+s1+$0x0], $0xffff  }
0x2d1: {  	v1 =	vld.idx.msk [tilespmem:v1+s1+$0x0], $0xffff  }
0x2d2: {  	v2 =	vld.idx.msk [tilespmem:v2+s1+$0x0], $0xffff  }
0x2d3: {  	v3 =	vld.idx.msk [tilespmem:v3+s1+$0x0], $0xffff  }
0x2d4: {  	v4 =	vld.idx.msk [tilespmem:v4+s1+$0x0], $0xffff  }
0x2d5: {  	v5 =	vld.idx.msk [tilespmem:v5+s1+$0x0], $0xffff  }
0x2d6: {  	[tilespmem:s7+$0xFFFFFF90] =	vst v0;
	v7 =	vld.idx.msk [tilespmem:v7+s1+$0x0], $0xffff  }
0x2d7: {  	v14 =	vld.idx.msk [tilespmem:v14+s1+$0x0], $0xffff;
	[tilespmem:s7+$0xFFFFFFA0] =	vst v1  }
0x2d8: {  	[tilespmem:s7+$0xFFFFFFB0] =	vst v2;
	v8 =	vld.idx.msk [tilespmem:v8+s1+$0x0], $0xffff  }
0x2d9: {  	[tilespmem:s7+$0xFFFFFFC0] =	vst v3;
	v0 =	vld.idx.msk [tilespmem:v9+s1+$0x0], $0xffff  }
.Ltmp8:
0x2da: {  	[tilespmem:s7+$0xFFFFFFD0] =	vst v4;
	v1 =	vld.idx.msk [tilespmem:v10+s1+$0x0], $0xffff;
	(pc) =	sbr.rel @p0 .LBB2_19-.Ltmp8, $4  }
0x2db: {  	[tilespmem:s7+$0xFFFFFFE0] =	vst v5;
	v2 =	vld.idx.msk [tilespmem:v11+s1+$0x0], $0xffff  }
0x2dc: {  	[tilespmem:s7+$0xFFFFFFF0] =	vst v7;
	v3 =	vld.idx.msk [tilespmem:v12+s1+$0x0], $0xffff  }
0x2dd: {  	[tilespmem:s7+$0xFFFFFF80] =	vst v14;
	v4 =	vld.idx.msk [tilespmem:v13+s1+$0x0], $0xffff  }
0x2de: {  	s10 =	sadd.s32 $0x100, s10;
	[tilespmem:s7+$0x0] =	vst v8;
	v5 =	vld.idx.msk [tilespmem:v6+s1+$0x0], $0xffff  }
0x2df: {  	[tilespmem:s7+$0x10] =	vst v0  }
0x2e0: {  	[tilespmem:s7+$0x20] =	vst v1  }
0x2e1: {  	[tilespmem:s7+$0x30] =	vst v2  }
0x2e2: {  	[tilespmem:s7+$0x40] =	vst v3  }
0x2e3: {  	[tilespmem:s7+$0x50] =	vst v4  }
0x2e4: {  	[tilespmem:s7+$0x60] =	vst v5  }
0x2e5: {  	v0 =	vld [tilespmem:s8+$0x0]  }
0x2e6: {  	v1 =	vld [tilespmem:s8+$0xFFFFFF20]  }
0x2e7: {  	v2 =	vld [tilespmem:s8+$0xFFFFFF30]  }
0x2e8: {  	v3 =	vld [tilespmem:s8+$0xFFFFFF40]  }
0x2e9: {  	v4 =	vld [tilespmem:s8+$0xFFFFFF50]  }
0x2ea: {  	v5 =	vld [tilespmem:s8+$0xFFFFFF60]  }
0x2eb: {  	v6 =	vld [tilespmem:s8+$0xFFFFFF70]  }
0x2ec: {  	v7 =	vld [tilespmem:s8+$0xFFFFFF80]  }
0x2ed: {  	v8 =	vld [tilespmem:s8+$0xFFFFFF90]  }
0x2ee: {  	v9 =	vld [tilespmem:s8+$0xFFFFFFA0]  }
0x2ef: {  	v10 =	vld [tilespmem:s8+$0xFFFFFFB0]  }
0x2f0: {  	v11 =	vld [tilespmem:s8+$0xFFFFFFC0]  }
0x2f1: {  	v12 =	vld [tilespmem:s8+$0xFFFFFFD0]  }
0x2f2: {  	v13 =	vld [tilespmem:s8+$0xFFFFFFE0]  }
0x2f3: {  	v14 =	vld [tilespmem:s8+$0xFFFFFFF0]  }
0x2f4: {  	v15 =	vld [tilespmem:s8+$0xFFFFFF10]  }
0x2f5: {  	v0 =	vld.idx.msk [tilespmem:v0+s1+$0x0], $0xffff  }
0x2f6: {  	v1 =	vld.idx.msk [tilespmem:v1+s1+$0x0], $0xffff  }
0x2f7: {  	v2 =	vld.idx.msk [tilespmem:v2+s1+$0x0], $0xffff  }
0x2f8: {  	v3 =	vld.idx.msk [tilespmem:v3+s1+$0x0], $0xffff  }
0x2f9: {  	v4 =	vld.idx.msk [tilespmem:v4+s1+$0x0], $0xffff  }
0x2fa: {  	v5 =	vld.idx.msk [tilespmem:v5+s1+$0x0], $0xffff  }
0x2fb: {  	v6 =	vld.idx.msk [tilespmem:v6+s1+$0x0], $0xffff;
	[tilespmem:s6+$0x0] =	vst v0  }
0x2fc: {  	v7 =	vld.idx.msk [tilespmem:v7+s1+$0x0], $0xffff;
	[tilespmem:s6+$0xFFFFFF20] =	vst v1  }
0x2fd: {  	v15 =	vld.idx.msk [tilespmem:v15+s1+$0x0], $0xffff;
	[tilespmem:s6+$0xFFFFFF30] =	vst v2  }
0x2fe: {  	v8 =	vld.idx.msk [tilespmem:v8+s1+$0x0], $0xffff;
	[tilespmem:s6+$0xFFFFFF40] =	vst v3  }
0x2ff: {  	[tilespmem:s6+$0xFFFFFF50] =	vst v4;
	v0 =	vld.idx.msk [tilespmem:v9+s1+$0x0], $0xffff  }
0x300: {  	[tilespmem:s6+$0xFFFFFF60] =	vst v5;
	v1 =	vld.idx.msk [tilespmem:v10+s1+$0x0], $0xffff  }
0x301: {  	[tilespmem:s6+$0xFFFFFF70] =	vst v6;
	v2 =	vld.idx.msk [tilespmem:v11+s1+$0x0], $0xffff  }
0x302: {  	[tilespmem:s6+$0xFFFFFF80] =	vst v7;
	v3 =	vld.idx.msk [tilespmem:v12+s1+$0x0], $0xffff  }
0x303: {  	[tilespmem:s6+$0xFFFFFF10] =	vst v15;
	v4 =	vld.idx.msk [tilespmem:v13+s1+$0x0], $0xffff  }
0x304: {  	s9 =	simm.s32 $0x0;
	s10 =	simm.s32 $0x1AC90;
	s8 =	simm.s32 $0x1AF90;
	[tilespmem:s6+$0xFFFFFF90] =	vst v8;
	v5 =	vld.idx.msk [tilespmem:v14+s1+$0x0], $0xffff  }
.LBB2_21:
0x305: {  	v6 =	vld [tilespmem:s10+$0x0];
	s9 =	sadd.s32 $0x10, s9;
	[tilespmem:s6+$0xFFFFFFA0] =	vst v0  }
0x306: {  	v0 =	vld [tilespmem:s10+$0xFFFFFF20];
	p0 =	slt.u32 s9, $0x30;
	[tilespmem:s6+$0xFFFFFFB0] =	vst v1  }
0x307: {  	v1 =	vld [tilespmem:s10+$0xFFFFFF30];
	[tilespmem:s6+$0xFFFFFFC0] =	vst v2  }
0x308: {  	v2 =	vld [tilespmem:s10+$0xFFFFFF40];
	[tilespmem:s6+$0xFFFFFFD0] =	vst v3  }
0x309: {  	v3 =	vld [tilespmem:s10+$0xFFFFFF50];
	[tilespmem:s6+$0xFFFFFFE0] =	vst v4  }
0x30a: {  	v4 =	vld [tilespmem:s10+$0xFFFFFF60];
	[tilespmem:s6+$0xFFFFFFF0] =	vst v5  }
0x30b: {  	v5 =	vld [tilespmem:s10+$0xFFFFFF70]  }
0x30c: {  	v7 =	vld [tilespmem:s10+$0xFFFFFF80]  }
0x30d: {  	v6 =	vld.idx.msk [tilespmem:v6+s1+$0x0], $0xffff  }
0x30e: {  	v8 =	vld [tilespmem:s10+$0xFFFFFF90]  }
0x30f: {  	v9 =	vld [tilespmem:s10+$0xFFFFFFA0]  }
0x310: {  	v10 =	vld [tilespmem:s10+$0xFFFFFFB0]  }
0x311: {  	v11 =	vld [tilespmem:s10+$0xFFFFFFC0]  }
0x312: {  	s6 =	sadd.s32 $0x100, s6;
	v12 =	vld [tilespmem:s10+$0xFFFFFFD0]  }
0x313: {  	s7 =	simm.s32 $0x1CF90;
	v13 =	vld [tilespmem:s10+$0xFFFFFFE0];
	[tilespmem:s6+$0x0] =	vst v6  }
0x314: {  	v6 =	vld [tilespmem:s10+$0xFFFFFFF0]  }
0x315: {  	v14 =	vld [tilespmem:s10+$0xFFFFFF10]  }
0x316: {  	v0 =	vld.idx.msk [tilespmem:v0+s1+$0x0], $0xffff  }
0x317: {  	v1 =	vld.idx.msk [tilespmem:v1+s1+$0x0], $0xffff  }
0x318: {  	v2 =	vld.idx.msk [tilespmem:v2+s1+$0x0], $0xffff  }
0x319: {  	v3 =	vld.idx.msk [tilespmem:v3+s1+$0x0], $0xffff  }
0x31a: {  	v4 =	vld.idx.msk [tilespmem:v4+s1+$0x0], $0xffff  }
0x31b: {  	v5 =	vld.idx.msk [tilespmem:v5+s1+$0x0], $0xffff  }
0x31c: {  	[tilespmem:s6+$0xFFFFFF20] =	vst v0;
	v7 =	vld.idx.msk [tilespmem:v7+s1+$0x0], $0xffff  }
0x31d: {  	v14 =	vld.idx.msk [tilespmem:v14+s1+$0x0], $0xffff;
	[tilespmem:s6+$0xFFFFFF30] =	vst v1  }
0x31e: {  	[tilespmem:s6+$0xFFFFFF40] =	vst v2;
	v8 =	vld.idx.msk [tilespmem:v8+s1+$0x0], $0xffff  }
0x31f: {  	[tilespmem:s6+$0xFFFFFF50] =	vst v3;
	v0 =	vld.idx.msk [tilespmem:v9+s1+$0x0], $0xffff  }
.Ltmp9:
0x320: {  	[tilespmem:s6+$0xFFFFFF60] =	vst v4;
	v1 =	vld.idx.msk [tilespmem:v10+s1+$0x0], $0xffff;
	(pc) =	sbr.rel @p0 .LBB2_21-.Ltmp9, $4  }
0x321: {  	[tilespmem:s6+$0xFFFFFF70] =	vst v5;
	v2 =	vld.idx.msk [tilespmem:v11+s1+$0x0], $0xffff  }
0x322: {  	[tilespmem:s6+$0xFFFFFF80] =	vst v7;
	v3 =	vld.idx.msk [tilespmem:v12+s1+$0x0], $0xffff  }
0x323: {  	[tilespmem:s6+$0xFFFFFF10] =	vst v14;
	v4 =	vld.idx.msk [tilespmem:v13+s1+$0x0], $0xffff  }
0x324: {  	s10 =	sadd.s32 $0x100, s10;
	[tilespmem:s6+$0xFFFFFF90] =	vst v8;
	v5 =	vld.idx.msk [tilespmem:v6+s1+$0x0], $0xffff  }
0x325: {  	[tilespmem:s6+$0xFFFFFFA0] =	vst v0  }
0x326: {  	[tilespmem:s6+$0xFFFFFFB0] =	vst v1  }
0x327: {  	[tilespmem:s6+$0xFFFFFFC0] =	vst v2  }
0x328: {  	[tilespmem:s6+$0xFFFFFFD0] =	vst v3  }
0x329: {  	[tilespmem:s6+$0xFFFFFFE0] =	vst v4  }
0x32a: {  	[tilespmem:s6+$0xFFFFFFF0] =	vst v5  }
0x32b: {  	v0 =	vld [tilespmem:s8+$0x0]  }
0x32c: {  	v1 =	vld [tilespmem:s8+$0xFFFFFF20]  }
0x32d: {  	v2 =	vld [tilespmem:s8+$0xFFFFFF30]  }
0x32e: {  	v3 =	vld [tilespmem:s8+$0xFFFFFF40]  }
0x32f: {  	v4 =	vld [tilespmem:s8+$0xFFFFFF50]  }
0x330: {  	v5 =	vld [tilespmem:s8+$0xFFFFFF60]  }
0x331: {  	v6 =	vld [tilespmem:s8+$0xFFFFFF70]  }
0x332: {  	v7 =	vld [tilespmem:s8+$0xFFFFFF80]  }
0x333: {  	v8 =	vld [tilespmem:s8+$0xFFFFFF90]  }
0x334: {  	v9 =	vld [tilespmem:s8+$0xFFFFFFA0]  }
0x335: {  	v10 =	vld [tilespmem:s8+$0xFFFFFFB0]  }
0x336: {  	v11 =	vld [tilespmem:s8+$0xFFFFFFC0]  }
0x337: {  	v12 =	vld [tilespmem:s8+$0xFFFFFFD0]  }
0x338: {  	v13 =	vld [tilespmem:s8+$0xFFFFFFE0]  }
0x339: {  	v14 =	vld [tilespmem:s8+$0xFFFFFFF0]  }
0x33a: {  	v15 =	vld [tilespmem:s8+$0xFFFFFF10]  }
0x33b: {  	v0 =	vld.idx.msk [tilespmem:v0+s1+$0x0], $0xffff  }
0x33c: {  	v1 =	vld.idx.msk [tilespmem:v1+s1+$0x0], $0xffff  }
0x33d: {  	v2 =	vld.idx.msk [tilespmem:v2+s1+$0x0], $0xffff  }
0x33e: {  	v3 =	vld.idx.msk [tilespmem:v3+s1+$0x0], $0xffff  }
0x33f: {  	v4 =	vld.idx.msk [tilespmem:v4+s1+$0x0], $0xffff  }
0x340: {  	v5 =	vld.idx.msk [tilespmem:v5+s1+$0x0], $0xffff  }
0x341: {  	v6 =	vld.idx.msk [tilespmem:v6+s1+$0x0], $0xffff;
	[tilespmem:s7+$0x0] =	vst v0  }
0x342: {  	v7 =	vld.idx.msk [tilespmem:v7+s1+$0x0], $0xffff;
	[tilespmem:s7+$0xFFFFFF20] =	vst v1  }
0x343: {  	v15 =	vld.idx.msk [tilespmem:v15+s1+$0x0], $0xffff;
	[tilespmem:s7+$0xFFFFFF30] =	vst v2  }
0x344: {  	v8 =	vld.idx.msk [tilespmem:v8+s1+$0x0], $0xffff;
	[tilespmem:s7+$0xFFFFFF40] =	vst v3  }
0x345: {  	[tilespmem:s7+$0xFFFFFF50] =	vst v4;
	v0 =	vld.idx.msk [tilespmem:v9+s1+$0x0], $0xffff  }
0x346: {  	[tilespmem:s7+$0xFFFFFF60] =	vst v5;
	v1 =	vld.idx.msk [tilespmem:v10+s1+$0x0], $0xffff  }
0x347: {  	[tilespmem:s7+$0xFFFFFF70] =	vst v6;
	v2 =	vld.idx.msk [tilespmem:v11+s1+$0x0], $0xffff  }
0x348: {  	[tilespmem:s7+$0xFFFFFF80] =	vst v7;
	v3 =	vld.idx.msk [tilespmem:v12+s1+$0x0], $0xffff  }
0x349: {  	[tilespmem:s7+$0xFFFFFF10] =	vst v15;
	v4 =	vld.idx.msk [tilespmem:v13+s1+$0x0], $0xffff  }
0x34a: {  	s9 =	simm.s32 $0x0;
	s10 =	simm.s32 $0x1B090;
	s8 =	simm.s32 $0x1B390;
	[tilespmem:s7+$0xFFFFFF90] =	vst v8;
	v5 =	vld.idx.msk [tilespmem:v14+s1+$0x0], $0xffff  }
.LBB2_23:
0x34b: {  	v6 =	vld [tilespmem:s10+$0x0];
	s9 =	sadd.s32 $0x10, s9;
	[tilespmem:s7+$0xFFFFFFA0] =	vst v0  }
0x34c: {  	v0 =	vld [tilespmem:s10+$0xFFFFFF20];
	p0 =	slt.u32 s9, $0x30;
	[tilespmem:s7+$0xFFFFFFB0] =	vst v1  }
0x34d: {  	v1 =	vld [tilespmem:s10+$0xFFFFFF30];
	[tilespmem:s7+$0xFFFFFFC0] =	vst v2  }
0x34e: {  	v2 =	vld [tilespmem:s10+$0xFFFFFF40];
	[tilespmem:s7+$0xFFFFFFD0] =	vst v3  }
0x34f: {  	v3 =	vld [tilespmem:s10+$0xFFFFFF50];
	[tilespmem:s7+$0xFFFFFFE0] =	vst v4  }
0x350: {  	v4 =	vld [tilespmem:s10+$0xFFFFFF60];
	[tilespmem:s7+$0xFFFFFFF0] =	vst v5  }
0x351: {  	v5 =	vld [tilespmem:s10+$0xFFFFFF70]  }
0x352: {  	v7 =	vld [tilespmem:s10+$0xFFFFFF80]  }
0x353: {  	v6 =	vld.idx.msk [tilespmem:v6+s1+$0x0], $0xffff  }
0x354: {  	v8 =	vld [tilespmem:s10+$0xFFFFFF90]  }
0x355: {  	v9 =	vld [tilespmem:s10+$0xFFFFFFA0]  }
0x356: {  	v10 =	vld [tilespmem:s10+$0xFFFFFFB0]  }
0x357: {  	v11 =	vld [tilespmem:s10+$0xFFFFFFC0]  }
0x358: {  	s7 =	sadd.s32 $0x100, s7;
	v12 =	vld [tilespmem:s10+$0xFFFFFFD0]  }
0x359: {  	s6 =	simm.s32 $0x1D390;
	v13 =	vld [tilespmem:s10+$0xFFFFFFE0];
	[tilespmem:s7+$0x0] =	vst v6  }
0x35a: {  	v6 =	vld [tilespmem:s10+$0xFFFFFFF0]  }
0x35b: {  	v14 =	vld [tilespmem:s10+$0xFFFFFF10]  }
0x35c: {  	v0 =	vld.idx.msk [tilespmem:v0+s1+$0x0], $0xffff  }
0x35d: {  	v1 =	vld.idx.msk [tilespmem:v1+s1+$0x0], $0xffff  }
0x35e: {  	v2 =	vld.idx.msk [tilespmem:v2+s1+$0x0], $0xffff  }
0x35f: {  	v3 =	vld.idx.msk [tilespmem:v3+s1+$0x0], $0xffff  }
0x360: {  	v4 =	vld.idx.msk [tilespmem:v4+s1+$0x0], $0xffff  }
0x361: {  	v5 =	vld.idx.msk [tilespmem:v5+s1+$0x0], $0xffff  }
0x362: {  	[tilespmem:s7+$0xFFFFFF20] =	vst v0;
	v7 =	vld.idx.msk [tilespmem:v7+s1+$0x0], $0xffff  }
0x363: {  	v14 =	vld.idx.msk [tilespmem:v14+s1+$0x0], $0xffff;
	[tilespmem:s7+$0xFFFFFF30] =	vst v1  }
0x364: {  	[tilespmem:s7+$0xFFFFFF40] =	vst v2;
	v8 =	vld.idx.msk [tilespmem:v8+s1+$0x0], $0xffff  }
0x365: {  	[tilespmem:s7+$0xFFFFFF50] =	vst v3;
	v0 =	vld.idx.msk [tilespmem:v9+s1+$0x0], $0xffff  }
.Ltmp10:
0x366: {  	[tilespmem:s7+$0xFFFFFF60] =	vst v4;
	v1 =	vld.idx.msk [tilespmem:v10+s1+$0x0], $0xffff;
	(pc) =	sbr.rel @p0 .LBB2_23-.Ltmp10, $4  }
0x367: {  	[tilespmem:s7+$0xFFFFFF70] =	vst v5;
	v2 =	vld.idx.msk [tilespmem:v11+s1+$0x0], $0xffff  }
0x368: {  	[tilespmem:s7+$0xFFFFFF80] =	vst v7;
	v3 =	vld.idx.msk [tilespmem:v12+s1+$0x0], $0xffff  }
0x369: {  	[tilespmem:s7+$0xFFFFFF10] =	vst v14;
	v4 =	vld.idx.msk [tilespmem:v13+s1+$0x0], $0xffff  }
0x36a: {  	s10 =	sadd.s32 $0x100, s10;
	[tilespmem:s7+$0xFFFFFF90] =	vst v8;
	v5 =	vld.idx.msk [tilespmem:v6+s1+$0x0], $0xffff  }
0x36b: {  	[tilespmem:s7+$0xFFFFFFA0] =	vst v0  }
0x36c: {  	[tilespmem:s7+$0xFFFFFFB0] =	vst v1  }
0x36d: {  	[tilespmem:s7+$0xFFFFFFC0] =	vst v2  }
0x36e: {  	[tilespmem:s7+$0xFFFFFFD0] =	vst v3  }
0x36f: {  	[tilespmem:s7+$0xFFFFFFE0] =	vst v4  }
0x370: {  	[tilespmem:s7+$0xFFFFFFF0] =	vst v5  }
0x371: {  	v0 =	vld [tilespmem:s8+$0x0]  }
0x372: {  	v1 =	vld [tilespmem:s8+$0xFFFFFF20]  }
0x373: {  	v2 =	vld [tilespmem:s8+$0xFFFFFF30]  }
0x374: {  	v3 =	vld [tilespmem:s8+$0xFFFFFF40]  }
0x375: {  	v4 =	vld [tilespmem:s8+$0xFFFFFF50]  }
0x376: {  	v5 =	vld [tilespmem:s8+$0xFFFFFF60]  }
0x377: {  	v6 =	vld [tilespmem:s8+$0xFFFFFF70]  }
0x378: {  	v7 =	vld [tilespmem:s8+$0xFFFFFF80]  }
0x379: {  	v8 =	vld [tilespmem:s8+$0xFFFFFF90]  }
0x37a: {  	v9 =	vld [tilespmem:s8+$0xFFFFFFA0]  }
0x37b: {  	v10 =	vld [tilespmem:s8+$0xFFFFFFB0]  }
0x37c: {  	v11 =	vld [tilespmem:s8+$0xFFFFFFC0]  }
0x37d: {  	v12 =	vld [tilespmem:s8+$0xFFFFFFD0]  }
0x37e: {  	v13 =	vld [tilespmem:s8+$0xFFFFFFE0]  }
0x37f: {  	v14 =	vld [tilespmem:s8+$0xFFFFFFF0]  }
0x380: {  	v15 =	vld [tilespmem:s8+$0xFFFFFF10]  }
0x381: {  	v0 =	vld.idx.msk [tilespmem:v0+s1+$0x0], $0xffff  }
0x382: {  	v1 =	vld.idx.msk [tilespmem:v1+s1+$0x0], $0xffff  }
0x383: {  	v2 =	vld.idx.msk [tilespmem:v2+s1+$0x0], $0xffff  }
0x384: {  	v3 =	vld.idx.msk [tilespmem:v3+s1+$0x0], $0xffff  }
0x385: {  	v4 =	vld.idx.msk [tilespmem:v4+s1+$0x0], $0xffff  }
0x386: {  	v5 =	vld.idx.msk [tilespmem:v5+s1+$0x0], $0xffff  }
0x387: {  	v6 =	vld.idx.msk [tilespmem:v6+s1+$0x0], $0xffff;
	[tilespmem:s6+$0x0] =	vst v0  }
0x388: {  	v7 =	vld.idx.msk [tilespmem:v7+s1+$0x0], $0xffff;
	[tilespmem:s6+$0xFFFFFF20] =	vst v1  }
0x389: {  	v15 =	vld.idx.msk [tilespmem:v15+s1+$0x0], $0xffff;
	[tilespmem:s6+$0xFFFFFF30] =	vst v2  }
0x38a: {  	v8 =	vld.idx.msk [tilespmem:v8+s1+$0x0], $0xffff;
	[tilespmem:s6+$0xFFFFFF40] =	vst v3  }
0x38b: {  	[tilespmem:s6+$0xFFFFFF50] =	vst v4;
	v0 =	vld.idx.msk [tilespmem:v9+s1+$0x0], $0xffff  }
0x38c: {  	[tilespmem:s6+$0xFFFFFF60] =	vst v5;
	v1 =	vld.idx.msk [tilespmem:v10+s1+$0x0], $0xffff  }
0x38d: {  	[tilespmem:s6+$0xFFFFFF70] =	vst v6;
	v2 =	vld.idx.msk [tilespmem:v11+s1+$0x0], $0xffff  }
0x38e: {  	[tilespmem:s6+$0xFFFFFF80] =	vst v7;
	v3 =	vld.idx.msk [tilespmem:v12+s1+$0x0], $0xffff  }
0x38f: {  	[tilespmem:s6+$0xFFFFFF10] =	vst v15;
	v4 =	vld.idx.msk [tilespmem:v13+s1+$0x0], $0xffff  }
0x390: {  	s7 =	simm.s32 $0x0;
	s8 =	simm.s32 $0x1B490;
	[tilespmem:s6+$0xFFFFFF90] =	vst v8;
	v5 =	vld.idx.msk [tilespmem:v14+s1+$0x0], $0xffff  }
.LBB2_25:
0x391: {  	v6 =	vld [tilespmem:s8+$0x0];
	s7 =	sadd.s32 $0x10, s7;
	[tilespmem:s6+$0xFFFFFFA0] =	vst v0  }
0x392: {  	v0 =	vld [tilespmem:s8+$0xFFFFFF20];
	p0 =	slt.u32 s7, $0x30;
	[tilespmem:s6+$0xFFFFFFB0] =	vst v1  }
0x393: {  	v1 =	vld [tilespmem:s8+$0xFFFFFF30];
	[tilespmem:s6+$0xFFFFFFC0] =	vst v2  }
0x394: {  	v2 =	vld [tilespmem:s8+$0xFFFFFF40];
	[tilespmem:s6+$0xFFFFFFD0] =	vst v3  }
0x395: {  	v3 =	vld [tilespmem:s8+$0xFFFFFF50];
	[tilespmem:s6+$0xFFFFFFE0] =	vst v4  }
0x396: {  	v4 =	vld [tilespmem:s8+$0xFFFFFF60];
	[tilespmem:s6+$0xFFFFFFF0] =	vst v5  }
0x397: {  	v5 =	vld [tilespmem:s8+$0xFFFFFF70]  }
0x398: {  	v7 =	vld [tilespmem:s8+$0xFFFFFF80]  }
0x399: {  	v6 =	vld.idx.msk [tilespmem:v6+s1+$0x0], $0xffff  }
0x39a: {  	v8 =	vld [tilespmem:s8+$0xFFFFFF90]  }
0x39b: {  	v9 =	vld [tilespmem:s8+$0xFFFFFFA0]  }
0x39c: {  	v10 =	vld [tilespmem:s8+$0xFFFFFFB0]  }
0x39d: {  	v11 =	vld [tilespmem:s8+$0xFFFFFFC0]  }
0x39e: {  	s6 =	sadd.s32 $0x100, s6;
	v12 =	vld [tilespmem:s8+$0xFFFFFFD0]  }
0x39f: {  	v13 =	vld [tilespmem:s8+$0xFFFFFFE0];
	[tilespmem:s6+$0x0] =	vst v6  }
0x3a0: {  	v6 =	vld [tilespmem:s8+$0xFFFFFFF0]  }
0x3a1: {  	v14 =	vld [tilespmem:s8+$0xFFFFFF10]  }
0x3a2: {  	v0 =	vld.idx.msk [tilespmem:v0+s1+$0x0], $0xffff  }
0x3a3: {  	v1 =	vld.idx.msk [tilespmem:v1+s1+$0x0], $0xffff  }
0x3a4: {  	v2 =	vld.idx.msk [tilespmem:v2+s1+$0x0], $0xffff  }
0x3a5: {  	v3 =	vld.idx.msk [tilespmem:v3+s1+$0x0], $0xffff  }
0x3a6: {  	v4 =	vld.idx.msk [tilespmem:v4+s1+$0x0], $0xffff  }
0x3a7: {  	v5 =	vld.idx.msk [tilespmem:v5+s1+$0x0], $0xffff  }
0x3a8: {  	[tilespmem:s6+$0xFFFFFF20] =	vst v0;
	v7 =	vld.idx.msk [tilespmem:v7+s1+$0x0], $0xffff  }
0x3a9: {  	v14 =	vld.idx.msk [tilespmem:v14+s1+$0x0], $0xffff;
	[tilespmem:s6+$0xFFFFFF30] =	vst v1  }
0x3aa: {  	[tilespmem:s6+$0xFFFFFF40] =	vst v2;
	v8 =	vld.idx.msk [tilespmem:v8+s1+$0x0], $0xffff  }
0x3ab: {  	[tilespmem:s6+$0xFFFFFF50] =	vst v3;
	v0 =	vld.idx.msk [tilespmem:v9+s1+$0x0], $0xffff  }
.Ltmp11:
0x3ac: {  	[tilespmem:s6+$0xFFFFFF60] =	vst v4;
	v1 =	vld.idx.msk [tilespmem:v10+s1+$0x0], $0xffff;
	(pc) =	sbr.rel @p0 .LBB2_25-.Ltmp11, $4  }
0x3ad: {  	[tilespmem:s6+$0xFFFFFF70] =	vst v5;
	v2 =	vld.idx.msk [tilespmem:v11+s1+$0x0], $0xffff  }
0x3ae: {  	[tilespmem:s6+$0xFFFFFF80] =	vst v7;
	v3 =	vld.idx.msk [tilespmem:v12+s1+$0x0], $0xffff  }
0x3af: {  	[tilespmem:s6+$0xFFFFFF10] =	vst v14;
	v4 =	vld.idx.msk [tilespmem:v13+s1+$0x0], $0xffff  }
0x3b0: {  	s8 =	sadd.s32 $0x100, s8;
	[tilespmem:s6+$0xFFFFFF90] =	vst v8;
	v5 =	vld.idx.msk [tilespmem:v6+s1+$0x0], $0xffff  }
0x3b1: {  	[tilespmem:s6+$0xFFFFFFA0] =	vst v0  }
0x3b2: {  	[tilespmem:s6+$0xFFFFFFB0] =	vst v1  }
0x3b3: {  	[tilespmem:s6+$0xFFFFFFC0] =	vst v2  }
0x3b4: {  	[tilespmem:s6+$0xFFFFFFD0] =	vst v3  }
0x3b5: {  	[tilespmem:s6+$0xFFFFFFE0] =	vst v4  }
0x3b6: {  	s10 =	sadd.s32 s5, s13;
	[tilespmem:s6+$0xFFFFFFF0] =	vst v5  }
0x3b7: {  	[hbm4b:s10+s22] =	stream.strided.scatter [tilespmem:s24], [sflag:$0x1], $0x400, s23, s22, $0x38;
	[tilespmem:$0x1E6A0] =	vst v63  }
0x3b8: {  	s7 =	sadd.s32 s5, s14  }
0x3b9: {  	[hbm4b:s7+s22] =	stream.strided.scatter [tilespmem:s25], [sflag:$0x1], $0x400, s23, s22, $0x38;
	[tilespmem:$0x1E6A0] =	vst v63  }
0x3ba: {  	s8 =	sadd.s32 s5, s16  }
0x3bb: {  	[hbm4b:s8+s22] =	stream.strided.scatter [tilespmem:s26], [sflag:$0x1], $0x400, s23, s22, $0x38;
	[tilespmem:$0x1E6A0] =	vst v63  }
0x3bc: {  	s9 =	sadd.s32 s5, s17  }
0x3bd: {  	[hbm4b:s9+s22] =	stream.strided.scatter [tilespmem:s28], [sflag:$0x1], $0x400, s23, s22, $0x38;
	[tilespmem:$0x1E6A0] =	vst v63  }
0x3be: {  	_ =	swait.ge [sflag:s2], $0x400  }
0x3bf: {  	[sflag:s2] =	ssyncset.done $0x0  }
0x3c0: {  	[sflag:s2] =	ssyncadd.s32 $0xFFFFFC00  }
0x3c1: {  	_ =	swait.ge [sflag:s2], $0x400  }
0x3c2: {  	[sflag:s2] =	ssyncset.done $0x0  }
0x3c3: {  	[sflag:s2] =	ssyncadd.s32 $0xFFFFFC00  }
0x3c4: {  	_ =	swait.ge [sflag:s2], $0x400  }
0x3c5: {  	[sflag:s2] =	ssyncset.done $0x0  }
0x3c6: {  	[sflag:s2] =	ssyncadd.s32 $0xFFFFFC00  }
0x3c7: {  	_ =	swait.ge [sflag:s2], $0x400  }
0x3c8: {  	[sflag:s2] =	ssyncset.done $0x0  }
0x3c9: {  	s10 =	simm.s32 $0x1B790;
	[sflag:s2] =	ssyncadd.s32 $0xFFFFFC00  }
0x3ca: {  	v0 =	vld [tilespmem:s10+$0x0]  }
0x3cb: {  	v1 =	vld [tilespmem:s10+$0xFFFFFF20]  }
0x3cc: {  	v2 =	vld [tilespmem:s10+$0xFFFFFF30]  }
0x3cd: {  	v3 =	vld [tilespmem:s10+$0xFFFFFF40]  }
0x3ce: {  	v4 =	vld [tilespmem:s10+$0xFFFFFF50]  }
0x3cf: {  	v5 =	vld [tilespmem:s10+$0xFFFFFF60]  }
0x3d0: {  	v6 =	vld [tilespmem:s10+$0xFFFFFF70]  }
0x3d1: {  	v7 =	vld [tilespmem:s10+$0xFFFFFF80]  }
0x3d2: {  	v8 =	vld [tilespmem:s10+$0xFFFFFF90]  }
0x3d3: {  	v9 =	vld [tilespmem:s10+$0xFFFFFFA0]  }
0x3d4: {  	v10 =	vld [tilespmem:s10+$0xFFFFFFB0]  }
0x3d5: {  	v11 =	vld [tilespmem:s10+$0xFFFFFFC0]  }
0x3d6: {  	v12 =	vld [tilespmem:s10+$0xFFFFFFD0]  }
0x3d7: {  	v13 =	vld [tilespmem:s10+$0xFFFFFFE0]  }
0x3d8: {  	v14 =	vld [tilespmem:s10+$0xFFFFFFF0]  }
0x3d9: {  	v15 =	vld [tilespmem:s10+$0xFFFFFF10]  }
0x3da: {  	v0 =	vld.idx.msk [tilespmem:v0+s1+$0x0], $0xffff  }
0x3db: {  	v1 =	vld.idx.msk [tilespmem:v1+s1+$0x0], $0xffff  }
0x3dc: {  	v2 =	vld.idx.msk [tilespmem:v2+s1+$0x0], $0xffff  }
0x3dd: {  	v3 =	vld.idx.msk [tilespmem:v3+s1+$0x0], $0xffff  }
0x3de: {  	v4 =	vld.idx.msk [tilespmem:v4+s1+$0x0], $0xffff  }
0x3df: {  	s7 =	simm.s32 $0x1D790;
	v5 =	vld.idx.msk [tilespmem:v5+s1+$0x0], $0xffff  }
0x3e0: {  	v6 =	vld.idx.msk [tilespmem:v6+s1+$0x0], $0xffff;
	[tilespmem:s7+$0x0] =	vst v0  }
0x3e1: {  	v7 =	vld.idx.msk [tilespmem:v7+s1+$0x0], $0xffff;
	[tilespmem:s7+$0xFFFFFF20] =	vst v1  }
0x3e2: {  	v15 =	vld.idx.msk [tilespmem:v15+s1+$0x0], $0xffff;
	[tilespmem:s7+$0xFFFFFF30] =	vst v2  }
0x3e3: {  	v8 =	vld.idx.msk [tilespmem:v8+s1+$0x0], $0xffff;
	[tilespmem:s7+$0xFFFFFF40] =	vst v3  }
0x3e4: {  	[tilespmem:s7+$0xFFFFFF50] =	vst v4;
	v0 =	vld.idx.msk [tilespmem:v9+s1+$0x0], $0xffff  }
0x3e5: {  	[tilespmem:s7+$0xFFFFFF60] =	vst v5;
	v1 =	vld.idx.msk [tilespmem:v10+s1+$0x0], $0xffff  }
0x3e6: {  	[tilespmem:s7+$0xFFFFFF70] =	vst v6;
	v2 =	vld.idx.msk [tilespmem:v11+s1+$0x0], $0xffff  }
0x3e7: {  	[tilespmem:s7+$0xFFFFFF80] =	vst v7;
	v3 =	vld.idx.msk [tilespmem:v12+s1+$0x0], $0xffff  }
0x3e8: {  	[tilespmem:s7+$0xFFFFFF10] =	vst v15;
	v4 =	vld.idx.msk [tilespmem:v13+s1+$0x0], $0xffff  }
0x3e9: {  	s8 =	simm.s32 $0x1BB90;
	s9 =	simm.s32 $0x0;
	s10 =	simm.s32 $0x1B890;
	[tilespmem:s7+$0xFFFFFF90] =	vst v8;
	v5 =	vld.idx.msk [tilespmem:v14+s1+$0x0], $0xffff  }
.LBB2_27:
0x3ea: {  	v6 =	vld [tilespmem:s10+$0x0];
	s9 =	sadd.s32 $0x10, s9;
	[tilespmem:s7+$0xFFFFFFA0] =	vst v0  }
0x3eb: {  	v0 =	vld [tilespmem:s10+$0xFFFFFF20];
	p0 =	slt.u32 s9, $0x30;
	[tilespmem:s7+$0xFFFFFFB0] =	vst v1  }
0x3ec: {  	v1 =	vld [tilespmem:s10+$0xFFFFFF30];
	[tilespmem:s7+$0xFFFFFFC0] =	vst v2  }
0x3ed: {  	v2 =	vld [tilespmem:s10+$0xFFFFFF40];
	[tilespmem:s7+$0xFFFFFFD0] =	vst v3  }
0x3ee: {  	v3 =	vld [tilespmem:s10+$0xFFFFFF50];
	[tilespmem:s7+$0xFFFFFFE0] =	vst v4  }
0x3ef: {  	v4 =	vld [tilespmem:s10+$0xFFFFFF60];
	[tilespmem:s7+$0xFFFFFFF0] =	vst v5  }
0x3f0: {  	v5 =	vld [tilespmem:s10+$0xFFFFFF70]  }
0x3f1: {  	v7 =	vld [tilespmem:s10+$0xFFFFFF80]  }
0x3f2: {  	v6 =	vld.idx.msk [tilespmem:v6+s1+$0x0], $0xffff  }
0x3f3: {  	v8 =	vld [tilespmem:s10+$0xFFFFFF90]  }
0x3f4: {  	v9 =	vld [tilespmem:s10+$0xFFFFFFA0]  }
0x3f5: {  	v10 =	vld [tilespmem:s10+$0xFFFFFFB0]  }
0x3f6: {  	v11 =	vld [tilespmem:s10+$0xFFFFFFC0]  }
0x3f7: {  	s7 =	sadd.s32 $0x100, s7;
	v12 =	vld [tilespmem:s10+$0xFFFFFFD0]  }
0x3f8: {  	s6 =	simm.s32 $0x1DB90;
	v13 =	vld [tilespmem:s10+$0xFFFFFFE0];
	[tilespmem:s7+$0x0] =	vst v6  }
0x3f9: {  	v6 =	vld [tilespmem:s10+$0xFFFFFFF0]  }
0x3fa: {  	v14 =	vld [tilespmem:s10+$0xFFFFFF10]  }
0x3fb: {  	v0 =	vld.idx.msk [tilespmem:v0+s1+$0x0], $0xffff  }
0x3fc: {  	v1 =	vld.idx.msk [tilespmem:v1+s1+$0x0], $0xffff  }
0x3fd: {  	v2 =	vld.idx.msk [tilespmem:v2+s1+$0x0], $0xffff  }
0x3fe: {  	v3 =	vld.idx.msk [tilespmem:v3+s1+$0x0], $0xffff  }
0x3ff: {  	v4 =	vld.idx.msk [tilespmem:v4+s1+$0x0], $0xffff  }
0x400: {  	v5 =	vld.idx.msk [tilespmem:v5+s1+$0x0], $0xffff  }
0x401: {  	[tilespmem:s7+$0xFFFFFF20] =	vst v0;
	v7 =	vld.idx.msk [tilespmem:v7+s1+$0x0], $0xffff  }
0x402: {  	v14 =	vld.idx.msk [tilespmem:v14+s1+$0x0], $0xffff;
	[tilespmem:s7+$0xFFFFFF30] =	vst v1  }
0x403: {  	[tilespmem:s7+$0xFFFFFF40] =	vst v2;
	v8 =	vld.idx.msk [tilespmem:v8+s1+$0x0], $0xffff  }
0x404: {  	[tilespmem:s7+$0xFFFFFF50] =	vst v3;
	v0 =	vld.idx.msk [tilespmem:v9+s1+$0x0], $0xffff  }
.Ltmp12:
0x405: {  	[tilespmem:s7+$0xFFFFFF60] =	vst v4;
	v1 =	vld.idx.msk [tilespmem:v10+s1+$0x0], $0xffff;
	(pc) =	sbr.rel @p0 .LBB2_27-.Ltmp12, $4  }
0x406: {  	[tilespmem:s7+$0xFFFFFF70] =	vst v5;
	v2 =	vld.idx.msk [tilespmem:v11+s1+$0x0], $0xffff  }
0x407: {  	[tilespmem:s7+$0xFFFFFF80] =	vst v7;
	v3 =	vld.idx.msk [tilespmem:v12+s1+$0x0], $0xffff  }
0x408: {  	[tilespmem:s7+$0xFFFFFF10] =	vst v14;
	v4 =	vld.idx.msk [tilespmem:v13+s1+$0x0], $0xffff  }
0x409: {  	s10 =	sadd.s32 $0x100, s10;
	[tilespmem:s7+$0xFFFFFF90] =	vst v8;
	v5 =	vld.idx.msk [tilespmem:v6+s1+$0x0], $0xffff  }
0x40a: {  	[tilespmem:s7+$0xFFFFFFA0] =	vst v0  }
0x40b: {  	[tilespmem:s7+$0xFFFFFFB0] =	vst v1  }
0x40c: {  	[tilespmem:s7+$0xFFFFFFC0] =	vst v2  }
0x40d: {  	[tilespmem:s7+$0xFFFFFFD0] =	vst v3  }
0x40e: {  	[tilespmem:s7+$0xFFFFFFE0] =	vst v4  }
0x40f: {  	[tilespmem:s7+$0xFFFFFFF0] =	vst v5  }
0x410: {  	v0 =	vld [tilespmem:s8+$0x0]  }
0x411: {  	v1 =	vld [tilespmem:s8+$0xFFFFFF20]  }
0x412: {  	v2 =	vld [tilespmem:s8+$0xFFFFFF30]  }
0x413: {  	v3 =	vld [tilespmem:s8+$0xFFFFFF40]  }
0x414: {  	v4 =	vld [tilespmem:s8+$0xFFFFFF50]  }
0x415: {  	v5 =	vld [tilespmem:s8+$0xFFFFFF60]  }
0x416: {  	v6 =	vld [tilespmem:s8+$0xFFFFFF70]  }
0x417: {  	v7 =	vld [tilespmem:s8+$0xFFFFFF80]  }
0x418: {  	v8 =	vld [tilespmem:s8+$0xFFFFFF90]  }
0x419: {  	v9 =	vld [tilespmem:s8+$0xFFFFFFA0]  }
0x41a: {  	v10 =	vld [tilespmem:s8+$0xFFFFFFB0]  }
0x41b: {  	v11 =	vld [tilespmem:s8+$0xFFFFFFC0]  }
0x41c: {  	v12 =	vld [tilespmem:s8+$0xFFFFFFD0]  }
0x41d: {  	v13 =	vld [tilespmem:s8+$0xFFFFFFE0]  }
0x41e: {  	v14 =	vld [tilespmem:s8+$0xFFFFFFF0]  }
0x41f: {  	v15 =	vld [tilespmem:s8+$0xFFFFFF10]  }
0x420: {  	v0 =	vld.idx.msk [tilespmem:v0+s1+$0x0], $0xffff  }
0x421: {  	v1 =	vld.idx.msk [tilespmem:v1+s1+$0x0], $0xffff  }
0x422: {  	v2 =	vld.idx.msk [tilespmem:v2+s1+$0x0], $0xffff  }
0x423: {  	v3 =	vld.idx.msk [tilespmem:v3+s1+$0x0], $0xffff  }
0x424: {  	v4 =	vld.idx.msk [tilespmem:v4+s1+$0x0], $0xffff  }
0x425: {  	v5 =	vld.idx.msk [tilespmem:v5+s1+$0x0], $0xffff  }
0x426: {  	v6 =	vld.idx.msk [tilespmem:v6+s1+$0x0], $0xffff;
	[tilespmem:s6+$0x0] =	vst v0  }
0x427: {  	v7 =	vld.idx.msk [tilespmem:v7+s1+$0x0], $0xffff;
	[tilespmem:s6+$0xFFFFFF20] =	vst v1  }
0x428: {  	v15 =	vld.idx.msk [tilespmem:v15+s1+$0x0], $0xffff;
	[tilespmem:s6+$0xFFFFFF30] =	vst v2  }
0x429: {  	v8 =	vld.idx.msk [tilespmem:v8+s1+$0x0], $0xffff;
	[tilespmem:s6+$0xFFFFFF40] =	vst v3  }
0x42a: {  	[tilespmem:s6+$0xFFFFFF50] =	vst v4;
	v0 =	vld.idx.msk [tilespmem:v9+s1+$0x0], $0xffff  }
0x42b: {  	[tilespmem:s6+$0xFFFFFF60] =	vst v5;
	v1 =	vld.idx.msk [tilespmem:v10+s1+$0x0], $0xffff  }
0x42c: {  	[tilespmem:s6+$0xFFFFFF70] =	vst v6;
	v2 =	vld.idx.msk [tilespmem:v11+s1+$0x0], $0xffff  }
0x42d: {  	[tilespmem:s6+$0xFFFFFF80] =	vst v7;
	v3 =	vld.idx.msk [tilespmem:v12+s1+$0x0], $0xffff  }
0x42e: {  	[tilespmem:s6+$0xFFFFFF10] =	vst v15;
	v4 =	vld.idx.msk [tilespmem:v13+s1+$0x0], $0xffff  }
0x42f: {  	s9 =	simm.s32 $0x0;
	s10 =	simm.s32 $0x1BC90;
	s8 =	simm.s32 $0x1BF90;
	[tilespmem:s6+$0xFFFFFF90] =	vst v8;
	v5 =	vld.idx.msk [tilespmem:v14+s1+$0x0], $0xffff  }
.LBB2_29:
0x430: {  	v6 =	vld [tilespmem:s10+$0x0];
	s9 =	sadd.s32 $0x10, s9;
	[tilespmem:s6+$0xFFFFFFA0] =	vst v0  }
0x431: {  	v0 =	vld [tilespmem:s10+$0xFFFFFF20];
	p0 =	slt.u32 s9, $0x30;
	[tilespmem:s6+$0xFFFFFFB0] =	vst v1  }
0x432: {  	v1 =	vld [tilespmem:s10+$0xFFFFFF30];
	[tilespmem:s6+$0xFFFFFFC0] =	vst v2  }
0x433: {  	v2 =	vld [tilespmem:s10+$0xFFFFFF40];
	[tilespmem:s6+$0xFFFFFFD0] =	vst v3  }
0x434: {  	v3 =	vld [tilespmem:s10+$0xFFFFFF50];
	[tilespmem:s6+$0xFFFFFFE0] =	vst v4  }
0x435: {  	v4 =	vld [tilespmem:s10+$0xFFFFFF60];
	[tilespmem:s6+$0xFFFFFFF0] =	vst v5  }
0x436: {  	v5 =	vld [tilespmem:s10+$0xFFFFFF70]  }
0x437: {  	v7 =	vld [tilespmem:s10+$0xFFFFFF80]  }
0x438: {  	v6 =	vld.idx.msk [tilespmem:v6+s1+$0x0], $0xffff  }
0x439: {  	v8 =	vld [tilespmem:s10+$0xFFFFFF90]  }
0x43a: {  	v9 =	vld [tilespmem:s10+$0xFFFFFFA0]  }
0x43b: {  	v10 =	vld [tilespmem:s10+$0xFFFFFFB0]  }
0x43c: {  	v11 =	vld [tilespmem:s10+$0xFFFFFFC0]  }
0x43d: {  	s6 =	sadd.s32 $0x100, s6;
	v12 =	vld [tilespmem:s10+$0xFFFFFFD0]  }
0x43e: {  	s7 =	simm.s32 $0x1DF90;
	v13 =	vld [tilespmem:s10+$0xFFFFFFE0];
	[tilespmem:s6+$0x0] =	vst v6  }
0x43f: {  	v6 =	vld [tilespmem:s10+$0xFFFFFFF0]  }
0x440: {  	v14 =	vld [tilespmem:s10+$0xFFFFFF10]  }
0x441: {  	v0 =	vld.idx.msk [tilespmem:v0+s1+$0x0], $0xffff  }
0x442: {  	v1 =	vld.idx.msk [tilespmem:v1+s1+$0x0], $0xffff  }
0x443: {  	v2 =	vld.idx.msk [tilespmem:v2+s1+$0x0], $0xffff  }
0x444: {  	v3 =	vld.idx.msk [tilespmem:v3+s1+$0x0], $0xffff  }
0x445: {  	v4 =	vld.idx.msk [tilespmem:v4+s1+$0x0], $0xffff  }
0x446: {  	v5 =	vld.idx.msk [tilespmem:v5+s1+$0x0], $0xffff  }
0x447: {  	[tilespmem:s6+$0xFFFFFF20] =	vst v0;
	v7 =	vld.idx.msk [tilespmem:v7+s1+$0x0], $0xffff  }
0x448: {  	v14 =	vld.idx.msk [tilespmem:v14+s1+$0x0], $0xffff;
	[tilespmem:s6+$0xFFFFFF30] =	vst v1  }
0x449: {  	[tilespmem:s6+$0xFFFFFF40] =	vst v2;
	v8 =	vld.idx.msk [tilespmem:v8+s1+$0x0], $0xffff  }
0x44a: {  	[tilespmem:s6+$0xFFFFFF50] =	vst v3;
	v0 =	vld.idx.msk [tilespmem:v9+s1+$0x0], $0xffff  }
.Ltmp13:
0x44b: {  	[tilespmem:s6+$0xFFFFFF60] =	vst v4;
	v1 =	vld.idx.msk [tilespmem:v10+s1+$0x0], $0xffff;
	(pc) =	sbr.rel @p0 .LBB2_29-.Ltmp13, $4  }
0x44c: {  	[tilespmem:s6+$0xFFFFFF70] =	vst v5;
	v2 =	vld.idx.msk [tilespmem:v11+s1+$0x0], $0xffff  }
0x44d: {  	[tilespmem:s6+$0xFFFFFF80] =	vst v7;
	v3 =	vld.idx.msk [tilespmem:v12+s1+$0x0], $0xffff  }
0x44e: {  	[tilespmem:s6+$0xFFFFFF10] =	vst v14;
	v4 =	vld.idx.msk [tilespmem:v13+s1+$0x0], $0xffff  }
0x44f: {  	s10 =	sadd.s32 $0x100, s10;
	[tilespmem:s6+$0xFFFFFF90] =	vst v8;
	v5 =	vld.idx.msk [tilespmem:v6+s1+$0x0], $0xffff  }
0x450: {  	[tilespmem:s6+$0xFFFFFFA0] =	vst v0  }
0x451: {  	[tilespmem:s6+$0xFFFFFFB0] =	vst v1  }
0x452: {  	[tilespmem:s6+$0xFFFFFFC0] =	vst v2  }
0x453: {  	[tilespmem:s6+$0xFFFFFFD0] =	vst v3  }
0x454: {  	[tilespmem:s6+$0xFFFFFFE0] =	vst v4  }
0x455: {  	[tilespmem:s6+$0xFFFFFFF0] =	vst v5  }
0x456: {  	v0 =	vld [tilespmem:s8+$0x0]  }
0x457: {  	v1 =	vld [tilespmem:s8+$0xFFFFFF20]  }
0x458: {  	v2 =	vld [tilespmem:s8+$0xFFFFFF30]  }
0x459: {  	v3 =	vld [tilespmem:s8+$0xFFFFFF40]  }
0x45a: {  	v4 =	vld [tilespmem:s8+$0xFFFFFF50]  }
0x45b: {  	v5 =	vld [tilespmem:s8+$0xFFFFFF60]  }
0x45c: {  	v6 =	vld [tilespmem:s8+$0xFFFFFF70]  }
0x45d: {  	v7 =	vld [tilespmem:s8+$0xFFFFFF80]  }
0x45e: {  	v8 =	vld [tilespmem:s8+$0xFFFFFF90]  }
0x45f: {  	v9 =	vld [tilespmem:s8+$0xFFFFFFA0]  }
0x460: {  	v10 =	vld [tilespmem:s8+$0xFFFFFFB0]  }
0x461: {  	v11 =	vld [tilespmem:s8+$0xFFFFFFC0]  }
0x462: {  	v12 =	vld [tilespmem:s8+$0xFFFFFFD0]  }
0x463: {  	v13 =	vld [tilespmem:s8+$0xFFFFFFE0]  }
0x464: {  	v14 =	vld [tilespmem:s8+$0xFFFFFFF0]  }
0x465: {  	v15 =	vld [tilespmem:s8+$0xFFFFFF10]  }
0x466: {  	v0 =	vld.idx.msk [tilespmem:v0+s1+$0x0], $0xffff  }
0x467: {  	v1 =	vld.idx.msk [tilespmem:v1+s1+$0x0], $0xffff  }
0x468: {  	v2 =	vld.idx.msk [tilespmem:v2+s1+$0x0], $0xffff  }
0x469: {  	v3 =	vld.idx.msk [tilespmem:v3+s1+$0x0], $0xffff  }
0x46a: {  	v4 =	vld.idx.msk [tilespmem:v4+s1+$0x0], $0xffff  }
0x46b: {  	v5 =	vld.idx.msk [tilespmem:v5+s1+$0x0], $0xffff  }
0x46c: {  	v6 =	vld.idx.msk [tilespmem:v6+s1+$0x0], $0xffff;
	[tilespmem:s7+$0x0] =	vst v0  }
0x46d: {  	v7 =	vld.idx.msk [tilespmem:v7+s1+$0x0], $0xffff;
	[tilespmem:s7+$0xFFFFFF20] =	vst v1  }
0x46e: {  	v15 =	vld.idx.msk [tilespmem:v15+s1+$0x0], $0xffff;
	[tilespmem:s7+$0xFFFFFF30] =	vst v2  }
0x46f: {  	v8 =	vld.idx.msk [tilespmem:v8+s1+$0x0], $0xffff;
	[tilespmem:s7+$0xFFFFFF40] =	vst v3  }
0x470: {  	[tilespmem:s7+$0xFFFFFF50] =	vst v4;
	v0 =	vld.idx.msk [tilespmem:v9+s1+$0x0], $0xffff  }
0x471: {  	[tilespmem:s7+$0xFFFFFF60] =	vst v5;
	v1 =	vld.idx.msk [tilespmem:v10+s1+$0x0], $0xffff  }
0x472: {  	[tilespmem:s7+$0xFFFFFF70] =	vst v6;
	v2 =	vld.idx.msk [tilespmem:v11+s1+$0x0], $0xffff  }
0x473: {  	[tilespmem:s7+$0xFFFFFF80] =	vst v7;
	v3 =	vld.idx.msk [tilespmem:v12+s1+$0x0], $0xffff  }
0x474: {  	[tilespmem:s7+$0xFFFFFF10] =	vst v15;
	v4 =	vld.idx.msk [tilespmem:v13+s1+$0x0], $0xffff  }
0x475: {  	s9 =	simm.s32 $0x0;
	s10 =	simm.s32 $0x1C090;
	s8 =	simm.s32 $0x1C390;
	[tilespmem:s7+$0xFFFFFF90] =	vst v8;
	v5 =	vld.idx.msk [tilespmem:v14+s1+$0x0], $0xffff  }
.LBB2_31:
0x476: {  	v6 =	vld [tilespmem:s10+$0x0];
	s9 =	sadd.s32 $0x10, s9;
	[tilespmem:s7+$0xFFFFFFA0] =	vst v0  }
0x477: {  	v0 =	vld [tilespmem:s10+$0xFFFFFF20];
	p0 =	slt.u32 s9, $0x30;
	[tilespmem:s7+$0xFFFFFFB0] =	vst v1  }
0x478: {  	v1 =	vld [tilespmem:s10+$0xFFFFFF30];
	[tilespmem:s7+$0xFFFFFFC0] =	vst v2  }
0x479: {  	v2 =	vld [tilespmem:s10+$0xFFFFFF40];
	[tilespmem:s7+$0xFFFFFFD0] =	vst v3  }
0x47a: {  	v3 =	vld [tilespmem:s10+$0xFFFFFF50];
	[tilespmem:s7+$0xFFFFFFE0] =	vst v4  }
0x47b: {  	v4 =	vld [tilespmem:s10+$0xFFFFFF60];
	[tilespmem:s7+$0xFFFFFFF0] =	vst v5  }
0x47c: {  	v5 =	vld [tilespmem:s10+$0xFFFFFF70]  }
0x47d: {  	v7 =	vld [tilespmem:s10+$0xFFFFFF80]  }
0x47e: {  	v6 =	vld.idx.msk [tilespmem:v6+s1+$0x0], $0xffff  }
0x47f: {  	v8 =	vld [tilespmem:s10+$0xFFFFFF90]  }
0x480: {  	v9 =	vld [tilespmem:s10+$0xFFFFFFA0]  }
0x481: {  	v10 =	vld [tilespmem:s10+$0xFFFFFFB0]  }
0x482: {  	v11 =	vld [tilespmem:s10+$0xFFFFFFC0]  }
0x483: {  	s7 =	sadd.s32 $0x100, s7;
	v12 =	vld [tilespmem:s10+$0xFFFFFFD0]  }
0x484: {  	s6 =	simm.s32 $0x1E390;
	v13 =	vld [tilespmem:s10+$0xFFFFFFE0];
	[tilespmem:s7+$0x0] =	vst v6  }
0x485: {  	v6 =	vld [tilespmem:s10+$0xFFFFFFF0]  }
0x486: {  	v14 =	vld [tilespmem:s10+$0xFFFFFF10]  }
0x487: {  	v0 =	vld.idx.msk [tilespmem:v0+s1+$0x0], $0xffff  }
0x488: {  	v1 =	vld.idx.msk [tilespmem:v1+s1+$0x0], $0xffff  }
0x489: {  	v2 =	vld.idx.msk [tilespmem:v2+s1+$0x0], $0xffff  }
0x48a: {  	v3 =	vld.idx.msk [tilespmem:v3+s1+$0x0], $0xffff  }
0x48b: {  	v4 =	vld.idx.msk [tilespmem:v4+s1+$0x0], $0xffff  }
0x48c: {  	v5 =	vld.idx.msk [tilespmem:v5+s1+$0x0], $0xffff  }
0x48d: {  	[tilespmem:s7+$0xFFFFFF20] =	vst v0;
	v7 =	vld.idx.msk [tilespmem:v7+s1+$0x0], $0xffff  }
0x48e: {  	v14 =	vld.idx.msk [tilespmem:v14+s1+$0x0], $0xffff;
	[tilespmem:s7+$0xFFFFFF30] =	vst v1  }
0x48f: {  	[tilespmem:s7+$0xFFFFFF40] =	vst v2;
	v8 =	vld.idx.msk [tilespmem:v8+s1+$0x0], $0xffff  }
0x490: {  	[tilespmem:s7+$0xFFFFFF50] =	vst v3;
	v0 =	vld.idx.msk [tilespmem:v9+s1+$0x0], $0xffff  }
.Ltmp14:
0x491: {  	[tilespmem:s7+$0xFFFFFF60] =	vst v4;
	v1 =	vld.idx.msk [tilespmem:v10+s1+$0x0], $0xffff;
	(pc) =	sbr.rel @p0 .LBB2_31-.Ltmp14, $4  }
0x492: {  	[tilespmem:s7+$0xFFFFFF70] =	vst v5;
	v2 =	vld.idx.msk [tilespmem:v11+s1+$0x0], $0xffff  }
0x493: {  	[tilespmem:s7+$0xFFFFFF80] =	vst v7;
	v3 =	vld.idx.msk [tilespmem:v12+s1+$0x0], $0xffff  }
0x494: {  	[tilespmem:s7+$0xFFFFFF10] =	vst v14;
	v4 =	vld.idx.msk [tilespmem:v13+s1+$0x0], $0xffff  }
0x495: {  	s10 =	sadd.s32 $0x100, s10;
	[tilespmem:s7+$0xFFFFFF90] =	vst v8;
	v5 =	vld.idx.msk [tilespmem:v6+s1+$0x0], $0xffff  }
0x496: {  	[tilespmem:s7+$0xFFFFFFA0] =	vst v0  }
0x497: {  	[tilespmem:s7+$0xFFFFFFB0] =	vst v1  }
0x498: {  	[tilespmem:s7+$0xFFFFFFC0] =	vst v2  }
0x499: {  	[tilespmem:s7+$0xFFFFFFD0] =	vst v3  }
0x49a: {  	[tilespmem:s7+$0xFFFFFFE0] =	vst v4  }
0x49b: {  	[tilespmem:s7+$0xFFFFFFF0] =	vst v5  }
0x49c: {  	v0 =	vld [tilespmem:s8+$0x0]  }
0x49d: {  	v1 =	vld [tilespmem:s8+$0xFFFFFF20]  }
0x49e: {  	v2 =	vld [tilespmem:s8+$0xFFFFFF30]  }
0x49f: {  	v3 =	vld [tilespmem:s8+$0xFFFFFF40]  }
0x4a0: {  	v4 =	vld [tilespmem:s8+$0xFFFFFF50]  }
0x4a1: {  	v5 =	vld [tilespmem:s8+$0xFFFFFF60]  }
0x4a2: {  	v6 =	vld [tilespmem:s8+$0xFFFFFF70]  }
0x4a3: {  	v7 =	vld [tilespmem:s8+$0xFFFFFF80]  }
0x4a4: {  	v8 =	vld [tilespmem:s8+$0xFFFFFF90]  }
0x4a5: {  	v9 =	vld [tilespmem:s8+$0xFFFFFFA0]  }
0x4a6: {  	v10 =	vld [tilespmem:s8+$0xFFFFFFB0]  }
0x4a7: {  	v11 =	vld [tilespmem:s8+$0xFFFFFFC0]  }
0x4a8: {  	v12 =	vld [tilespmem:s8+$0xFFFFFFD0]  }
0x4a9: {  	v13 =	vld [tilespmem:s8+$0xFFFFFFE0]  }
0x4aa: {  	v14 =	vld [tilespmem:s8+$0xFFFFFFF0]  }
0x4ab: {  	v15 =	vld [tilespmem:s8+$0xFFFFFF10]  }
0x4ac: {  	v0 =	vld.idx.msk [tilespmem:v0+s1+$0x0], $0xffff  }
0x4ad: {  	v1 =	vld.idx.msk [tilespmem:v1+s1+$0x0], $0xffff  }
0x4ae: {  	v2 =	vld.idx.msk [tilespmem:v2+s1+$0x0], $0xffff  }
0x4af: {  	v3 =	vld.idx.msk [tilespmem:v3+s1+$0x0], $0xffff  }
0x4b0: {  	v4 =	vld.idx.msk [tilespmem:v4+s1+$0x0], $0xffff  }
0x4b1: {  	v5 =	vld.idx.msk [tilespmem:v5+s1+$0x0], $0xffff  }
0x4b2: {  	v6 =	vld.idx.msk [tilespmem:v6+s1+$0x0], $0xffff;
	[tilespmem:s6+$0x0] =	vst v0  }
0x4b3: {  	v7 =	vld.idx.msk [tilespmem:v7+s1+$0x0], $0xffff;
	[tilespmem:s6+$0xFFFFFF20] =	vst v1  }
0x4b4: {  	v15 =	vld.idx.msk [tilespmem:v15+s1+$0x0], $0xffff;
	[tilespmem:s6+$0xFFFFFF30] =	vst v2  }
0x4b5: {  	v8 =	vld.idx.msk [tilespmem:v8+s1+$0x0], $0xffff;
	[tilespmem:s6+$0xFFFFFF40] =	vst v3  }
0x4b6: {  	[tilespmem:s6+$0xFFFFFF50] =	vst v4;
	v0 =	vld.idx.msk [tilespmem:v9+s1+$0x0], $0xffff  }
0x4b7: {  	[tilespmem:s6+$0xFFFFFF60] =	vst v5;
	v1 =	vld.idx.msk [tilespmem:v10+s1+$0x0], $0xffff  }
0x4b8: {  	[tilespmem:s6+$0xFFFFFF70] =	vst v6;
	v2 =	vld.idx.msk [tilespmem:v11+s1+$0x0], $0xffff  }
0x4b9: {  	[tilespmem:s6+$0xFFFFFF80] =	vst v7;
	v3 =	vld.idx.msk [tilespmem:v12+s1+$0x0], $0xffff  }
0x4ba: {  	[tilespmem:s6+$0xFFFFFF10] =	vst v15;
	v4 =	vld.idx.msk [tilespmem:v13+s1+$0x0], $0xffff  }
0x4bb: {  	s7 =	simm.s32 $0x0;
	s8 =	simm.s32 $0x1C490;
	[tilespmem:s6+$0xFFFFFF90] =	vst v8;
	v5 =	vld.idx.msk [tilespmem:v14+s1+$0x0], $0xffff  }
.LBB2_33:
0x4bc: {  	v6 =	vld [tilespmem:s8+$0x0];
	s7 =	sadd.s32 $0x10, s7;
	[tilespmem:s6+$0xFFFFFFA0] =	vst v0  }
0x4bd: {  	v0 =	vld [tilespmem:s8+$0xFFFFFF20];
	p0 =	slt.u32 s7, $0x30;
	[tilespmem:s6+$0xFFFFFFB0] =	vst v1  }
0x4be: {  	v1 =	vld [tilespmem:s8+$0xFFFFFF30];
	[tilespmem:s6+$0xFFFFFFC0] =	vst v2  }
0x4bf: {  	v2 =	vld [tilespmem:s8+$0xFFFFFF40];
	[tilespmem:s6+$0xFFFFFFD0] =	vst v3  }
0x4c0: {  	v3 =	vld [tilespmem:s8+$0xFFFFFF50];
	[tilespmem:s6+$0xFFFFFFE0] =	vst v4  }
0x4c1: {  	v4 =	vld [tilespmem:s8+$0xFFFFFF60];
	[tilespmem:s6+$0xFFFFFFF0] =	vst v5  }
0x4c2: {  	v5 =	vld [tilespmem:s8+$0xFFFFFF70]  }
0x4c3: {  	v7 =	vld [tilespmem:s8+$0xFFFFFF80]  }
0x4c4: {  	v6 =	vld.idx.msk [tilespmem:v6+s1+$0x0], $0xffff  }
0x4c5: {  	v8 =	vld [tilespmem:s8+$0xFFFFFF90]  }
0x4c6: {  	v9 =	vld [tilespmem:s8+$0xFFFFFFA0]  }
0x4c7: {  	v10 =	vld [tilespmem:s8+$0xFFFFFFB0]  }
0x4c8: {  	v11 =	vld [tilespmem:s8+$0xFFFFFFC0]  }
0x4c9: {  	s6 =	sadd.s32 $0x100, s6;
	v12 =	vld [tilespmem:s8+$0xFFFFFFD0]  }
0x4ca: {  	v13 =	vld [tilespmem:s8+$0xFFFFFFE0];
	[tilespmem:s6+$0x0] =	vst v6  }
0x4cb: {  	v6 =	vld [tilespmem:s8+$0xFFFFFFF0]  }
0x4cc: {  	v14 =	vld [tilespmem:s8+$0xFFFFFF10]  }
0x4cd: {  	v0 =	vld.idx.msk [tilespmem:v0+s1+$0x0], $0xffff  }
0x4ce: {  	v1 =	vld.idx.msk [tilespmem:v1+s1+$0x0], $0xffff  }
0x4cf: {  	v2 =	vld.idx.msk [tilespmem:v2+s1+$0x0], $0xffff  }
0x4d0: {  	v3 =	vld.idx.msk [tilespmem:v3+s1+$0x0], $0xffff  }
0x4d1: {  	v4 =	vld.idx.msk [tilespmem:v4+s1+$0x0], $0xffff  }
0x4d2: {  	v5 =	vld.idx.msk [tilespmem:v5+s1+$0x0], $0xffff  }
0x4d3: {  	[tilespmem:s6+$0xFFFFFF20] =	vst v0;
	v7 =	vld.idx.msk [tilespmem:v7+s1+$0x0], $0xffff  }
0x4d4: {  	v14 =	vld.idx.msk [tilespmem:v14+s1+$0x0], $0xffff;
	[tilespmem:s6+$0xFFFFFF30] =	vst v1  }
0x4d5: {  	[tilespmem:s6+$0xFFFFFF40] =	vst v2;
	v8 =	vld.idx.msk [tilespmem:v8+s1+$0x0], $0xffff  }
0x4d6: {  	[tilespmem:s6+$0xFFFFFF50] =	vst v3;
	v0 =	vld.idx.msk [tilespmem:v9+s1+$0x0], $0xffff  }
.Ltmp15:
0x4d7: {  	[tilespmem:s6+$0xFFFFFF60] =	vst v4;
	v1 =	vld.idx.msk [tilespmem:v10+s1+$0x0], $0xffff;
	(pc) =	sbr.rel @p0 .LBB2_33-.Ltmp15, $4  }
0x4d8: {  	[tilespmem:s6+$0xFFFFFF70] =	vst v5;
	v2 =	vld.idx.msk [tilespmem:v11+s1+$0x0], $0xffff  }
0x4d9: {  	[tilespmem:s6+$0xFFFFFF80] =	vst v7;
	v3 =	vld.idx.msk [tilespmem:v12+s1+$0x0], $0xffff  }
0x4da: {  	[tilespmem:s6+$0xFFFFFF10] =	vst v14;
	v4 =	vld.idx.msk [tilespmem:v13+s1+$0x0], $0xffff  }
0x4db: {  	s8 =	sadd.s32 $0x100, s8;
	[tilespmem:s6+$0xFFFFFF90] =	vst v8;
	v5 =	vld.idx.msk [tilespmem:v6+s1+$0x0], $0xffff  }
0x4dc: {  	[tilespmem:s6+$0xFFFFFFA0] =	vst v0  }
0x4dd: {  	[tilespmem:s6+$0xFFFFFFB0] =	vst v1  }
0x4de: {  	[tilespmem:s6+$0xFFFFFFC0] =	vst v2  }
0x4df: {  	[tilespmem:s6+$0xFFFFFFD0] =	vst v3  }
0x4e0: {  	[tilespmem:s6+$0xFFFFFFE0] =	vst v4  }
0x4e1: {  	s7 =	sadd.s32 s5, s18;
	[tilespmem:s6+$0xFFFFFFF0] =	vst v5  }
0x4e2: {  	[hbm4b:s7+s22] =	stream.strided.scatter [tilespmem:s29], [sflag:$0x1], $0x400, s23, s22, $0x38;
	[tilespmem:$0x1E6A0] =	vst v63  }
0x4e3: {  	s8 =	sadd.s32 s5, s19  }
0x4e4: {  	[hbm4b:s8+s22] =	stream.strided.scatter [tilespmem:s30], [sflag:$0x1], $0x400, s23, s22, $0x38;
	[tilespmem:$0x1E6A0] =	vst v63  }
0x4e5: {  	s9 =	sadd.s32 s5, s20  }
0x4e6: {  	[hbm4b:s9+s22] =	stream.strided.scatter [tilespmem:s31], [sflag:$0x1], $0x400, s23, s22, $0x38;
	[tilespmem:$0x1E6A0] =	vst v63  }
0x4e7: {  	s10 =	sadd.s32 s5, s21  }
0x4e8: {  	[hbm4b:s10+s22] =	stream.strided.scatter [tilespmem:s0], [sflag:$0x1], $0x400, s23, s22, $0x38;
	[tilespmem:$0x1E6A0] =	vst v63  }
0x4e9: {  	_ =	swait.ge [sflag:s2], $0x400  }
0x4ea: {  	[sflag:s2] =	ssyncset.done $0x0  }
0x4eb: {  	[sflag:s2] =	ssyncadd.s32 $0xFFFFFC00  }
0x4ec: {  	_ =	swait.ge [sflag:s2], $0x400  }
0x4ed: {  	[sflag:s2] =	ssyncset.done $0x0  }
0x4ee: {  	[sflag:s2] =	ssyncadd.s32 $0xFFFFFC00  }
0x4ef: {  	_ =	swait.ge [sflag:s2], $0x400  }
0x4f0: {  	[sflag:s2] =	ssyncset.done $0x0  }
0x4f1: {  	[sflag:s2] =	ssyncadd.s32 $0xFFFFFC00  }
0x4f2: {  	_ =	swait.ge [sflag:s2], $0x400  }
0x4f3: {  	[sflag:s2] =	ssyncset.done $0x0  }
0x4f4: {  	[sflag:s2] =	ssyncadd.s32 $0xFFFFFC00  }
0x4f5: {  	_ =	swait.ge [sflag:s2], $0x400  }
0x4f6: {  	[sflag:s2] =	ssyncset.done $0x0  }
0x4f7: {  	[sflag:s2] =	ssyncadd.s32 $0xFFFFFC00  }
0x4f8: {  	_ =	swait.ge [sflag:s2], $0x400  }
0x4f9: {  	[sflag:s2] =	ssyncset.done $0x0  }
0x4fa: {  	s3 =	sadd.s32 $0x1, s3;
	[sflag:s2] =	ssyncadd.s32 $0xFFFFFC00  }
0x4fb: {  	p0 =	sne.s32 s3, $0x1A;
	_ =	swait.ge [sflag:s2], $0x400  }
.Ltmp16:
0x4fc: {  	[sflag:s2] =	ssyncset.done $0x0;
	(pc) =	sbr.rel @p0 .LBB2_2-.Ltmp16, $4  }
0x4fd: {  	[sflag:s2] =	ssyncadd.s32 $0xFFFFFC00  }
0x4fe: {  	_ =	swait.ge [sflag:s2], $0x400  }
0x4ff: {  	[sflag:s2] =	ssyncset.done $0x0  }
0x500: {  	[sflag:s2] =	ssyncadd.s32 $0xFFFFFC00  }
0x501: {  	s4 =	rddreg [dreg:$0xb]  }
0x502: {  	s3 =	rddreg [dreg:$0xa];
	s4 =	sadd.s32 $0x1, s4  }
0x503: {  	p0 =	sne.s32 s4, s3  }
.Ltmp17:
0x504: {  	_ = 	snop;
	(pc) =	sbr.rel @p0 .LBB2_1-.Ltmp17, $1  }
0x505: {  	_ =	sdelay $0x3  }
0x506: {  	_ =	sfence.sel $0x180000  }
0x507: {  	[bflag:$0x0] =	sbarrier.arrive $0xFFFF  }
0x508: {  	_ =	strace $0x90000047  }
0x509: {  	s0 =	stileid.u32;
	[bflag:$0x2] =	sbarrier.arrive $0xFFFF  }
0x50a: {  	p0 =	sne.s32 s0, $0x0;
	s0 =	rddreg [dreg:$0x1]  }
0x50b: {  	s0 =	sadd.s32 @!p0 $0x100000, s0  }
0x50c: {  	[sflag:s0] =	ssyncadd.tile.s32 @!p0 $0x1;
	_ =	shalt  }
.Lfunc_end2:
_tile_overlayer_lowered:
.L_overlay_start_2:
0x50d: {  	(tag) =	ssettag $0x2  }
0x50e: {  	s0 =	rddreg [dreg:$0x0];
	s2 =	stileid.u32  }
0x50f: {  	s1 =	rddreg [dreg:$0x1];
	p0 =	sne.s32 s2, $0x0  }
0x510: {  	s3 =	rddreg [dreg:$0x2];
	[bflag:$0x3] =	sbarrier.arrive $0xFFFF;
	s2 =	simm.s32 @!p0 $0x1C02  }
0x511: {  	[timem:s3], [sflag:s2] =	dma.local @!p0 [hbm:s0], s1  }
0x512: {  	s0 =	simm.s32 @!p0 $0x2  }
0x513: {  	_ =	swait.ge @!p0 [sflag:s0], s1  }
0x514: {  	s1 =	ssub.s32 @!p0 $0x0, s1;
	[sflag:s0] =	ssyncset.done @!p0 $0x0  }
0x515: {  	[sflag:s0] =	ssyncadd.s32 @!p0 s1  }
0x516: {  	[bflag:$0x3] =	sbarrier.arrive $0xFFFF  }
0x517: {  	_ =	shalt  }

</sc_bundles>
